<compile_context>
chip_gen: v7x
topology: tpu7x:2x2x1
jax: 0.10.2.dev20260603
libtpu: 0.0.44.dev20260713+nightly
codegen_flags: <defaults>
</compile_context>

<pallas_src>
import functools

import numpy as np
import jax
import jax.numpy as jnp
from jax import lax
from jax.experimental import pallas as pl
from jax.experimental.pallas import tpu as pltpu
from jax.experimental.pallas import tpu_sc as plsc

N = 10000
EMB = 128
NC, NS = 2, 16
NW = NC * NS
DPT = 352
N_ACC = NW * DPT
CHUNK = 128
DUMMY = N_ACC - 1
RBLK = 2816
NLAYER = 5

_f32 = jnp.float32



def _h0_body(x0_hbm, x1_hbm, tab_hbm, out_hbm, idx_vm, buf, ident, ident2, acc_sh):
    c = lax.axis_index("c")
    s = lax.axis_index("s")
    tid = s * NC + c
    r0 = tid * DPT
    for k in range(8):
        ident[0, pl.ds(k * 16, 16)] = (
            lax.iota(jnp.int32, 16) + jnp.int32(k * 16))
    for base, sz in ((0, 128), (128, 128), (256, 96)):
        idx = idx_vm.at[0, pl.ds(0, sz)]
        pltpu.sync_copy(x0_hbm.at[pl.ds(r0 + base, sz)], idx)
        pltpu.sync_copy(tab_hbm.at[idx], buf.at[pl.ds(0, sz)])
        pltpu.sync_copy(buf.at[pl.ds(0, sz)],
                        acc_sh.at[pl.ds(r0 + base, sz)])
        pltpu.sync_copy(x1_hbm.at[pl.ds(r0 + base, sz)], idx)
        pltpu.sync_copy(tab_hbm.at[idx], buf.at[pl.ds(0, sz)])
        idref = ident if sz == 128 else ident2
        for k in range(sz // 16):
            idref[0, pl.ds(k * 16, 16)] = (
                lax.iota(jnp.int32, 16) + jnp.int32(r0 + base + k * 16))
        pltpu.sync_copy(buf.at[pl.ds(0, sz)], acc_sh.at[idref.at[0]],
                        add=True)
    pltpu.sync_copy(acc_sh.at[pl.ds(r0, DPT)], out_hbm.at[pl.ds(r0, DPT)])


def _agg_body(ch_all, h_hbm, src_hbm, dst_hbm, p_hbm, ptab_hbm, zeros_hbm,
              bnds_hbm, out_hbm, src_vm, dst_vm, p_vm, dstm, buf, ebuf,
              bnds_vm2, acc_sh):
    c = lax.axis_index("c")
    s = lax.axis_index("s")
    tid = s * NC + c
    r0 = tid * DPT
    dlo = r0
    dhi = r0 + DPT
    pltpu.sync_copy(bnds_hbm, bnds_vm2)
    pltpu.sync_copy(zeros_hbm.at[pl.ds(r0, DPT)], acc_sh.at[pl.ds(r0, DPT)])
    plsc.subcore_barrier()
    c0 = tid * 0
    c1 = jnp.int32(ch_all) + tid * 0

    def body(j, carry):
        @pl.when((j >= c0) & (j < c1))
        def _():
            _chunk(j)
        return carry

    def _chunk(j):
        e0 = j * CHUNK
        pltpu.sync_copy(src_hbm.at[pl.ds(e0, CHUNK)], src_vm.at[0])
        pltpu.sync_copy(dst_hbm.at[pl.ds(e0, CHUNK)], dst_vm.at[0])
        pltpu.sync_copy(p_hbm.at[pl.ds(e0, CHUNK)], p_vm.at[0])
        pltpu.sync_copy(h_hbm.at[src_vm.at[0]], buf)
        pltpu.sync_copy(ptab_hbm.at[p_vm.at[0]], ebuf)
        def addrow(r, cr):
            for k in range(8):
                sl = pl.ds(k * 16, 16)
                buf[r, sl] = buf[r, sl] + ebuf[r, sl]
            return cr
        lax.fori_loop(0, CHUNK, addrow, 0)
        for k in range(8):
            sl = pl.ds(k * 16, 16)
            d = dst_vm[0, sl]
            own = (d >= dlo) & (d < dhi)
            dstm[0, sl] = jnp.where(own, d, jnp.int32(DUMMY))
        pltpu.sync_copy(buf, acc_sh.at[dstm.at[0]], add=True)

    lax.fori_loop(0, ch_all, body, 0)
    plsc.subcore_barrier()
    pltpu.sync_copy(acc_sh.at[pl.ds(r0, DPT)], out_hbm.at[pl.ds(r0, DPT)])


_SC_MESH = plsc.VectorSubcoreMesh(core_axis_name="c", subcore_axis_name="s")

_h0 = pl.kernel(
    _h0_body,
    out_type=jax.ShapeDtypeStruct((N_ACC, EMB), _f32),
    mesh=_SC_MESH,
    scratch_types=[
        pltpu.VMEM((1, CHUNK), jnp.int32),
        pltpu.VMEM((CHUNK, EMB), _f32),
        pltpu.VMEM((1, CHUNK), jnp.int32),
        pltpu.VMEM((1, 96), jnp.int32),
        pltpu.VMEM_SHARED((N_ACC, EMB), _f32),
    ],
)


def _make_agg(ch_all):
    return pl.kernel(
        functools.partial(_agg_body, ch_all),
        out_type=jax.ShapeDtypeStruct((N_ACC, EMB), _f32),
        mesh=_SC_MESH,
        scratch_types=[
            pltpu.VMEM((1, CHUNK), jnp.int32),
            pltpu.VMEM((1, CHUNK), jnp.int32),
            pltpu.VMEM((1, CHUNK), jnp.int32),
            pltpu.VMEM((1, CHUNK), jnp.int32),
            pltpu.VMEM((CHUNK, EMB), _f32),
            pltpu.VMEM((CHUNK, EMB), _f32),
            pltpu.VMEM((NW, 16), jnp.int32),
            pltpu.VMEM_SHARED((N_ACC, EMB), _f32),
        ],
    )



def _mlp_body(s_ref, w1_ref, b1_ref, w2_ref, b2_ref, p_ref):
    agg = s_ref[...]
    hidden = jnp.maximum(
        jnp.dot(agg, w1_ref[...], preferred_element_type=_f32) + b1_ref[...],
        0.0)
    p_ref[...] = (jnp.dot(hidden, w2_ref[...], preferred_element_type=_f32)
                  + b2_ref[...])


def _bn_body(relu, p_ref, mean_ref, var_ref, gam_ref, bet_ref, o_ref):
    y = ((p_ref[...] - mean_ref[...]) / jnp.sqrt(var_ref[...] + 1e-5)
         * gam_ref[...] + bet_ref[...])
    if relu:
        y = jnp.maximum(y, 0.0)
    o_ref[...] = y


_GRID = N_ACC // RBLK

_mlp = pl.pallas_call(
    _mlp_body,
    grid=(_GRID,),
    in_specs=[pl.BlockSpec((RBLK, EMB), lambda i: (i, 0)),
              pl.BlockSpec((128, 256), lambda i: (0, 0)),
              pl.BlockSpec((1, 256), lambda i: (0, 0)),
              pl.BlockSpec((256, 128), lambda i: (0, 0)),
              pl.BlockSpec((1, 128), lambda i: (0, 0))],
    out_specs=pl.BlockSpec((RBLK, EMB), lambda i: (i, 0)),
    out_shape=jax.ShapeDtypeStruct((N_ACC, EMB), _f32),
)


def _make_bn(relu):
    return pl.pallas_call(
        functools.partial(_bn_body, relu),
        grid=(_GRID,),
        in_specs=[pl.BlockSpec((RBLK, EMB), lambda i: (i, 0)),
                  pl.BlockSpec((1, 128), lambda i: (0, 0)),
                  pl.BlockSpec((1, 128), lambda i: (0, 0)),
                  pl.BlockSpec((1, 128), lambda i: (0, 0)),
                  pl.BlockSpec((1, 128), lambda i: (0, 0))],
        out_specs=pl.BlockSpec((RBLK, EMB), lambda i: (i, 0)),
        out_shape=jax.ShapeDtypeStruct((N_ACC, EMB), _f32),
    )


_bn_relu = _make_bn(True)
_bn_last = _make_bn(False)


def kernel(x, edge_index, edge_attr, x_emb_table, edge_emb_tables,
           W1, b1, W2, b2, bn_gamma, bn_beta):
    E = edge_index.shape[1]
    loop = jnp.arange(N, dtype=jnp.int32)
    tot_src = jnp.concatenate([edge_index[0], loop])
    tot_dst = jnp.concatenate([edge_index[1], loop])
    tot_p = jnp.concatenate(
        [edge_attr[:, 0] * 3 + edge_attr[:, 1],
         jnp.full((N,), 9, jnp.int32)])
    order = jnp.argsort(tot_dst, stable=True)
    ssrc, sdst, sp = tot_src[order], tot_dst[order], tot_p[order]

    e_tot = E + N
    e_pad = ((e_tot + CHUNK - 1) // CHUNK) * CHUNK
    npad = e_pad - e_tot
    ssrc = jnp.concatenate([ssrc, jnp.zeros((npad,), jnp.int32)])
    sdst = jnp.concatenate([sdst, jnp.full((npad,), N, jnp.int32)])
    sp = jnp.concatenate([sp, jnp.full((npad,), 15, jnp.int32)])

    tile_lo = jnp.arange(NW + 1, dtype=jnp.int32) * DPT
    e_bnd = jnp.searchsorted(sdst, tile_lo, side="left").astype(jnp.int32)
    c0s = e_bnd[:-1] // CHUNK
    c1s = jnp.where(e_bnd[1:] > e_bnd[:-1],
                    (e_bnd[1:] + CHUNK - 1) // CHUNK, c0s)
    bnds = jnp.zeros((NW, 16), jnp.int32).at[:, 0].set(c0s).at[:, 1].set(c1s)

    x_pad = jnp.zeros((N_ACC, 2), jnp.int32).at[:N].set(x)
    x0 = x_pad[:, 0]
    x1 = x_pad[:, 1]
    table_pad = jnp.zeros((128, 128), _f32).at[:120].set(x_emb_table)
    zeros_emb = jnp.zeros((N_ACC, EMB), _f32)

    i_idx = jnp.asarray(np.array([p // 3 for p in range(9)] + [4],
                                 np.int32))
    j_idx = jnp.asarray(np.array([p % 3 for p in range(9)] + [0], np.int32))

    agg_fn = _make_agg(e_pad // CHUNK)

    h = _h0(x0, x1, table_pad)
    for l in range(NLAYER):
        tab = edge_emb_tables[l]
        ptab = jnp.zeros((16, 128), _f32).at[:10].set(
            tab[i_idx] + tab[j_idx])
        s_agg = agg_fn(h, ssrc, sdst, sp, ptab, zeros_emb, bnds)
        p = _mlp(s_agg, W1[l], b1[l].reshape(1, -1),
                 W2[l], b2[l].reshape(1, -1))
        pn = p[:N]
        mean = jnp.mean(pn, axis=0).reshape(1, -1)
        var = jnp.var(pn, axis=0).reshape(1, -1)
        bn = _bn_relu if l < NLAYER - 1 else _bn_last
        h = bn(p, mean, var, bn_gamma[l].reshape(1, -1),
               bn_beta[l].reshape(1, -1))
    return h[:N]

# --- scband reference (transcript-rebuilt; emitter-appended) ---
"""Pipeline reference for scband-gnnencoder-21638045237394 (READ-ONLY COPY).

The authoritative reference and input builder live on the scoring server;
editing this copy changes nothing except your own understanding.
"""

import jax, jax.numpy as jnp
import numpy as np

N = 10000
E = 320000
EMB = 128
NUM_LAYER = 5
NUM_ATOM_TYPE = 120
NUM_BOND_TYPE = 6


def setup_inputs(seed: int = 0) -> dict:
    key = jax.random.key(seed)
    ks = jax.random.split(key, 12)
    x = jax.random.randint(ks[0], (N, 2), 0, NUM_ATOM_TYPE, dtype=jnp.int64 if jax.config.jax_enable_x64 else jnp.int32).astype(jnp.int32)
    edge_index = jax.random.randint(ks[1], (2, E), 0, N).astype(jnp.int32)
    edge_attr = jax.random.randint(ks[2], (E, 2), 0, 3).astype(jnp.int32)
    x_emb_table = jax.random.normal(ks[3], (NUM_ATOM_TYPE, EMB), dtype=jnp.float32) * 0.1
    edge_emb_tables = jax.random.normal(ks[4], (NUM_LAYER, NUM_BOND_TYPE, EMB), dtype=jnp.float32) * 0.1
    W1 = jax.random.normal(ks[5], (NUM_LAYER, EMB, 2 * EMB), dtype=jnp.float32) * (1.0 / np.sqrt(EMB))
    b1 = jnp.zeros((NUM_LAYER, 2 * EMB), dtype=jnp.float32)
    W2 = jax.random.normal(ks[6], (NUM_LAYER, 2 * EMB, EMB), dtype=jnp.float32) * (1.0 / np.sqrt(2 * EMB))
    b2 = jnp.zeros((NUM_LAYER, EMB), dtype=jnp.float32)
    bn_gamma = jnp.ones((NUM_LAYER, EMB), dtype=jnp.float32)
    bn_beta = jnp.zeros((NUM_LAYER, EMB), dtype=jnp.float32)
    return {"x": x, "edge_index": edge_index, "edge_attr": edge_attr,
            "x_emb_table": x_emb_table, "edge_emb_tables": edge_emb_tables,
            "W1": W1, "b1": b1, "W2": W2, "b2": b2,
            "bn_gamma": bn_gamma, "bn_beta": bn_beta}


def reference(x, edge_index, edge_attr, x_emb_table, edge_emb_tables, W1, b1, W2, b2, bn_gamma, bn_beta):
    n = x.shape[0]
    # atom embedding: sum of x_embedding1 over feature dims (code uses embedding1 for all dims)
    h = x_emb_table[x[:, 0]] + x_emb_table[x[:, 1]]
    # add self loops once (same for all layers)
    loop = jnp.arange(n, dtype=edge_index.dtype)
    src = jnp.concatenate([edge_index[0], loop])
    dst = jnp.concatenate([edge_index[1], loop])
    self_attr = jnp.zeros((n, edge_attr.shape[1]), dtype=edge_attr.dtype).at[:, 0].set(4)
    ea = jnp.concatenate([edge_attr, self_attr], axis=0)
    num_layer = W1.shape[0]
    for l in range(num_layer):
        tab = edge_emb_tables[l]
        e_emb = tab[ea[:, 0]] + tab[ea[:, 1]]
        msg = h[src] + e_emb  # message: x_j + edge_attr
        agg = jax.ops.segment_sum(msg, dst, num_segments=n)  # aggr='add' at dst
        hidden = jnp.maximum(agg @ W1[l] + b1[l], 0.0)
        h_new = hidden @ W2[l] + b2[l]
        # BatchNorm1d (training mode: batch statistics)
        mean = jnp.mean(h_new, axis=0)
        var = jnp.var(h_new, axis=0)
        h_new = (h_new - mean) / jnp.sqrt(var + 1e-5) * bn_gamma[l] + bn_beta[l]
        # dropout ratio = 0 -> no-op; relu except last layer
        if l < num_layer - 1:
            h_new = jnp.maximum(h_new, 0.0)
        h = h_new
    # JK = 'last'
    return h

if __name__ == "__main__":
    import jax
    _d = setup_inputs()
    print(jax.jit(kernel)(*tuple(_d.values())))

</pallas_src>

<mosaic_0001>
#map = affine_map<(d0, d1) -> (0, 0)>
#map1 = affine_map<(d0, d1) -> (0)>
module attributes {stable_mosaic.version = 14 : i64} {
  func.func @_agg_body(%arg0: i32, %arg1: i32, %arg2: memref<11264x128xf32, #tpu.memory_space<hbm>>, %arg3: memref<330112xi32, #tpu.memory_space<hbm>>, %arg4: memref<330112xi32, #tpu.memory_space<hbm>>, %arg5: memref<330112xi32, #tpu.memory_space<hbm>>, %arg6: memref<16x128xf32, #tpu.memory_space<hbm>>, %arg7: memref<11264x128xf32, #tpu.memory_space<hbm>>, %arg8: memref<32x16xi32, #tpu.memory_space<hbm>>, %arg9: memref<11264x128xf32, #tpu.memory_space<hbm>>, %arg10: memref<1x128xi32, #tpu.memory_space<vmem>>, %arg11: memref<1x128xi32, #tpu.memory_space<vmem>>, %arg12: memref<1x128xi32, #tpu.memory_space<vmem>>, %arg13: memref<1x128xi32, #tpu.memory_space<vmem>>, %arg14: memref<128x128xf32, #tpu.memory_space<vmem>>, %arg15: memref<128x128xf32, #tpu.memory_space<vmem>>, %arg16: memref<32x16xi32, #tpu.memory_space<vmem>>, %arg17: memref<11264x128xf32, #tpu.memory_space<vmem_shared>>) attributes {dimension_semantics = [#tpu.dimension_semantics<core_parallel>, #tpu.dimension_semantics<subcore_parallel>], iteration_bounds = array<i64: 2, 16>, scalar_prefetch = 0 : i64, scratch_operands = 8 : i64, tpu.core_type = #tpu.core_type<sc_vector_subcore>, window_params = [{transform_indices = #map}, {transform_indices = #map1}, {transform_indices = #map1}, {transform_indices = #map1}, {transform_indices = #map}, {transform_indices = #map}, {transform_indices = #map}, {transform_indices = #map}]} {
    %mul3A = arith.constant 2 : i32
    %mul3A_0 = arith.muli %arg1, %mul3A : i32
    %add3A = arith.addi %mul3A_0, %arg0 : i32
    %mul3A_1 = arith.constant 352 : i32
    %mul3A_2 = arith.muli %add3A, %mul3A_1 : i32
    %add3A_3 = arith.constant 352 : i32
    %add3A_4 = arith.addi %mul3A_2, %add3A_3 : i32
    "tpu.region"() ({
      %run_scoped3A = tpu.sem_alloc : memref<!tpu.dma_semaphore, #tpu.memory_space<semaphore_mem>>
      tpu.enqueue_dma source(%arg8 : memref<32x16xi32, #tpu.memory_space<hbm>>) target(%arg16 : memref<32x16xi32, #tpu.memory_space<vmem>>) target_semaphore(%run_scoped3A : memref<!tpu.dma_semaphore, #tpu.memory_space<semaphore_mem>>)
      tpu.wait_dma2 semaphore(%run_scoped3A : memref<!tpu.dma_semaphore, #tpu.memory_space<semaphore_mem>>) src(%arg8 : memref<32x16xi32, #tpu.memory_space<hbm>>) dst(%arg16 : memref<32x16xi32, #tpu.memory_space<vmem>>)
      tpu.yield
    }) : () -> ()
    "tpu.region"() ({
      %run_scoped3A = tpu.sem_alloc : memref<!tpu.dma_semaphore, #tpu.memory_space<semaphore_mem>>
      %dma_start3A = arith.constant 0 : i32
      %dma_start3A_17 = tpu.memref_slice %arg17[%mul3A_2, %dma_start3A] : memref<11264x128xf32, #tpu.memory_space<vmem_shared>> -> memref<352x128xf32, #tpu.memory_space<vmem_shared>>
      %dma_start3A_18 = arith.constant 0 : i32
      %dma_start3A_19 = tpu.memref_slice %arg7[%mul3A_2, %dma_start3A_18] : memref<11264x128xf32, #tpu.memory_space<hbm>> -> memref<352x128xf32, #tpu.memory_space<hbm>>
      tpu.enqueue_dma source(%dma_start3A_19 : memref<352x128xf32, #tpu.memory_space<hbm>>) target(%dma_start3A_17 : memref<352x128xf32, #tpu.memory_space<vmem_shared>>) target_semaphore(%run_scoped3A : memref<!tpu.dma_semaphore, #tpu.memory_space<semaphore_mem>>)
      %dma_wait3A = arith.constant 0 : i32
      %dma_wait3A_20 = tpu.memref_slice %arg17[%mul3A_2, %dma_wait3A] : memref<11264x128xf32, #tpu.memory_space<vmem_shared>> -> memref<352x128xf32, #tpu.memory_space<vmem_shared>>
      %dma_wait3A_21 = arith.constant 0 : i32
      %dma_wait3A_22 = tpu.memref_slice %arg7[%mul3A_2, %dma_wait3A_21] : memref<11264x128xf32, #tpu.memory_space<hbm>> -> memref<352x128xf32, #tpu.memory_space<hbm>>
      tpu.wait_dma2 semaphore(%run_scoped3A : memref<!tpu.dma_semaphore, #tpu.memory_space<semaphore_mem>>) src(%dma_wait3A_22 : memref<352x128xf32, #tpu.memory_space<hbm>>) dst(%dma_wait3A_20 : memref<352x128xf32, #tpu.memory_space<vmem_shared>>)
      tpu.yield
    }) : () -> ()
    %barrier3A = arith.constant 0 : index
    tpu.barrier barrier_id(%barrier3A)
    %mul3A_5 = arith.constant 0 : i32
    %mul3A_6 = arith.muli %add3A, %mul3A_5 : i32
    %mul3A_7 = arith.constant 0 : i32
    %mul3A_8 = arith.muli %add3A, %mul3A_7 : i32
    %add3A_9 = arith.constant 2579 : i32
    %add3A_10 = arith.addi %add3A_9, %mul3A_8 : i32
    %scan3A = arith.constant 0 : i32
    %scan3A_11 = arith.constant 0 : i32
    %scan3A_12 = arith.constant 2579 : i32
    %scan3A_13 = arith.addi %scan3A_11, %scan3A_12 : i32
    %scan3A_14 = arith.constant 1 : i32
    scf.for %scan3A_17 = %scan3A_11 to %scan3A_13 step %scan3A_14  : i32 {
      %ge3A = arith.cmpi sge, %scan3A_17, %mul3A_6 : i32
      %lt3A = arith.cmpi slt, %scan3A_17, %add3A_10 : i32
      %and3A = arith.andi %ge3A, %lt3A : i1
      %convert_element_type3A = arith.extui %and3A : i1 to i32
      %cond3A = arith.constant 0 : i32
      %cond3A_18 = arith.cmpi ne, %convert_element_type3A, %cond3A : i32
      scf.if %cond3A_18 {
        %mul3A_19 = arith.constant 128 : i32
        %mul3A_20 = arith.muli %scan3A_17, %mul3A_19 : i32
        %run_scoped3A = arith.constant 0 : i32
        "tpu.region"() ({
          %run_scoped3A_179 = tpu.sem_alloc : memref<!tpu.dma_semaphore, #tpu.memory_space<semaphore_mem>>
          %dma_start3A = arith.constant 0 : i32
          %dma_start3A_180 = tpu.memref_slice %arg10[%run_scoped3A, %dma_start3A] : memref<1x128xi32, #tpu.memory_space<vmem>> -> memref<1x128xi32, #tpu.memory_space<vmem>>
          %dma_start3A_181 = tpu.memref_squeeze %dma_start3A_180 : memref<1x128xi32, #tpu.memory_space<vmem>> -> memref<128xi32, #tpu.memory_space<vmem>>
          %dma_start3A_182 = tpu.memref_slice %arg3[%mul3A_20] : memref<330112xi32, #tpu.memory_space<hbm>> -> memref<128xi32, #tpu.memory_space<hbm>>
          %dma_start3A_183 = arith.constant 0 : i32
          %dma_start3A_184 = tpu.memref_slice %arg10[%run_scoped3A, %dma_start3A_183] : memref<1x128xi32, #tpu.memory_space<vmem>> -> memref<1x128xi32, #tpu.memory_space<vmem>>
          %dma_start3A_185 = tpu.memref_squeeze %dma_start3A_184 : memref<1x128xi32, #tpu.memory_space<vmem>> -> memref<128xi32, #tpu.memory_space<vmem>>
          %dma_start3A_186 = tpu.memref_slice %arg3[%mul3A_20] : memref<330112xi32, #tpu.memory_space<hbm>> -> memref<128xi32, #tpu.memory_space<hbm>>
          tpu.enqueue_dma source(%dma_start3A_186 : memref<128xi32, #tpu.memory_space<hbm>>) target(%dma_start3A_185 : memref<128xi32, #tpu.memory_space<vmem>>) target_semaphore(%run_scoped3A_179 : memref<!tpu.dma_semaphore, #tpu.memory_space<semaphore_mem>>)
          %dma_wait3A = arith.constant 0 : i32
          %dma_wait3A_187 = tpu.memref_slice %arg10[%run_scoped3A, %dma_wait3A] : memref<1x128xi32, #tpu.memory_space<vmem>> -> memref<1x128xi32, #tpu.memory_space<vmem>>
          %dma_wait3A_188 = tpu.memref_squeeze %dma_wait3A_187 : memref<1x128xi32, #tpu.memory_space<vmem>> -> memref<128xi32, #tpu.memory_space<vmem>>
          %dma_wait3A_189 = tpu.memref_slice %arg3[%mul3A_20] : memref<330112xi32, #tpu.memory_space<hbm>> -> memref<128xi32, #tpu.memory_space<hbm>>
          %dma_wait3A_190 = arith.constant 0 : i32
          %dma_wait3A_191 = tpu.memref_slice %arg10[%run_scoped3A, %dma_wait3A_190] : memref<1x128xi32, #tpu.memory_space<vmem>> -> memref<1x128xi32, #tpu.memory_space<vmem>>
          %dma_wait3A_192 = tpu.memref_squeeze %dma_wait3A_191 : memref<1x128xi32, #tpu.memory_space<vmem>> -> memref<128xi32, #tpu.memory_space<vmem>>
          %dma_wait3A_193 = tpu.memref_slice %arg3[%mul3A_20] : memref<330112xi32, #tpu.memory_space<hbm>> -> memref<128xi32, #tpu.memory_space<hbm>>
          tpu.wait_dma2 semaphore(%run_scoped3A_179 : memref<!tpu.dma_semaphore, #tpu.memory_space<semaphore_mem>>) src(%dma_wait3A_193 : memref<128xi32, #tpu.memory_space<hbm>>) dst(%dma_wait3A_192 : memref<128xi32, #tpu.memory_space<vmem>>)
          tpu.yield
        }) : () -> ()
        %run_scoped3A_21 = arith.constant 0 : i32
        "tpu.region"() ({
          %run_scoped3A_179 = tpu.sem_alloc : memref<!tpu.dma_semaphore, #tpu.memory_space<semaphore_mem>>
          %dma_start3A = arith.constant 0 : i32
          %dma_start3A_180 = tpu.memref_slice %arg11[%run_scoped3A_21, %dma_start3A] : memref<1x128xi32, #tpu.memory_space<vmem>> -> memref<1x128xi32, #tpu.memory_space<vmem>>
          %dma_start3A_181 = tpu.memref_squeeze %dma_start3A_180 : memref<1x128xi32, #tpu.memory_space<vmem>> -> memref<128xi32, #tpu.memory_space<vmem>>
          %dma_start3A_182 = tpu.memref_slice %arg4[%mul3A_20] : memref<330112xi32, #tpu.memory_space<hbm>> -> memref<128xi32, #tpu.memory_space<hbm>>
          %dma_start3A_183 = arith.constant 0 : i32
          %dma_start3A_184 = tpu.memref_slice %arg11[%run_scoped3A_21, %dma_start3A_183] : memref<1x128xi32, #tpu.memory_space<vmem>> -> memref<1x128xi32, #tpu.memory_space<vmem>>
          %dma_start3A_185 = tpu.memref_squeeze %dma_start3A_184 : memref<1x128xi32, #tpu.memory_space<vmem>> -> memref<128xi32, #tpu.memory_space<vmem>>
          %dma_start3A_186 = tpu.memref_slice %arg4[%mul3A_20] : memref<330112xi32, #tpu.memory_space<hbm>> -> memref<128xi32, #tpu.memory_space<hbm>>
          tpu.enqueue_dma source(%dma_start3A_186 : memref<128xi32, #tpu.memory_space<hbm>>) target(%dma_start3A_185 : memref<128xi32, #tpu.memory_space<vmem>>) target_semaphore(%run_scoped3A_179 : memref<!tpu.dma_semaphore, #tpu.memory_space<semaphore_mem>>)
          %dma_wait3A = arith.constant 0 : i32
          %dma_wait3A_187 = tpu.memref_slice %arg11[%run_scoped3A_21, %dma_wait3A] : memref<1x128xi32, #tpu.memory_space<vmem>> -> memref<1x128xi32, #tpu.memory_space<vmem>>
          %dma_wait3A_188 = tpu.memref_squeeze %dma_wait3A_187 : memref<1x128xi32, #tpu.memory_space<vmem>> -> memref<128xi32, #tpu.memory_space<vmem>>
          %dma_wait3A_189 = tpu.memref_slice %arg4[%mul3A_20] : memref<330112xi32, #tpu.memory_space<hbm>> -> memref<128xi32, #tpu.memory_space<hbm>>
          %dma_wait3A_190 = arith.constant 0 : i32
          %dma_wait3A_191 = tpu.memref_slice %arg11[%run_scoped3A_21, %dma_wait3A_190] : memref<1x128xi32, #tpu.memory_space<vmem>> -> memref<1x128xi32, #tpu.memory_space<vmem>>
          %dma_wait3A_192 = tpu.memref_squeeze %dma_wait3A_191 : memref<1x128xi32, #tpu.memory_space<vmem>> -> memref<128xi32, #tpu.memory_space<vmem>>
          %dma_wait3A_193 = tpu.memref_slice %arg4[%mul3A_20] : memref<330112xi32, #tpu.memory_space<hbm>> -> memref<128xi32, #tpu.memory_space<hbm>>
          tpu.wait_dma2 semaphore(%run_scoped3A_179 : memref<!tpu.dma_semaphore, #tpu.memory_space<semaphore_mem>>) src(%dma_wait3A_193 : memref<128xi32, #tpu.memory_space<hbm>>) dst(%dma_wait3A_192 : memref<128xi32, #tpu.memory_space<vmem>>)
          tpu.yield
        }) : () -> ()
        %run_scoped3A_22 = arith.constant 0 : i32
        "tpu.region"() ({
          %run_scoped3A_179 = tpu.sem_alloc : memref<!tpu.dma_semaphore, #tpu.memory_space<semaphore_mem>>
          %dma_start3A = arith.constant 0 : i32
          %dma_start3A_180 = tpu.memref_slice %arg12[%run_scoped3A_22, %dma_start3A] : memref<1x128xi32, #tpu.memory_space<vmem>> -> memref<1x128xi32, #tpu.memory_space<vmem>>
          %dma_start3A_181 = tpu.memref_squeeze %dma_start3A_180 : memref<1x128xi32, #tpu.memory_space<vmem>> -> memref<128xi32, #tpu.memory_space<vmem>>
          %dma_start3A_182 = tpu.memref_slice %arg5[%mul3A_20] : memref<330112xi32, #tpu.memory_space<hbm>> -> memref<128xi32, #tpu.memory_space<hbm>>
          %dma_start3A_183 = arith.constant 0 : i32
          %dma_start3A_184 = tpu.memref_slice %arg12[%run_scoped3A_22, %dma_start3A_183] : memref<1x128xi32, #tpu.memory_space<vmem>> -> memref<1x128xi32, #tpu.memory_space<vmem>>
          %dma_start3A_185 = tpu.memref_squeeze %dma_start3A_184 : memref<1x128xi32, #tpu.memory_space<vmem>> -> memref<128xi32, #tpu.memory_space<vmem>>
          %dma_start3A_186 = tpu.memref_slice %arg5[%mul3A_20] : memref<330112xi32, #tpu.memory_space<hbm>> -> memref<128xi32, #tpu.memory_space<hbm>>
          tpu.enqueue_dma source(%dma_start3A_186 : memref<128xi32, #tpu.memory_space<hbm>>) target(%dma_start3A_185 : memref<128xi32, #tpu.memory_space<vmem>>) target_semaphore(%run_scoped3A_179 : memref<!tpu.dma_semaphore, #tpu.memory_space<semaphore_mem>>)
          %dma_wait3A = arith.constant 0 : i32
          %dma_wait3A_187 = tpu.memref_slice %arg12[%run_scoped3A_22, %dma_wait3A] : memref<1x128xi32, #tpu.memory_space<vmem>> -> memref<1x128xi32, #tpu.memory_space<vmem>>
          %dma_wait3A_188 = tpu.memref_squeeze %dma_wait3A_187 : memref<1x128xi32, #tpu.memory_space<vmem>> -> memref<128xi32, #tpu.memory_space<vmem>>
          %dma_wait3A_189 = tpu.memref_slice %arg5[%mul3A_20] : memref<330112xi32, #tpu.memory_space<hbm>> -> memref<128xi32, #tpu.memory_space<hbm>>
          %dma_wait3A_190 = arith.constant 0 : i32
          %dma_wait3A_191 = tpu.memref_slice %arg12[%run_scoped3A_22, %dma_wait3A_190] : memref<1x128xi32, #tpu.memory_space<vmem>> -> memref<1x128xi32, #tpu.memory_space<vmem>>
          %dma_wait3A_192 = tpu.memref_squeeze %dma_wait3A_191 : memref<1x128xi32, #tpu.memory_space<vmem>> -> memref<128xi32, #tpu.memory_space<vmem>>
          %dma_wait3A_193 = tpu.memref_slice %arg5[%mul3A_20] : memref<330112xi32, #tpu.memory_space<hbm>> -> memref<128xi32, #tpu.memory_space<hbm>>
          tpu.wait_dma2 semaphore(%run_scoped3A_179 : memref<!tpu.dma_semaphore, #tpu.memory_space<semaphore_mem>>) src(%dma_wait3A_193 : memref<128xi32, #tpu.memory_space<hbm>>) dst(%dma_wait3A_192 : memref<128xi32, #tpu.memory_space<vmem>>)
          tpu.yield
        }) : () -> ()
        %run_scoped3A_23 = arith.constant 0 : i32
        "tpu.region"() ({
          %run_scoped3A_179 = tpu.sem_alloc : memref<!tpu.dma_semaphore, #tpu.memory_space<semaphore_mem>>
          %dma_start3A = arith.constant 0 : i32
          %dma_start3A_180 = tpu.memref_slice %arg10[%run_scoped3A_23, %dma_start3A] : memref<1x128xi32, #tpu.memory_space<vmem>> -> memref<1x128xi32, #tpu.memory_space<vmem>>
          %dma_start3A_181 = tpu.memref_squeeze %dma_start3A_180 : memref<1x128xi32, #tpu.memory_space<vmem>> -> memref<128xi32, #tpu.memory_space<vmem>>
          %dma_start3A_182 = arith.constant 0 : i32
          %dma_start3A_183 = arith.constant 0 : i32
          %dma_start3A_184 = tpu.memref_slice %arg2[%dma_start3A_182, %dma_start3A_183] : memref<11264x128xf32, #tpu.memory_space<hbm>> -> memref<11264x128xf32, #tpu.memory_space<hbm>>
          tpu.enqueue_indirect_dma source(%dma_start3A_184 : memref<11264x128xf32, #tpu.memory_space<hbm>>) target(%arg14 : memref<128x128xf32, #tpu.memory_space<vmem>>) offsets(%dma_start3A_181 : memref<128xi32, #tpu.memory_space<vmem>>) semaphore(%run_scoped3A_179 : memref<!tpu.dma_semaphore, #tpu.memory_space<semaphore_mem>>)
          %dma_wait3A = arith.constant 0 : i32
          %dma_wait3A_185 = tpu.memref_slice %arg10[%run_scoped3A_23, %dma_wait3A] : memref<1x128xi32, #tpu.memory_space<vmem>> -> memref<1x128xi32, #tpu.memory_space<vmem>>
          %dma_wait3A_186 = tpu.memref_squeeze %dma_wait3A_185 : memref<1x128xi32, #tpu.memory_space<vmem>> -> memref<128xi32, #tpu.memory_space<vmem>>
          %dma_wait3A_187 = arith.constant 0 : i32
          %dma_wait3A_188 = arith.constant 0 : i32
          %dma_wait3A_189 = tpu.memref_slice %arg2[%dma_wait3A_187, %dma_wait3A_188] : memref<11264x128xf32, #tpu.memory_space<hbm>> -> memref<11264x128xf32, #tpu.memory_space<hbm>>
          tpu.wait_indirect_dma semaphore(%run_scoped3A_179 : memref<!tpu.dma_semaphore, #tpu.memory_space<semaphore_mem>>) src(%dma_wait3A_189 : memref<11264x128xf32, #tpu.memory_space<hbm>>) dst(%arg14 : memref<128x128xf32, #tpu.memory_space<vmem>>)
          tpu.yield
        }) : () -> ()
        %run_scoped3A_24 = arith.constant 0 : i32
        "tpu.region"() ({
          %run_scoped3A_179 = tpu.sem_alloc : memref<!tpu.dma_semaphore, #tpu.memory_space<semaphore_mem>>
          %dma_start3A = arith.constant 0 : i32
          %dma_start3A_180 = tpu.memref_slice %arg12[%run_scoped3A_24, %dma_start3A] : memref<1x128xi32, #tpu.memory_space<vmem>> -> memref<1x128xi32, #tpu.memory_space<vmem>>
          %dma_start3A_181 = tpu.memref_squeeze %dma_start3A_180 : memref<1x128xi32, #tpu.memory_space<vmem>> -> memref<128xi32, #tpu.memory_space<vmem>>
          %dma_start3A_182 = arith.constant 0 : i32
          %dma_start3A_183 = arith.constant 0 : i32
          %dma_start3A_184 = tpu.memref_slice %arg6[%dma_start3A_182, %dma_start3A_183] : memref<16x128xf32, #tpu.memory_space<hbm>> -> memref<16x128xf32, #tpu.memory_space<hbm>>
          tpu.enqueue_indirect_dma source(%dma_start3A_184 : memref<16x128xf32, #tpu.memory_space<hbm>>) target(%arg15 : memref<128x128xf32, #tpu.memory_space<vmem>>) offsets(%dma_start3A_181 : memref<128xi32, #tpu.memory_space<vmem>>) semaphore(%run_scoped3A_179 : memref<!tpu.dma_semaphore, #tpu.memory_space<semaphore_mem>>)
          %dma_wait3A = arith.constant 0 : i32
          %dma_wait3A_185 = tpu.memref_slice %arg12[%run_scoped3A_24, %dma_wait3A] : memref<1x128xi32, #tpu.memory_space<vmem>> -> memref<1x128xi32, #tpu.memory_space<vmem>>
          %dma_wait3A_186 = tpu.memref_squeeze %dma_wait3A_185 : memref<1x128xi32, #tpu.memory_space<vmem>> -> memref<128xi32, #tpu.memory_space<vmem>>
          %dma_wait3A_187 = arith.constant 0 : i32
          %dma_wait3A_188 = arith.constant 0 : i32
          %dma_wait3A_189 = tpu.memref_slice %arg6[%dma_wait3A_187, %dma_wait3A_188] : memref<16x128xf32, #tpu.memory_space<hbm>> -> memref<16x128xf32, #tpu.memory_space<hbm>>
          tpu.wait_indirect_dma semaphore(%run_scoped3A_179 : memref<!tpu.dma_semaphore, #tpu.memory_space<semaphore_mem>>) src(%dma_wait3A_189 : memref<16x128xf32, #tpu.memory_space<hbm>>) dst(%arg15 : memref<128x128xf32, #tpu.memory_space<vmem>>)
          tpu.yield
        }) : () -> ()
        %scan3A_25 = arith.constant 0 : i32
        %scan3A_26 = arith.constant 0 : i32
        %scan3A_27 = arith.constant 128 : i32
        %scan3A_28 = arith.addi %scan3A_26, %scan3A_27 : i32
        %scan3A_29 = arith.constant 1 : i32
        scf.for %scan3A_179 = %scan3A_26 to %scan3A_28 step %scan3A_29  : i32 {
          %get3A_180 = arith.index_cast %scan3A_179 : i32 to index
          %get3A_181 = arith.constant 0 : index
          %get3A_182 = tpu.vector_load %arg14[%get3A_180, %get3A_181] {strides = array<i32>} : memref<128x128xf32, #tpu.memory_space<vmem>>, vector<1x16xf32>,
          %get3A_183 = vector.shape_cast %get3A_182 : vector<1x16xf32> to vector<16xf32>
          %get3A_184 = arith.index_cast %scan3A_179 : i32 to index
          %get3A_185 = arith.constant 0 : index
          %get3A_186 = tpu.vector_load %arg15[%get3A_184, %get3A_185] {strides = array<i32>} : memref<128x128xf32, #tpu.memory_space<vmem>>, vector<1x16xf32>,
          %get3A_187 = vector.shape_cast %get3A_186 : vector<1x16xf32> to vector<16xf32>
          %add3A_188 = arith.addf %get3A_183, %get3A_187 : vector<16xf32>
          %swap3A_189 = arith.index_cast %scan3A_179 : i32 to index
          %swap3A_190 = arith.constant 0 : index
          %swap3A_191 = tpu.vector_load %arg14[%swap3A_189, %swap3A_190] {strides = array<i32>} : memref<128x128xf32, #tpu.memory_space<vmem>>, vector<1x16xf32>,
          %swap3A_192 = vector.shape_cast %swap3A_191 : vector<1x16xf32> to vector<16xf32>
          %swap3A_193 = vector.shape_cast %add3A_188 : vector<16xf32> to vector<1x16xf32>
          tpu.vector_store %arg14[%swap3A_189, %swap3A_190], %swap3A_193 {strides = array<i32>} : memref<128x128xf32, #tpu.memory_space<vmem>>, vector<1x16xf32>,
          %get3A_194 = arith.index_cast %scan3A_179 : i32 to index
          %get3A_195 = arith.constant 16 : index
          %get3A_196 = tpu.vector_load %arg14[%get3A_194, %get3A_195] {strides = array<i32>} : memref<128x128xf32, #tpu.memory_space<vmem>>, vector<1x16xf32>,
          %get3A_197 = vector.shape_cast %get3A_196 : vector<1x16xf32> to vector<16xf32>
          %get3A_198 = arith.index_cast %scan3A_179 : i32 to index
          %get3A_199 = arith.constant 16 : index
          %get3A_200 = tpu.vector_load %arg15[%get3A_198, %get3A_199] {strides = array<i32>} : memref<128x128xf32, #tpu.memory_space<vmem>>, vector<1x16xf32>,
          %get3A_201 = vector.shape_cast %get3A_200 : vector<1x16xf32> to vector<16xf32>
          %add3A_202 = arith.addf %get3A_197, %get3A_201 : vector<16xf32>
          %swap3A_203 = arith.index_cast %scan3A_179 : i32 to index
          %swap3A_204 = arith.constant 16 : index
          %swap3A_205 = tpu.vector_load %arg14[%swap3A_203, %swap3A_204] {strides = array<i32>} : memref<128x128xf32, #tpu.memory_space<vmem>>, vector<1x16xf32>,
          %swap3A_206 = vector.shape_cast %swap3A_205 : vector<1x16xf32> to vector<16xf32>
          %swap3A_207 = vector.shape_cast %add3A_202 : vector<16xf32> to vector<1x16xf32>
          tpu.vector_store %arg14[%swap3A_203, %swap3A_204], %swap3A_207 {strides = array<i32>} : memref<128x128xf32, #tpu.memory_space<vmem>>, vector<1x16xf32>,
          %get3A_208 = arith.index_cast %scan3A_179 : i32 to index
          %get3A_209 = arith.constant 32 : index
          %get3A_210 = tpu.vector_load %arg14[%get3A_208, %get3A_209] {strides = array<i32>} : memref<128x128xf32, #tpu.memory_space<vmem>>, vector<1x16xf32>,
          %get3A_211 = vector.shape_cast %get3A_210 : vector<1x16xf32> to vector<16xf32>
          %get3A_212 = arith.index_cast %scan3A_179 : i32 to index
          %get3A_213 = arith.constant 32 : index
          %get3A_214 = tpu.vector_load %arg15[%get3A_212, %get3A_213] {strides = array<i32>} : memref<128x128xf32, #tpu.memory_space<vmem>>, vector<1x16xf32>,
          %get3A_215 = vector.shape_cast %get3A_214 : vector<1x16xf32> to vector<16xf32>
          %add3A_216 = arith.addf %get3A_211, %get3A_215 : vector<16xf32>
          %swap3A_217 = arith.index_cast %scan3A_179 : i32 to index
          %swap3A_218 = arith.constant 32 : index
          %swap3A_219 = tpu.vector_load %arg14[%swap3A_217, %swap3A_218] {strides = array<i32>} : memref<128x128xf32, #tpu.memory_space<vmem>>, vector<1x16xf32>,
          %swap3A_220 = vector.shape_cast %swap3A_219 : vector<1x16xf32> to vector<16xf32>
          %swap3A_221 = vector.shape_cast %add3A_216 : vector<16xf32> to vector<1x16xf32>
          tpu.vector_store %arg14[%swap3A_217, %swap3A_218], %swap3A_221 {strides = array<i32>} : memref<128x128xf32, #tpu.memory_space<vmem>>, vector<1x16xf32>,
          %get3A_222 = arith.index_cast %scan3A_179 : i32 to index
          %get3A_223 = arith.constant 48 : index
          %get3A_224 = tpu.vector_load %arg14[%get3A_222, %get3A_223] {strides = array<i32>} : memref<128x128xf32, #tpu.memory_space<vmem>>, vector<1x16xf32>,
          %get3A_225 = vector.shape_cast %get3A_224 : vector<1x16xf32> to vector<16xf32>
          %get3A_226 = arith.index_cast %scan3A_179 : i32 to index
          %get3A_227 = arith.constant 48 : index
          %get3A_228 = tpu.vector_load %arg15[%get3A_226, %get3A_227] {strides = array<i32>} : memref<128x128xf32, #tpu.memory_space<vmem>>, vector<1x16xf32>,
          %get3A_229 = vector.shape_cast %get3A_228 : vector<1x16xf32> to vector<16xf32>
          %add3A_230 = arith.addf %get3A_225, %get3A_229 : vector<16xf32>
          %swap3A_231 = arith.index_cast %scan3A_179 : i32 to index
          %swap3A_232 = arith.constant 48 : index
          %swap3A_233 = tpu.vector_load %arg14[%swap3A_231, %swap3A_232] {strides = array<i32>} : memref<128x128xf32, #tpu.memory_space<vmem>>, vector<1x16xf32>,
          %swap3A_234 = vector.shape_cast %swap3A_233 : vector<1x16xf32> to vector<16xf32>
          %swap3A_235 = vector.shape_cast %add3A_230 : vector<16xf32> to vector<1x16xf32>
          tpu.vector_store %arg14[%swap3A_231, %swap3A_232], %swap3A_235 {strides = array<i32>} : memref<128x128xf32, #tpu.memory_space<vmem>>, vector<1x16xf32>,
          %get3A_236 = arith.index_cast %scan3A_179 : i32 to index
          %get3A_237 = arith.constant 64 : index
          %get3A_238 = tpu.vector_load %arg14[%get3A_236, %get3A_237] {strides = array<i32>} : memref<128x128xf32, #tpu.memory_space<vmem>>, vector<1x16xf32>,
          %get3A_239 = vector.shape_cast %get3A_238 : vector<1x16xf32> to vector<16xf32>
          %get3A_240 = arith.index_cast %scan3A_179 : i32 to index
          %get3A_241 = arith.constant 64 : index
          %get3A_242 = tpu.vector_load %arg15[%get3A_240, %get3A_241] {strides = array<i32>} : memref<128x128xf32, #tpu.memory_space<vmem>>, vector<1x16xf32>,
          %get3A_243 = vector.shape_cast %get3A_242 : vector<1x16xf32> to vector<16xf32>
          %add3A_244 = arith.addf %get3A_239, %get3A_243 : vector<16xf32>
          %swap3A_245 = arith.index_cast %scan3A_179 : i32 to index
          %swap3A_246 = arith.constant 64 : index
          %swap3A_247 = tpu.vector_load %arg14[%swap3A_245, %swap3A_246] {strides = array<i32>} : memref<128x128xf32, #tpu.memory_space<vmem>>, vector<1x16xf32>,
          %swap3A_248 = vector.shape_cast %swap3A_247 : vector<1x16xf32> to vector<16xf32>
          %swap3A_249 = vector.shape_cast %add3A_244 : vector<16xf32> to vector<1x16xf32>
          tpu.vector_store %arg14[%swap3A_245, %swap3A_246], %swap3A_249 {strides = array<i32>} : memref<128x128xf32, #tpu.memory_space<vmem>>, vector<1x16xf32>,
          %get3A_250 = arith.index_cast %scan3A_179 : i32 to index
          %get3A_251 = arith.constant 80 : index
          %get3A_252 = tpu.vector_load %arg14[%get3A_250, %get3A_251] {strides = array<i32>} : memref<128x128xf32, #tpu.memory_space<vmem>>, vector<1x16xf32>,
          %get3A_253 = vector.shape_cast %get3A_252 : vector<1x16xf32> to vector<16xf32>
          %get3A_254 = arith.index_cast %scan3A_179 : i32 to index
          %get3A_255 = arith.constant 80 : index
          %get3A_256 = tpu.vector_load %arg15[%get3A_254, %get3A_255] {strides = array<i32>} : memref<128x128xf32, #tpu.memory_space<vmem>>, vector<1x16xf32>,
          %get3A_257 = vector.shape_cast %get3A_256 : vector<1x16xf32> to vector<16xf32>
          %add3A_258 = arith.addf %get3A_253, %get3A_257 : vector<16xf32>
          %swap3A_259 = arith.index_cast %scan3A_179 : i32 to index
          %swap3A_260 = arith.constant 80 : index
          %swap3A_261 = tpu.vector_load %arg14[%swap3A_259, %swap3A_260] {strides = array<i32>} : memref<128x128xf32, #tpu.memory_space<vmem>>, vector<1x16xf32>,
          %swap3A_262 = vector.shape_cast %swap3A_261 : vector<1x16xf32> to vector<16xf32>
          %swap3A_263 = vector.shape_cast %add3A_258 : vector<16xf32> to vector<1x16xf32>
          tpu.vector_store %arg14[%swap3A_259, %swap3A_260], %swap3A_263 {strides = array<i32>} : memref<128x128xf32, #tpu.memory_space<vmem>>, vector<1x16xf32>,
          %get3A_264 = arith.index_cast %scan3A_179 : i32 to index
          %get3A_265 = arith.constant 96 : index
          %get3A_266 = tpu.vector_load %arg14[%get3A_264, %get3A_265] {strides = array<i32>} : memref<128x128xf32, #tpu.memory_space<vmem>>, vector<1x16xf32>,
          %get3A_267 = vector.shape_cast %get3A_266 : vector<1x16xf32> to vector<16xf32>
          %get3A_268 = arith.index_cast %scan3A_179 : i32 to index
          %get3A_269 = arith.constant 96 : index
          %get3A_270 = tpu.vector_load %arg15[%get3A_268, %get3A_269] {strides = array<i32>} : memref<128x128xf32, #tpu.memory_space<vmem>>, vector<1x16xf32>,
          %get3A_271 = vector.shape_cast %get3A_270 : vector<1x16xf32> to vector<16xf32>
          %add3A_272 = arith.addf %get3A_267, %get3A_271 : vector<16xf32>
          %swap3A_273 = arith.index_cast %scan3A_179 : i32 to index
          %swap3A_274 = arith.constant 96 : index
          %swap3A_275 = tpu.vector_load %arg14[%swap3A_273, %swap3A_274] {strides = array<i32>} : memref<128x128xf32, #tpu.memory_space<vmem>>, vector<1x16xf32>,
          %swap3A_276 = vector.shape_cast %swap3A_275 : vector<1x16xf32> to vector<16xf32>
          %swap3A_277 = vector.shape_cast %add3A_272 : vector<16xf32> to vector<1x16xf32>
          tpu.vector_store %arg14[%swap3A_273, %swap3A_274], %swap3A_277 {strides = array<i32>} : memref<128x128xf32, #tpu.memory_space<vmem>>, vector<1x16xf32>,
          %get3A_278 = arith.index_cast %scan3A_179 : i32 to index
          %get3A_279 = arith.constant 112 : index
          %get3A_280 = tpu.vector_load %arg14[%get3A_278, %get3A_279] {strides = array<i32>} : memref<128x128xf32, #tpu.memory_space<vmem>>, vector<1x16xf32>,
          %get3A_281 = vector.shape_cast %get3A_280 : vector<1x16xf32> to vector<16xf32>
          %get3A_282 = arith.index_cast %scan3A_179 : i32 to index
          %get3A_283 = arith.constant 112 : index
          %get3A_284 = tpu.vector_load %arg15[%get3A_282, %get3A_283] {strides = array<i32>} : memref<128x128xf32, #tpu.memory_space<vmem>>, vector<1x16xf32>,
          %get3A_285 = vector.shape_cast %get3A_284 : vector<1x16xf32> to vector<16xf32>
          %add3A_286 = arith.addf %get3A_281, %get3A_285 : vector<16xf32>
          %swap3A_287 = arith.index_cast %scan3A_179 : i32 to index
          %swap3A_288 = arith.constant 112 : index
          %swap3A_289 = tpu.vector_load %arg14[%swap3A_287, %swap3A_288] {strides = array<i32>} : memref<128x128xf32, #tpu.memory_space<vmem>>, vector<1x16xf32>,
          %swap3A_290 = vector.shape_cast %swap3A_289 : vector<1x16xf32> to vector<16xf32>
          %swap3A_291 = vector.shape_cast %add3A_286 : vector<16xf32> to vector<1x16xf32>
          tpu.vector_store %arg14[%swap3A_287, %swap3A_288], %swap3A_291 {strides = array<i32>} : memref<128x128xf32, #tpu.memory_space<vmem>>, vector<1x16xf32>,
        }
        %scan3A_30 = arith.constant 128 : i32
        %get3A = arith.constant 0 : i32
        %get3A_31 = arith.index_cast %get3A : i32 to index
        %get3A_32 = arith.constant 0 : index
        %get3A_33 = tpu.vector_load %arg11[%get3A_31, %get3A_32] {strides = array<i32>} : memref<1x128xi32, #tpu.memory_space<vmem>>, vector<1x16xi32>,
        %get3A_34 = vector.shape_cast %get3A_33 : vector<1x16xi32> to vector<16xi32>
        %ge3A_35 = vector.broadcast %mul3A_2 : i32 to vector<16xi32>
        %ge3A_36 = arith.cmpi sge, %get3A_34, %ge3A_35 : vector<16xi32>
        %lt3A_37 = vector.broadcast %add3A_4 : i32 to vector<16xi32>
        %lt3A_38 = arith.cmpi slt, %get3A_34, %lt3A_37 : vector<16xi32>
        %and3A_39 = arith.andi %ge3A_36, %lt3A_38 : vector<16xi1>
        %jit3A = arith.constant 11263 : i32
        %broadcast_in_dim3A = vector.broadcast %jit3A : i32 to vector<16xi32>
        %select_n3A = arith.select %and3A_39, %get3A_34, %broadcast_in_dim3A : vector<16xi1>, vector<16xi32>
        %swap3A = arith.constant 0 : i32
        %swap3A_40 = arith.index_cast %swap3A : i32 to index
        %swap3A_41 = arith.constant 0 : index
        %swap3A_42 = tpu.vector_load %arg13[%swap3A_40, %swap3A_41] {strides = array<i32>} : memref<1x128xi32, #tpu.memory_space<vmem>>, vector<1x16xi32>,
        %swap3A_43 = vector.shape_cast %swap3A_42 : vector<1x16xi32> to vector<16xi32>
        %swap3A_44 = vector.shape_cast %select_n3A : vector<16xi32> to vector<1x16xi32>
        tpu.vector_store %arg13[%swap3A_40, %swap3A_41], %swap3A_44 {strides = array<i32>} : memref<1x128xi32, #tpu.memory_space<vmem>>, vector<1x16xi32>,
        %get3A_45 = arith.constant 0 : i32
        %get3A_46 = arith.index_cast %get3A_45 : i32 to index
        %get3A_47 = arith.constant 16 : index
        %get3A_48 = tpu.vector_load %arg11[%get3A_46, %get3A_47] {strides = array<i32>} : memref<1x128xi32, #tpu.memory_space<vmem>>, vector<1x16xi32>,
        %get3A_49 = vector.shape_cast %get3A_48 : vector<1x16xi32> to vector<16xi32>
        %ge3A_50 = vector.broadcast %mul3A_2 : i32 to vector<16xi32>
        %ge3A_51 = arith.cmpi sge, %get3A_49, %ge3A_50 : vector<16xi32>
        %lt3A_52 = vector.broadcast %add3A_4 : i32 to vector<16xi32>
        %lt3A_53 = arith.cmpi slt, %get3A_49, %lt3A_52 : vector<16xi32>
        %and3A_54 = arith.andi %ge3A_51, %lt3A_53 : vector<16xi1>
        %jit3A_55 = arith.constant 11263 : i32
        %broadcast_in_dim3A_56 = vector.broadcast %jit3A_55 : i32 to vector<16xi32>
        %select_n3A_57 = arith.select %and3A_54, %get3A_49, %broadcast_in_dim3A_56 : vector<16xi1>, vector<16xi32>
        %swap3A_58 = arith.constant 0 : i32
        %swap3A_59 = arith.index_cast %swap3A_58 : i32 to index
        %swap3A_60 = arith.constant 16 : index
        %swap3A_61 = tpu.vector_load %arg13[%swap3A_59, %swap3A_60] {strides = array<i32>} : memref<1x128xi32, #tpu.memory_space<vmem>>, vector<1x16xi32>,
        %swap3A_62 = vector.shape_cast %swap3A_61 : vector<1x16xi32> to vector<16xi32>
        %swap3A_63 = vector.shape_cast %select_n3A_57 : vector<16xi32> to vector<1x16xi32>
        tpu.vector_store %arg13[%swap3A_59, %swap3A_60], %swap3A_63 {strides = array<i32>} : memref<1x128xi32, #tpu.memory_space<vmem>>, vector<1x16xi32>,
        %get3A_64 = arith.constant 0 : i32
        %get3A_65 = arith.index_cast %get3A_64 : i32 to index
        %get3A_66 = arith.constant 32 : index
        %get3A_67 = tpu.vector_load %arg11[%get3A_65, %get3A_66] {strides = array<i32>} : memref<1x128xi32, #tpu.memory_space<vmem>>, vector<1x16xi32>,
        %get3A_68 = vector.shape_cast %get3A_67 : vector<1x16xi32> to vector<16xi32>
        %ge3A_69 = vector.broadcast %mul3A_2 : i32 to vector<16xi32>
        %ge3A_70 = arith.cmpi sge, %get3A_68, %ge3A_69 : vector<16xi32>
        %lt3A_71 = vector.broadcast %add3A_4 : i32 to vector<16xi32>
        %lt3A_72 = arith.cmpi slt, %get3A_68, %lt3A_71 : vector<16xi32>
        %and3A_73 = arith.andi %ge3A_70, %lt3A_72 : vector<16xi1>
        %jit3A_74 = arith.constant 11263 : i32
        %broadcast_in_dim3A_75 = vector.broadcast %jit3A_74 : i32 to vector<16xi32>
        %select_n3A_76 = arith.select %and3A_73, %get3A_68, %broadcast_in_dim3A_75 : vector<16xi1>, vector<16xi32>
        %swap3A_77 = arith.constant 0 : i32
        %swap3A_78 = arith.index_cast %swap3A_77 : i32 to index
        %swap3A_79 = arith.constant 32 : index
        %swap3A_80 = tpu.vector_load %arg13[%swap3A_78, %swap3A_79] {strides = array<i32>} : memref<1x128xi32, #tpu.memory_space<vmem>>, vector<1x16xi32>,
        %swap3A_81 = vector.shape_cast %swap3A_80 : vector<1x16xi32> to vector<16xi32>
        %swap3A_82 = vector.shape_cast %select_n3A_76 : vector<16xi32> to vector<1x16xi32>
        tpu.vector_store %arg13[%swap3A_78, %swap3A_79], %swap3A_82 {strides = array<i32>} : memref<1x128xi32, #tpu.memory_space<vmem>>, vector<1x16xi32>,
        %get3A_83 = arith.constant 0 : i32
        %get3A_84 = arith.index_cast %get3A_83 : i32 to index
        %get3A_85 = arith.constant 48 : index
        %get3A_86 = tpu.vector_load %arg11[%get3A_84, %get3A_85] {strides = array<i32>} : memref<1x128xi32, #tpu.memory_space<vmem>>, vector<1x16xi32>,
        %get3A_87 = vector.shape_cast %get3A_86 : vector<1x16xi32> to vector<16xi32>
        %ge3A_88 = vector.broadcast %mul3A_2 : i32 to vector<16xi32>
        %ge3A_89 = arith.cmpi sge, %get3A_87, %ge3A_88 : vector<16xi32>
        %lt3A_90 = vector.broadcast %add3A_4 : i32 to vector<16xi32>
        %lt3A_91 = arith.cmpi slt, %get3A_87, %lt3A_90 : vector<16xi32>
        %and3A_92 = arith.andi %ge3A_89, %lt3A_91 : vector<16xi1>
        %jit3A_93 = arith.constant 11263 : i32
        %broadcast_in_dim3A_94 = vector.broadcast %jit3A_93 : i32 to vector<16xi32>
        %select_n3A_95 = arith.select %and3A_92, %get3A_87, %broadcast_in_dim3A_94 : vector<16xi1>, vector<16xi32>
        %swap3A_96 = arith.constant 0 : i32
        %swap3A_97 = arith.index_cast %swap3A_96 : i32 to index
        %swap3A_98 = arith.constant 48 : index
        %swap3A_99 = tpu.vector_load %arg13[%swap3A_97, %swap3A_98] {strides = array<i32>} : memref<1x128xi32, #tpu.memory_space<vmem>>, vector<1x16xi32>,
        %swap3A_100 = vector.shape_cast %swap3A_99 : vector<1x16xi32> to vector<16xi32>
        %swap3A_101 = vector.shape_cast %select_n3A_95 : vector<16xi32> to vector<1x16xi32>
        tpu.vector_store %arg13[%swap3A_97, %swap3A_98], %swap3A_101 {strides = array<i32>} : memref<1x128xi32, #tpu.memory_space<vmem>>, vector<1x16xi32>,
        %get3A_102 = arith.constant 0 : i32
        %get3A_103 = arith.index_cast %get3A_102 : i32 to index
        %get3A_104 = arith.constant 64 : index
        %get3A_105 = tpu.vector_load %arg11[%get3A_103, %get3A_104] {strides = array<i32>} : memref<1x128xi32, #tpu.memory_space<vmem>>, vector<1x16xi32>,
        %get3A_106 = vector.shape_cast %get3A_105 : vector<1x16xi32> to vector<16xi32>
        %ge3A_107 = vector.broadcast %mul3A_2 : i32 to vector<16xi32>
        %ge3A_108 = arith.cmpi sge, %get3A_106, %ge3A_107 : vector<16xi32>
        %lt3A_109 = vector.broadcast %add3A_4 : i32 to vector<16xi32>
        %lt3A_110 = arith.cmpi slt, %get3A_106, %lt3A_109 : vector<16xi32>
        %and3A_111 = arith.andi %ge3A_108, %lt3A_110 : vector<16xi1>
        %jit3A_112 = arith.constant 11263 : i32
        %broadcast_in_dim3A_113 = vector.broadcast %jit3A_112 : i32 to vector<16xi32>
        %select_n3A_114 = arith.select %and3A_111, %get3A_106, %broadcast_in_dim3A_113 : vector<16xi1>, vector<16xi32>
        %swap3A_115 = arith.constant 0 : i32
        %swap3A_116 = arith.index_cast %swap3A_115 : i32 to index
        %swap3A_117 = arith.constant 64 : index
        %swap3A_118 = tpu.vector_load %arg13[%swap3A_116, %swap3A_117] {strides = array<i32>} : memref<1x128xi32, #tpu.memory_space<vmem>>, vector<1x16xi32>,
        %swap3A_119 = vector.shape_cast %swap3A_118 : vector<1x16xi32> to vector<16xi32>
        %swap3A_120 = vector.shape_cast %select_n3A_114 : vector<16xi32> to vector<1x16xi32>
        tpu.vector_store %arg13[%swap3A_116, %swap3A_117], %swap3A_120 {strides = array<i32>} : memref<1x128xi32, #tpu.memory_space<vmem>>, vector<1x16xi32>,
        %get3A_121 = arith.constant 0 : i32
        %get3A_122 = arith.index_cast %get3A_121 : i32 to index
        %get3A_123 = arith.constant 80 : index
        %get3A_124 = tpu.vector_load %arg11[%get3A_122, %get3A_123] {strides = array<i32>} : memref<1x128xi32, #tpu.memory_space<vmem>>, vector<1x16xi32>,
        %get3A_125 = vector.shape_cast %get3A_124 : vector<1x16xi32> to vector<16xi32>
        %ge3A_126 = vector.broadcast %mul3A_2 : i32 to vector<16xi32>
        %ge3A_127 = arith.cmpi sge, %get3A_125, %ge3A_126 : vector<16xi32>
        %lt3A_128 = vector.broadcast %add3A_4 : i32 to vector<16xi32>
        %lt3A_129 = arith.cmpi slt, %get3A_125, %lt3A_128 : vector<16xi32>
        %and3A_130 = arith.andi %ge3A_127, %lt3A_129 : vector<16xi1>
        %jit3A_131 = arith.constant 11263 : i32
        %broadcast_in_dim3A_132 = vector.broadcast %jit3A_131 : i32 to vector<16xi32>
        %select_n3A_133 = arith.select %and3A_130, %get3A_125, %broadcast_in_dim3A_132 : vector<16xi1>, vector<16xi32>
        %swap3A_134 = arith.constant 0 : i32
        %swap3A_135 = arith.index_cast %swap3A_134 : i32 to index
        %swap3A_136 = arith.constant 80 : index
        %swap3A_137 = tpu.vector_load %arg13[%swap3A_135, %swap3A_136] {strides = array<i32>} : memref<1x128xi32, #tpu.memory_space<vmem>>, vector<1x16xi32>,
        %swap3A_138 = vector.shape_cast %swap3A_137 : vector<1x16xi32> to vector<16xi32>
        %swap3A_139 = vector.shape_cast %select_n3A_133 : vector<16xi32> to vector<1x16xi32>
        tpu.vector_store %arg13[%swap3A_135, %swap3A_136], %swap3A_139 {strides = array<i32>} : memref<1x128xi32, #tpu.memory_space<vmem>>, vector<1x16xi32>,
        %get3A_140 = arith.constant 0 : i32
        %get3A_141 = arith.index_cast %get3A_140 : i32 to index
        %get3A_142 = arith.constant 96 : index
        %get3A_143 = tpu.vector_load %arg11[%get3A_141, %get3A_142] {strides = array<i32>} : memref<1x128xi32, #tpu.memory_space<vmem>>, vector<1x16xi32>,
        %get3A_144 = vector.shape_cast %get3A_143 : vector<1x16xi32> to vector<16xi32>
        %ge3A_145 = vector.broadcast %mul3A_2 : i32 to vector<16xi32>
        %ge3A_146 = arith.cmpi sge, %get3A_144, %ge3A_145 : vector<16xi32>
        %lt3A_147 = vector.broadcast %add3A_4 : i32 to vector<16xi32>
        %lt3A_148 = arith.cmpi slt, %get3A_144, %lt3A_147 : vector<16xi32>
        %and3A_149 = arith.andi %ge3A_146, %lt3A_148 : vector<16xi1>
        %jit3A_150 = arith.constant 11263 : i32
        %broadcast_in_dim3A_151 = vector.broadcast %jit3A_150 : i32 to vector<16xi32>
        %select_n3A_152 = arith.select %and3A_149, %get3A_144, %broadcast_in_dim3A_151 : vector<16xi1>, vector<16xi32>
        %swap3A_153 = arith.constant 0 : i32
        %swap3A_154 = arith.index_cast %swap3A_153 : i32 to index
        %swap3A_155 = arith.constant 96 : index
        %swap3A_156 = tpu.vector_load %arg13[%swap3A_154, %swap3A_155] {strides = array<i32>} : memref<1x128xi32, #tpu.memory_space<vmem>>, vector<1x16xi32>,
        %swap3A_157 = vector.shape_cast %swap3A_156 : vector<1x16xi32> to vector<16xi32>
        %swap3A_158 = vector.shape_cast %select_n3A_152 : vector<16xi32> to vector<1x16xi32>
        tpu.vector_store %arg13[%swap3A_154, %swap3A_155], %swap3A_158 {strides = array<i32>} : memref<1x128xi32, #tpu.memory_space<vmem>>, vector<1x16xi32>,
        %get3A_159 = arith.constant 0 : i32
        %get3A_160 = arith.index_cast %get3A_159 : i32 to index
        %get3A_161 = arith.constant 112 : index
        %get3A_162 = tpu.vector_load %arg11[%get3A_160, %get3A_161] {strides = array<i32>} : memref<1x128xi32, #tpu.memory_space<vmem>>, vector<1x16xi32>,
        %get3A_163 = vector.shape_cast %get3A_162 : vector<1x16xi32> to vector<16xi32>
        %ge3A_164 = vector.broadcast %mul3A_2 : i32 to vector<16xi32>
        %ge3A_165 = arith.cmpi sge, %get3A_163, %ge3A_164 : vector<16xi32>
        %lt3A_166 = vector.broadcast %add3A_4 : i32 to vector<16xi32>
        %lt3A_167 = arith.cmpi slt, %get3A_163, %lt3A_166 : vector<16xi32>
        %and3A_168 = arith.andi %ge3A_165, %lt3A_167 : vector<16xi1>
        %jit3A_169 = arith.constant 11263 : i32
        %broadcast_in_dim3A_170 = vector.broadcast %jit3A_169 : i32 to vector<16xi32>
        %select_n3A_171 = arith.select %and3A_168, %get3A_163, %broadcast_in_dim3A_170 : vector<16xi1>, vector<16xi32>
        %swap3A_172 = arith.constant 0 : i32
        %swap3A_173 = arith.index_cast %swap3A_172 : i32 to index
        %swap3A_174 = arith.constant 112 : index
        %swap3A_175 = tpu.vector_load %arg13[%swap3A_173, %swap3A_174] {strides = array<i32>} : memref<1x128xi32, #tpu.memory_space<vmem>>, vector<1x16xi32>,
        %swap3A_176 = vector.shape_cast %swap3A_175 : vector<1x16xi32> to vector<16xi32>
        %swap3A_177 = vector.shape_cast %select_n3A_171 : vector<16xi32> to vector<1x16xi32>
        tpu.vector_store %arg13[%swap3A_173, %swap3A_174], %swap3A_177 {strides = array<i32>} : memref<1x128xi32, #tpu.memory_space<vmem>>, vector<1x16xi32>,
        %run_scoped3A_178 = arith.constant 0 : i32
        "tpu.region"() ({
          %run_scoped3A_179 = tpu.sem_alloc : memref<!tpu.dma_semaphore, #tpu.memory_space<semaphore_mem>>
          %dma_start3A = arith.constant 0 : i32
          %dma_start3A_180 = tpu.memref_slice %arg13[%run_scoped3A_178, %dma_start3A] : memref<1x128xi32, #tpu.memory_space<vmem>> -> memref<1x128xi32, #tpu.memory_space<vmem>>
          %dma_start3A_181 = tpu.memref_squeeze %dma_start3A_180 : memref<1x128xi32, #tpu.memory_space<vmem>> -> memref<128xi32, #tpu.memory_space<vmem>>
          %dma_start3A_182 = arith.constant 0 : i32
          %dma_start3A_183 = arith.constant 0 : i32
          %dma_start3A_184 = tpu.memref_slice %arg17[%dma_start3A_182, %dma_start3A_183] : memref<11264x128xf32, #tpu.memory_space<vmem_shared>> -> memref<11264x128xf32, #tpu.memory_space<vmem_shared>>
          tpu.enqueue_indirect_dma source(%arg14 : memref<128x128xf32, #tpu.memory_space<vmem>>) target(%dma_start3A_184 : memref<11264x128xf32, #tpu.memory_space<vmem_shared>>) offsets(%dma_start3A_181 : memref<128xi32, #tpu.memory_space<vmem>>) semaphore(%run_scoped3A_179 : memref<!tpu.dma_semaphore, #tpu.memory_space<semaphore_mem>>) {add = true}
          %dma_wait3A = arith.constant 0 : i32
          %dma_wait3A_185 = tpu.memref_slice %arg13[%run_scoped3A_178, %dma_wait3A] : memref<1x128xi32, #tpu.memory_space<vmem>> -> memref<1x128xi32, #tpu.memory_space<vmem>>
          %dma_wait3A_186 = tpu.memref_squeeze %dma_wait3A_185 : memref<1x128xi32, #tpu.memory_space<vmem>> -> memref<128xi32, #tpu.memory_space<vmem>>
          %dma_wait3A_187 = arith.constant 0 : i32
          %dma_wait3A_188 = arith.constant 0 : i32
          %dma_wait3A_189 = tpu.memref_slice %arg17[%dma_wait3A_187, %dma_wait3A_188] : memref<11264x128xf32, #tpu.memory_space<vmem_shared>> -> memref<11264x128xf32, #tpu.memory_space<vmem_shared>>
          tpu.wait_indirect_dma semaphore(%run_scoped3A_179 : memref<!tpu.dma_semaphore, #tpu.memory_space<semaphore_mem>>) src(%arg14 : memref<128x128xf32, #tpu.memory_space<vmem>>) dst(%dma_wait3A_189 : memref<11264x128xf32, #tpu.memory_space<vmem_shared>>)
          tpu.yield
        }) : () -> ()
      } else {
      }
    }
    %scan3A_15 = arith.constant 2579 : i32
    %barrier3A_16 = arith.constant 0 : index
    tpu.barrier barrier_id(%barrier3A_16)
    "tpu.region"() ({
      %run_scoped3A = tpu.sem_alloc : memref<!tpu.dma_semaphore, #tpu.memory_space<semaphore_mem>>
      %dma_start3A = arith.constant 0 : i32
      %dma_start3A_17 = tpu.memref_slice %arg9[%mul3A_2, %dma_start3A] : memref<11264x128xf32, #tpu.memory_space<hbm>> -> memref<352x128xf32, #tpu.memory_space<hbm>>
      %dma_start3A_18 = arith.constant 0 : i32
      %dma_start3A_19 = tpu.memref_slice %arg17[%mul3A_2, %dma_start3A_18] : memref<11264x128xf32, #tpu.memory_space<vmem_shared>> -> memref<352x128xf32, #tpu.memory_space<vmem_shared>>
      tpu.enqueue_dma source(%dma_start3A_19 : memref<352x128xf32, #tpu.memory_space<vmem_shared>>) target(%dma_start3A_17 : memref<352x128xf32, #tpu.memory_space<hbm>>) target_semaphore(%run_scoped3A : memref<!tpu.dma_semaphore, #tpu.memory_space<semaphore_mem>>)
      %dma_wait3A = arith.constant 0 : i32
      %dma_wait3A_20 = tpu.memref_slice %arg9[%mul3A_2, %dma_wait3A] : memref<11264x128xf32, #tpu.memory_space<hbm>> -> memref<352x128xf32, #tpu.memory_space<hbm>>
      %dma_wait3A_21 = arith.constant 0 : i32
      %dma_wait3A_22 = tpu.memref_slice %arg17[%mul3A_2, %dma_wait3A_21] : memref<11264x128xf32, #tpu.memory_space<vmem_shared>> -> memref<352x128xf32, #tpu.memory_space<vmem_shared>>
      tpu.wait_dma2 semaphore(%run_scoped3A : memref<!tpu.dma_semaphore, #tpu.memory_space<semaphore_mem>>) src(%dma_wait3A_22 : memref<352x128xf32, #tpu.memory_space<vmem_shared>>) dst(%dma_wait3A_20 : memref<352x128xf32, #tpu.memory_space<hbm>>)
      tpu.yield
    }) : () -> ()
    return
  }
}

#map = affine_map<(d0, d1) -> (0)>
#map1 = affine_map<(d0, d1) -> (0, 0)>
module attributes {stable_mosaic.version = 14 : i64} {
  func.func @_h0_body(%arg0: i32, %arg1: i32, %arg2: memref<11264xi32, #tpu.memory_space<hbm>>, %arg3: memref<11264xi32, #tpu.memory_space<hbm>>, %arg4: memref<128x128xf32, #tpu.memory_space<hbm>>, %arg5: memref<11264x128xf32, #tpu.memory_space<hbm>>, %arg6: memref<1x128xi32, #tpu.memory_space<vmem>>, %arg7: memref<128x128xf32, #tpu.memory_space<vmem>>, %arg8: memref<1x128xi32, #tpu.memory_space<vmem>>, %arg9: memref<1x96xi32, #tpu.memory_space<vmem>>, %arg10: memref<11264x128xf32, #tpu.memory_space<vmem_shared>>) attributes {dimension_semantics = [#tpu.dimension_semantics<core_parallel>, #tpu.dimension_semantics<subcore_parallel>], iteration_bounds = array<i64: 2, 16>, scalar_prefetch = 0 : i64, scratch_operands = 5 : i64, tpu.core_type = #tpu.core_type<sc_vector_subcore>, window_params = [{transform_indices = #map}, {transform_indices = #map}, {transform_indices = #map1}, {transform_indices = #map1}]} {
    %mul3A = arith.constant 2 : i32
    %mul3A_0 = arith.muli %arg1, %mul3A : i32
    %add3A = arith.addi %mul3A_0, %arg0 : i32
    %mul3A_1 = arith.constant 352 : i32
    %mul3A_2 = arith.muli %add3A, %mul3A_1 : i32
    %iota3A = tpu.iota {dimensions = array<i32: 0>} : vector<16xi32>
    %add3A_3 = arith.constant 0 : i32
    %add3A_4 = vector.broadcast %add3A_3 : i32 to vector<16xi32>
    %add3A_5 = arith.addi %iota3A, %add3A_4 : vector<16xi32>
    %swap3A = arith.constant 0 : i32
    %swap3A_6 = arith.index_cast %swap3A : i32 to index
    %swap3A_7 = arith.constant 0 : index
    %swap3A_8 = tpu.vector_load %arg8[%swap3A_6, %swap3A_7] {strides = array<i32>} : memref<1x128xi32, #tpu.memory_space<vmem>>, vector<1x16xi32>,
    %swap3A_9 = vector.shape_cast %swap3A_8 : vector<1x16xi32> to vector<16xi32>
    %swap3A_10 = vector.shape_cast %add3A_5 : vector<16xi32> to vector<1x16xi32>
    tpu.vector_store %arg8[%swap3A_6, %swap3A_7], %swap3A_10 {strides = array<i32>} : memref<1x128xi32, #tpu.memory_space<vmem>>, vector<1x16xi32>,
    %iota3A_11 = tpu.iota {dimensions = array<i32: 0>} : vector<16xi32>
    %add3A_12 = arith.constant 16 : i32
    %add3A_13 = vector.broadcast %add3A_12 : i32 to vector<16xi32>
    %add3A_14 = arith.addi %iota3A_11, %add3A_13 : vector<16xi32>
    %swap3A_15 = arith.constant 0 : i32
    %swap3A_16 = arith.index_cast %swap3A_15 : i32 to index
    %swap3A_17 = arith.constant 16 : index
    %swap3A_18 = tpu.vector_load %arg8[%swap3A_16, %swap3A_17] {strides = array<i32>} : memref<1x128xi32, #tpu.memory_space<vmem>>, vector<1x16xi32>,
    %swap3A_19 = vector.shape_cast %swap3A_18 : vector<1x16xi32> to vector<16xi32>
    %swap3A_20 = vector.shape_cast %add3A_14 : vector<16xi32> to vector<1x16xi32>
    tpu.vector_store %arg8[%swap3A_16, %swap3A_17], %swap3A_20 {strides = array<i32>} : memref<1x128xi32, #tpu.memory_space<vmem>>, vector<1x16xi32>,
    %iota3A_21 = tpu.iota {dimensions = array<i32: 0>} : vector<16xi32>
    %add3A_22 = arith.constant 32 : i32
    %add3A_23 = vector.broadcast %add3A_22 : i32 to vector<16xi32>
    %add3A_24 = arith.addi %iota3A_21, %add3A_23 : vector<16xi32>
    %swap3A_25 = arith.constant 0 : i32
    %swap3A_26 = arith.index_cast %swap3A_25 : i32 to index
    %swap3A_27 = arith.constant 32 : index
    %swap3A_28 = tpu.vector_load %arg8[%swap3A_26, %swap3A_27] {strides = array<i32>} : memref<1x128xi32, #tpu.memory_space<vmem>>, vector<1x16xi32>,
    %swap3A_29 = vector.shape_cast %swap3A_28 : vector<1x16xi32> to vector<16xi32>
    %swap3A_30 = vector.shape_cast %add3A_24 : vector<16xi32> to vector<1x16xi32>
    tpu.vector_store %arg8[%swap3A_26, %swap3A_27], %swap3A_30 {strides = array<i32>} : memref<1x128xi32, #tpu.memory_space<vmem>>, vector<1x16xi32>,
    %iota3A_31 = tpu.iota {dimensions = array<i32: 0>} : vector<16xi32>
    %add3A_32 = arith.constant 48 : i32
    %add3A_33 = vector.broadcast %add3A_32 : i32 to vector<16xi32>
    %add3A_34 = arith.addi %iota3A_31, %add3A_33 : vector<16xi32>
    %swap3A_35 = arith.constant 0 : i32
    %swap3A_36 = arith.index_cast %swap3A_35 : i32 to index
    %swap3A_37 = arith.constant 48 : index
    %swap3A_38 = tpu.vector_load %arg8[%swap3A_36, %swap3A_37] {strides = array<i32>} : memref<1x128xi32, #tpu.memory_space<vmem>>, vector<1x16xi32>,
    %swap3A_39 = vector.shape_cast %swap3A_38 : vector<1x16xi32> to vector<16xi32>
    %swap3A_40 = vector.shape_cast %add3A_34 : vector<16xi32> to vector<1x16xi32>
    tpu.vector_store %arg8[%swap3A_36, %swap3A_37], %swap3A_40 {strides = array<i32>} : memref<1x128xi32, #tpu.memory_space<vmem>>, vector<1x16xi32>,
    %iota3A_41 = tpu.iota {dimensions = array<i32: 0>} : vector<16xi32>
    %add3A_42 = arith.constant 64 : i32
    %add3A_43 = vector.broadcast %add3A_42 : i32 to vector<16xi32>
    %add3A_44 = arith.addi %iota3A_41, %add3A_43 : vector<16xi32>
    %swap3A_45 = arith.constant 0 : i32
    %swap3A_46 = arith.index_cast %swap3A_45 : i32 to index
    %swap3A_47 = arith.constant 64 : index
    %swap3A_48 = tpu.vector_load %arg8[%swap3A_46, %swap3A_47] {strides = array<i32>} : memref<1x128xi32, #tpu.memory_space<vmem>>, vector<1x16xi32>,
    %swap3A_49 = vector.shape_cast %swap3A_48 : vector<1x16xi32> to vector<16xi32>
    %swap3A_50 = vector.shape_cast %add3A_44 : vector<16xi32> to vector<1x16xi32>
    tpu.vector_store %arg8[%swap3A_46, %swap3A_47], %swap3A_50 {strides = array<i32>} : memref<1x128xi32, #tpu.memory_space<vmem>>, vector<1x16xi32>,
    %iota3A_51 = tpu.iota {dimensions = array<i32: 0>} : vector<16xi32>
    %add3A_52 = arith.constant 80 : i32
    %add3A_53 = vector.broadcast %add3A_52 : i32 to vector<16xi32>
    %add3A_54 = arith.addi %iota3A_51, %add3A_53 : vector<16xi32>
    %swap3A_55 = arith.constant 0 : i32
    %swap3A_56 = arith.index_cast %swap3A_55 : i32 to index
    %swap3A_57 = arith.constant 80 : index
    %swap3A_58 = tpu.vector_load %arg8[%swap3A_56, %swap3A_57] {strides = array<i32>} : memref<1x128xi32, #tpu.memory_space<vmem>>, vector<1x16xi32>,
    %swap3A_59 = vector.shape_cast %swap3A_58 : vector<1x16xi32> to vector<16xi32>
    %swap3A_60 = vector.shape_cast %add3A_54 : vector<16xi32> to vector<1x16xi32>
    tpu.vector_store %arg8[%swap3A_56, %swap3A_57], %swap3A_60 {strides = array<i32>} : memref<1x128xi32, #tpu.memory_space<vmem>>, vector<1x16xi32>,
    %iota3A_61 = tpu.iota {dimensions = array<i32: 0>} : vector<16xi32>
    %add3A_62 = arith.constant 96 : i32
    %add3A_63 = vector.broadcast %add3A_62 : i32 to vector<16xi32>
    %add3A_64 = arith.addi %iota3A_61, %add3A_63 : vector<16xi32>
    %swap3A_65 = arith.constant 0 : i32
    %swap3A_66 = arith.index_cast %swap3A_65 : i32 to index
    %swap3A_67 = arith.constant 96 : index
    %swap3A_68 = tpu.vector_load %arg8[%swap3A_66, %swap3A_67] {strides = array<i32>} : memref<1x128xi32, #tpu.memory_space<vmem>>, vector<1x16xi32>,
    %swap3A_69 = vector.shape_cast %swap3A_68 : vector<1x16xi32> to vector<16xi32>
    %swap3A_70 = vector.shape_cast %add3A_64 : vector<16xi32> to vector<1x16xi32>
    tpu.vector_store %arg8[%swap3A_66, %swap3A_67], %swap3A_70 {strides = array<i32>} : memref<1x128xi32, #tpu.memory_space<vmem>>, vector<1x16xi32>,
    %iota3A_71 = tpu.iota {dimensions = array<i32: 0>} : vector<16xi32>
    %add3A_72 = arith.constant 112 : i32
    %add3A_73 = vector.broadcast %add3A_72 : i32 to vector<16xi32>
    %add3A_74 = arith.addi %iota3A_71, %add3A_73 : vector<16xi32>
    %swap3A_75 = arith.constant 0 : i32
    %swap3A_76 = arith.index_cast %swap3A_75 : i32 to index
    %swap3A_77 = arith.constant 112 : index
    %swap3A_78 = tpu.vector_load %arg8[%swap3A_76, %swap3A_77] {strides = array<i32>} : memref<1x128xi32, #tpu.memory_space<vmem>>, vector<1x16xi32>,
    %swap3A_79 = vector.shape_cast %swap3A_78 : vector<1x16xi32> to vector<16xi32>
    %swap3A_80 = vector.shape_cast %add3A_74 : vector<16xi32> to vector<1x16xi32>
    tpu.vector_store %arg8[%swap3A_76, %swap3A_77], %swap3A_80 {strides = array<i32>} : memref<1x128xi32, #tpu.memory_space<vmem>>, vector<1x16xi32>,
    %add3A_81 = arith.constant 0 : i32
    %add3A_82 = arith.addi %mul3A_2, %add3A_81 : i32
    %run_scoped3A = arith.constant 0 : i32
    "tpu.region"() ({
      %run_scoped3A_399 = tpu.sem_alloc : memref<!tpu.dma_semaphore, #tpu.memory_space<semaphore_mem>>
      %dma_start3A = arith.constant 0 : i32
      %dma_start3A_400 = tpu.memref_slice %arg6[%run_scoped3A, %dma_start3A] : memref<1x128xi32, #tpu.memory_space<vmem>> -> memref<1x128xi32, #tpu.memory_space<vmem>>
      %dma_start3A_401 = tpu.memref_squeeze %dma_start3A_400 : memref<1x128xi32, #tpu.memory_space<vmem>> -> memref<128xi32, #tpu.memory_space<vmem>>
      %dma_start3A_402 = tpu.memref_slice %arg2[%add3A_82] : memref<11264xi32, #tpu.memory_space<hbm>> -> memref<128xi32, #tpu.memory_space<hbm>>
      %dma_start3A_403 = arith.constant 0 : i32
      %dma_start3A_404 = tpu.memref_slice %arg6[%run_scoped3A, %dma_start3A_403] : memref<1x128xi32, #tpu.memory_space<vmem>> -> memref<1x128xi32, #tpu.memory_space<vmem>>
      %dma_start3A_405 = tpu.memref_squeeze %dma_start3A_404 : memref<1x128xi32, #tpu.memory_space<vmem>> -> memref<128xi32, #tpu.memory_space<vmem>>
      %dma_start3A_406 = tpu.memref_slice %arg2[%add3A_82] : memref<11264xi32, #tpu.memory_space<hbm>> -> memref<128xi32, #tpu.memory_space<hbm>>
      tpu.enqueue_dma source(%dma_start3A_406 : memref<128xi32, #tpu.memory_space<hbm>>) target(%dma_start3A_405 : memref<128xi32, #tpu.memory_space<vmem>>) target_semaphore(%run_scoped3A_399 : memref<!tpu.dma_semaphore, #tpu.memory_space<semaphore_mem>>)
      %dma_wait3A = arith.constant 0 : i32
      %dma_wait3A_407 = tpu.memref_slice %arg6[%run_scoped3A, %dma_wait3A] : memref<1x128xi32, #tpu.memory_space<vmem>> -> memref<1x128xi32, #tpu.memory_space<vmem>>
      %dma_wait3A_408 = tpu.memref_squeeze %dma_wait3A_407 : memref<1x128xi32, #tpu.memory_space<vmem>> -> memref<128xi32, #tpu.memory_space<vmem>>
      %dma_wait3A_409 = tpu.memref_slice %arg2[%add3A_82] : memref<11264xi32, #tpu.memory_space<hbm>> -> memref<128xi32, #tpu.memory_space<hbm>>
      %dma_wait3A_410 = arith.constant 0 : i32
      %dma_wait3A_411 = tpu.memref_slice %arg6[%run_scoped3A, %dma_wait3A_410] : memref<1x128xi32, #tpu.memory_space<vmem>> -> memref<1x128xi32, #tpu.memory_space<vmem>>
      %dma_wait3A_412 = tpu.memref_squeeze %dma_wait3A_411 : memref<1x128xi32, #tpu.memory_space<vmem>> -> memref<128xi32, #tpu.memory_space<vmem>>
      %dma_wait3A_413 = tpu.memref_slice %arg2[%add3A_82] : memref<11264xi32, #tpu.memory_space<hbm>> -> memref<128xi32, #tpu.memory_space<hbm>>
      tpu.wait_dma2 semaphore(%run_scoped3A_399 : memref<!tpu.dma_semaphore, #tpu.memory_space<semaphore_mem>>) src(%dma_wait3A_413 : memref<128xi32, #tpu.memory_space<hbm>>) dst(%dma_wait3A_412 : memref<128xi32, #tpu.memory_space<vmem>>)
      tpu.yield
    }) : () -> ()
    %run_scoped3A_83 = arith.constant 0 : i32
    "tpu.region"() ({
      %run_scoped3A_399 = tpu.sem_alloc : memref<!tpu.dma_semaphore, #tpu.memory_space<semaphore_mem>>
      %dma_start3A = arith.constant 0 : i32
      %dma_start3A_400 = arith.constant 0 : i32
      %dma_start3A_401 = tpu.memref_slice %arg7[%dma_start3A, %dma_start3A_400] : memref<128x128xf32, #tpu.memory_space<vmem>> -> memref<128x128xf32, #tpu.memory_space<vmem>>
      %dma_start3A_402 = arith.constant 0 : i32
      %dma_start3A_403 = tpu.memref_slice %arg6[%run_scoped3A_83, %dma_start3A_402] : memref<1x128xi32, #tpu.memory_space<vmem>> -> memref<1x128xi32, #tpu.memory_space<vmem>>
      %dma_start3A_404 = tpu.memref_squeeze %dma_start3A_403 : memref<1x128xi32, #tpu.memory_space<vmem>> -> memref<128xi32, #tpu.memory_space<vmem>>
      %dma_start3A_405 = arith.constant 0 : i32
      %dma_start3A_406 = arith.constant 0 : i32
      %dma_start3A_407 = tpu.memref_slice %arg4[%dma_start3A_405, %dma_start3A_406] : memref<128x128xf32, #tpu.memory_space<hbm>> -> memref<128x128xf32, #tpu.memory_space<hbm>>
      tpu.enqueue_indirect_dma source(%dma_start3A_407 : memref<128x128xf32, #tpu.memory_space<hbm>>) target(%dma_start3A_401 : memref<128x128xf32, #tpu.memory_space<vmem>>) offsets(%dma_start3A_404 : memref<128xi32, #tpu.memory_space<vmem>>) semaphore(%run_scoped3A_399 : memref<!tpu.dma_semaphore, #tpu.memory_space<semaphore_mem>>)
      %dma_wait3A = arith.constant 0 : i32
      %dma_wait3A_408 = arith.constant 0 : i32
      %dma_wait3A_409 = tpu.memref_slice %arg7[%dma_wait3A, %dma_wait3A_408] : memref<128x128xf32, #tpu.memory_space<vmem>> -> memref<128x128xf32, #tpu.memory_space<vmem>>
      %dma_wait3A_410 = arith.constant 0 : i32
      %dma_wait3A_411 = tpu.memref_slice %arg6[%run_scoped3A_83, %dma_wait3A_410] : memref<1x128xi32, #tpu.memory_space<vmem>> -> memref<1x128xi32, #tpu.memory_space<vmem>>
      %dma_wait3A_412 = tpu.memref_squeeze %dma_wait3A_411 : memref<1x128xi32, #tpu.memory_space<vmem>> -> memref<128xi32, #tpu.memory_space<vmem>>
      %dma_wait3A_413 = arith.constant 0 : i32
      %dma_wait3A_414 = arith.constant 0 : i32
      %dma_wait3A_415 = tpu.memref_slice %arg4[%dma_wait3A_413, %dma_wait3A_414] : memref<128x128xf32, #tpu.memory_space<hbm>> -> memref<128x128xf32, #tpu.memory_space<hbm>>
      tpu.wait_indirect_dma semaphore(%run_scoped3A_399 : memref<!tpu.dma_semaphore, #tpu.memory_space<semaphore_mem>>) src(%dma_wait3A_415 : memref<128x128xf32, #tpu.memory_space<hbm>>) dst(%dma_wait3A_409 : memref<128x128xf32, #tpu.memory_space<vmem>>)
      tpu.yield
    }) : () -> ()
    %add3A_84 = arith.constant 0 : i32
    %add3A_85 = arith.addi %mul3A_2, %add3A_84 : i32
    "tpu.region"() ({
      %run_scoped3A_399 = tpu.sem_alloc : memref<!tpu.dma_semaphore, #tpu.memory_space<semaphore_mem>>
      %dma_start3A = arith.constant 0 : i32
      %dma_start3A_400 = arith.constant 0 : i32
      %dma_start3A_401 = tpu.memref_slice %arg7[%dma_start3A, %dma_start3A_400] : memref<128x128xf32, #tpu.memory_space<vmem>> -> memref<128x128xf32, #tpu.memory_space<vmem>>
      %dma_start3A_402 = arith.constant 0 : i32
      %dma_start3A_403 = tpu.memref_slice %arg10[%add3A_85, %dma_start3A_402] : memref<11264x128xf32, #tpu.memory_space<vmem_shared>> -> memref<128x128xf32, #tpu.memory_space<vmem_shared>>
      %dma_start3A_404 = arith.constant 0 : i32
      %dma_start3A_405 = tpu.memref_slice %arg10[%add3A_85, %dma_start3A_404] : memref<11264x128xf32, #tpu.memory_space<vmem_shared>> -> memref<128x128xf32, #tpu.memory_space<vmem_shared>>
      %dma_start3A_406 = arith.constant 0 : i32
      %dma_start3A_407 = arith.constant 0 : i32
      %dma_start3A_408 = tpu.memref_slice %arg7[%dma_start3A_406, %dma_start3A_407] : memref<128x128xf32, #tpu.memory_space<vmem>> -> memref<128x128xf32, #tpu.memory_space<vmem>>
      tpu.enqueue_dma source(%dma_start3A_408 : memref<128x128xf32, #tpu.memory_space<vmem>>) target(%dma_start3A_405 : memref<128x128xf32, #tpu.memory_space<vmem_shared>>) target_semaphore(%run_scoped3A_399 : memref<!tpu.dma_semaphore, #tpu.memory_space<semaphore_mem>>)
      %dma_wait3A = arith.constant 0 : i32
      %dma_wait3A_409 = arith.constant 0 : i32
      %dma_wait3A_410 = tpu.memref_slice %arg7[%dma_wait3A, %dma_wait3A_409] : memref<128x128xf32, #tpu.memory_space<vmem>> -> memref<128x128xf32, #tpu.memory_space<vmem>>
      %dma_wait3A_411 = arith.constant 0 : i32
      %dma_wait3A_412 = tpu.memref_slice %arg10[%add3A_85, %dma_wait3A_411] : memref<11264x128xf32, #tpu.memory_space<vmem_shared>> -> memref<128x128xf32, #tpu.memory_space<vmem_shared>>
      %dma_wait3A_413 = arith.constant 0 : i32
      %dma_wait3A_414 = tpu.memref_slice %arg10[%add3A_85, %dma_wait3A_413] : memref<11264x128xf32, #tpu.memory_space<vmem_shared>> -> memref<128x128xf32, #tpu.memory_space<vmem_shared>>
      %dma_wait3A_415 = arith.constant 0 : i32
      %dma_wait3A_416 = arith.constant 0 : i32
      %dma_wait3A_417 = tpu.memref_slice %arg7[%dma_wait3A_415, %dma_wait3A_416] : memref<128x128xf32, #tpu.memory_space<vmem>> -> memref<128x128xf32, #tpu.memory_space<vmem>>
      tpu.wait_dma2 semaphore(%run_scoped3A_399 : memref<!tpu.dma_semaphore, #tpu.memory_space<semaphore_mem>>) src(%dma_wait3A_417 : memref<128x128xf32, #tpu.memory_space<vmem>>) dst(%dma_wait3A_414 : memref<128x128xf32, #tpu.memory_space<vmem_shared>>)
      tpu.yield
    }) : () -> ()
    %add3A_86 = arith.constant 0 : i32
    %add3A_87 = arith.addi %mul3A_2, %add3A_86 : i32
    %run_scoped3A_88 = arith.constant 0 : i32
    "tpu.region"() ({
      %run_scoped3A_399 = tpu.sem_alloc : memref<!tpu.dma_semaphore, #tpu.memory_space<semaphore_mem>>
      %dma_start3A = arith.constant 0 : i32
      %dma_start3A_400 = tpu.memref_slice %arg6[%run_scoped3A_88, %dma_start3A] : memref<1x128xi32, #tpu.memory_space<vmem>> -> memref<1x128xi32, #tpu.memory_space<vmem>>
      %dma_start3A_401 = tpu.memref_squeeze %dma_start3A_400 : memref<1x128xi32, #tpu.memory_space<vmem>> -> memref<128xi32, #tpu.memory_space<vmem>>
      %dma_start3A_402 = tpu.memref_slice %arg3[%add3A_87] : memref<11264xi32, #tpu.memory_space<hbm>> -> memref<128xi32, #tpu.memory_space<hbm>>
      %dma_start3A_403 = arith.constant 0 : i32
      %dma_start3A_404 = tpu.memref_slice %arg6[%run_scoped3A_88, %dma_start3A_403] : memref<1x128xi32, #tpu.memory_space<vmem>> -> memref<1x128xi32, #tpu.memory_space<vmem>>
      %dma_start3A_405 = tpu.memref_squeeze %dma_start3A_404 : memref<1x128xi32, #tpu.memory_space<vmem>> -> memref<128xi32, #tpu.memory_space<vmem>>
      %dma_start3A_406 = tpu.memref_slice %arg3[%add3A_87] : memref<11264xi32, #tpu.memory_space<hbm>> -> memref<128xi32, #tpu.memory_space<hbm>>
      tpu.enqueue_dma source(%dma_start3A_406 : memref<128xi32, #tpu.memory_space<hbm>>) target(%dma_start3A_405 : memref<128xi32, #tpu.memory_space<vmem>>) target_semaphore(%run_scoped3A_399 : memref<!tpu.dma_semaphore, #tpu.memory_space<semaphore_mem>>)
      %dma_wait3A = arith.constant 0 : i32
      %dma_wait3A_407 = tpu.memref_slice %arg6[%run_scoped3A_88, %dma_wait3A] : memref<1x128xi32, #tpu.memory_space<vmem>> -> memref<1x128xi32, #tpu.memory_space<vmem>>
      %dma_wait3A_408 = tpu.memref_squeeze %dma_wait3A_407 : memref<1x128xi32, #tpu.memory_space<vmem>> -> memref<128xi32, #tpu.memory_space<vmem>>
      %dma_wait3A_409 = tpu.memref_slice %arg3[%add3A_87] : memref<11264xi32, #tpu.memory_space<hbm>> -> memref<128xi32, #tpu.memory_space<hbm>>
      %dma_wait3A_410 = arith.constant 0 : i32
      %dma_wait3A_411 = tpu.memref_slice %arg6[%run_scoped3A_88, %dma_wait3A_410] : memref<1x128xi32, #tpu.memory_space<vmem>> -> memref<1x128xi32, #tpu.memory_space<vmem>>
      %dma_wait3A_412 = tpu.memref_squeeze %dma_wait3A_411 : memref<1x128xi32, #tpu.memory_space<vmem>> -> memref<128xi32, #tpu.memory_space<vmem>>
      %dma_wait3A_413 = tpu.memref_slice %arg3[%add3A_87] : memref<11264xi32, #tpu.memory_space<hbm>> -> memref<128xi32, #tpu.memory_space<hbm>>
      tpu.wait_dma2 semaphore(%run_scoped3A_399 : memref<!tpu.dma_semaphore, #tpu.memory_space<semaphore_mem>>) src(%dma_wait3A_413 : memref<128xi32, #tpu.memory_space<hbm>>) dst(%dma_wait3A_412 : memref<128xi32, #tpu.memory_space<vmem>>)
      tpu.yield
    }) : () -> ()
    %run_scoped3A_89 = arith.constant 0 : i32
    "tpu.region"() ({
      %run_scoped3A_399 = tpu.sem_alloc : memref<!tpu.dma_semaphore, #tpu.memory_space<semaphore_mem>>
      %dma_start3A = arith.constant 0 : i32
      %dma_start3A_400 = arith.constant 0 : i32
      %dma_start3A_401 = tpu.memref_slice %arg7[%dma_start3A, %dma_start3A_400] : memref<128x128xf32, #tpu.memory_space<vmem>> -> memref<128x128xf32, #tpu.memory_space<vmem>>
      %dma_start3A_402 = arith.constant 0 : i32
      %dma_start3A_403 = tpu.memref_slice %arg6[%run_scoped3A_89, %dma_start3A_402] : memref<1x128xi32, #tpu.memory_space<vmem>> -> memref<1x128xi32, #tpu.memory_space<vmem>>
      %dma_start3A_404 = tpu.memref_squeeze %dma_start3A_403 : memref<1x128xi32, #tpu.memory_space<vmem>> -> memref<128xi32, #tpu.memory_space<vmem>>
      %dma_start3A_405 = arith.constant 0 : i32
      %dma_start3A_406 = arith.constant 0 : i32
      %dma_start3A_407 = tpu.memref_slice %arg4[%dma_start3A_405, %dma_start3A_406] : memref<128x128xf32, #tpu.memory_space<hbm>> -> memref<128x128xf32, #tpu.memory_space<hbm>>
      tpu.enqueue_indirect_dma source(%dma_start3A_407 : memref<128x128xf32, #tpu.memory_space<hbm>>) target(%dma_start3A_401 : memref<128x128xf32, #tpu.memory_space<vmem>>) offsets(%dma_start3A_404 : memref<128xi32, #tpu.memory_space<vmem>>) semaphore(%run_scoped3A_399 : memref<!tpu.dma_semaphore, #tpu.memory_space<semaphore_mem>>)
      %dma_wait3A = arith.constant 0 : i32
      %dma_wait3A_408 = arith.constant 0 : i32
      %dma_wait3A_409 = tpu.memref_slice %arg7[%dma_wait3A, %dma_wait3A_408] : memref<128x128xf32, #tpu.memory_space<vmem>> -> memref<128x128xf32, #tpu.memory_space<vmem>>
      %dma_wait3A_410 = arith.constant 0 : i32
      %dma_wait3A_411 = tpu.memref_slice %arg6[%run_scoped3A_89, %dma_wait3A_410] : memref<1x128xi32, #tpu.memory_space<vmem>> -> memref<1x128xi32, #tpu.memory_space<vmem>>
      %dma_wait3A_412 = tpu.memref_squeeze %dma_wait3A_411 : memref<1x128xi32, #tpu.memory_space<vmem>> -> memref<128xi32, #tpu.memory_space<vmem>>
      %dma_wait3A_413 = arith.constant 0 : i32
      %dma_wait3A_414 = arith.constant 0 : i32
      %dma_wait3A_415 = tpu.memref_slice %arg4[%dma_wait3A_413, %dma_wait3A_414] : memref<128x128xf32, #tpu.memory_space<hbm>> -> memref<128x128xf32, #tpu.memory_space<hbm>>
      tpu.wait_indirect_dma semaphore(%run_scoped3A_399 : memref<!tpu.dma_semaphore, #tpu.memory_space<semaphore_mem>>) src(%dma_wait3A_415 : memref<128x128xf32, #tpu.memory_space<hbm>>) dst(%dma_wait3A_409 : memref<128x128xf32, #tpu.memory_space<vmem>>)
      tpu.yield
    }) : () -> ()
    %iota3A_90 = tpu.iota {dimensions = array<i32: 0>} : vector<16xi32>
    %add3A_91 = arith.constant 0 : i32
    %add3A_92 = arith.addi %mul3A_2, %add3A_91 : i32
    %add3A_93 = arith.constant 0 : i32
    %add3A_94 = arith.addi %add3A_92, %add3A_93 : i32
    %add3A_95 = vector.broadcast %add3A_94 : i32 to vector<16xi32>
    %add3A_96 = arith.addi %iota3A_90, %add3A_95 : vector<16xi32>
    %swap3A_97 = arith.constant 0 : i32
    %swap3A_98 = arith.index_cast %swap3A_97 : i32 to index
    %swap3A_99 = arith.constant 0 : index
    %swap3A_100 = tpu.vector_load %arg8[%swap3A_98, %swap3A_99] {strides = array<i32>} : memref<1x128xi32, #tpu.memory_space<vmem>>, vector<1x16xi32>,
    %swap3A_101 = vector.shape_cast %swap3A_100 : vector<1x16xi32> to vector<16xi32>
    %swap3A_102 = vector.shape_cast %add3A_96 : vector<16xi32> to vector<1x16xi32>
    tpu.vector_store %arg8[%swap3A_98, %swap3A_99], %swap3A_102 {strides = array<i32>} : memref<1x128xi32, #tpu.memory_space<vmem>>, vector<1x16xi32>,
    %iota3A_103 = tpu.iota {dimensions = array<i32: 0>} : vector<16xi32>
    %add3A_104 = arith.constant 0 : i32
    %add3A_105 = arith.addi %mul3A_2, %add3A_104 : i32
    %add3A_106 = arith.constant 16 : i32
    %add3A_107 = arith.addi %add3A_105, %add3A_106 : i32
    %add3A_108 = vector.broadcast %add3A_107 : i32 to vector<16xi32>
    %add3A_109 = arith.addi %iota3A_103, %add3A_108 : vector<16xi32>
    %swap3A_110 = arith.constant 0 : i32
    %swap3A_111 = arith.index_cast %swap3A_110 : i32 to index
    %swap3A_112 = arith.constant 16 : index
    %swap3A_113 = tpu.vector_load %arg8[%swap3A_111, %swap3A_112] {strides = array<i32>} : memref<1x128xi32, #tpu.memory_space<vmem>>, vector<1x16xi32>,
    %swap3A_114 = vector.shape_cast %swap3A_113 : vector<1x16xi32> to vector<16xi32>
    %swap3A_115 = vector.shape_cast %add3A_109 : vector<16xi32> to vector<1x16xi32>
    tpu.vector_store %arg8[%swap3A_111, %swap3A_112], %swap3A_115 {strides = array<i32>} : memref<1x128xi32, #tpu.memory_space<vmem>>, vector<1x16xi32>,
    %iota3A_116 = tpu.iota {dimensions = array<i32: 0>} : vector<16xi32>
    %add3A_117 = arith.constant 0 : i32
    %add3A_118 = arith.addi %mul3A_2, %add3A_117 : i32
    %add3A_119 = arith.constant 32 : i32
    %add3A_120 = arith.addi %add3A_118, %add3A_119 : i32
    %add3A_121 = vector.broadcast %add3A_120 : i32 to vector<16xi32>
    %add3A_122 = arith.addi %iota3A_116, %add3A_121 : vector<16xi32>
    %swap3A_123 = arith.constant 0 : i32
    %swap3A_124 = arith.index_cast %swap3A_123 : i32 to index
    %swap3A_125 = arith.constant 32 : index
    %swap3A_126 = tpu.vector_load %arg8[%swap3A_124, %swap3A_125] {strides = array<i32>} : memref<1x128xi32, #tpu.memory_space<vmem>>, vector<1x16xi32>,
    %swap3A_127 = vector.shape_cast %swap3A_126 : vector<1x16xi32> to vector<16xi32>
    %swap3A_128 = vector.shape_cast %add3A_122 : vector<16xi32> to vector<1x16xi32>
    tpu.vector_store %arg8[%swap3A_124, %swap3A_125], %swap3A_128 {strides = array<i32>} : memref<1x128xi32, #tpu.memory_space<vmem>>, vector<1x16xi32>,
    %iota3A_129 = tpu.iota {dimensions = array<i32: 0>} : vector<16xi32>
    %add3A_130 = arith.constant 0 : i32
    %add3A_131 = arith.addi %mul3A_2, %add3A_130 : i32
    %add3A_132 = arith.constant 48 : i32
    %add3A_133 = arith.addi %add3A_131, %add3A_132 : i32
    %add3A_134 = vector.broadcast %add3A_133 : i32 to vector<16xi32>
    %add3A_135 = arith.addi %iota3A_129, %add3A_134 : vector<16xi32>
    %swap3A_136 = arith.constant 0 : i32
    %swap3A_137 = arith.index_cast %swap3A_136 : i32 to index
    %swap3A_138 = arith.constant 48 : index
    %swap3A_139 = tpu.vector_load %arg8[%swap3A_137, %swap3A_138] {strides = array<i32>} : memref<1x128xi32, #tpu.memory_space<vmem>>, vector<1x16xi32>,
    %swap3A_140 = vector.shape_cast %swap3A_139 : vector<1x16xi32> to vector<16xi32>
    %swap3A_141 = vector.shape_cast %add3A_135 : vector<16xi32> to vector<1x16xi32>
    tpu.vector_store %arg8[%swap3A_137, %swap3A_138], %swap3A_141 {strides = array<i32>} : memref<1x128xi32, #tpu.memory_space<vmem>>, vector<1x16xi32>,
    %iota3A_142 = tpu.iota {dimensions = array<i32: 0>} : vector<16xi32>
    %add3A_143 = arith.constant 0 : i32
    %add3A_144 = arith.addi %mul3A_2, %add3A_143 : i32
    %add3A_145 = arith.constant 64 : i32
    %add3A_146 = arith.addi %add3A_144, %add3A_145 : i32
    %add3A_147 = vector.broadcast %add3A_146 : i32 to vector<16xi32>
    %add3A_148 = arith.addi %iota3A_142, %add3A_147 : vector<16xi32>
    %swap3A_149 = arith.constant 0 : i32
    %swap3A_150 = arith.index_cast %swap3A_149 : i32 to index
    %swap3A_151 = arith.constant 64 : index
    %swap3A_152 = tpu.vector_load %arg8[%swap3A_150, %swap3A_151] {strides = array<i32>} : memref<1x128xi32, #tpu.memory_space<vmem>>, vector<1x16xi32>,
    %swap3A_153 = vector.shape_cast %swap3A_152 : vector<1x16xi32> to vector<16xi32>
    %swap3A_154 = vector.shape_cast %add3A_148 : vector<16xi32> to vector<1x16xi32>
    tpu.vector_store %arg8[%swap3A_150, %swap3A_151], %swap3A_154 {strides = array<i32>} : memref<1x128xi32, #tpu.memory_space<vmem>>, vector<1x16xi32>,
    %iota3A_155 = tpu.iota {dimensions = array<i32: 0>} : vector<16xi32>
    %add3A_156 = arith.constant 0 : i32
    %add3A_157 = arith.addi %mul3A_2, %add3A_156 : i32
    %add3A_158 = arith.constant 80 : i32
    %add3A_159 = arith.addi %add3A_157, %add3A_158 : i32
    %add3A_160 = vector.broadcast %add3A_159 : i32 to vector<16xi32>
    %add3A_161 = arith.addi %iota3A_155, %add3A_160 : vector<16xi32>
    %swap3A_162 = arith.constant 0 : i32
    %swap3A_163 = arith.index_cast %swap3A_162 : i32 to index
    %swap3A_164 = arith.constant 80 : index
    %swap3A_165 = tpu.vector_load %arg8[%swap3A_163, %swap3A_164] {strides = array<i32>} : memref<1x128xi32, #tpu.memory_space<vmem>>, vector<1x16xi32>,
    %swap3A_166 = vector.shape_cast %swap3A_165 : vector<1x16xi32> to vector<16xi32>
    %swap3A_167 = vector.shape_cast %add3A_161 : vector<16xi32> to vector<1x16xi32>
    tpu.vector_store %arg8[%swap3A_163, %swap3A_164], %swap3A_167 {strides = array<i32>} : memref<1x128xi32, #tpu.memory_space<vmem>>, vector<1x16xi32>,
    %iota3A_168 = tpu.iota {dimensions = array<i32: 0>} : vector<16xi32>
    %add3A_169 = arith.constant 0 : i32
    %add3A_170 = arith.addi %mul3A_2, %add3A_169 : i32
    %add3A_171 = arith.constant 96 : i32
    %add3A_172 = arith.addi %add3A_170, %add3A_171 : i32
    %add3A_173 = vector.broadcast %add3A_172 : i32 to vector<16xi32>
    %add3A_174 = arith.addi %iota3A_168, %add3A_173 : vector<16xi32>
    %swap3A_175 = arith.constant 0 : i32
    %swap3A_176 = arith.index_cast %swap3A_175 : i32 to index
    %swap3A_177 = arith.constant 96 : index
    %swap3A_178 = tpu.vector_load %arg8[%swap3A_176, %swap3A_177] {strides = array<i32>} : memref<1x128xi32, #tpu.memory_space<vmem>>, vector<1x16xi32>,
    %swap3A_179 = vector.shape_cast %swap3A_178 : vector<1x16xi32> to vector<16xi32>
    %swap3A_180 = vector.shape_cast %add3A_174 : vector<16xi32> to vector<1x16xi32>
    tpu.vector_store %arg8[%swap3A_176, %swap3A_177], %swap3A_180 {strides = array<i32>} : memref<1x128xi32, #tpu.memory_space<vmem>>, vector<1x16xi32>,
    %iota3A_181 = tpu.iota {dimensions = array<i32: 0>} : vector<16xi32>
    %add3A_182 = arith.constant 0 : i32
    %add3A_183 = arith.addi %mul3A_2, %add3A_182 : i32
    %add3A_184 = arith.constant 112 : i32
    %add3A_185 = arith.addi %add3A_183, %add3A_184 : i32
    %add3A_186 = vector.broadcast %add3A_185 : i32 to vector<16xi32>
    %add3A_187 = arith.addi %iota3A_181, %add3A_186 : vector<16xi32>
    %swap3A_188 = arith.constant 0 : i32
    %swap3A_189 = arith.index_cast %swap3A_188 : i32 to index
    %swap3A_190 = arith.constant 112 : index
    %swap3A_191 = tpu.vector_load %arg8[%swap3A_189, %swap3A_190] {strides = array<i32>} : memref<1x128xi32, #tpu.memory_space<vmem>>, vector<1x16xi32>,
    %swap3A_192 = vector.shape_cast %swap3A_191 : vector<1x16xi32> to vector<16xi32>
    %swap3A_193 = vector.shape_cast %add3A_187 : vector<16xi32> to vector<1x16xi32>
    tpu.vector_store %arg8[%swap3A_189, %swap3A_190], %swap3A_193 {strides = array<i32>} : memref<1x128xi32, #tpu.memory_space<vmem>>, vector<1x16xi32>,
    %run_scoped3A_194 = arith.constant 0 : i32
    "tpu.region"() ({
      %run_scoped3A_399 = tpu.sem_alloc : memref<!tpu.dma_semaphore, #tpu.memory_space<semaphore_mem>>
      %dma_start3A = arith.constant 0 : i32
      %dma_start3A_400 = arith.constant 0 : i32
      %dma_start3A_401 = tpu.memref_slice %arg7[%dma_start3A, %dma_start3A_400] : memref<128x128xf32, #tpu.memory_space<vmem>> -> memref<128x128xf32, #tpu.memory_space<vmem>>
      %dma_start3A_402 = arith.constant 0 : i32
      %dma_start3A_403 = tpu.memref_slice %arg8[%run_scoped3A_194, %dma_start3A_402] : memref<1x128xi32, #tpu.memory_space<vmem>> -> memref<1x128xi32, #tpu.memory_space<vmem>>
      %dma_start3A_404 = tpu.memref_squeeze %dma_start3A_403 : memref<1x128xi32, #tpu.memory_space<vmem>> -> memref<128xi32, #tpu.memory_space<vmem>>
      %dma_start3A_405 = arith.constant 0 : i32
      %dma_start3A_406 = arith.constant 0 : i32
      %dma_start3A_407 = tpu.memref_slice %arg10[%dma_start3A_405, %dma_start3A_406] : memref<11264x128xf32, #tpu.memory_space<vmem_shared>> -> memref<11264x128xf32, #tpu.memory_space<vmem_shared>>
      tpu.enqueue_indirect_dma source(%dma_start3A_401 : memref<128x128xf32, #tpu.memory_space<vmem>>) target(%dma_start3A_407 : memref<11264x128xf32, #tpu.memory_space<vmem_shared>>) offsets(%dma_start3A_404 : memref<128xi32, #tpu.memory_space<vmem>>) semaphore(%run_scoped3A_399 : memref<!tpu.dma_semaphore, #tpu.memory_space<semaphore_mem>>) {add = true}
      %dma_wait3A = arith.constant 0 : i32
      %dma_wait3A_408 = arith.constant 0 : i32
      %dma_wait3A_409 = tpu.memref_slice %arg7[%dma_wait3A, %dma_wait3A_408] : memref<128x128xf32, #tpu.memory_space<vmem>> -> memref<128x128xf32, #tpu.memory_space<vmem>>
      %dma_wait3A_410 = arith.constant 0 : i32
      %dma_wait3A_411 = tpu.memref_slice %arg8[%run_scoped3A_194, %dma_wait3A_410] : memref<1x128xi32, #tpu.memory_space<vmem>> -> memref<1x128xi32, #tpu.memory_space<vmem>>
      %dma_wait3A_412 = tpu.memref_squeeze %dma_wait3A_411 : memref<1x128xi32, #tpu.memory_space<vmem>> -> memref<128xi32, #tpu.memory_space<vmem>>
      %dma_wait3A_413 = arith.constant 0 : i32
      %dma_wait3A_414 = arith.constant 0 : i32
      %dma_wait3A_415 = tpu.memref_slice %arg10[%dma_wait3A_413, %dma_wait3A_414] : memref<11264x128xf32, #tpu.memory_space<vmem_shared>> -> memref<11264x128xf32, #tpu.memory_space<vmem_shared>>
      tpu.wait_indirect_dma semaphore(%run_scoped3A_399 : memref<!tpu.dma_semaphore, #tpu.memory_space<semaphore_mem>>) src(%dma_wait3A_409 : memref<128x128xf32, #tpu.memory_space<vmem>>) dst(%dma_wait3A_415 : memref<11264x128xf32, #tpu.memory_space<vmem_shared>>)
      tpu.yield
    }) : () -> ()
    %add3A_195 = arith.constant 128 : i32
    %add3A_196 = arith.addi %mul3A_2, %add3A_195 : i32
    %run_scoped3A_197 = arith.constant 0 : i32
    "tpu.region"() ({
      %run_scoped3A_399 = tpu.sem_alloc : memref<!tpu.dma_semaphore, #tpu.memory_space<semaphore_mem>>
      %dma_start3A = arith.constant 0 : i32
      %dma_start3A_400 = tpu.memref_slice %arg6[%run_scoped3A_197, %dma_start3A] : memref<1x128xi32, #tpu.memory_space<vmem>> -> memref<1x128xi32, #tpu.memory_space<vmem>>
      %dma_start3A_401 = tpu.memref_squeeze %dma_start3A_400 : memref<1x128xi32, #tpu.memory_space<vmem>> -> memref<128xi32, #tpu.memory_space<vmem>>
      %dma_start3A_402 = tpu.memref_slice %arg2[%add3A_196] : memref<11264xi32, #tpu.memory_space<hbm>> -> memref<128xi32, #tpu.memory_space<hbm>>
      %dma_start3A_403 = arith.constant 0 : i32
      %dma_start3A_404 = tpu.memref_slice %arg6[%run_scoped3A_197, %dma_start3A_403] : memref<1x128xi32, #tpu.memory_space<vmem>> -> memref<1x128xi32, #tpu.memory_space<vmem>>
      %dma_start3A_405 = tpu.memref_squeeze %dma_start3A_404 : memref<1x128xi32, #tpu.memory_space<vmem>> -> memref<128xi32, #tpu.memory_space<vmem>>
      %dma_start3A_406 = tpu.memref_slice %arg2[%add3A_196] : memref<11264xi32, #tpu.memory_space<hbm>> -> memref<128xi32, #tpu.memory_space<hbm>>
      tpu.enqueue_dma source(%dma_start3A_406 : memref<128xi32, #tpu.memory_space<hbm>>) target(%dma_start3A_405 : memref<128xi32, #tpu.memory_space<vmem>>) target_semaphore(%run_scoped3A_399 : memref<!tpu.dma_semaphore, #tpu.memory_space<semaphore_mem>>)
      %dma_wait3A = arith.constant 0 : i32
      %dma_wait3A_407 = tpu.memref_slice %arg6[%run_scoped3A_197, %dma_wait3A] : memref<1x128xi32, #tpu.memory_space<vmem>> -> memref<1x128xi32, #tpu.memory_space<vmem>>
      %dma_wait3A_408 = tpu.memref_squeeze %dma_wait3A_407 : memref<1x128xi32, #tpu.memory_space<vmem>> -> memref<128xi32, #tpu.memory_space<vmem>>
      %dma_wait3A_409 = tpu.memref_slice %arg2[%add3A_196] : memref<11264xi32, #tpu.memory_space<hbm>> -> memref<128xi32, #tpu.memory_space<hbm>>
      %dma_wait3A_410 = arith.constant 0 : i32
      %dma_wait3A_411 = tpu.memref_slice %arg6[%run_scoped3A_197, %dma_wait3A_410] : memref<1x128xi32, #tpu.memory_space<vmem>> -> memref<1x128xi32, #tpu.memory_space<vmem>>
      %dma_wait3A_412 = tpu.memref_squeeze %dma_wait3A_411 : memref<1x128xi32, #tpu.memory_space<vmem>> -> memref<128xi32, #tpu.memory_space<vmem>>
      %dma_wait3A_413 = tpu.memref_slice %arg2[%add3A_196] : memref<11264xi32, #tpu.memory_space<hbm>> -> memref<128xi32, #tpu.memory_space<hbm>>
      tpu.wait_dma2 semaphore(%run_scoped3A_399 : memref<!tpu.dma_semaphore, #tpu.memory_space<semaphore_mem>>) src(%dma_wait3A_413 : memref<128xi32, #tpu.memory_space<hbm>>) dst(%dma_wait3A_412 : memref<128xi32, #tpu.memory_space<vmem>>)
      tpu.yield
    }) : () -> ()
    %run_scoped3A_198 = arith.constant 0 : i32
    "tpu.region"() ({
      %run_scoped3A_399 = tpu.sem_alloc : memref<!tpu.dma_semaphore, #tpu.memory_space<semaphore_mem>>
      %dma_start3A = arith.constant 0 : i32
      %dma_start3A_400 = arith.constant 0 : i32
      %dma_start3A_401 = tpu.memref_slice %arg7[%dma_start3A, %dma_start3A_400] : memref<128x128xf32, #tpu.memory_space<vmem>> -> memref<128x128xf32, #tpu.memory_space<vmem>>
      %dma_start3A_402 = arith.constant 0 : i32
      %dma_start3A_403 = tpu.memref_slice %arg6[%run_scoped3A_198, %dma_start3A_402] : memref<1x128xi32, #tpu.memory_space<vmem>> -> memref<1x128xi32, #tpu.memory_space<vmem>>
      %dma_start3A_404 = tpu.memref_squeeze %dma_start3A_403 : memref<1x128xi32, #tpu.memory_space<vmem>> -> memref<128xi32, #tpu.memory_space<vmem>>
      %dma_start3A_405 = arith.constant 0 : i32
      %dma_start3A_406 = arith.constant 0 : i32
      %dma_start3A_407 = tpu.memref_slice %arg4[%dma_start3A_405, %dma_start3A_406] : memref<128x128xf32, #tpu.memory_space<hbm>> -> memref<128x128xf32, #tpu.memory_space<hbm>>
      tpu.enqueue_indirect_dma source(%dma_start3A_407 : memref<128x128xf32, #tpu.memory_space<hbm>>) target(%dma_start3A_401 : memref<128x128xf32, #tpu.memory_space<vmem>>) offsets(%dma_start3A_404 : memref<128xi32, #tpu.memory_space<vmem>>) semaphore(%run_scoped3A_399 : memref<!tpu.dma_semaphore, #tpu.memory_space<semaphore_mem>>)
      %dma_wait3A = arith.constant 0 : i32
      %dma_wait3A_408 = arith.constant 0 : i32
      %dma_wait3A_409 = tpu.memref_slice %arg7[%dma_wait3A, %dma_wait3A_408] : memref<128x128xf32, #tpu.memory_space<vmem>> -> memref<128x128xf32, #tpu.memory_space<vmem>>
      %dma_wait3A_410 = arith.constant 0 : i32
      %dma_wait3A_411 = tpu.memref_slice %arg6[%run_scoped3A_198, %dma_wait3A_410] : memref<1x128xi32, #tpu.memory_space<vmem>> -> memref<1x128xi32, #tpu.memory_space<vmem>>
      %dma_wait3A_412 = tpu.memref_squeeze %dma_wait3A_411 : memref<1x128xi32, #tpu.memory_space<vmem>> -> memref<128xi32, #tpu.memory_space<vmem>>
      %dma_wait3A_413 = arith.constant 0 : i32
      %dma_wait3A_414 = arith.constant 0 : i32
      %dma_wait3A_415 = tpu.memref_slice %arg4[%dma_wait3A_413, %dma_wait3A_414] : memref<128x128xf32, #tpu.memory_space<hbm>> -> memref<128x128xf32, #tpu.memory_space<hbm>>
      tpu.wait_indirect_dma semaphore(%run_scoped3A_399 : memref<!tpu.dma_semaphore, #tpu.memory_space<semaphore_mem>>) src(%dma_wait3A_415 : memref<128x128xf32, #tpu.memory_space<hbm>>) dst(%dma_wait3A_409 : memref<128x128xf32, #tpu.memory_space<vmem>>)
      tpu.yield
    }) : () -> ()
    %add3A_199 = arith.constant 128 : i32
    %add3A_200 = arith.addi %mul3A_2, %add3A_199 : i32
    "tpu.region"() ({
      %run_scoped3A_399 = tpu.sem_alloc : memref<!tpu.dma_semaphore, #tpu.memory_space<semaphore_mem>>
      %dma_start3A = arith.constant 0 : i32
      %dma_start3A_400 = arith.constant 0 : i32
      %dma_start3A_401 = tpu.memref_slice %arg7[%dma_start3A, %dma_start3A_400] : memref<128x128xf32, #tpu.memory_space<vmem>> -> memref<128x128xf32, #tpu.memory_space<vmem>>
      %dma_start3A_402 = arith.constant 0 : i32
      %dma_start3A_403 = tpu.memref_slice %arg10[%add3A_200, %dma_start3A_402] : memref<11264x128xf32, #tpu.memory_space<vmem_shared>> -> memref<128x128xf32, #tpu.memory_space<vmem_shared>>
      %dma_start3A_404 = arith.constant 0 : i32
      %dma_start3A_405 = tpu.memref_slice %arg10[%add3A_200, %dma_start3A_404] : memref<11264x128xf32, #tpu.memory_space<vmem_shared>> -> memref<128x128xf32, #tpu.memory_space<vmem_shared>>
      %dma_start3A_406 = arith.constant 0 : i32
      %dma_start3A_407 = arith.constant 0 : i32
      %dma_start3A_408 = tpu.memref_slice %arg7[%dma_start3A_406, %dma_start3A_407] : memref<128x128xf32, #tpu.memory_space<vmem>> -> memref<128x128xf32, #tpu.memory_space<vmem>>
      tpu.enqueue_dma source(%dma_start3A_408 : memref<128x128xf32, #tpu.memory_space<vmem>>) target(%dma_start3A_405 : memref<128x128xf32, #tpu.memory_space<vmem_shared>>) target_semaphore(%run_scoped3A_399 : memref<!tpu.dma_semaphore, #tpu.memory_space<semaphore_mem>>)
      %dma_wait3A = arith.constant 0 : i32
      %dma_wait3A_409 = arith.constant 0 : i32
      %dma_wait3A_410 = tpu.memref_slice %arg7[%dma_wait3A, %dma_wait3A_409] : memref<128x128xf32, #tpu.memory_space<vmem>> -> memref<128x128xf32, #tpu.memory_space<vmem>>
      %dma_wait3A_411 = arith.constant 0 : i32
      %dma_wait3A_412 = tpu.memref_slice %arg10[%add3A_200, %dma_wait3A_411] : memref<11264x128xf32, #tpu.memory_space<vmem_shared>> -> memref<128x128xf32, #tpu.memory_space<vmem_shared>>
      %dma_wait3A_413 = arith.constant 0 : i32
      %dma_wait3A_414 = tpu.memref_slice %arg10[%add3A_200, %dma_wait3A_413] : memref<11264x128xf32, #tpu.memory_space<vmem_shared>> -> memref<128x128xf32, #tpu.memory_space<vmem_shared>>
      %dma_wait3A_415 = arith.constant 0 : i32
      %dma_wait3A_416 = arith.constant 0 : i32
      %dma_wait3A_417 = tpu.memref_slice %arg7[%dma_wait3A_415, %dma_wait3A_416] : memref<128x128xf32, #tpu.memory_space<vmem>> -> memref<128x128xf32, #tpu.memory_space<vmem>>
      tpu.wait_dma2 semaphore(%run_scoped3A_399 : memref<!tpu.dma_semaphore, #tpu.memory_space<semaphore_mem>>) src(%dma_wait3A_417 : memref<128x128xf32, #tpu.memory_space<vmem>>) dst(%dma_wait3A_414 : memref<128x128xf32, #tpu.memory_space<vmem_shared>>)
      tpu.yield
    }) : () -> ()
    %add3A_201 = arith.constant 128 : i32
    %add3A_202 = arith.addi %mul3A_2, %add3A_201 : i32
    %run_scoped3A_203 = arith.constant 0 : i32
    "tpu.region"() ({
      %run_scoped3A_399 = tpu.sem_alloc : memref<!tpu.dma_semaphore, #tpu.memory_space<semaphore_mem>>
      %dma_start3A = arith.constant 0 : i32
      %dma_start3A_400 = tpu.memref_slice %arg6[%run_scoped3A_203, %dma_start3A] : memref<1x128xi32, #tpu.memory_space<vmem>> -> memref<1x128xi32, #tpu.memory_space<vmem>>
      %dma_start3A_401 = tpu.memref_squeeze %dma_start3A_400 : memref<1x128xi32, #tpu.memory_space<vmem>> -> memref<128xi32, #tpu.memory_space<vmem>>
      %dma_start3A_402 = tpu.memref_slice %arg3[%add3A_202] : memref<11264xi32, #tpu.memory_space<hbm>> -> memref<128xi32, #tpu.memory_space<hbm>>
      %dma_start3A_403 = arith.constant 0 : i32
      %dma_start3A_404 = tpu.memref_slice %arg6[%run_scoped3A_203, %dma_start3A_403] : memref<1x128xi32, #tpu.memory_space<vmem>> -> memref<1x128xi32, #tpu.memory_space<vmem>>
      %dma_start3A_405 = tpu.memref_squeeze %dma_start3A_404 : memref<1x128xi32, #tpu.memory_space<vmem>> -> memref<128xi32, #tpu.memory_space<vmem>>
      %dma_start3A_406 = tpu.memref_slice %arg3[%add3A_202] : memref<11264xi32, #tpu.memory_space<hbm>> -> memref<128xi32, #tpu.memory_space<hbm>>
      tpu.enqueue_dma source(%dma_start3A_406 : memref<128xi32, #tpu.memory_space<hbm>>) target(%dma_start3A_405 : memref<128xi32, #tpu.memory_space<vmem>>) target_semaphore(%run_scoped3A_399 : memref<!tpu.dma_semaphore, #tpu.memory_space<semaphore_mem>>)
      %dma_wait3A = arith.constant 0 : i32
      %dma_wait3A_407 = tpu.memref_slice %arg6[%run_scoped3A_203, %dma_wait3A] : memref<1x128xi32, #tpu.memory_space<vmem>> -> memref<1x128xi32, #tpu.memory_space<vmem>>
      %dma_wait3A_408 = tpu.memref_squeeze %dma_wait3A_407 : memref<1x128xi32, #tpu.memory_space<vmem>> -> memref<128xi32, #tpu.memory_space<vmem>>
      %dma_wait3A_409 = tpu.memref_slice %arg3[%add3A_202] : memref<11264xi32, #tpu.memory_space<hbm>> -> memref<128xi32, #tpu.memory_space<hbm>>
      %dma_wait3A_410 = arith.constant 0 : i32
      %dma_wait3A_411 = tpu.memref_slice %arg6[%run_scoped3A_203, %dma_wait3A_410] : memref<1x128xi32, #tpu.memory_space<vmem>> -> memref<1x128xi32, #tpu.memory_space<vmem>>
      %dma_wait3A_412 = tpu.memref_squeeze %dma_wait3A_411 : memref<1x128xi32, #tpu.memory_space<vmem>> -> memref<128xi32, #tpu.memory_space<vmem>>
      %dma_wait3A_413 = tpu.memref_slice %arg3[%add3A_202] : memref<11264xi32, #tpu.memory_space<hbm>> -> memref<128xi32, #tpu.memory_space<hbm>>
      tpu.wait_dma2 semaphore(%run_scoped3A_399 : memref<!tpu.dma_semaphore, #tpu.memory_space<semaphore_mem>>) src(%dma_wait3A_413 : memref<128xi32, #tpu.memory_space<hbm>>) dst(%dma_wait3A_412 : memref<128xi32, #tpu.memory_space<vmem>>)
      tpu.yield
    }) : () -> ()
    %run_scoped3A_204 = arith.constant 0 : i32
    "tpu.region"() ({
      %run_scoped3A_399 = tpu.sem_alloc : memref<!tpu.dma_semaphore, #tpu.memory_space<semaphore_mem>>
      %dma_start3A = arith.constant 0 : i32
      %dma_start3A_400 = arith.constant 0 : i32
      %dma_start3A_401 = tpu.memref_slice %arg7[%dma_start3A, %dma_start3A_400] : memref<128x128xf32, #tpu.memory_space<vmem>> -> memref<128x128xf32, #tpu.memory_space<vmem>>
      %dma_start3A_402 = arith.constant 0 : i32
      %dma_start3A_403 = tpu.memref_slice %arg6[%run_scoped3A_204, %dma_start3A_402] : memref<1x128xi32, #tpu.memory_space<vmem>> -> memref<1x128xi32, #tpu.memory_space<vmem>>
      %dma_start3A_404 = tpu.memref_squeeze %dma_start3A_403 : memref<1x128xi32, #tpu.memory_space<vmem>> -> memref<128xi32, #tpu.memory_space<vmem>>
      %dma_start3A_405 = arith.constant 0 : i32
      %dma_start3A_406 = arith.constant 0 : i32
      %dma_start3A_407 = tpu.memref_slice %arg4[%dma_start3A_405, %dma_start3A_406] : memref<128x128xf32, #tpu.memory_space<hbm>> -> memref<128x128xf32, #tpu.memory_space<hbm>>
      tpu.enqueue_indirect_dma source(%dma_start3A_407 : memref<128x128xf32, #tpu.memory_space<hbm>>) target(%dma_start3A_401 : memref<128x128xf32, #tpu.memory_space<vmem>>) offsets(%dma_start3A_404 : memref<128xi32, #tpu.memory_space<vmem>>) semaphore(%run_scoped3A_399 : memref<!tpu.dma_semaphore, #tpu.memory_space<semaphore_mem>>)
      %dma_wait3A = arith.constant 0 : i32
      %dma_wait3A_408 = arith.constant 0 : i32
      %dma_wait3A_409 = tpu.memref_slice %arg7[%dma_wait3A, %dma_wait3A_408] : memref<128x128xf32, #tpu.memory_space<vmem>> -> memref<128x128xf32, #tpu.memory_space<vmem>>
      %dma_wait3A_410 = arith.constant 0 : i32
      %dma_wait3A_411 = tpu.memref_slice %arg6[%run_scoped3A_204, %dma_wait3A_410] : memref<1x128xi32, #tpu.memory_space<vmem>> -> memref<1x128xi32, #tpu.memory_space<vmem>>
      %dma_wait3A_412 = tpu.memref_squeeze %dma_wait3A_411 : memref<1x128xi32, #tpu.memory_space<vmem>> -> memref<128xi32, #tpu.memory_space<vmem>>
      %dma_wait3A_413 = arith.constant 0 : i32
      %dma_wait3A_414 = arith.constant 0 : i32
      %dma_wait3A_415 = tpu.memref_slice %arg4[%dma_wait3A_413, %dma_wait3A_414] : memref<128x128xf32, #tpu.memory_space<hbm>> -> memref<128x128xf32, #tpu.memory_space<hbm>>
      tpu.wait_indirect_dma semaphore(%run_scoped3A_399 : memref<!tpu.dma_semaphore, #tpu.memory_space<semaphore_mem>>) src(%dma_wait3A_415 : memref<128x128xf32, #tpu.memory_space<hbm>>) dst(%dma_wait3A_409 : memref<128x128xf32, #tpu.memory_space<vmem>>)
      tpu.yield
    }) : () -> ()
    %iota3A_205 = tpu.iota {dimensions = array<i32: 0>} : vector<16xi32>
    %add3A_206 = arith.constant 128 : i32
    %add3A_207 = arith.addi %mul3A_2, %add3A_206 : i32
    %add3A_208 = arith.constant 0 : i32
    %add3A_209 = arith.addi %add3A_207, %add3A_208 : i32
    %add3A_210 = vector.broadcast %add3A_209 : i32 to vector<16xi32>
    %add3A_211 = arith.addi %iota3A_205, %add3A_210 : vector<16xi32>
    %swap3A_212 = arith.constant 0 : i32
    %swap3A_213 = arith.index_cast %swap3A_212 : i32 to index
    %swap3A_214 = arith.constant 0 : index
    %swap3A_215 = tpu.vector_load %arg8[%swap3A_213, %swap3A_214] {strides = array<i32>} : memref<1x128xi32, #tpu.memory_space<vmem>>, vector<1x16xi32>,
    %swap3A_216 = vector.shape_cast %swap3A_215 : vector<1x16xi32> to vector<16xi32>
    %swap3A_217 = vector.shape_cast %add3A_211 : vector<16xi32> to vector<1x16xi32>
    tpu.vector_store %arg8[%swap3A_213, %swap3A_214], %swap3A_217 {strides = array<i32>} : memref<1x128xi32, #tpu.memory_space<vmem>>, vector<1x16xi32>,
    %iota3A_218 = tpu.iota {dimensions = array<i32: 0>} : vector<16xi32>
    %add3A_219 = arith.constant 128 : i32
    %add3A_220 = arith.addi %mul3A_2, %add3A_219 : i32
    %add3A_221 = arith.constant 16 : i32
    %add3A_222 = arith.addi %add3A_220, %add3A_221 : i32
    %add3A_223 = vector.broadcast %add3A_222 : i32 to vector<16xi32>
    %add3A_224 = arith.addi %iota3A_218, %add3A_223 : vector<16xi32>
    %swap3A_225 = arith.constant 0 : i32
    %swap3A_226 = arith.index_cast %swap3A_225 : i32 to index
    %swap3A_227 = arith.constant 16 : index
    %swap3A_228 = tpu.vector_load %arg8[%swap3A_226, %swap3A_227] {strides = array<i32>} : memref<1x128xi32, #tpu.memory_space<vmem>>, vector<1x16xi32>,
    %swap3A_229 = vector.shape_cast %swap3A_228 : vector<1x16xi32> to vector<16xi32>
    %swap3A_230 = vector.shape_cast %add3A_224 : vector<16xi32> to vector<1x16xi32>
    tpu.vector_store %arg8[%swap3A_226, %swap3A_227], %swap3A_230 {strides = array<i32>} : memref<1x128xi32, #tpu.memory_space<vmem>>, vector<1x16xi32>,
    %iota3A_231 = tpu.iota {dimensions = array<i32: 0>} : vector<16xi32>
    %add3A_232 = arith.constant 128 : i32
    %add3A_233 = arith.addi %mul3A_2, %add3A_232 : i32
    %add3A_234 = arith.constant 32 : i32
    %add3A_235 = arith.addi %add3A_233, %add3A_234 : i32
    %add3A_236 = vector.broadcast %add3A_235 : i32 to vector<16xi32>
    %add3A_237 = arith.addi %iota3A_231, %add3A_236 : vector<16xi32>
    %swap3A_238 = arith.constant 0 : i32
    %swap3A_239 = arith.index_cast %swap3A_238 : i32 to index
    %swap3A_240 = arith.constant 32 : index
    %swap3A_241 = tpu.vector_load %arg8[%swap3A_239, %swap3A_240] {strides = array<i32>} : memref<1x128xi32, #tpu.memory_space<vmem>>, vector<1x16xi32>,
    %swap3A_242 = vector.shape_cast %swap3A_241 : vector<1x16xi32> to vector<16xi32>
    %swap3A_243 = vector.shape_cast %add3A_237 : vector<16xi32> to vector<1x16xi32>
    tpu.vector_store %arg8[%swap3A_239, %swap3A_240], %swap3A_243 {strides = array<i32>} : memref<1x128xi32, #tpu.memory_space<vmem>>, vector<1x16xi32>,
    %iota3A_244 = tpu.iota {dimensions = array<i32: 0>} : vector<16xi32>
    %add3A_245 = arith.constant 128 : i32
    %add3A_246 = arith.addi %mul3A_2, %add3A_245 : i32
    %add3A_247 = arith.constant 48 : i32
    %add3A_248 = arith.addi %add3A_246, %add3A_247 : i32
    %add3A_249 = vector.broadcast %add3A_248 : i32 to vector<16xi32>
    %add3A_250 = arith.addi %iota3A_244, %add3A_249 : vector<16xi32>
    %swap3A_251 = arith.constant 0 : i32
    %swap3A_252 = arith.index_cast %swap3A_251 : i32 to index
    %swap3A_253 = arith.constant 48 : index
    %swap3A_254 = tpu.vector_load %arg8[%swap3A_252, %swap3A_253] {strides = array<i32>} : memref<1x128xi32, #tpu.memory_space<vmem>>, vector<1x16xi32>,
    %swap3A_255 = vector.shape_cast %swap3A_254 : vector<1x16xi32> to vector<16xi32>
    %swap3A_256 = vector.shape_cast %add3A_250 : vector<16xi32> to vector<1x16xi32>
    tpu.vector_store %arg8[%swap3A_252, %swap3A_253], %swap3A_256 {strides = array<i32>} : memref<1x128xi32, #tpu.memory_space<vmem>>, vector<1x16xi32>,
    %iota3A_257 = tpu.iota {dimensions = array<i32: 0>} : vector<16xi32>
    %add3A_258 = arith.constant 128 : i32
    %add3A_259 = arith.addi %mul3A_2, %add3A_258 : i32
    %add3A_260 = arith.constant 64 : i32
    %add3A_261 = arith.addi %add3A_259, %add3A_260 : i32
    %add3A_262 = vector.broadcast %add3A_261 : i32 to vector<16xi32>
    %add3A_263 = arith.addi %iota3A_257, %add3A_262 : vector<16xi32>
    %swap3A_264 = arith.constant 0 : i32
    %swap3A_265 = arith.index_cast %swap3A_264 : i32 to index
    %swap3A_266 = arith.constant 64 : index
    %swap3A_267 = tpu.vector_load %arg8[%swap3A_265, %swap3A_266] {strides = array<i32>} : memref<1x128xi32, #tpu.memory_space<vmem>>, vector<1x16xi32>,
    %swap3A_268 = vector.shape_cast %swap3A_267 : vector<1x16xi32> to vector<16xi32>
    %swap3A_269 = vector.shape_cast %add3A_263 : vector<16xi32> to vector<1x16xi32>
    tpu.vector_store %arg8[%swap3A_265, %swap3A_266], %swap3A_269 {strides = array<i32>} : memref<1x128xi32, #tpu.memory_space<vmem>>, vector<1x16xi32>,
    %iota3A_270 = tpu.iota {dimensions = array<i32: 0>} : vector<16xi32>
    %add3A_271 = arith.constant 128 : i32
    %add3A_272 = arith.addi %mul3A_2, %add3A_271 : i32
    %add3A_273 = arith.constant 80 : i32
    %add3A_274 = arith.addi %add3A_272, %add3A_273 : i32
    %add3A_275 = vector.broadcast %add3A_274 : i32 to vector<16xi32>
    %add3A_276 = arith.addi %iota3A_270, %add3A_275 : vector<16xi32>
    %swap3A_277 = arith.constant 0 : i32
    %swap3A_278 = arith.index_cast %swap3A_277 : i32 to index
    %swap3A_279 = arith.constant 80 : index
    %swap3A_280 = tpu.vector_load %arg8[%swap3A_278, %swap3A_279] {strides = array<i32>} : memref<1x128xi32, #tpu.memory_space<vmem>>, vector<1x16xi32>,
    %swap3A_281 = vector.shape_cast %swap3A_280 : vector<1x16xi32> to vector<16xi32>
    %swap3A_282 = vector.shape_cast %add3A_276 : vector<16xi32> to vector<1x16xi32>
    tpu.vector_store %arg8[%swap3A_278, %swap3A_279], %swap3A_282 {strides = array<i32>} : memref<1x128xi32, #tpu.memory_space<vmem>>, vector<1x16xi32>,
    %iota3A_283 = tpu.iota {dimensions = array<i32: 0>} : vector<16xi32>
    %add3A_284 = arith.constant 128 : i32
    %add3A_285 = arith.addi %mul3A_2, %add3A_284 : i32
    %add3A_286 = arith.constant 96 : i32
    %add3A_287 = arith.addi %add3A_285, %add3A_286 : i32
    %add3A_288 = vector.broadcast %add3A_287 : i32 to vector<16xi32>
    %add3A_289 = arith.addi %iota3A_283, %add3A_288 : vector<16xi32>
    %swap3A_290 = arith.constant 0 : i32
    %swap3A_291 = arith.index_cast %swap3A_290 : i32 to index
    %swap3A_292 = arith.constant 96 : index
    %swap3A_293 = tpu.vector_load %arg8[%swap3A_291, %swap3A_292] {strides = array<i32>} : memref<1x128xi32, #tpu.memory_space<vmem>>, vector<1x16xi32>,
    %swap3A_294 = vector.shape_cast %swap3A_293 : vector<1x16xi32> to vector<16xi32>
    %swap3A_295 = vector.shape_cast %add3A_289 : vector<16xi32> to vector<1x16xi32>
    tpu.vector_store %arg8[%swap3A_291, %swap3A_292], %swap3A_295 {strides = array<i32>} : memref<1x128xi32, #tpu.memory_space<vmem>>, vector<1x16xi32>,
    %iota3A_296 = tpu.iota {dimensions = array<i32: 0>} : vector<16xi32>
    %add3A_297 = arith.constant 128 : i32
    %add3A_298 = arith.addi %mul3A_2, %add3A_297 : i32
    %add3A_299 = arith.constant 112 : i32
    %add3A_300 = arith.addi %add3A_298, %add3A_299 : i32
    %add3A_301 = vector.broadcast %add3A_300 : i32 to vector<16xi32>
    %add3A_302 = arith.addi %iota3A_296, %add3A_301 : vector<16xi32>
    %swap3A_303 = arith.constant 0 : i32
    %swap3A_304 = arith.index_cast %swap3A_303 : i32 to index
    %swap3A_305 = arith.constant 112 : index
    %swap3A_306 = tpu.vector_load %arg8[%swap3A_304, %swap3A_305] {strides = array<i32>} : memref<1x128xi32, #tpu.memory_space<vmem>>, vector<1x16xi32>,
    %swap3A_307 = vector.shape_cast %swap3A_306 : vector<1x16xi32> to vector<16xi32>
    %swap3A_308 = vector.shape_cast %add3A_302 : vector<16xi32> to vector<1x16xi32>
    tpu.vector_store %arg8[%swap3A_304, %swap3A_305], %swap3A_308 {strides = array<i32>} : memref<1x128xi32, #tpu.memory_space<vmem>>, vector<1x16xi32>,
    %run_scoped3A_309 = arith.constant 0 : i32
    "tpu.region"() ({
      %run_scoped3A_399 = tpu.sem_alloc : memref<!tpu.dma_semaphore, #tpu.memory_space<semaphore_mem>>
      %dma_start3A = arith.constant 0 : i32
      %dma_start3A_400 = arith.constant 0 : i32
      %dma_start3A_401 = tpu.memref_slice %arg7[%dma_start3A, %dma_start3A_400] : memref<128x128xf32, #tpu.memory_space<vmem>> -> memref<128x128xf32, #tpu.memory_space<vmem>>
      %dma_start3A_402 = arith.constant 0 : i32
      %dma_start3A_403 = tpu.memref_slice %arg8[%run_scoped3A_309, %dma_start3A_402] : memref<1x128xi32, #tpu.memory_space<vmem>> -> memref<1x128xi32, #tpu.memory_space<vmem>>
      %dma_start3A_404 = tpu.memref_squeeze %dma_start3A_403 : memref<1x128xi32, #tpu.memory_space<vmem>> -> memref<128xi32, #tpu.memory_space<vmem>>
      %dma_start3A_405 = arith.constant 0 : i32
      %dma_start3A_406 = arith.constant 0 : i32
      %dma_start3A_407 = tpu.memref_slice %arg10[%dma_start3A_405, %dma_start3A_406] : memref<11264x128xf32, #tpu.memory_space<vmem_shared>> -> memref<11264x128xf32, #tpu.memory_space<vmem_shared>>
      tpu.enqueue_indirect_dma source(%dma_start3A_401 : memref<128x128xf32, #tpu.memory_space<vmem>>) target(%dma_start3A_407 : memref<11264x128xf32, #tpu.memory_space<vmem_shared>>) offsets(%dma_start3A_404 : memref<128xi32, #tpu.memory_space<vmem>>) semaphore(%run_scoped3A_399 : memref<!tpu.dma_semaphore, #tpu.memory_space<semaphore_mem>>) {add = true}
      %dma_wait3A = arith.constant 0 : i32
      %dma_wait3A_408 = arith.constant 0 : i32
      %dma_wait3A_409 = tpu.memref_slice %arg7[%dma_wait3A, %dma_wait3A_408] : memref<128x128xf32, #tpu.memory_space<vmem>> -> memref<128x128xf32, #tpu.memory_space<vmem>>
      %dma_wait3A_410 = arith.constant 0 : i32
      %dma_wait3A_411 = tpu.memref_slice %arg8[%run_scoped3A_309, %dma_wait3A_410] : memref<1x128xi32, #tpu.memory_space<vmem>> -> memref<1x128xi32, #tpu.memory_space<vmem>>
      %dma_wait3A_412 = tpu.memref_squeeze %dma_wait3A_411 : memref<1x128xi32, #tpu.memory_space<vmem>> -> memref<128xi32, #tpu.memory_space<vmem>>
      %dma_wait3A_413 = arith.constant 0 : i32
      %dma_wait3A_414 = arith.constant 0 : i32
      %dma_wait3A_415 = tpu.memref_slice %arg10[%dma_wait3A_413, %dma_wait3A_414] : memref<11264x128xf32, #tpu.memory_space<vmem_shared>> -> memref<11264x128xf32, #tpu.memory_space<vmem_shared>>
      tpu.wait_indirect_dma semaphore(%run_scoped3A_399 : memref<!tpu.dma_semaphore, #tpu.memory_space<semaphore_mem>>) src(%dma_wait3A_409 : memref<128x128xf32, #tpu.memory_space<vmem>>) dst(%dma_wait3A_415 : memref<11264x128xf32, #tpu.memory_space<vmem_shared>>)
      tpu.yield
    }) : () -> ()
    %add3A_310 = arith.constant 256 : i32
    %add3A_311 = arith.addi %mul3A_2, %add3A_310 : i32
    %run_scoped3A_312 = arith.constant 0 : i32
    "tpu.region"() ({
      %run_scoped3A_399 = tpu.sem_alloc : memref<!tpu.dma_semaphore, #tpu.memory_space<semaphore_mem>>
      %dma_start3A = arith.constant 0 : i32
      %dma_start3A_400 = tpu.memref_slice %arg6[%run_scoped3A_312, %dma_start3A] : memref<1x128xi32, #tpu.memory_space<vmem>> -> memref<1x96xi32, #tpu.memory_space<vmem>>
      %dma_start3A_401 = tpu.memref_squeeze %dma_start3A_400 : memref<1x96xi32, #tpu.memory_space<vmem>> -> memref<96xi32, #tpu.memory_space<vmem>>
      %dma_start3A_402 = tpu.memref_slice %arg2[%add3A_311] : memref<11264xi32, #tpu.memory_space<hbm>> -> memref<96xi32, #tpu.memory_space<hbm>>
      %dma_start3A_403 = arith.constant 0 : i32
      %dma_start3A_404 = tpu.memref_slice %arg6[%run_scoped3A_312, %dma_start3A_403] : memref<1x128xi32, #tpu.memory_space<vmem>> -> memref<1x96xi32, #tpu.memory_space<vmem>>
      %dma_start3A_405 = tpu.memref_squeeze %dma_start3A_404 : memref<1x96xi32, #tpu.memory_space<vmem>> -> memref<96xi32, #tpu.memory_space<vmem>>
      %dma_start3A_406 = tpu.memref_slice %arg2[%add3A_311] : memref<11264xi32, #tpu.memory_space<hbm>> -> memref<96xi32, #tpu.memory_space<hbm>>
      tpu.enqueue_dma source(%dma_start3A_406 : memref<96xi32, #tpu.memory_space<hbm>>) target(%dma_start3A_405 : memref<96xi32, #tpu.memory_space<vmem>>) target_semaphore(%run_scoped3A_399 : memref<!tpu.dma_semaphore, #tpu.memory_space<semaphore_mem>>)
      %dma_wait3A = arith.constant 0 : i32
      %dma_wait3A_407 = tpu.memref_slice %arg6[%run_scoped3A_312, %dma_wait3A] : memref<1x128xi32, #tpu.memory_space<vmem>> -> memref<1x96xi32, #tpu.memory_space<vmem>>
      %dma_wait3A_408 = tpu.memref_squeeze %dma_wait3A_407 : memref<1x96xi32, #tpu.memory_space<vmem>> -> memref<96xi32, #tpu.memory_space<vmem>>
      %dma_wait3A_409 = tpu.memref_slice %arg2[%add3A_311] : memref<11264xi32, #tpu.memory_space<hbm>> -> memref<96xi32, #tpu.memory_space<hbm>>
      %dma_wait3A_410 = arith.constant 0 : i32
      %dma_wait3A_411 = tpu.memref_slice %arg6[%run_scoped3A_312, %dma_wait3A_410] : memref<1x128xi32, #tpu.memory_space<vmem>> -> memref<1x96xi32, #tpu.memory_space<vmem>>
      %dma_wait3A_412 = tpu.memref_squeeze %dma_wait3A_411 : memref<1x96xi32, #tpu.memory_space<vmem>> -> memref<96xi32, #tpu.memory_space<vmem>>
      %dma_wait3A_413 = tpu.memref_slice %arg2[%add3A_311] : memref<11264xi32, #tpu.memory_space<hbm>> -> memref<96xi32, #tpu.memory_space<hbm>>
      tpu.wait_dma2 semaphore(%run_scoped3A_399 : memref<!tpu.dma_semaphore, #tpu.memory_space<semaphore_mem>>) src(%dma_wait3A_413 : memref<96xi32, #tpu.memory_space<hbm>>) dst(%dma_wait3A_412 : memref<96xi32, #tpu.memory_space<vmem>>)
      tpu.yield
    }) : () -> ()
    %run_scoped3A_313 = arith.constant 0 : i32
    "tpu.region"() ({
      %run_scoped3A_399 = tpu.sem_alloc : memref<!tpu.dma_semaphore, #tpu.memory_space<semaphore_mem>>
      %dma_start3A = arith.constant 0 : i32
      %dma_start3A_400 = arith.constant 0 : i32
      %dma_start3A_401 = tpu.memref_slice %arg7[%dma_start3A, %dma_start3A_400] : memref<128x128xf32, #tpu.memory_space<vmem>> -> memref<96x128xf32, #tpu.memory_space<vmem>>
      %dma_start3A_402 = arith.constant 0 : i32
      %dma_start3A_403 = tpu.memref_slice %arg6[%run_scoped3A_313, %dma_start3A_402] : memref<1x128xi32, #tpu.memory_space<vmem>> -> memref<1x96xi32, #tpu.memory_space<vmem>>
      %dma_start3A_404 = tpu.memref_squeeze %dma_start3A_403 : memref<1x96xi32, #tpu.memory_space<vmem>> -> memref<96xi32, #tpu.memory_space<vmem>>
      %dma_start3A_405 = arith.constant 0 : i32
      %dma_start3A_406 = arith.constant 0 : i32
      %dma_start3A_407 = tpu.memref_slice %arg4[%dma_start3A_405, %dma_start3A_406] : memref<128x128xf32, #tpu.memory_space<hbm>> -> memref<128x128xf32, #tpu.memory_space<hbm>>
      tpu.enqueue_indirect_dma source(%dma_start3A_407 : memref<128x128xf32, #tpu.memory_space<hbm>>) target(%dma_start3A_401 : memref<96x128xf32, #tpu.memory_space<vmem>>) offsets(%dma_start3A_404 : memref<96xi32, #tpu.memory_space<vmem>>) semaphore(%run_scoped3A_399 : memref<!tpu.dma_semaphore, #tpu.memory_space<semaphore_mem>>)
      %dma_wait3A = arith.constant 0 : i32
      %dma_wait3A_408 = arith.constant 0 : i32
      %dma_wait3A_409 = tpu.memref_slice %arg7[%dma_wait3A, %dma_wait3A_408] : memref<128x128xf32, #tpu.memory_space<vmem>> -> memref<96x128xf32, #tpu.memory_space<vmem>>
      %dma_wait3A_410 = arith.constant 0 : i32
      %dma_wait3A_411 = tpu.memref_slice %arg6[%run_scoped3A_313, %dma_wait3A_410] : memref<1x128xi32, #tpu.memory_space<vmem>> -> memref<1x96xi32, #tpu.memory_space<vmem>>
      %dma_wait3A_412 = tpu.memref_squeeze %dma_wait3A_411 : memref<1x96xi32, #tpu.memory_space<vmem>> -> memref<96xi32, #tpu.memory_space<vmem>>
      %dma_wait3A_413 = arith.constant 0 : i32
      %dma_wait3A_414 = arith.constant 0 : i32
      %dma_wait3A_415 = tpu.memref_slice %arg4[%dma_wait3A_413, %dma_wait3A_414] : memref<128x128xf32, #tpu.memory_space<hbm>> -> memref<128x128xf32, #tpu.memory_space<hbm>>
      tpu.wait_indirect_dma semaphore(%run_scoped3A_399 : memref<!tpu.dma_semaphore, #tpu.memory_space<semaphore_mem>>) src(%dma_wait3A_415 : memref<128x128xf32, #tpu.memory_space<hbm>>) dst(%dma_wait3A_409 : memref<96x128xf32, #tpu.memory_space<vmem>>)
      tpu.yield
    }) : () -> ()
    %add3A_314 = arith.constant 256 : i32
    %add3A_315 = arith.addi %mul3A_2, %add3A_314 : i32
    "tpu.region"() ({
      %run_scoped3A_399 = tpu.sem_alloc : memref<!tpu.dma_semaphore, #tpu.memory_space<semaphore_mem>>
      %dma_start3A = arith.constant 0 : i32
      %dma_start3A_400 = arith.constant 0 : i32
      %dma_start3A_401 = tpu.memref_slice %arg7[%dma_start3A, %dma_start3A_400] : memref<128x128xf32, #tpu.memory_space<vmem>> -> memref<96x128xf32, #tpu.memory_space<vmem>>
      %dma_start3A_402 = arith.constant 0 : i32
      %dma_start3A_403 = tpu.memref_slice %arg10[%add3A_315, %dma_start3A_402] : memref<11264x128xf32, #tpu.memory_space<vmem_shared>> -> memref<96x128xf32, #tpu.memory_space<vmem_shared>>
      %dma_start3A_404 = arith.constant 0 : i32
      %dma_start3A_405 = tpu.memref_slice %arg10[%add3A_315, %dma_start3A_404] : memref<11264x128xf32, #tpu.memory_space<vmem_shared>> -> memref<96x128xf32, #tpu.memory_space<vmem_shared>>
      %dma_start3A_406 = arith.constant 0 : i32
      %dma_start3A_407 = arith.constant 0 : i32
      %dma_start3A_408 = tpu.memref_slice %arg7[%dma_start3A_406, %dma_start3A_407] : memref<128x128xf32, #tpu.memory_space<vmem>> -> memref<96x128xf32, #tpu.memory_space<vmem>>
      tpu.enqueue_dma source(%dma_start3A_408 : memref<96x128xf32, #tpu.memory_space<vmem>>) target(%dma_start3A_405 : memref<96x128xf32, #tpu.memory_space<vmem_shared>>) target_semaphore(%run_scoped3A_399 : memref<!tpu.dma_semaphore, #tpu.memory_space<semaphore_mem>>)
      %dma_wait3A = arith.constant 0 : i32
      %dma_wait3A_409 = arith.constant 0 : i32
      %dma_wait3A_410 = tpu.memref_slice %arg7[%dma_wait3A, %dma_wait3A_409] : memref<128x128xf32, #tpu.memory_space<vmem>> -> memref<96x128xf32, #tpu.memory_space<vmem>>
      %dma_wait3A_411 = arith.constant 0 : i32
      %dma_wait3A_412 = tpu.memref_slice %arg10[%add3A_315, %dma_wait3A_411] : memref<11264x128xf32, #tpu.memory_space<vmem_shared>> -> memref<96x128xf32, #tpu.memory_space<vmem_shared>>
      %dma_wait3A_413 = arith.constant 0 : i32
      %dma_wait3A_414 = tpu.memref_slice %arg10[%add3A_315, %dma_wait3A_413] : memref<11264x128xf32, #tpu.memory_space<vmem_shared>> -> memref<96x128xf32, #tpu.memory_space<vmem_shared>>
      %dma_wait3A_415 = arith.constant 0 : i32
      %dma_wait3A_416 = arith.constant 0 : i32
      %dma_wait3A_417 = tpu.memref_slice %arg7[%dma_wait3A_415, %dma_wait3A_416] : memref<128x128xf32, #tpu.memory_space<vmem>> -> memref<96x128xf32, #tpu.memory_space<vmem>>
      tpu.wait_dma2 semaphore(%run_scoped3A_399 : memref<!tpu.dma_semaphore, #tpu.memory_space<semaphore_mem>>) src(%dma_wait3A_417 : memref<96x128xf32, #tpu.memory_space<vmem>>) dst(%dma_wait3A_414 : memref<96x128xf32, #tpu.memory_space<vmem_shared>>)
      tpu.yield
    }) : () -> ()
    %add3A_316 = arith.constant 256 : i32
    %add3A_317 = arith.addi %mul3A_2, %add3A_316 : i32
    %run_scoped3A_318 = arith.constant 0 : i32
    "tpu.region"() ({
      %run_scoped3A_399 = tpu.sem_alloc : memref<!tpu.dma_semaphore, #tpu.memory_space<semaphore_mem>>
      %dma_start3A = arith.constant 0 : i32
      %dma_start3A_400 = tpu.memref_slice %arg6[%run_scoped3A_318, %dma_start3A] : memref<1x128xi32, #tpu.memory_space<vmem>> -> memref<1x96xi32, #tpu.memory_space<vmem>>
      %dma_start3A_401 = tpu.memref_squeeze %dma_start3A_400 : memref<1x96xi32, #tpu.memory_space<vmem>> -> memref<96xi32, #tpu.memory_space<vmem>>
      %dma_start3A_402 = tpu.memref_slice %arg3[%add3A_317] : memref<11264xi32, #tpu.memory_space<hbm>> -> memref<96xi32, #tpu.memory_space<hbm>>
      %dma_start3A_403 = arith.constant 0 : i32
      %dma_start3A_404 = tpu.memref_slice %arg6[%run_scoped3A_318, %dma_start3A_403] : memref<1x128xi32, #tpu.memory_space<vmem>> -> memref<1x96xi32, #tpu.memory_space<vmem>>
      %dma_start3A_405 = tpu.memref_squeeze %dma_start3A_404 : memref<1x96xi32, #tpu.memory_space<vmem>> -> memref<96xi32, #tpu.memory_space<vmem>>
      %dma_start3A_406 = tpu.memref_slice %arg3[%add3A_317] : memref<11264xi32, #tpu.memory_space<hbm>> -> memref<96xi32, #tpu.memory_space<hbm>>
      tpu.enqueue_dma source(%dma_start3A_406 : memref<96xi32, #tpu.memory_space<hbm>>) target(%dma_start3A_405 : memref<96xi32, #tpu.memory_space<vmem>>) target_semaphore(%run_scoped3A_399 : memref<!tpu.dma_semaphore, #tpu.memory_space<semaphore_mem>>)
      %dma_wait3A = arith.constant 0 : i32
      %dma_wait3A_407 = tpu.memref_slice %arg6[%run_scoped3A_318, %dma_wait3A] : memref<1x128xi32, #tpu.memory_space<vmem>> -> memref<1x96xi32, #tpu.memory_space<vmem>>
      %dma_wait3A_408 = tpu.memref_squeeze %dma_wait3A_407 : memref<1x96xi32, #tpu.memory_space<vmem>> -> memref<96xi32, #tpu.memory_space<vmem>>
      %dma_wait3A_409 = tpu.memref_slice %arg3[%add3A_317] : memref<11264xi32, #tpu.memory_space<hbm>> -> memref<96xi32, #tpu.memory_space<hbm>>
      %dma_wait3A_410 = arith.constant 0 : i32
      %dma_wait3A_411 = tpu.memref_slice %arg6[%run_scoped3A_318, %dma_wait3A_410] : memref<1x128xi32, #tpu.memory_space<vmem>> -> memref<1x96xi32, #tpu.memory_space<vmem>>
      %dma_wait3A_412 = tpu.memref_squeeze %dma_wait3A_411 : memref<1x96xi32, #tpu.memory_space<vmem>> -> memref<96xi32, #tpu.memory_space<vmem>>
      %dma_wait3A_413 = tpu.memref_slice %arg3[%add3A_317] : memref<11264xi32, #tpu.memory_space<hbm>> -> memref<96xi32, #tpu.memory_space<hbm>>
      tpu.wait_dma2 semaphore(%run_scoped3A_399 : memref<!tpu.dma_semaphore, #tpu.memory_space<semaphore_mem>>) src(%dma_wait3A_413 : memref<96xi32, #tpu.memory_space<hbm>>) dst(%dma_wait3A_412 : memref<96xi32, #tpu.memory_space<vmem>>)
      tpu.yield
    }) : () -> ()
    %run_scoped3A_319 = arith.constant 0 : i32
    "tpu.region"() ({
      %run_scoped3A_399 = tpu.sem_alloc : memref<!tpu.dma_semaphore, #tpu.memory_space<semaphore_mem>>
      %dma_start3A = arith.constant 0 : i32
      %dma_start3A_400 = arith.constant 0 : i32
      %dma_start3A_401 = tpu.memref_slice %arg7[%dma_start3A, %dma_start3A_400] : memref<128x128xf32, #tpu.memory_space<vmem>> -> memref<96x128xf32, #tpu.memory_space<vmem>>
      %dma_start3A_402 = arith.constant 0 : i32
      %dma_start3A_403 = tpu.memref_slice %arg6[%run_scoped3A_319, %dma_start3A_402] : memref<1x128xi32, #tpu.memory_space<vmem>> -> memref<1x96xi32, #tpu.memory_space<vmem>>
      %dma_start3A_404 = tpu.memref_squeeze %dma_start3A_403 : memref<1x96xi32, #tpu.memory_space<vmem>> -> memref<96xi32, #tpu.memory_space<vmem>>
      %dma_start3A_405 = arith.constant 0 : i32
      %dma_start3A_406 = arith.constant 0 : i32
      %dma_start3A_407 = tpu.memref_slice %arg4[%dma_start3A_405, %dma_start3A_406] : memref<128x128xf32, #tpu.memory_space<hbm>> -> memref<128x128xf32, #tpu.memory_space<hbm>>
      tpu.enqueue_indirect_dma source(%dma_start3A_407 : memref<128x128xf32, #tpu.memory_space<hbm>>) target(%dma_start3A_401 : memref<96x128xf32, #tpu.memory_space<vmem>>) offsets(%dma_start3A_404 : memref<96xi32, #tpu.memory_space<vmem>>) semaphore(%run_scoped3A_399 : memref<!tpu.dma_semaphore, #tpu.memory_space<semaphore_mem>>)
      %dma_wait3A = arith.constant 0 : i32
      %dma_wait3A_408 = arith.constant 0 : i32
      %dma_wait3A_409 = tpu.memref_slice %arg7[%dma_wait3A, %dma_wait3A_408] : memref<128x128xf32, #tpu.memory_space<vmem>> -> memref<96x128xf32, #tpu.memory_space<vmem>>
      %dma_wait3A_410 = arith.constant 0 : i32
      %dma_wait3A_411 = tpu.memref_slice %arg6[%run_scoped3A_319, %dma_wait3A_410] : memref<1x128xi32, #tpu.memory_space<vmem>> -> memref<1x96xi32, #tpu.memory_space<vmem>>
      %dma_wait3A_412 = tpu.memref_squeeze %dma_wait3A_411 : memref<1x96xi32, #tpu.memory_space<vmem>> -> memref<96xi32, #tpu.memory_space<vmem>>
      %dma_wait3A_413 = arith.constant 0 : i32
      %dma_wait3A_414 = arith.constant 0 : i32
      %dma_wait3A_415 = tpu.memref_slice %arg4[%dma_wait3A_413, %dma_wait3A_414] : memref<128x128xf32, #tpu.memory_space<hbm>> -> memref<128x128xf32, #tpu.memory_space<hbm>>
      tpu.wait_indirect_dma semaphore(%run_scoped3A_399 : memref<!tpu.dma_semaphore, #tpu.memory_space<semaphore_mem>>) src(%dma_wait3A_415 : memref<128x128xf32, #tpu.memory_space<hbm>>) dst(%dma_wait3A_409 : memref<96x128xf32, #tpu.memory_space<vmem>>)
      tpu.yield
    }) : () -> ()
    %iota3A_320 = tpu.iota {dimensions = array<i32: 0>} : vector<16xi32>
    %add3A_321 = arith.constant 256 : i32
    %add3A_322 = arith.addi %mul3A_2, %add3A_321 : i32
    %add3A_323 = arith.constant 0 : i32
    %add3A_324 = arith.addi %add3A_322, %add3A_323 : i32
    %add3A_325 = vector.broadcast %add3A_324 : i32 to vector<16xi32>
    %add3A_326 = arith.addi %iota3A_320, %add3A_325 : vector<16xi32>
    %swap3A_327 = arith.constant 0 : i32
    %swap3A_328 = arith.index_cast %swap3A_327 : i32 to index
    %swap3A_329 = arith.constant 0 : index
    %swap3A_330 = tpu.vector_load %arg9[%swap3A_328, %swap3A_329] {strides = array<i32>} : memref<1x96xi32, #tpu.memory_space<vmem>>, vector<1x16xi32>,
    %swap3A_331 = vector.shape_cast %swap3A_330 : vector<1x16xi32> to vector<16xi32>
    %swap3A_332 = vector.shape_cast %add3A_326 : vector<16xi32> to vector<1x16xi32>
    tpu.vector_store %arg9[%swap3A_328, %swap3A_329], %swap3A_332 {strides = array<i32>} : memref<1x96xi32, #tpu.memory_space<vmem>>, vector<1x16xi32>,
    %iota3A_333 = tpu.iota {dimensions = array<i32: 0>} : vector<16xi32>
    %add3A_334 = arith.constant 256 : i32
    %add3A_335 = arith.addi %mul3A_2, %add3A_334 : i32
    %add3A_336 = arith.constant 16 : i32
    %add3A_337 = arith.addi %add3A_335, %add3A_336 : i32
    %add3A_338 = vector.broadcast %add3A_337 : i32 to vector<16xi32>
    %add3A_339 = arith.addi %iota3A_333, %add3A_338 : vector<16xi32>
    %swap3A_340 = arith.constant 0 : i32
    %swap3A_341 = arith.index_cast %swap3A_340 : i32 to index
    %swap3A_342 = arith.constant 16 : index
    %swap3A_343 = tpu.vector_load %arg9[%swap3A_341, %swap3A_342] {strides = array<i32>} : memref<1x96xi32, #tpu.memory_space<vmem>>, vector<1x16xi32>,
    %swap3A_344 = vector.shape_cast %swap3A_343 : vector<1x16xi32> to vector<16xi32>
    %swap3A_345 = vector.shape_cast %add3A_339 : vector<16xi32> to vector<1x16xi32>
    tpu.vector_store %arg9[%swap3A_341, %swap3A_342], %swap3A_345 {strides = array<i32>} : memref<1x96xi32, #tpu.memory_space<vmem>>, vector<1x16xi32>,
    %iota3A_346 = tpu.iota {dimensions = array<i32: 0>} : vector<16xi32>
    %add3A_347 = arith.constant 256 : i32
    %add3A_348 = arith.addi %mul3A_2, %add3A_347 : i32
    %add3A_349 = arith.constant 32 : i32
    %add3A_350 = arith.addi %add3A_348, %add3A_349 : i32
    %add3A_351 = vector.broadcast %add3A_350 : i32 to vector<16xi32>
    %add3A_352 = arith.addi %iota3A_346, %add3A_351 : vector<16xi32>
    %swap3A_353 = arith.constant 0 : i32
    %swap3A_354 = arith.index_cast %swap3A_353 : i32 to index
    %swap3A_355 = arith.constant 32 : index
    %swap3A_356 = tpu.vector_load %arg9[%swap3A_354, %swap3A_355] {strides = array<i32>} : memref<1x96xi32, #tpu.memory_space<vmem>>, vector<1x16xi32>,
    %swap3A_357 = vector.shape_cast %swap3A_356 : vector<1x16xi32> to vector<16xi32>
    %swap3A_358 = vector.shape_cast %add3A_352 : vector<16xi32> to vector<1x16xi32>
    tpu.vector_store %arg9[%swap3A_354, %swap3A_355], %swap3A_358 {strides = array<i32>} : memref<1x96xi32, #tpu.memory_space<vmem>>, vector<1x16xi32>,
    %iota3A_359 = tpu.iota {dimensions = array<i32: 0>} : vector<16xi32>
    %add3A_360 = arith.constant 256 : i32
    %add3A_361 = arith.addi %mul3A_2, %add3A_360 : i32
    %add3A_362 = arith.constant 48 : i32
    %add3A_363 = arith.addi %add3A_361, %add3A_362 : i32
    %add3A_364 = vector.broadcast %add3A_363 : i32 to vector<16xi32>
    %add3A_365 = arith.addi %iota3A_359, %add3A_364 : vector<16xi32>
    %swap3A_366 = arith.constant 0 : i32
    %swap3A_367 = arith.index_cast %swap3A_366 : i32 to index
    %swap3A_368 = arith.constant 48 : index
    %swap3A_369 = tpu.vector_load %arg9[%swap3A_367, %swap3A_368] {strides = array<i32>} : memref<1x96xi32, #tpu.memory_space<vmem>>, vector<1x16xi32>,
    %swap3A_370 = vector.shape_cast %swap3A_369 : vector<1x16xi32> to vector<16xi32>
    %swap3A_371 = vector.shape_cast %add3A_365 : vector<16xi32> to vector<1x16xi32>
    tpu.vector_store %arg9[%swap3A_367, %swap3A_368], %swap3A_371 {strides = array<i32>} : memref<1x96xi32, #tpu.memory_space<vmem>>, vector<1x16xi32>,
    %iota3A_372 = tpu.iota {dimensions = array<i32: 0>} : vector<16xi32>
    %add3A_373 = arith.constant 256 : i32
    %add3A_374 = arith.addi %mul3A_2, %add3A_373 : i32
    %add3A_375 = arith.constant 64 : i32
    %add3A_376 = arith.addi %add3A_374, %add3A_375 : i32
    %add3A_377 = vector.broadcast %add3A_376 : i32 to vector<16xi32>
    %add3A_378 = arith.addi %iota3A_372, %add3A_377 : vector<16xi32>
    %swap3A_379 = arith.constant 0 : i32
    %swap3A_380 = arith.index_cast %swap3A_379 : i32 to index
    %swap3A_381 = arith.constant 64 : index
    %swap3A_382 = tpu.vector_load %arg9[%swap3A_380, %swap3A_381] {strides = array<i32>} : memref<1x96xi32, #tpu.memory_space<vmem>>, vector<1x16xi32>,
    %swap3A_383 = vector.shape_cast %swap3A_382 : vector<1x16xi32> to vector<16xi32>
    %swap3A_384 = vector.shape_cast %add3A_378 : vector<16xi32> to vector<1x16xi32>
    tpu.vector_store %arg9[%swap3A_380, %swap3A_381], %swap3A_384 {strides = array<i32>} : memref<1x96xi32, #tpu.memory_space<vmem>>, vector<1x16xi32>,
    %iota3A_385 = tpu.iota {dimensions = array<i32: 0>} : vector<16xi32>
    %add3A_386 = arith.constant 256 : i32
    %add3A_387 = arith.addi %mul3A_2, %add3A_386 : i32
    %add3A_388 = arith.constant 80 : i32
    %add3A_389 = arith.addi %add3A_387, %add3A_388 : i32
    %add3A_390 = vector.broadcast %add3A_389 : i32 to vector<16xi32>
    %add3A_391 = arith.addi %iota3A_385, %add3A_390 : vector<16xi32>
    %swap3A_392 = arith.constant 0 : i32
    %swap3A_393 = arith.index_cast %swap3A_392 : i32 to index
    %swap3A_394 = arith.constant 80 : index
    %swap3A_395 = tpu.vector_load %arg9[%swap3A_393, %swap3A_394] {strides = array<i32>} : memref<1x96xi32, #tpu.memory_space<vmem>>, vector<1x16xi32>,
    %swap3A_396 = vector.shape_cast %swap3A_395 : vector<1x16xi32> to vector<16xi32>
    %swap3A_397 = vector.shape_cast %add3A_391 : vector<16xi32> to vector<1x16xi32>
    tpu.vector_store %arg9[%swap3A_393, %swap3A_394], %swap3A_397 {strides = array<i32>} : memref<1x96xi32, #tpu.memory_space<vmem>>, vector<1x16xi32>,
    %run_scoped3A_398 = arith.constant 0 : i32
    "tpu.region"() ({
      %run_scoped3A_399 = tpu.sem_alloc : memref<!tpu.dma_semaphore, #tpu.memory_space<semaphore_mem>>
      %dma_start3A = arith.constant 0 : i32
      %dma_start3A_400 = arith.constant 0 : i32
      %dma_start3A_401 = tpu.memref_slice %arg7[%dma_start3A, %dma_start3A_400] : memref<128x128xf32, #tpu.memory_space<vmem>> -> memref<96x128xf32, #tpu.memory_space<vmem>>
      %dma_start3A_402 = arith.constant 0 : i32
      %dma_start3A_403 = tpu.memref_slice %arg9[%run_scoped3A_398, %dma_start3A_402] : memref<1x96xi32, #tpu.memory_space<vmem>> -> memref<1x96xi32, #tpu.memory_space<vmem>>
      %dma_start3A_404 = tpu.memref_squeeze %dma_start3A_403 : memref<1x96xi32, #tpu.memory_space<vmem>> -> memref<96xi32, #tpu.memory_space<vmem>>
      %dma_start3A_405 = arith.constant 0 : i32
      %dma_start3A_406 = arith.constant 0 : i32
      %dma_start3A_407 = tpu.memref_slice %arg10[%dma_start3A_405, %dma_start3A_406] : memref<11264x128xf32, #tpu.memory_space<vmem_shared>> -> memref<11264x128xf32, #tpu.memory_space<vmem_shared>>
      tpu.enqueue_indirect_dma source(%dma_start3A_401 : memref<96x128xf32, #tpu.memory_space<vmem>>) target(%dma_start3A_407 : memref<11264x128xf32, #tpu.memory_space<vmem_shared>>) offsets(%dma_start3A_404 : memref<96xi32, #tpu.memory_space<vmem>>) semaphore(%run_scoped3A_399 : memref<!tpu.dma_semaphore, #tpu.memory_space<semaphore_mem>>) {add = true}
      %dma_wait3A = arith.constant 0 : i32
      %dma_wait3A_408 = arith.constant 0 : i32
      %dma_wait3A_409 = tpu.memref_slice %arg7[%dma_wait3A, %dma_wait3A_408] : memref<128x128xf32, #tpu.memory_space<vmem>> -> memref<96x128xf32, #tpu.memory_space<vmem>>
      %dma_wait3A_410 = arith.constant 0 : i32
      %dma_wait3A_411 = tpu.memref_slice %arg9[%run_scoped3A_398, %dma_wait3A_410] : memref<1x96xi32, #tpu.memory_space<vmem>> -> memref<1x96xi32, #tpu.memory_space<vmem>>
      %dma_wait3A_412 = tpu.memref_squeeze %dma_wait3A_411 : memref<1x96xi32, #tpu.memory_space<vmem>> -> memref<96xi32, #tpu.memory_space<vmem>>
      %dma_wait3A_413 = arith.constant 0 : i32
      %dma_wait3A_414 = arith.constant 0 : i32
      %dma_wait3A_415 = tpu.memref_slice %arg10[%dma_wait3A_413, %dma_wait3A_414] : memref<11264x128xf32, #tpu.memory_space<vmem_shared>> -> memref<11264x128xf32, #tpu.memory_space<vmem_shared>>
      tpu.wait_indirect_dma semaphore(%run_scoped3A_399 : memref<!tpu.dma_semaphore, #tpu.memory_space<semaphore_mem>>) src(%dma_wait3A_409 : memref<96x128xf32, #tpu.memory_space<vmem>>) dst(%dma_wait3A_415 : memref<11264x128xf32, #tpu.memory_space<vmem_shared>>)
      tpu.yield
    }) : () -> ()
    "tpu.region"() ({
      %run_scoped3A_399 = tpu.sem_alloc : memref<!tpu.dma_semaphore, #tpu.memory_space<semaphore_mem>>
      %dma_start3A = arith.constant 0 : i32
      %dma_start3A_400 = tpu.memref_slice %arg5[%mul3A_2, %dma_start3A] : memref<11264x128xf32, #tpu.memory_space<hbm>> -> memref<352x128xf32, #tpu.memory_space<hbm>>
      %dma_start3A_401 = arith.constant 0 : i32
      %dma_start3A_402 = tpu.memref_slice %arg10[%mul3A_2, %dma_start3A_401] : memref<11264x128xf32, #tpu.memory_space<vmem_shared>> -> memref<352x128xf32, #tpu.memory_space<vmem_shared>>
      tpu.enqueue_dma source(%dma_start3A_402 : memref<352x128xf32, #tpu.memory_space<vmem_shared>>) target(%dma_start3A_400 : memref<352x128xf32, #tpu.memory_space<hbm>>) target_semaphore(%run_scoped3A_399 : memref<!tpu.dma_semaphore, #tpu.memory_space<semaphore_mem>>)
      %dma_wait3A = arith.constant 0 : i32
      %dma_wait3A_403 = tpu.memref_slice %arg5[%mul3A_2, %dma_wait3A] : memref<11264x128xf32, #tpu.memory_space<hbm>> -> memref<352x128xf32, #tpu.memory_space<hbm>>
      %dma_wait3A_404 = arith.constant 0 : i32
      %dma_wait3A_405 = tpu.memref_slice %arg10[%mul3A_2, %dma_wait3A_404] : memref<11264x128xf32, #tpu.memory_space<vmem_shared>> -> memref<352x128xf32, #tpu.memory_space<vmem_shared>>
      tpu.wait_dma2 semaphore(%run_scoped3A_399 : memref<!tpu.dma_semaphore, #tpu.memory_space<semaphore_mem>>) src(%dma_wait3A_405 : memref<352x128xf32, #tpu.memory_space<vmem_shared>>) dst(%dma_wait3A_403 : memref<352x128xf32, #tpu.memory_space<hbm>>)
      tpu.yield
    }) : () -> ()
    return
  }
}

#map = affine_map<(d0, d1) -> (0, 0)>
#map1 = affine_map<(d0, d1) -> (0)>
module attributes {stable_mosaic.version = 14 : i64} {
  func.func @_agg_body(%arg0: i32, %arg1: i32, %arg2: memref<11264x128xf32, #tpu.memory_space<hbm>>, %arg3: memref<330112xi32, #tpu.memory_space<hbm>>, %arg4: memref<330112xi32, #tpu.memory_space<hbm>>, %arg5: memref<330112xi32, #tpu.memory_space<hbm>>, %arg6: memref<16x128xf32, #tpu.memory_space<hbm>>, %arg7: memref<11264x128xf32, #tpu.memory_space<hbm>>, %arg8: memref<32x16xi32, #tpu.memory_space<hbm>>, %arg9: memref<11264x128xf32, #tpu.memory_space<hbm>>, %arg10: memref<1x128xi32, #tpu.memory_space<vmem>>, %arg11: memref<1x128xi32, #tpu.memory_space<vmem>>, %arg12: memref<1x128xi32, #tpu.memory_space<vmem>>, %arg13: memref<1x128xi32, #tpu.memory_space<vmem>>, %arg14: memref<128x128xf32, #tpu.memory_space<vmem>>, %arg15: memref<128x128xf32, #tpu.memory_space<vmem>>, %arg16: memref<32x16xi32, #tpu.memory_space<vmem>>, %arg17: memref<11264x128xf32, #tpu.memory_space<vmem_shared>>) attributes {dimension_semantics = [#tpu.dimension_semantics<core_parallel>, #tpu.dimension_semantics<subcore_parallel>], iteration_bounds = array<i64: 2, 16>, scalar_prefetch = 0 : i64, scratch_operands = 8 : i64, tpu.core_type = #tpu.core_type<sc_vector_subcore>, window_params = [{transform_indices = #map}, {transform_indices = #map1}, {transform_indices = #map1}, {transform_indices = #map1}, {transform_indices = #map}, {transform_indices = #map}, {transform_indices = #map}, {transform_indices = #map}]} {
    %mul3A = arith.constant 2 : i32
    %mul3A_0 = arith.muli %arg1, %mul3A : i32
    %add3A = arith.addi %mul3A_0, %arg0 : i32
    %mul3A_1 = arith.constant 352 : i32
    %mul3A_2 = arith.muli %add3A, %mul3A_1 : i32
    %add3A_3 = arith.constant 352 : i32
    %add3A_4 = arith.addi %mul3A_2, %add3A_3 : i32
    "tpu.region"() ({
      %run_scoped3A = tpu.sem_alloc : memref<!tpu.dma_semaphore, #tpu.memory_space<semaphore_mem>>
      tpu.enqueue_dma source(%arg8 : memref<32x16xi32, #tpu.memory_space<hbm>>) target(%arg16 : memref<32x16xi32, #tpu.memory_space<vmem>>) target_semaphore(%run_scoped3A : memref<!tpu.dma_semaphore, #tpu.memory_space<semaphore_mem>>)
      tpu.wait_dma2 semaphore(%run_scoped3A : memref<!tpu.dma_semaphore, #tpu.memory_space<semaphore_mem>>) src(%arg8 : memref<32x16xi32, #tpu.memory_space<hbm>>) dst(%arg16 : memref<32x16xi32, #tpu.memory_space<vmem>>)
      tpu.yield
    }) : () -> ()
    "tpu.region"() ({
      %run_scoped3A = tpu.sem_alloc : memref<!tpu.dma_semaphore, #tpu.memory_space<semaphore_mem>>
      %dma_start3A = arith.constant 0 : i32
      %dma_start3A_17 = tpu.memref_slice %arg17[%mul3A_2, %dma_start3A] : memref<11264x128xf32, #tpu.memory_space<vmem_shared>> -> memref<352x128xf32, #tpu.memory_space<vmem_shared>>
      %dma_start3A_18 = arith.constant 0 : i32
      %dma_start3A_19 = tpu.memref_slice %arg7[%mul3A_2, %dma_start3A_18] : memref<11264x128xf32, #tpu.memory_space<hbm>> -> memref<352x128xf32, #tpu.memory_space<hbm>>
      tpu.enqueue_dma source(%dma_start3A_19 : memref<352x128xf32, #tpu.memory_space<hbm>>) target(%dma_start3A_17 : memref<352x128xf32, #tpu.memory_space<vmem_shared>>) target_semaphore(%run_scoped3A : memref<!tpu.dma_semaphore, #tpu.memory_space<semaphore_mem>>)
      %dma_wait3A = arith.constant 0 : i32
      %dma_wait3A_20 = tpu.memref_slice %arg17[%mul3A_2, %dma_wait3A] : memref<11264x128xf32, #tpu.memory_space<vmem_shared>> -> memref<352x128xf32, #tpu.memory_space<vmem_shared>>
      %dma_wait3A_21 = arith.constant 0 : i32
      %dma_wait3A_22 = tpu.memref_slice %arg7[%mul3A_2, %dma_wait3A_21] : memref<11264x128xf32, #tpu.memory_space<hbm>> -> memref<352x128xf32, #tpu.memory_space<hbm>>
      tpu.wait_dma2 semaphore(%run_scoped3A : memref<!tpu.dma_semaphore, #tpu.memory_space<semaphore_mem>>) src(%dma_wait3A_22 : memref<352x128xf32, #tpu.memory_space<hbm>>) dst(%dma_wait3A_20 : memref<352x128xf32, #tpu.memory_space<vmem_shared>>)
      tpu.yield
    }) : () -> ()
    %barrier3A = arith.constant 0 : index
    tpu.barrier barrier_id(%barrier3A)
    %mul3A_5 = arith.constant 0 : i32
    %mul3A_6 = arith.muli %add3A, %mul3A_5 : i32
    %mul3A_7 = arith.constant 0 : i32
    %mul3A_8 = arith.muli %add3A, %mul3A_7 : i32
    %add3A_9 = arith.constant 2579 : i32
    %add3A_10 = arith.addi %add3A_9, %mul3A_8 : i32
    %scan3A = arith.constant 0 : i32
    %scan3A_11 = arith.constant 0 : i32
    %scan3A_12 = arith.constant 2579 : i32
    %scan3A_13 = arith.addi %scan3A_11, %scan3A_12 : i32
    %scan3A_14 = arith.constant 1 : i32
    scf.for %scan3A_17 = %scan3A_11 to %scan3A_13 step %scan3A_14  : i32 {
      %ge3A = arith.cmpi sge, %scan3A_17, %mul3A_6 : i32
      %lt3A = arith.cmpi slt, %scan3A_17, %add3A_10 : i32
      %and3A = arith.andi %ge3A, %lt3A : i1
      %convert_element_type3A = arith.extui %and3A : i1 to i32
      %cond3A = arith.constant 0 : i32
      %cond3A_18 = arith.cmpi ne, %convert_element_type3A, %cond3A : i32
      scf.if %cond3A_18 {
        %mul3A_19 = arith.constant 128 : i32
        %mul3A_20 = arith.muli %scan3A_17, %mul3A_19 : i32
        %run_scoped3A = arith.constant 0 : i32
        "tpu.region"() ({
          %run_scoped3A_179 = tpu.sem_alloc : memref<!tpu.dma_semaphore, #tpu.memory_space<semaphore_mem>>
          %dma_start3A = arith.constant 0 : i32
          %dma_start3A_180 = tpu.memref_slice %arg10[%run_scoped3A, %dma_start3A] : memref<1x128xi32, #tpu.memory_space<vmem>> -> memref<1x128xi32, #tpu.memory_space<vmem>>
          %dma_start3A_181 = tpu.memref_squeeze %dma_start3A_180 : memref<1x128xi32, #tpu.memory_space<vmem>> -> memref<128xi32, #tpu.memory_space<vmem>>
          %dma_start3A_182 = tpu.memref_slice %arg3[%mul3A_20] : memref<330112xi32, #tpu.memory_space<hbm>> -> memref<128xi32, #tpu.memory_space<hbm>>
          %dma_start3A_183 = arith.constant 0 : i32
          %dma_start3A_184 = tpu.memref_slice %arg10[%run_scoped3A, %dma_start3A_183] : memref<1x128xi32, #tpu.memory_space<vmem>> -> memref<1x128xi32, #tpu.memory_space<vmem>>
          %dma_start3A_185 = tpu.memref_squeeze %dma_start3A_184 : memref<1x128xi32, #tpu.memory_space<vmem>> -> memref<128xi32, #tpu.memory_space<vmem>>
          %dma_start3A_186 = tpu.memref_slice %arg3[%mul3A_20] : memref<330112xi32, #tpu.memory_space<hbm>> -> memref<128xi32, #tpu.memory_space<hbm>>
          tpu.enqueue_dma source(%dma_start3A_186 : memref<128xi32, #tpu.memory_space<hbm>>) target(%dma_start3A_185 : memref<128xi32, #tpu.memory_space<vmem>>) target_semaphore(%run_scoped3A_179 : memref<!tpu.dma_semaphore, #tpu.memory_space<semaphore_mem>>)
          %dma_wait3A = arith.constant 0 : i32
          %dma_wait3A_187 = tpu.memref_slice %arg10[%run_scoped3A, %dma_wait3A] : memref<1x128xi32, #tpu.memory_space<vmem>> -> memref<1x128xi32, #tpu.memory_space<vmem>>
          %dma_wait3A_188 = tpu.memref_squeeze %dma_wait3A_187 : memref<1x128xi32, #tpu.memory_space<vmem>> -> memref<128xi32, #tpu.memory_space<vmem>>
          %dma_wait3A_189 = tpu.memref_slice %arg3[%mul3A_20] : memref<330112xi32, #tpu.memory_space<hbm>> -> memref<128xi32, #tpu.memory_space<hbm>>
          %dma_wait3A_190 = arith.constant 0 : i32
          %dma_wait3A_191 = tpu.memref_slice %arg10[%run_scoped3A, %dma_wait3A_190] : memref<1x128xi32, #tpu.memory_space<vmem>> -> memref<1x128xi32, #tpu.memory_space<vmem>>
          %dma_wait3A_192 = tpu.memref_squeeze %dma_wait3A_191 : memref<1x128xi32, #tpu.memory_space<vmem>> -> memref<128xi32, #tpu.memory_space<vmem>>
          %dma_wait3A_193 = tpu.memref_slice %arg3[%mul3A_20] : memref<330112xi32, #tpu.memory_space<hbm>> -> memref<128xi32, #tpu.memory_space<hbm>>
          tpu.wait_dma2 semaphore(%run_scoped3A_179 : memref<!tpu.dma_semaphore, #tpu.memory_space<semaphore_mem>>) src(%dma_wait3A_193 : memref<128xi32, #tpu.memory_space<hbm>>) dst(%dma_wait3A_192 : memref<128xi32, #tpu.memory_space<vmem>>)
          tpu.yield
        }) : () -> ()
        %run_scoped3A_21 = arith.constant 0 : i32
        "tpu.region"() ({
          %run_scoped3A_179 = tpu.sem_alloc : memref<!tpu.dma_semaphore, #tpu.memory_space<semaphore_mem>>
          %dma_start3A = arith.constant 0 : i32
          %dma_start3A_180 = tpu.memref_slice %arg11[%run_scoped3A_21, %dma_start3A] : memref<1x128xi32, #tpu.memory_space<vmem>> -> memref<1x128xi32, #tpu.memory_space<vmem>>
          %dma_start3A_181 = tpu.memref_squeeze %dma_start3A_180 : memref<1x128xi32, #tpu.memory_space<vmem>> -> memref<128xi32, #tpu.memory_space<vmem>>
          %dma_start3A_182 = tpu.memref_slice %arg4[%mul3A_20] : memref<330112xi32, #tpu.memory_space<hbm>> -> memref<128xi32, #tpu.memory_space<hbm>>
          %dma_start3A_183 = arith.constant 0 : i32
          %dma_start3A_184 = tpu.memref_slice %arg11[%run_scoped3A_21, %dma_start3A_183] : memref<1x128xi32, #tpu.memory_space<vmem>> -> memref<1x128xi32, #tpu.memory_space<vmem>>
          %dma_start3A_185 = tpu.memref_squeeze %dma_start3A_184 : memref<1x128xi32, #tpu.memory_space<vmem>> -> memref<128xi32, #tpu.memory_space<vmem>>
          %dma_start3A_186 = tpu.memref_slice %arg4[%mul3A_20] : memref<330112xi32, #tpu.memory_space<hbm>> -> memref<128xi32, #tpu.memory_space<hbm>>
          tpu.enqueue_dma source(%dma_start3A_186 : memref<128xi32, #tpu.memory_space<hbm>>) target(%dma_start3A_185 : memref<128xi32, #tpu.memory_space<vmem>>) target_semaphore(%run_scoped3A_179 : memref<!tpu.dma_semaphore, #tpu.memory_space<semaphore_mem>>)
          %dma_wait3A = arith.constant 0 : i32
          %dma_wait3A_187 = tpu.memref_slice %arg11[%run_scoped3A_21, %dma_wait3A] : memref<1x128xi32, #tpu.memory_space<vmem>> -> memref<1x128xi32, #tpu.memory_space<vmem>>
          %dma_wait3A_188 = tpu.memref_squeeze %dma_wait3A_187 : memref<1x128xi32, #tpu.memory_space<vmem>> -> memref<128xi32, #tpu.memory_space<vmem>>
          %dma_wait3A_189 = tpu.memref_slice %arg4[%mul3A_20] : memref<330112xi32, #tpu.memory_space<hbm>> -> memref<128xi32, #tpu.memory_space<hbm>>
          %dma_wait3A_190 = arith.constant 0 : i32
          %dma_wait3A_191 = tpu.memref_slice %arg11[%run_scoped3A_21, %dma_wait3A_190] : memref<1x128xi32, #tpu.memory_space<vmem>> -> memref<1x128xi32, #tpu.memory_space<vmem>>
          %dma_wait3A_192 = tpu.memref_squeeze %dma_wait3A_191 : memref<1x128xi32, #tpu.memory_space<vmem>> -> memref<128xi32, #tpu.memory_space<vmem>>
          %dma_wait3A_193 = tpu.memref_slice %arg4[%mul3A_20] : memref<330112xi32, #tpu.memory_space<hbm>> -> memref<128xi32, #tpu.memory_space<hbm>>
          tpu.wait_dma2 semaphore(%run_scoped3A_179 : memref<!tpu.dma_semaphore, #tpu.memory_space<semaphore_mem>>) src(%dma_wait3A_193 : memref<128xi32, #tpu.memory_space<hbm>>) dst(%dma_wait3A_192 : memref<128xi32, #tpu.memory_space<vmem>>)
          tpu.yield
        }) : () -> ()
        %run_scoped3A_22 = arith.constant 0 : i32
        "tpu.region"() ({
          %run_scoped3A_179 = tpu.sem_alloc : memref<!tpu.dma_semaphore, #tpu.memory_space<semaphore_mem>>
          %dma_start3A = arith.constant 0 : i32
          %dma_start3A_180 = tpu.memref_slice %arg12[%run_scoped3A_22, %dma_start3A] : memref<1x128xi32, #tpu.memory_space<vmem>> -> memref<1x128xi32, #tpu.memory_space<vmem>>
          %dma_start3A_181 = tpu.memref_squeeze %dma_start3A_180 : memref<1x128xi32, #tpu.memory_space<vmem>> -> memref<128xi32, #tpu.memory_space<vmem>>
          %dma_start3A_182 = tpu.memref_slice %arg5[%mul3A_20] : memref<330112xi32, #tpu.memory_space<hbm>> -> memref<128xi32, #tpu.memory_space<hbm>>
          %dma_start3A_183 = arith.constant 0 : i32
          %dma_start3A_184 = tpu.memref_slice %arg12[%run_scoped3A_22, %dma_start3A_183] : memref<1x128xi32, #tpu.memory_space<vmem>> -> memref<1x128xi32, #tpu.memory_space<vmem>>
          %dma_start3A_185 = tpu.memref_squeeze %dma_start3A_184 : memref<1x128xi32, #tpu.memory_space<vmem>> -> memref<128xi32, #tpu.memory_space<vmem>>
          %dma_start3A_186 = tpu.memref_slice %arg5[%mul3A_20] : memref<330112xi32, #tpu.memory_space<hbm>> -> memref<128xi32, #tpu.memory_space<hbm>>
          tpu.enqueue_dma source(%dma_start3A_186 : memref<128xi32, #tpu.memory_space<hbm>>) target(%dma_start3A_185 : memref<128xi32, #tpu.memory_space<vmem>>) target_semaphore(%run_scoped3A_179 : memref<!tpu.dma_semaphore, #tpu.memory_space<semaphore_mem>>)
          %dma_wait3A = arith.constant 0 : i32
          %dma_wait3A_187 = tpu.memref_slice %arg12[%run_scoped3A_22, %dma_wait3A] : memref<1x128xi32, #tpu.memory_space<vmem>> -> memref<1x128xi32, #tpu.memory_space<vmem>>
          %dma_wait3A_188 = tpu.memref_squeeze %dma_wait3A_187 : memref<1x128xi32, #tpu.memory_space<vmem>> -> memref<128xi32, #tpu.memory_space<vmem>>
          %dma_wait3A_189 = tpu.memref_slice %arg5[%mul3A_20] : memref<330112xi32, #tpu.memory_space<hbm>> -> memref<128xi32, #tpu.memory_space<hbm>>
          %dma_wait3A_190 = arith.constant 0 : i32
          %dma_wait3A_191 = tpu.memref_slice %arg12[%run_scoped3A_22, %dma_wait3A_190] : memref<1x128xi32, #tpu.memory_space<vmem>> -> memref<1x128xi32, #tpu.memory_space<vmem>>
          %dma_wait3A_192 = tpu.memref_squeeze %dma_wait3A_191 : memref<1x128xi32, #tpu.memory_space<vmem>> -> memref<128xi32, #tpu.memory_space<vmem>>
          %dma_wait3A_193 = tpu.memref_slice %arg5[%mul3A_20] : memref<330112xi32, #tpu.memory_space<hbm>> -> memref<128xi32, #tpu.memory_space<hbm>>
          tpu.wait_dma2 semaphore(%run_scoped3A_179 : memref<!tpu.dma_semaphore, #tpu.memory_space<semaphore_mem>>) src(%dma_wait3A_193 : memref<128xi32, #tpu.memory_space<hbm>>) dst(%dma_wait3A_192 : memref<128xi32, #tpu.memory_space<vmem>>)
          tpu.yield
        }) : () -> ()
        %run_scoped3A_23 = arith.constant 0 : i32
        "tpu.region"() ({
          %run_scoped3A_179 = tpu.sem_alloc : memref<!tpu.dma_semaphore, #tpu.memory_space<semaphore_mem>>
          %dma_start3A = arith.constant 0 : i32
          %dma_start3A_180 = tpu.memref_slice %arg10[%run_scoped3A_23, %dma_start3A] : memref<1x128xi32, #tpu.memory_space<vmem>> -> memref<1x128xi32, #tpu.memory_space<vmem>>
          %dma_start3A_181 = tpu.memref_squeeze %dma_start3A_180 : memref<1x128xi32, #tpu.memory_space<vmem>> -> memref<128xi32, #tpu.memory_space<vmem>>
          %dma_start3A_182 = arith.constant 0 : i32
          %dma_start3A_183 = arith.constant 0 : i32
          %dma_start3A_184 = tpu.memref_slice %arg2[%dma_start3A_182, %dma_start3A_183] : memref<11264x128xf32, #tpu.memory_space<hbm>> -> memref<11264x128xf32, #tpu.memory_space<hbm>>
          tpu.enqueue_indirect_dma source(%dma_start3A_184 : memref<11264x128xf32, #tpu.memory_space<hbm>>) target(%arg14 : memref<128x128xf32, #tpu.memory_space<vmem>>) offsets(%dma_start3A_181 : memref<128xi32, #tpu.memory_space<vmem>>) semaphore(%run_scoped3A_179 : memref<!tpu.dma_semaphore, #tpu.memory_space<semaphore_mem>>)
          %dma_wait3A = arith.constant 0 : i32
          %dma_wait3A_185 = tpu.memref_slice %arg10[%run_scoped3A_23, %dma_wait3A] : memref<1x128xi32, #tpu.memory_space<vmem>> -> memref<1x128xi32, #tpu.memory_space<vmem>>
          %dma_wait3A_186 = tpu.memref_squeeze %dma_wait3A_185 : memref<1x128xi32, #tpu.memory_space<vmem>> -> memref<128xi32, #tpu.memory_space<vmem>>
          %dma_wait3A_187 = arith.constant 0 : i32
          %dma_wait3A_188 = arith.constant 0 : i32
          %dma_wait3A_189 = tpu.memref_slice %arg2[%dma_wait3A_187, %dma_wait3A_188] : memref<11264x128xf32, #tpu.memory_space<hbm>> -> memref<11264x128xf32, #tpu.memory_space<hbm>>
          tpu.wait_indirect_dma semaphore(%run_scoped3A_179 : memref<!tpu.dma_semaphore, #tpu.memory_space<semaphore_mem>>) src(%dma_wait3A_189 : memref<11264x128xf32, #tpu.memory_space<hbm>>) dst(%arg14 : memref<128x128xf32, #tpu.memory_space<vmem>>)
          tpu.yield
        }) : () -> ()
        %run_scoped3A_24 = arith.constant 0 : i32
        "tpu.region"() ({
          %run_scoped3A_179 = tpu.sem_alloc : memref<!tpu.dma_semaphore, #tpu.memory_space<semaphore_mem>>
          %dma_start3A = arith.constant 0 : i32
          %dma_start3A_180 = tpu.memref_slice %arg12[%run_scoped3A_24, %dma_start3A] : memref<1x128xi32, #tpu.memory_space<vmem>> -> memref<1x128xi32, #tpu.memory_space<vmem>>
          %dma_start3A_181 = tpu.memref_squeeze %dma_start3A_180 : memref<1x128xi32, #tpu.memory_space<vmem>> -> memref<128xi32, #tpu.memory_space<vmem>>
          %dma_start3A_182 = arith.constant 0 : i32
          %dma_start3A_183 = arith.constant 0 : i32
          %dma_start3A_184 = tpu.memref_slice %arg6[%dma_start3A_182, %dma_start3A_183] : memref<16x128xf32, #tpu.memory_space<hbm>> -> memref<16x128xf32, #tpu.memory_space<hbm>>
          tpu.enqueue_indirect_dma source(%dma_start3A_184 : memref<16x128xf32, #tpu.memory_space<hbm>>) target(%arg15 : memref<128x128xf32, #tpu.memory_space<vmem>>) offsets(%dma_start3A_181 : memref<128xi32, #tpu.memory_space<vmem>>) semaphore(%run_scoped3A_179 : memref<!tpu.dma_semaphore, #tpu.memory_space<semaphore_mem>>)
          %dma_wait3A = arith.constant 0 : i32
          %dma_wait3A_185 = tpu.memref_slice %arg12[%run_scoped3A_24, %dma_wait3A] : memref<1x128xi32, #tpu.memory_space<vmem>> -> memref<1x128xi32, #tpu.memory_space<vmem>>
          %dma_wait3A_186 = tpu.memref_squeeze %dma_wait3A_185 : memref<1x128xi32, #tpu.memory_space<vmem>> -> memref<128xi32, #tpu.memory_space<vmem>>
          %dma_wait3A_187 = arith.constant 0 : i32
          %dma_wait3A_188 = arith.constant 0 : i32
          %dma_wait3A_189 = tpu.memref_slice %arg6[%dma_wait3A_187, %dma_wait3A_188] : memref<16x128xf32, #tpu.memory_space<hbm>> -> memref<16x128xf32, #tpu.memory_space<hbm>>
          tpu.wait_indirect_dma semaphore(%run_scoped3A_179 : memref<!tpu.dma_semaphore, #tpu.memory_space<semaphore_mem>>) src(%dma_wait3A_189 : memref<16x128xf32, #tpu.memory_space<hbm>>) dst(%arg15 : memref<128x128xf32, #tpu.memory_space<vmem>>)
          tpu.yield
        }) : () -> ()
        %scan3A_25 = arith.constant 0 : i32
        %scan3A_26 = arith.constant 0 : i32
        %scan3A_27 = arith.constant 128 : i32
        %scan3A_28 = arith.addi %scan3A_26, %scan3A_27 : i32
        %scan3A_29 = arith.constant 1 : i32
        scf.for %scan3A_179 = %scan3A_26 to %scan3A_28 step %scan3A_29  : i32 {
          %get3A_180 = arith.index_cast %scan3A_179 : i32 to index
          %get3A_181 = arith.constant 0 : index
          %get3A_182 = tpu.vector_load %arg14[%get3A_180, %get3A_181] {strides = array<i32>} : memref<128x128xf32, #tpu.memory_space<vmem>>, vector<1x16xf32>,
          %get3A_183 = vector.shape_cast %get3A_182 : vector<1x16xf32> to vector<16xf32>
          %get3A_184 = arith.index_cast %scan3A_179 : i32 to index
          %get3A_185 = arith.constant 0 : index
          %get3A_186 = tpu.vector_load %arg15[%get3A_184, %get3A_185] {strides = array<i32>} : memref<128x128xf32, #tpu.memory_space<vmem>>, vector<1x16xf32>,
          %get3A_187 = vector.shape_cast %get3A_186 : vector<1x16xf32> to vector<16xf32>
          %add3A_188 = arith.addf %get3A_183, %get3A_187 : vector<16xf32>
          %swap3A_189 = arith.index_cast %scan3A_179 : i32 to index
          %swap3A_190 = arith.constant 0 : index
          %swap3A_191 = tpu.vector_load %arg14[%swap3A_189, %swap3A_190] {strides = array<i32>} : memref<128x128xf32, #tpu.memory_space<vmem>>, vector<1x16xf32>,
          %swap3A_192 = vector.shape_cast %swap3A_191 : vector<1x16xf32> to vector<16xf32>
          %swap3A_193 = vector.shape_cast %add3A_188 : vector<16xf32> to vector<1x16xf32>
          tpu.vector_store %arg14[%swap3A_189, %swap3A_190], %swap3A_193 {strides = array<i32>} : memref<128x128xf32, #tpu.memory_space<vmem>>, vector<1x16xf32>,
          %get3A_194 = arith.index_cast %scan3A_179 : i32 to index
          %get3A_195 = arith.constant 16 : index
          %get3A_196 = tpu.vector_load %arg14[%get3A_194, %get3A_195] {strides = array<i32>} : memref<128x128xf32, #tpu.memory_space<vmem>>, vector<1x16xf32>,
          %get3A_197 = vector.shape_cast %get3A_196 : vector<1x16xf32> to vector<16xf32>
          %get3A_198 = arith.index_cast %scan3A_179 : i32 to index
          %get3A_199 = arith.constant 16 : index
          %get3A_200 = tpu.vector_load %arg15[%get3A_198, %get3A_199] {strides = array<i32>} : memref<128x128xf32, #tpu.memory_space<vmem>>, vector<1x16xf32>,
          %get3A_201 = vector.shape_cast %get3A_200 : vector<1x16xf32> to vector<16xf32>
          %add3A_202 = arith.addf %get3A_197, %get3A_201 : vector<16xf32>
          %swap3A_203 = arith.index_cast %scan3A_179 : i32 to index
          %swap3A_204 = arith.constant 16 : index
          %swap3A_205 = tpu.vector_load %arg14[%swap3A_203, %swap3A_204] {strides = array<i32>} : memref<128x128xf32, #tpu.memory_space<vmem>>, vector<1x16xf32>,
          %swap3A_206 = vector.shape_cast %swap3A_205 : vector<1x16xf32> to vector<16xf32>
          %swap3A_207 = vector.shape_cast %add3A_202 : vector<16xf32> to vector<1x16xf32>
          tpu.vector_store %arg14[%swap3A_203, %swap3A_204], %swap3A_207 {strides = array<i32>} : memref<128x128xf32, #tpu.memory_space<vmem>>, vector<1x16xf32>,
          %get3A_208 = arith.index_cast %scan3A_179 : i32 to index
          %get3A_209 = arith.constant 32 : index
          %get3A_210 = tpu.vector_load %arg14[%get3A_208, %get3A_209] {strides = array<i32>} : memref<128x128xf32, #tpu.memory_space<vmem>>, vector<1x16xf32>,
          %get3A_211 = vector.shape_cast %get3A_210 : vector<1x16xf32> to vector<16xf32>
          %get3A_212 = arith.index_cast %scan3A_179 : i32 to index
          %get3A_213 = arith.constant 32 : index
          %get3A_214 = tpu.vector_load %arg15[%get3A_212, %get3A_213] {strides = array<i32>} : memref<128x128xf32, #tpu.memory_space<vmem>>, vector<1x16xf32>,
          %get3A_215 = vector.shape_cast %get3A_214 : vector<1x16xf32> to vector<16xf32>
          %add3A_216 = arith.addf %get3A_211, %get3A_215 : vector<16xf32>
          %swap3A_217 = arith.index_cast %scan3A_179 : i32 to index
          %swap3A_218 = arith.constant 32 : index
          %swap3A_219 = tpu.vector_load %arg14[%swap3A_217, %swap3A_218] {strides = array<i32>} : memref<128x128xf32, #tpu.memory_space<vmem>>, vector<1x16xf32>,
          %swap3A_220 = vector.shape_cast %swap3A_219 : vector<1x16xf32> to vector<16xf32>
          %swap3A_221 = vector.shape_cast %add3A_216 : vector<16xf32> to vector<1x16xf32>
          tpu.vector_store %arg14[%swap3A_217, %swap3A_218], %swap3A_221 {strides = array<i32>} : memref<128x128xf32, #tpu.memory_space<vmem>>, vector<1x16xf32>,
          %get3A_222 = arith.index_cast %scan3A_179 : i32 to index
          %get3A_223 = arith.constant 48 : index
          %get3A_224 = tpu.vector_load %arg14[%get3A_222, %get3A_223] {strides = array<i32>} : memref<128x128xf32, #tpu.memory_space<vmem>>, vector<1x16xf32>,
          %get3A_225 = vector.shape_cast %get3A_224 : vector<1x16xf32> to vector<16xf32>
          %get3A_226 = arith.index_cast %scan3A_179 : i32 to index
          %get3A_227 = arith.constant 48 : index
          %get3A_228 = tpu.vector_load %arg15[%get3A_226, %get3A_227] {strides = array<i32>} : memref<128x128xf32, #tpu.memory_space<vmem>>, vector<1x16xf32>,
          %get3A_229 = vector.shape_cast %get3A_228 : vector<1x16xf32> to vector<16xf32>
          %add3A_230 = arith.addf %get3A_225, %get3A_229 : vector<16xf32>
          %swap3A_231 = arith.index_cast %scan3A_179 : i32 to index
          %swap3A_232 = arith.constant 48 : index
          %swap3A_233 = tpu.vector_load %arg14[%swap3A_231, %swap3A_232] {strides = array<i32>} : memref<128x128xf32, #tpu.memory_space<vmem>>, vector<1x16xf32>,
          %swap3A_234 = vector.shape_cast %swap3A_233 : vector<1x16xf32> to vector<16xf32>
          %swap3A_235 = vector.shape_cast %add3A_230 : vector<16xf32> to vector<1x16xf32>
          tpu.vector_store %arg14[%swap3A_231, %swap3A_232], %swap3A_235 {strides = array<i32>} : memref<128x128xf32, #tpu.memory_space<vmem>>, vector<1x16xf32>,
          %get3A_236 = arith.index_cast %scan3A_179 : i32 to index
          %get3A_237 = arith.constant 64 : index
          %get3A_238 = tpu.vector_load %arg14[%get3A_236, %get3A_237] {strides = array<i32>} : memref<128x128xf32, #tpu.memory_space<vmem>>, vector<1x16xf32>,
          %get3A_239 = vector.shape_cast %get3A_238 : vector<1x16xf32> to vector<16xf32>
          %get3A_240 = arith.index_cast %scan3A_179 : i32 to index
          %get3A_241 = arith.constant 64 : index
          %get3A_242 = tpu.vector_load %arg15[%get3A_240, %get3A_241] {strides = array<i32>} : memref<128x128xf32, #tpu.memory_space<vmem>>, vector<1x16xf32>,
          %get3A_243 = vector.shape_cast %get3A_242 : vector<1x16xf32> to vector<16xf32>
          %add3A_244 = arith.addf %get3A_239, %get3A_243 : vector<16xf32>
          %swap3A_245 = arith.index_cast %scan3A_179 : i32 to index
          %swap3A_246 = arith.constant 64 : index
          %swap3A_247 = tpu.vector_load %arg14[%swap3A_245, %swap3A_246] {strides = array<i32>} : memref<128x128xf32, #tpu.memory_space<vmem>>, vector<1x16xf32>,
          %swap3A_248 = vector.shape_cast %swap3A_247 : vector<1x16xf32> to vector<16xf32>
          %swap3A_249 = vector.shape_cast %add3A_244 : vector<16xf32> to vector<1x16xf32>
          tpu.vector_store %arg14[%swap3A_245, %swap3A_246], %swap3A_249 {strides = array<i32>} : memref<128x128xf32, #tpu.memory_space<vmem>>, vector<1x16xf32>,
          %get3A_250 = arith.index_cast %scan3A_179 : i32 to index
          %get3A_251 = arith.constant 80 : index
          %get3A_252 = tpu.vector_load %arg14[%get3A_250, %get3A_251] {strides = array<i32>} : memref<128x128xf32, #tpu.memory_space<vmem>>, vector<1x16xf32>,
          %get3A_253 = vector.shape_cast %get3A_252 : vector<1x16xf32> to vector<16xf32>
          %get3A_254 = arith.index_cast %scan3A_179 : i32 to index
          %get3A_255 = arith.constant 80 : index
          %get3A_256 = tpu.vector_load %arg15[%get3A_254, %get3A_255] {strides = array<i32>} : memref<128x128xf32, #tpu.memory_space<vmem>>, vector<1x16xf32>,
          %get3A_257 = vector.shape_cast %get3A_256 : vector<1x16xf32> to vector<16xf32>
          %add3A_258 = arith.addf %get3A_253, %get3A_257 : vector<16xf32>
          %swap3A_259 = arith.index_cast %scan3A_179 : i32 to index
          %swap3A_260 = arith.constant 80 : index
          %swap3A_261 = tpu.vector_load %arg14[%swap3A_259, %swap3A_260] {strides = array<i32>} : memref<128x128xf32, #tpu.memory_space<vmem>>, vector<1x16xf32>,
          %swap3A_262 = vector.shape_cast %swap3A_261 : vector<1x16xf32> to vector<16xf32>
          %swap3A_263 = vector.shape_cast %add3A_258 : vector<16xf32> to vector<1x16xf32>
          tpu.vector_store %arg14[%swap3A_259, %swap3A_260], %swap3A_263 {strides = array<i32>} : memref<128x128xf32, #tpu.memory_space<vmem>>, vector<1x16xf32>,
          %get3A_264 = arith.index_cast %scan3A_179 : i32 to index
          %get3A_265 = arith.constant 96 : index
          %get3A_266 = tpu.vector_load %arg14[%get3A_264, %get3A_265] {strides = array<i32>} : memref<128x128xf32, #tpu.memory_space<vmem>>, vector<1x16xf32>,
          %get3A_267 = vector.shape_cast %get3A_266 : vector<1x16xf32> to vector<16xf32>
          %get3A_268 = arith.index_cast %scan3A_179 : i32 to index
          %get3A_269 = arith.constant 96 : index
          %get3A_270 = tpu.vector_load %arg15[%get3A_268, %get3A_269] {strides = array<i32>} : memref<128x128xf32, #tpu.memory_space<vmem>>, vector<1x16xf32>,
          %get3A_271 = vector.shape_cast %get3A_270 : vector<1x16xf32> to vector<16xf32>
          %add3A_272 = arith.addf %get3A_267, %get3A_271 : vector<16xf32>
          %swap3A_273 = arith.index_cast %scan3A_179 : i32 to index
          %swap3A_274 = arith.constant 96 : index
          %swap3A_275 = tpu.vector_load %arg14[%swap3A_273, %swap3A_274] {strides = array<i32>} : memref<128x128xf32, #tpu.memory_space<vmem>>, vector<1x16xf32>,
          %swap3A_276 = vector.shape_cast %swap3A_275 : vector<1x16xf32> to vector<16xf32>
          %swap3A_277 = vector.shape_cast %add3A_272 : vector<16xf32> to vector<1x16xf32>
          tpu.vector_store %arg14[%swap3A_273, %swap3A_274], %swap3A_277 {strides = array<i32>} : memref<128x128xf32, #tpu.memory_space<vmem>>, vector<1x16xf32>,
          %get3A_278 = arith.index_cast %scan3A_179 : i32 to index
          %get3A_279 = arith.constant 112 : index
          %get3A_280 = tpu.vector_load %arg14[%get3A_278, %get3A_279] {strides = array<i32>} : memref<128x128xf32, #tpu.memory_space<vmem>>, vector<1x16xf32>,
          %get3A_281 = vector.shape_cast %get3A_280 : vector<1x16xf32> to vector<16xf32>
          %get3A_282 = arith.index_cast %scan3A_179 : i32 to index
          %get3A_283 = arith.constant 112 : index
          %get3A_284 = tpu.vector_load %arg15[%get3A_282, %get3A_283] {strides = array<i32>} : memref<128x128xf32, #tpu.memory_space<vmem>>, vector<1x16xf32>,
          %get3A_285 = vector.shape_cast %get3A_284 : vector<1x16xf32> to vector<16xf32>
          %add3A_286 = arith.addf %get3A_281, %get3A_285 : vector<16xf32>
          %swap3A_287 = arith.index_cast %scan3A_179 : i32 to index
          %swap3A_288 = arith.constant 112 : index
          %swap3A_289 = tpu.vector_load %arg14[%swap3A_287, %swap3A_288] {strides = array<i32>} : memref<128x128xf32, #tpu.memory_space<vmem>>, vector<1x16xf32>,
          %swap3A_290 = vector.shape_cast %swap3A_289 : vector<1x16xf32> to vector<16xf32>
          %swap3A_291 = vector.shape_cast %add3A_286 : vector<16xf32> to vector<1x16xf32>
          tpu.vector_store %arg14[%swap3A_287, %swap3A_288], %swap3A_291 {strides = array<i32>} : memref<128x128xf32, #tpu.memory_space<vmem>>, vector<1x16xf32>,
        }
        %scan3A_30 = arith.constant 128 : i32
        %get3A = arith.constant 0 : i32
        %get3A_31 = arith.index_cast %get3A : i32 to index
        %get3A_32 = arith.constant 0 : index
        %get3A_33 = tpu.vector_load %arg11[%get3A_31, %get3A_32] {strides = array<i32>} : memref<1x128xi32, #tpu.memory_space<vmem>>, vector<1x16xi32>,
        %get3A_34 = vector.shape_cast %get3A_33 : vector<1x16xi32> to vector<16xi32>
        %ge3A_35 = vector.broadcast %mul3A_2 : i32 to vector<16xi32>
        %ge3A_36 = arith.cmpi sge, %get3A_34, %ge3A_35 : vector<16xi32>
        %lt3A_37 = vector.broadcast %add3A_4 : i32 to vector<16xi32>
        %lt3A_38 = arith.cmpi slt, %get3A_34, %lt3A_37 : vector<16xi32>
        %and3A_39 = arith.andi %ge3A_36, %lt3A_38 : vector<16xi1>
        %jit3A = arith.constant 11263 : i32
        %broadcast_in_dim3A = vector.broadcast %jit3A : i32 to vector<16xi32>
        %select_n3A = arith.select %and3A_39, %get3A_34, %broadcast_in_dim3A : vector<16xi1>, vector<16xi32>
        %swap3A = arith.constant 0 : i32
        %swap3A_40 = arith.index_cast %swap3A : i32 to index
        %swap3A_41 = arith.constant 0 : index
        %swap3A_42 = tpu.vector_load %arg13[%swap3A_40, %swap3A_41] {strides = array<i32>} : memref<1x128xi32, #tpu.memory_space<vmem>>, vector<1x16xi32>,
        %swap3A_43 = vector.shape_cast %swap3A_42 : vector<1x16xi32> to vector<16xi32>
        %swap3A_44 = vector.shape_cast %select_n3A : vector<16xi32> to vector<1x16xi32>
        tpu.vector_store %arg13[%swap3A_40, %swap3A_41], %swap3A_44 {strides = array<i32>} : memref<1x128xi32, #tpu.memory_space<vmem>>, vector<1x16xi32>,
        %get3A_45 = arith.constant 0 : i32
        %get3A_46 = arith.index_cast %get3A_45 : i32 to index
        %get3A_47 = arith.constant 16 : index
        %get3A_48 = tpu.vector_load %arg11[%get3A_46, %get3A_47] {strides = array<i32>} : memref<1x128xi32, #tpu.memory_space<vmem>>, vector<1x16xi32>,
        %get3A_49 = vector.shape_cast %get3A_48 : vector<1x16xi32> to vector<16xi32>
        %ge3A_50 = vector.broadcast %mul3A_2 : i32 to vector<16xi32>
        %ge3A_51 = arith.cmpi sge, %get3A_49, %ge3A_50 : vector<16xi32>
        %lt3A_52 = vector.broadcast %add3A_4 : i32 to vector<16xi32>
        %lt3A_53 = arith.cmpi slt, %get3A_49, %lt3A_52 : vector<16xi32>
        %and3A_54 = arith.andi %ge3A_51, %lt3A_53 : vector<16xi1>
        %jit3A_55 = arith.constant 11263 : i32
        %broadcast_in_dim3A_56 = vector.broadcast %jit3A_55 : i32 to vector<16xi32>
        %select_n3A_57 = arith.select %and3A_54, %get3A_49, %broadcast_in_dim3A_56 : vector<16xi1>, vector<16xi32>
        %swap3A_58 = arith.constant 0 : i32
        %swap3A_59 = arith.index_cast %swap3A_58 : i32 to index
        %swap3A_60 = arith.constant 16 : index
        %swap3A_61 = tpu.vector_load %arg13[%swap3A_59, %swap3A_60] {strides = array<i32>} : memref<1x128xi32, #tpu.memory_space<vmem>>, vector<1x16xi32>,
        %swap3A_62 = vector.shape_cast %swap3A_61 : vector<1x16xi32> to vector<16xi32>
        %swap3A_63 = vector.shape_cast %select_n3A_57 : vector<16xi32> to vector<1x16xi32>
        tpu.vector_store %arg13[%swap3A_59, %swap3A_60], %swap3A_63 {strides = array<i32>} : memref<1x128xi32, #tpu.memory_space<vmem>>, vector<1x16xi32>,
        %get3A_64 = arith.constant 0 : i32
        %get3A_65 = arith.index_cast %get3A_64 : i32 to index
        %get3A_66 = arith.constant 32 : index
        %get3A_67 = tpu.vector_load %arg11[%get3A_65, %get3A_66] {strides = array<i32>} : memref<1x128xi32, #tpu.memory_space<vmem>>, vector<1x16xi32>,
        %get3A_68 = vector.shape_cast %get3A_67 : vector<1x16xi32> to vector<16xi32>
        %ge3A_69 = vector.broadcast %mul3A_2 : i32 to vector<16xi32>
        %ge3A_70 = arith.cmpi sge, %get3A_68, %ge3A_69 : vector<16xi32>
        %lt3A_71 = vector.broadcast %add3A_4 : i32 to vector<16xi32>
        %lt3A_72 = arith.cmpi slt, %get3A_68, %lt3A_71 : vector<16xi32>
        %and3A_73 = arith.andi %ge3A_70, %lt3A_72 : vector<16xi1>
        %jit3A_74 = arith.constant 11263 : i32
        %broadcast_in_dim3A_75 = vector.broadcast %jit3A_74 : i32 to vector<16xi32>
        %select_n3A_76 = arith.select %and3A_73, %get3A_68, %broadcast_in_dim3A_75 : vector<16xi1>, vector<16xi32>
        %swap3A_77 = arith.constant 0 : i32
        %swap3A_78 = arith.index_cast %swap3A_77 : i32 to index
        %swap3A_79 = arith.constant 32 : index
        %swap3A_80 = tpu.vector_load %arg13[%swap3A_78, %swap3A_79] {strides = array<i32>} : memref<1x128xi32, #tpu.memory_space<vmem>>, vector<1x16xi32>,
        %swap3A_81 = vector.shape_cast %swap3A_80 : vector<1x16xi32> to vector<16xi32>
        %swap3A_82 = vector.shape_cast %select_n3A_76 : vector<16xi32> to vector<1x16xi32>
        tpu.vector_store %arg13[%swap3A_78, %swap3A_79], %swap3A_82 {strides = array<i32>} : memref<1x128xi32, #tpu.memory_space<vmem>>, vector<1x16xi32>,
        %get3A_83 = arith.constant 0 : i32
        %get3A_84 = arith.index_cast %get3A_83 : i32 to index
        %get3A_85 = arith.constant 48 : index
        %get3A_86 = tpu.vector_load %arg11[%get3A_84, %get3A_85] {strides = array<i32>} : memref<1x128xi32, #tpu.memory_space<vmem>>, vector<1x16xi32>,
        %get3A_87 = vector.shape_cast %get3A_86 : vector<1x16xi32> to vector<16xi32>
        %ge3A_88 = vector.broadcast %mul3A_2 : i32 to vector<16xi32>
        %ge3A_89 = arith.cmpi sge, %get3A_87, %ge3A_88 : vector<16xi32>
        %lt3A_90 = vector.broadcast %add3A_4 : i32 to vector<16xi32>
        %lt3A_91 = arith.cmpi slt, %get3A_87, %lt3A_90 : vector<16xi32>
        %and3A_92 = arith.andi %ge3A_89, %lt3A_91 : vector<16xi1>
        %jit3A_93 = arith.constant 11263 : i32
        %broadcast_in_dim3A_94 = vector.broadcast %jit3A_93 : i32 to vector<16xi32>
        %select_n3A_95 = arith.select %and3A_92, %get3A_87, %broadcast_in_dim3A_94 : vector<16xi1>, vector<16xi32>
        %swap3A_96 = arith.constant 0 : i32
        %swap3A_97 = arith.index_cast %swap3A_96 : i32 to index
        %swap3A_98 = arith.constant 48 : index
        %swap3A_99 = tpu.vector_load %arg13[%swap3A_97, %swap3A_98] {strides = array<i32>} : memref<1x128xi32, #tpu.memory_space<vmem>>, vector<1x16xi32>,
        %swap3A_100 = vector.shape_cast %swap3A_99 : vector<1x16xi32> to vector<16xi32>
        %swap3A_101 = vector.shape_cast %select_n3A_95 : vector<16xi32> to vector<1x16xi32>
        tpu.vector_store %arg13[%swap3A_97, %swap3A_98], %swap3A_101 {strides = array<i32>} : memref<1x128xi32, #tpu.memory_space<vmem>>, vector<1x16xi32>,
        %get3A_102 = arith.constant 0 : i32
        %get3A_103 = arith.index_cast %get3A_102 : i32 to index
        %get3A_104 = arith.constant 64 : index
        %get3A_105 = tpu.vector_load %arg11[%get3A_103, %get3A_104] {strides = array<i32>} : memref<1x128xi32, #tpu.memory_space<vmem>>, vector<1x16xi32>,
        %get3A_106 = vector.shape_cast %get3A_105 : vector<1x16xi32> to vector<16xi32>
        %ge3A_107 = vector.broadcast %mul3A_2 : i32 to vector<16xi32>
        %ge3A_108 = arith.cmpi sge, %get3A_106, %ge3A_107 : vector<16xi32>
        %lt3A_109 = vector.broadcast %add3A_4 : i32 to vector<16xi32>
        %lt3A_110 = arith.cmpi slt, %get3A_106, %lt3A_109 : vector<16xi32>
        %and3A_111 = arith.andi %ge3A_108, %lt3A_110 : vector<16xi1>
        %jit3A_112 = arith.constant 11263 : i32
        %broadcast_in_dim3A_113 = vector.broadcast %jit3A_112 : i32 to vector<16xi32>
        %select_n3A_114 = arith.select %and3A_111, %get3A_106, %broadcast_in_dim3A_113 : vector<16xi1>, vector<16xi32>
        %swap3A_115 = arith.constant 0 : i32
        %swap3A_116 = arith.index_cast %swap3A_115 : i32 to index
        %swap3A_117 = arith.constant 64 : index
        %swap3A_118 = tpu.vector_load %arg13[%swap3A_116, %swap3A_117] {strides = array<i32>} : memref<1x128xi32, #tpu.memory_space<vmem>>, vector<1x16xi32>,
        %swap3A_119 = vector.shape_cast %swap3A_118 : vector<1x16xi32> to vector<16xi32>
        %swap3A_120 = vector.shape_cast %select_n3A_114 : vector<16xi32> to vector<1x16xi32>
        tpu.vector_store %arg13[%swap3A_116, %swap3A_117], %swap3A_120 {strides = array<i32>} : memref<1x128xi32, #tpu.memory_space<vmem>>, vector<1x16xi32>,
        %get3A_121 = arith.constant 0 : i32
        %get3A_122 = arith.index_cast %get3A_121 : i32 to index
        %get3A_123 = arith.constant 80 : index
        %get3A_124 = tpu.vector_load %arg11[%get3A_122, %get3A_123] {strides = array<i32>} : memref<1x128xi32, #tpu.memory_space<vmem>>, vector<1x16xi32>,
        %get3A_125 = vector.shape_cast %get3A_124 : vector<1x16xi32> to vector<16xi32>
        %ge3A_126 = vector.broadcast %mul3A_2 : i32 to vector<16xi32>
        %ge3A_127 = arith.cmpi sge, %get3A_125, %ge3A_126 : vector<16xi32>
        %lt3A_128 = vector.broadcast %add3A_4 : i32 to vector<16xi32>
        %lt3A_129 = arith.cmpi slt, %get3A_125, %lt3A_128 : vector<16xi32>
        %and3A_130 = arith.andi %ge3A_127, %lt3A_129 : vector<16xi1>
        %jit3A_131 = arith.constant 11263 : i32
        %broadcast_in_dim3A_132 = vector.broadcast %jit3A_131 : i32 to vector<16xi32>
        %select_n3A_133 = arith.select %and3A_130, %get3A_125, %broadcast_in_dim3A_132 : vector<16xi1>, vector<16xi32>
        %swap3A_134 = arith.constant 0 : i32
        %swap3A_135 = arith.index_cast %swap3A_134 : i32 to index
        %swap3A_136 = arith.constant 80 : index
        %swap3A_137 = tpu.vector_load %arg13[%swap3A_135, %swap3A_136] {strides = array<i32>} : memref<1x128xi32, #tpu.memory_space<vmem>>, vector<1x16xi32>,
        %swap3A_138 = vector.shape_cast %swap3A_137 : vector<1x16xi32> to vector<16xi32>
        %swap3A_139 = vector.shape_cast %select_n3A_133 : vector<16xi32> to vector<1x16xi32>
        tpu.vector_store %arg13[%swap3A_135, %swap3A_136], %swap3A_139 {strides = array<i32>} : memref<1x128xi32, #tpu.memory_space<vmem>>, vector<1x16xi32>,
        %get3A_140 = arith.constant 0 : i32
        %get3A_141 = arith.index_cast %get3A_140 : i32 to index
        %get3A_142 = arith.constant 96 : index
        %get3A_143 = tpu.vector_load %arg11[%get3A_141, %get3A_142] {strides = array<i32>} : memref<1x128xi32, #tpu.memory_space<vmem>>, vector<1x16xi32>,
        %get3A_144 = vector.shape_cast %get3A_143 : vector<1x16xi32> to vector<16xi32>
        %ge3A_145 = vector.broadcast %mul3A_2 : i32 to vector<16xi32>
        %ge3A_146 = arith.cmpi sge, %get3A_144, %ge3A_145 : vector<16xi32>
        %lt3A_147 = vector.broadcast %add3A_4 : i32 to vector<16xi32>
        %lt3A_148 = arith.cmpi slt, %get3A_144, %lt3A_147 : vector<16xi32>
        %and3A_149 = arith.andi %ge3A_146, %lt3A_148 : vector<16xi1>
        %jit3A_150 = arith.constant 11263 : i32
        %broadcast_in_dim3A_151 = vector.broadcast %jit3A_150 : i32 to vector<16xi32>
        %select_n3A_152 = arith.select %and3A_149, %get3A_144, %broadcast_in_dim3A_151 : vector<16xi1>, vector<16xi32>
        %swap3A_153 = arith.constant 0 : i32
        %swap3A_154 = arith.index_cast %swap3A_153 : i32 to index
        %swap3A_155 = arith.constant 96 : index
        %swap3A_156 = tpu.vector_load %arg13[%swap3A_154, %swap3A_155] {strides = array<i32>} : memref<1x128xi32, #tpu.memory_space<vmem>>, vector<1x16xi32>,
        %swap3A_157 = vector.shape_cast %swap3A_156 : vector<1x16xi32> to vector<16xi32>
        %swap3A_158 = vector.shape_cast %select_n3A_152 : vector<16xi32> to vector<1x16xi32>
        tpu.vector_store %arg13[%swap3A_154, %swap3A_155], %swap3A_158 {strides = array<i32>} : memref<1x128xi32, #tpu.memory_space<vmem>>, vector<1x16xi32>,
        %get3A_159 = arith.constant 0 : i32
        %get3A_160 = arith.index_cast %get3A_159 : i32 to index
        %get3A_161 = arith.constant 112 : index
        %get3A_162 = tpu.vector_load %arg11[%get3A_160, %get3A_161] {strides = array<i32>} : memref<1x128xi32, #tpu.memory_space<vmem>>, vector<1x16xi32>,
        %get3A_163 = vector.shape_cast %get3A_162 : vector<1x16xi32> to vector<16xi32>
        %ge3A_164 = vector.broadcast %mul3A_2 : i32 to vector<16xi32>
        %ge3A_165 = arith.cmpi sge, %get3A_163, %ge3A_164 : vector<16xi32>
        %lt3A_166 = vector.broadcast %add3A_4 : i32 to vector<16xi32>
        %lt3A_167 = arith.cmpi slt, %get3A_163, %lt3A_166 : vector<16xi32>
        %and3A_168 = arith.andi %ge3A_165, %lt3A_167 : vector<16xi1>
        %jit3A_169 = arith.constant 11263 : i32
        %broadcast_in_dim3A_170 = vector.broadcast %jit3A_169 : i32 to vector<16xi32>
        %select_n3A_171 = arith.select %and3A_168, %get3A_163, %broadcast_in_dim3A_170 : vector<16xi1>, vector<16xi32>
        %swap3A_172 = arith.constant 0 : i32
        %swap3A_173 = arith.index_cast %swap3A_172 : i32 to index
        %swap3A_174 = arith.constant 112 : index
        %swap3A_175 = tpu.vector_load %arg13[%swap3A_173, %swap3A_174] {strides = array<i32>} : memref<1x128xi32, #tpu.memory_space<vmem>>, vector<1x16xi32>,
        %swap3A_176 = vector.shape_cast %swap3A_175 : vector<1x16xi32> to vector<16xi32>
        %swap3A_177 = vector.shape_cast %select_n3A_171 : vector<16xi32> to vector<1x16xi32>
        tpu.vector_store %arg13[%swap3A_173, %swap3A_174], %swap3A_177 {strides = array<i32>} : memref<1x128xi32, #tpu.memory_space<vmem>>, vector<1x16xi32>,
        %run_scoped3A_178 = arith.constant 0 : i32
        "tpu.region"() ({
          %run_scoped3A_179 = tpu.sem_alloc : memref<!tpu.dma_semaphore, #tpu.memory_space<semaphore_mem>>
          %dma_start3A = arith.constant 0 : i32
          %dma_start3A_180 = tpu.memref_slice %arg13[%run_scoped3A_178, %dma_start3A] : memref<1x128xi32, #tpu.memory_space<vmem>> -> memref<1x128xi32, #tpu.memory_space<vmem>>
          %dma_start3A_181 = tpu.memref_squeeze %dma_start3A_180 : memref<1x128xi32, #tpu.memory_space<vmem>> -> memref<128xi32, #tpu.memory_space<vmem>>
          %dma_start3A_182 = arith.constant 0 : i32
          %dma_start3A_183 = arith.constant 0 : i32
          %dma_start3A_184 = tpu.memref_slice %arg17[%dma_start3A_182, %dma_start3A_183] : memref<11264x128xf32, #tpu.memory_space<vmem_shared>> -> memref<11264x128xf32, #tpu.memory_space<vmem_shared>>
          tpu.enqueue_indirect_dma source(%arg14 : memref<128x128xf32, #tpu.memory_space<vmem>>) target(%dma_start3A_184 : memref<11264x128xf32, #tpu.memory_space<vmem_shared>>) offsets(%dma_start3A_181 : memref<128xi32, #tpu.memory_space<vmem>>) semaphore(%run_scoped3A_179 : memref<!tpu.dma_semaphore, #tpu.memory_space<semaphore_mem>>) {add = true}
          %dma_wait3A = arith.constant 0 : i32
          %dma_wait3A_185 = tpu.memref_slice %arg13[%run_scoped3A_178, %dma_wait3A] : memref<1x128xi32, #tpu.memory_space<vmem>> -> memref<1x128xi32, #tpu.memory_space<vmem>>
          %dma_wait3A_186 = tpu.memref_squeeze %dma_wait3A_185 : memref<1x128xi32, #tpu.memory_space<vmem>> -> memref<128xi32, #tpu.memory_space<vmem>>
          %dma_wait3A_187 = arith.constant 0 : i32
          %dma_wait3A_188 = arith.constant 0 : i32
          %dma_wait3A_189 = tpu.memref_slice %arg17[%dma_wait3A_187, %dma_wait3A_188] : memref<11264x128xf32, #tpu.memory_space<vmem_shared>> -> memref<11264x128xf32, #tpu.memory_space<vmem_shared>>
          tpu.wait_indirect_dma semaphore(%run_scoped3A_179 : memref<!tpu.dma_semaphore, #tpu.memory_space<semaphore_mem>>) src(%arg14 : memref<128x128xf32, #tpu.memory_space<vmem>>) dst(%dma_wait3A_189 : memref<11264x128xf32, #tpu.memory_space<vmem_shared>>)
          tpu.yield
        }) : () -> ()
      } else {
      }
    }
    %scan3A_15 = arith.constant 2579 : i32
    %barrier3A_16 = arith.constant 0 : index
    tpu.barrier barrier_id(%barrier3A_16)
    "tpu.region"() ({
      %run_scoped3A = tpu.sem_alloc : memref<!tpu.dma_semaphore, #tpu.memory_space<semaphore_mem>>
      %dma_start3A = arith.constant 0 : i32
      %dma_start3A_17 = tpu.memref_slice %arg9[%mul3A_2, %dma_start3A] : memref<11264x128xf32, #tpu.memory_space<hbm>> -> memref<352x128xf32, #tpu.memory_space<hbm>>
      %dma_start3A_18 = arith.constant 0 : i32
      %dma_start3A_19 = tpu.memref_slice %arg17[%mul3A_2, %dma_start3A_18] : memref<11264x128xf32, #tpu.memory_space<vmem_shared>> -> memref<352x128xf32, #tpu.memory_space<vmem_shared>>
      tpu.enqueue_dma source(%dma_start3A_19 : memref<352x128xf32, #tpu.memory_space<vmem_shared>>) target(%dma_start3A_17 : memref<352x128xf32, #tpu.memory_space<hbm>>) target_semaphore(%run_scoped3A : memref<!tpu.dma_semaphore, #tpu.memory_space<semaphore_mem>>)
      %dma_wait3A = arith.constant 0 : i32
      %dma_wait3A_20 = tpu.memref_slice %arg9[%mul3A_2, %dma_wait3A] : memref<11264x128xf32, #tpu.memory_space<hbm>> -> memref<352x128xf32, #tpu.memory_space<hbm>>
      %dma_wait3A_21 = arith.constant 0 : i32
      %dma_wait3A_22 = tpu.memref_slice %arg17[%mul3A_2, %dma_wait3A_21] : memref<11264x128xf32, #tpu.memory_space<vmem_shared>> -> memref<352x128xf32, #tpu.memory_space<vmem_shared>>
      tpu.wait_dma2 semaphore(%run_scoped3A : memref<!tpu.dma_semaphore, #tpu.memory_space<semaphore_mem>>) src(%dma_wait3A_22 : memref<352x128xf32, #tpu.memory_space<vmem_shared>>) dst(%dma_wait3A_20 : memref<352x128xf32, #tpu.memory_space<hbm>>)
      tpu.yield
    }) : () -> ()
    return
  }
}

#map = affine_map<(d0, d1) -> (0, 0)>
#map1 = affine_map<(d0, d1) -> (0)>
module attributes {stable_mosaic.version = 14 : i64} {
  func.func @_agg_body(%arg0: i32, %arg1: i32, %arg2: memref<11264x128xf32, #tpu.memory_space<hbm>>, %arg3: memref<330112xi32, #tpu.memory_space<hbm>>, %arg4: memref<330112xi32, #tpu.memory_space<hbm>>, %arg5: memref<330112xi32, #tpu.memory_space<hbm>>, %arg6: memref<16x128xf32, #tpu.memory_space<hbm>>, %arg7: memref<11264x128xf32, #tpu.memory_space<hbm>>, %arg8: memref<32x16xi32, #tpu.memory_space<hbm>>, %arg9: memref<11264x128xf32, #tpu.memory_space<hbm>>, %arg10: memref<1x128xi32, #tpu.memory_space<vmem>>, %arg11: memref<1x128xi32, #tpu.memory_space<vmem>>, %arg12: memref<1x128xi32, #tpu.memory_space<vmem>>, %arg13: memref<1x128xi32, #tpu.memory_space<vmem>>, %arg14: memref<128x128xf32, #tpu.memory_space<vmem>>, %arg15: memref<128x128xf32, #tpu.memory_space<vmem>>, %arg16: memref<32x16xi32, #tpu.memory_space<vmem>>, %arg17: memref<11264x128xf32, #tpu.memory_space<vmem_shared>>) attributes {dimension_semantics = [#tpu.dimension_semantics<core_parallel>, #tpu.dimension_semantics<subcore_parallel>], iteration_bounds = array<i64: 2, 16>, scalar_prefetch = 0 : i64, scratch_operands = 8 : i64, tpu.core_type = #tpu.core_type<sc_vector_subcore>, window_params = [{transform_indices = #map}, {transform_indices = #map1}, {transform_indices = #map1}, {transform_indices = #map1}, {transform_indices = #map}, {transform_indices = #map}, {transform_indices = #map}, {transform_indices = #map}]} {
    %mul3A = arith.constant 2 : i32
    %mul3A_0 = arith.muli %arg1, %mul3A : i32
    %add3A = arith.addi %mul3A_0, %arg0 : i32
    %mul3A_1 = arith.constant 352 : i32
    %mul3A_2 = arith.muli %add3A, %mul3A_1 : i32
    %add3A_3 = arith.constant 352 : i32
    %add3A_4 = arith.addi %mul3A_2, %add3A_3 : i32
    "tpu.region"() ({
      %run_scoped3A = tpu.sem_alloc : memref<!tpu.dma_semaphore, #tpu.memory_space<semaphore_mem>>
      tpu.enqueue_dma source(%arg8 : memref<32x16xi32, #tpu.memory_space<hbm>>) target(%arg16 : memref<32x16xi32, #tpu.memory_space<vmem>>) target_semaphore(%run_scoped3A : memref<!tpu.dma_semaphore, #tpu.memory_space<semaphore_mem>>)
      tpu.wait_dma2 semaphore(%run_scoped3A : memref<!tpu.dma_semaphore, #tpu.memory_space<semaphore_mem>>) src(%arg8 : memref<32x16xi32, #tpu.memory_space<hbm>>) dst(%arg16 : memref<32x16xi32, #tpu.memory_space<vmem>>)
      tpu.yield
    }) : () -> ()
    "tpu.region"() ({
      %run_scoped3A = tpu.sem_alloc : memref<!tpu.dma_semaphore, #tpu.memory_space<semaphore_mem>>
      %dma_start3A = arith.constant 0 : i32
      %dma_start3A_17 = tpu.memref_slice %arg17[%mul3A_2, %dma_start3A] : memref<11264x128xf32, #tpu.memory_space<vmem_shared>> -> memref<352x128xf32, #tpu.memory_space<vmem_shared>>
      %dma_start3A_18 = arith.constant 0 : i32
      %dma_start3A_19 = tpu.memref_slice %arg7[%mul3A_2, %dma_start3A_18] : memref<11264x128xf32, #tpu.memory_space<hbm>> -> memref<352x128xf32, #tpu.memory_space<hbm>>
      tpu.enqueue_dma source(%dma_start3A_19 : memref<352x128xf32, #tpu.memory_space<hbm>>) target(%dma_start3A_17 : memref<352x128xf32, #tpu.memory_space<vmem_shared>>) target_semaphore(%run_scoped3A : memref<!tpu.dma_semaphore, #tpu.memory_space<semaphore_mem>>)
      %dma_wait3A = arith.constant 0 : i32
      %dma_wait3A_20 = tpu.memref_slice %arg17[%mul3A_2, %dma_wait3A] : memref<11264x128xf32, #tpu.memory_space<vmem_shared>> -> memref<352x128xf32, #tpu.memory_space<vmem_shared>>
      %dma_wait3A_21 = arith.constant 0 : i32
      %dma_wait3A_22 = tpu.memref_slice %arg7[%mul3A_2, %dma_wait3A_21] : memref<11264x128xf32, #tpu.memory_space<hbm>> -> memref<352x128xf32, #tpu.memory_space<hbm>>
      tpu.wait_dma2 semaphore(%run_scoped3A : memref<!tpu.dma_semaphore, #tpu.memory_space<semaphore_mem>>) src(%dma_wait3A_22 : memref<352x128xf32, #tpu.memory_space<hbm>>) dst(%dma_wait3A_20 : memref<352x128xf32, #tpu.memory_space<vmem_shared>>)
      tpu.yield
    }) : () -> ()
    %barrier3A = arith.constant 0 : index
    tpu.barrier barrier_id(%barrier3A)
    %mul3A_5 = arith.constant 0 : i32
    %mul3A_6 = arith.muli %add3A, %mul3A_5 : i32
    %mul3A_7 = arith.constant 0 : i32
    %mul3A_8 = arith.muli %add3A, %mul3A_7 : i32
    %add3A_9 = arith.constant 2579 : i32
    %add3A_10 = arith.addi %add3A_9, %mul3A_8 : i32
    %scan3A = arith.constant 0 : i32
    %scan3A_11 = arith.constant 0 : i32
    %scan3A_12 = arith.constant 2579 : i32
    %scan3A_13 = arith.addi %scan3A_11, %scan3A_12 : i32
    %scan3A_14 = arith.constant 1 : i32
    scf.for %scan3A_17 = %scan3A_11 to %scan3A_13 step %scan3A_14  : i32 {
      %ge3A = arith.cmpi sge, %scan3A_17, %mul3A_6 : i32
      %lt3A = arith.cmpi slt, %scan3A_17, %add3A_10 : i32
      %and3A = arith.andi %ge3A, %lt3A : i1
      %convert_element_type3A = arith.extui %and3A : i1 to i32
      %cond3A = arith.constant 0 : i32
      %cond3A_18 = arith.cmpi ne, %convert_element_type3A, %cond3A : i32
      scf.if %cond3A_18 {
        %mul3A_19 = arith.constant 128 : i32
        %mul3A_20 = arith.muli %scan3A_17, %mul3A_19 : i32
        %run_scoped3A = arith.constant 0 : i32
        "tpu.region"() ({
          %run_scoped3A_179 = tpu.sem_alloc : memref<!tpu.dma_semaphore, #tpu.memory_space<semaphore_mem>>
          %dma_start3A = arith.constant 0 : i32
          %dma_start3A_180 = tpu.memref_slice %arg10[%run_scoped3A, %dma_start3A] : memref<1x128xi32, #tpu.memory_space<vmem>> -> memref<1x128xi32, #tpu.memory_space<vmem>>
          %dma_start3A_181 = tpu.memref_squeeze %dma_start3A_180 : memref<1x128xi32, #tpu.memory_space<vmem>> -> memref<128xi32, #tpu.memory_space<vmem>>
          %dma_start3A_182 = tpu.memref_slice %arg3[%mul3A_20] : memref<330112xi32, #tpu.memory_space<hbm>> -> memref<128xi32, #tpu.memory_space<hbm>>
          %dma_start3A_183 = arith.constant 0 : i32
          %dma_start3A_184 = tpu.memref_slice %arg10[%run_scoped3A, %dma_start3A_183] : memref<1x128xi32, #tpu.memory_space<vmem>> -> memref<1x128xi32, #tpu.memory_space<vmem>>
          %dma_start3A_185 = tpu.memref_squeeze %dma_start3A_184 : memref<1x128xi32, #tpu.memory_space<vmem>> -> memref<128xi32, #tpu.memory_space<vmem>>
          %dma_start3A_186 = tpu.memref_slice %arg3[%mul3A_20] : memref<330112xi32, #tpu.memory_space<hbm>> -> memref<128xi32, #tpu.memory_space<hbm>>
          tpu.enqueue_dma source(%dma_start3A_186 : memref<128xi32, #tpu.memory_space<hbm>>) target(%dma_start3A_185 : memref<128xi32, #tpu.memory_space<vmem>>) target_semaphore(%run_scoped3A_179 : memref<!tpu.dma_semaphore, #tpu.memory_space<semaphore_mem>>)
          %dma_wait3A = arith.constant 0 : i32
          %dma_wait3A_187 = tpu.memref_slice %arg10[%run_scoped3A, %dma_wait3A] : memref<1x128xi32, #tpu.memory_space<vmem>> -> memref<1x128xi32, #tpu.memory_space<vmem>>
          %dma_wait3A_188 = tpu.memref_squeeze %dma_wait3A_187 : memref<1x128xi32, #tpu.memory_space<vmem>> -> memref<128xi32, #tpu.memory_space<vmem>>
          %dma_wait3A_189 = tpu.memref_slice %arg3[%mul3A_20] : memref<330112xi32, #tpu.memory_space<hbm>> -> memref<128xi32, #tpu.memory_space<hbm>>
          %dma_wait3A_190 = arith.constant 0 : i32
          %dma_wait3A_191 = tpu.memref_slice %arg10[%run_scoped3A, %dma_wait3A_190] : memref<1x128xi32, #tpu.memory_space<vmem>> -> memref<1x128xi32, #tpu.memory_space<vmem>>
          %dma_wait3A_192 = tpu.memref_squeeze %dma_wait3A_191 : memref<1x128xi32, #tpu.memory_space<vmem>> -> memref<128xi32, #tpu.memory_space<vmem>>
          %dma_wait3A_193 = tpu.memref_slice %arg3[%mul3A_20] : memref<330112xi32, #tpu.memory_space<hbm>> -> memref<128xi32, #tpu.memory_space<hbm>>
          tpu.wait_dma2 semaphore(%run_scoped3A_179 : memref<!tpu.dma_semaphore, #tpu.memory_space<semaphore_mem>>) src(%dma_wait3A_193 : memref<128xi32, #tpu.memory_space<hbm>>) dst(%dma_wait3A_192 : memref<128xi32, #tpu.memory_space<vmem>>)
          tpu.yield
        }) : () -> ()
        %run_scoped3A_21 = arith.constant 0 : i32
        "tpu.region"() ({
          %run_scoped3A_179 = tpu.sem_alloc : memref<!tpu.dma_semaphore, #tpu.memory_space<semaphore_mem>>
          %dma_start3A = arith.constant 0 : i32
          %dma_start3A_180 = tpu.memref_slice %arg11[%run_scoped3A_21, %dma_start3A] : memref<1x128xi32, #tpu.memory_space<vmem>> -> memref<1x128xi32, #tpu.memory_space<vmem>>
          %dma_start3A_181 = tpu.memref_squeeze %dma_start3A_180 : memref<1x128xi32, #tpu.memory_space<vmem>> -> memref<128xi32, #tpu.memory_space<vmem>>
          %dma_start3A_182 = tpu.memref_slice %arg4[%mul3A_20] : memref<330112xi32, #tpu.memory_space<hbm>> -> memref<128xi32, #tpu.memory_space<hbm>>
          %dma_start3A_183 = arith.constant 0 : i32
          %dma_start3A_184 = tpu.memref_slice %arg11[%run_scoped3A_21, %dma_start3A_183] : memref<1x128xi32, #tpu.memory_space<vmem>> -> memref<1x128xi32, #tpu.memory_space<vmem>>
          %dma_start3A_185 = tpu.memref_squeeze %dma_start3A_184 : memref<1x128xi32, #tpu.memory_space<vmem>> -> memref<128xi32, #tpu.memory_space<vmem>>
          %dma_start3A_186 = tpu.memref_slice %arg4[%mul3A_20] : memref<330112xi32, #tpu.memory_space<hbm>> -> memref<128xi32, #tpu.memory_space<hbm>>
          tpu.enqueue_dma source(%dma_start3A_186 : memref<128xi32, #tpu.memory_space<hbm>>) target(%dma_start3A_185 : memref<128xi32, #tpu.memory_space<vmem>>) target_semaphore(%run_scoped3A_179 : memref<!tpu.dma_semaphore, #tpu.memory_space<semaphore_mem>>)
          %dma_wait3A = arith.constant 0 : i32
          %dma_wait3A_187 = tpu.memref_slice %arg11[%run_scoped3A_21, %dma_wait3A] : memref<1x128xi32, #tpu.memory_space<vmem>> -> memref<1x128xi32, #tpu.memory_space<vmem>>
          %dma_wait3A_188 = tpu.memref_squeeze %dma_wait3A_187 : memref<1x128xi32, #tpu.memory_space<vmem>> -> memref<128xi32, #tpu.memory_space<vmem>>
          %dma_wait3A_189 = tpu.memref_slice %arg4[%mul3A_20] : memref<330112xi32, #tpu.memory_space<hbm>> -> memref<128xi32, #tpu.memory_space<hbm>>
          %dma_wait3A_190 = arith.constant 0 : i32
          %dma_wait3A_191 = tpu.memref_slice %arg11[%run_scoped3A_21, %dma_wait3A_190] : memref<1x128xi32, #tpu.memory_space<vmem>> -> memref<1x128xi32, #tpu.memory_space<vmem>>
          %dma_wait3A_192 = tpu.memref_squeeze %dma_wait3A_191 : memref<1x128xi32, #tpu.memory_space<vmem>> -> memref<128xi32, #tpu.memory_space<vmem>>
          %dma_wait3A_193 = tpu.memref_slice %arg4[%mul3A_20] : memref<330112xi32, #tpu.memory_space<hbm>> -> memref<128xi32, #tpu.memory_space<hbm>>
          tpu.wait_dma2 semaphore(%run_scoped3A_179 : memref<!tpu.dma_semaphore, #tpu.memory_space<semaphore_mem>>) src(%dma_wait3A_193 : memref<128xi32, #tpu.memory_space<hbm>>) dst(%dma_wait3A_192 : memref<128xi32, #tpu.memory_space<vmem>>)
          tpu.yield
        }) : () -> ()
        %run_scoped3A_22 = arith.constant 0 : i32
        "tpu.region"() ({
          %run_scoped3A_179 = tpu.sem_alloc : memref<!tpu.dma_semaphore, #tpu.memory_space<semaphore_mem>>
          %dma_start3A = arith.constant 0 : i32
          %dma_start3A_180 = tpu.memref_slice %arg12[%run_scoped3A_22, %dma_start3A] : memref<1x128xi32, #tpu.memory_space<vmem>> -> memref<1x128xi32, #tpu.memory_space<vmem>>
          %dma_start3A_181 = tpu.memref_squeeze %dma_start3A_180 : memref<1x128xi32, #tpu.memory_space<vmem>> -> memref<128xi32, #tpu.memory_space<vmem>>
          %dma_start3A_182 = tpu.memref_slice %arg5[%mul3A_20] : memref<330112xi32, #tpu.memory_space<hbm>> -> memref<128xi32, #tpu.memory_space<hbm>>
          %dma_start3A_183 = arith.constant 0 : i32
          %dma_start3A_184 = tpu.memref_slice %arg12[%run_scoped3A_22, %dma_start3A_183] : memref<1x128xi32, #tpu.memory_space<vmem>> -> memref<1x128xi32, #tpu.memory_space<vmem>>
          %dma_start3A_185 = tpu.memref_squeeze %dma_start3A_184 : memref<1x128xi32, #tpu.memory_space<vmem>> -> memref<128xi32, #tpu.memory_space<vmem>>
          %dma_start3A_186 = tpu.memref_slice %arg5[%mul3A_20] : memref<330112xi32, #tpu.memory_space<hbm>> -> memref<128xi32, #tpu.memory_space<hbm>>
          tpu.enqueue_dma source(%dma_start3A_186 : memref<128xi32, #tpu.memory_space<hbm>>) target(%dma_start3A_185 : memref<128xi32, #tpu.memory_space<vmem>>) target_semaphore(%run_scoped3A_179 : memref<!tpu.dma_semaphore, #tpu.memory_space<semaphore_mem>>)
          %dma_wait3A = arith.constant 0 : i32
          %dma_wait3A_187 = tpu.memref_slice %arg12[%run_scoped3A_22, %dma_wait3A] : memref<1x128xi32, #tpu.memory_space<vmem>> -> memref<1x128xi32, #tpu.memory_space<vmem>>
          %dma_wait3A_188 = tpu.memref_squeeze %dma_wait3A_187 : memref<1x128xi32, #tpu.memory_space<vmem>> -> memref<128xi32, #tpu.memory_space<vmem>>
          %dma_wait3A_189 = tpu.memref_slice %arg5[%mul3A_20] : memref<330112xi32, #tpu.memory_space<hbm>> -> memref<128xi32, #tpu.memory_space<hbm>>
          %dma_wait3A_190 = arith.constant 0 : i32
          %dma_wait3A_191 = tpu.memref_slice %arg12[%run_scoped3A_22, %dma_wait3A_190] : memref<1x128xi32, #tpu.memory_space<vmem>> -> memref<1x128xi32, #tpu.memory_space<vmem>>
          %dma_wait3A_192 = tpu.memref_squeeze %dma_wait3A_191 : memref<1x128xi32, #tpu.memory_space<vmem>> -> memref<128xi32, #tpu.memory_space<vmem>>
          %dma_wait3A_193 = tpu.memref_slice %arg5[%mul3A_20] : memref<330112xi32, #tpu.memory_space<hbm>> -> memref<128xi32, #tpu.memory_space<hbm>>
          tpu.wait_dma2 semaphore(%run_scoped3A_179 : memref<!tpu.dma_semaphore, #tpu.memory_space<semaphore_mem>>) src(%dma_wait3A_193 : memref<128xi32, #tpu.memory_space<hbm>>) dst(%dma_wait3A_192 : memref<128xi32, #tpu.memory_space<vmem>>)
          tpu.yield
        }) : () -> ()
        %run_scoped3A_23 = arith.constant 0 : i32
        "tpu.region"() ({
          %run_scoped3A_179 = tpu.sem_alloc : memref<!tpu.dma_semaphore, #tpu.memory_space<semaphore_mem>>
          %dma_start3A = arith.constant 0 : i32
          %dma_start3A_180 = tpu.memref_slice %arg10[%run_scoped3A_23, %dma_start3A] : memref<1x128xi32, #tpu.memory_space<vmem>> -> memref<1x128xi32, #tpu.memory_space<vmem>>
          %dma_start3A_181 = tpu.memref_squeeze %dma_start3A_180 : memref<1x128xi32, #tpu.memory_space<vmem>> -> memref<128xi32, #tpu.memory_space<vmem>>
          %dma_start3A_182 = arith.constant 0 : i32
          %dma_start3A_183 = arith.constant 0 : i32
          %dma_start3A_184 = tpu.memref_slice %arg2[%dma_start3A_182, %dma_start3A_183] : memref<11264x128xf32, #tpu.memory_space<hbm>> -> memref<11264x128xf32, #tpu.memory_space<hbm>>
          tpu.enqueue_indirect_dma source(%dma_start3A_184 : memref<11264x128xf32, #tpu.memory_space<hbm>>) target(%arg14 : memref<128x128xf32, #tpu.memory_space<vmem>>) offsets(%dma_start3A_181 : memref<128xi32, #tpu.memory_space<vmem>>) semaphore(%run_scoped3A_179 : memref<!tpu.dma_semaphore, #tpu.memory_space<semaphore_mem>>)
          %dma_wait3A = arith.constant 0 : i32
          %dma_wait3A_185 = tpu.memref_slice %arg10[%run_scoped3A_23, %dma_wait3A] : memref<1x128xi32, #tpu.memory_space<vmem>> -> memref<1x128xi32, #tpu.memory_space<vmem>>
          %dma_wait3A_186 = tpu.memref_squeeze %dma_wait3A_185 : memref<1x128xi32, #tpu.memory_space<vmem>> -> memref<128xi32, #tpu.memory_space<vmem>>
          %dma_wait3A_187 = arith.constant 0 : i32
          %dma_wait3A_188 = arith.constant 0 : i32
          %dma_wait3A_189 = tpu.memref_slice %arg2[%dma_wait3A_187, %dma_wait3A_188] : memref<11264x128xf32, #tpu.memory_space<hbm>> -> memref<11264x128xf32, #tpu.memory_space<hbm>>
          tpu.wait_indirect_dma semaphore(%run_scoped3A_179 : memref<!tpu.dma_semaphore, #tpu.memory_space<semaphore_mem>>) src(%dma_wait3A_189 : memref<11264x128xf32, #tpu.memory_space<hbm>>) dst(%arg14 : memref<128x128xf32, #tpu.memory_space<vmem>>)
          tpu.yield
        }) : () -> ()
        %run_scoped3A_24 = arith.constant 0 : i32
        "tpu.region"() ({
          %run_scoped3A_179 = tpu.sem_alloc : memref<!tpu.dma_semaphore, #tpu.memory_space<semaphore_mem>>
          %dma_start3A = arith.constant 0 : i32
          %dma_start3A_180 = tpu.memref_slice %arg12[%run_scoped3A_24, %dma_start3A] : memref<1x128xi32, #tpu.memory_space<vmem>> -> memref<1x128xi32, #tpu.memory_space<vmem>>
          %dma_start3A_181 = tpu.memref_squeeze %dma_start3A_180 : memref<1x128xi32, #tpu.memory_space<vmem>> -> memref<128xi32, #tpu.memory_space<vmem>>
          %dma_start3A_182 = arith.constant 0 : i32
          %dma_start3A_183 = arith.constant 0 : i32
          %dma_start3A_184 = tpu.memref_slice %arg6[%dma_start3A_182, %dma_start3A_183] : memref<16x128xf32, #tpu.memory_space<hbm>> -> memref<16x128xf32, #tpu.memory_space<hbm>>
          tpu.enqueue_indirect_dma source(%dma_start3A_184 : memref<16x128xf32, #tpu.memory_space<hbm>>) target(%arg15 : memref<128x128xf32, #tpu.memory_space<vmem>>) offsets(%dma_start3A_181 : memref<128xi32, #tpu.memory_space<vmem>>) semaphore(%run_scoped3A_179 : memref<!tpu.dma_semaphore, #tpu.memory_space<semaphore_mem>>)
          %dma_wait3A = arith.constant 0 : i32
          %dma_wait3A_185 = tpu.memref_slice %arg12[%run_scoped3A_24, %dma_wait3A] : memref<1x128xi32, #tpu.memory_space<vmem>> -> memref<1x128xi32, #tpu.memory_space<vmem>>
          %dma_wait3A_186 = tpu.memref_squeeze %dma_wait3A_185 : memref<1x128xi32, #tpu.memory_space<vmem>> -> memref<128xi32, #tpu.memory_space<vmem>>
          %dma_wait3A_187 = arith.constant 0 : i32
          %dma_wait3A_188 = arith.constant 0 : i32
          %dma_wait3A_189 = tpu.memref_slice %arg6[%dma_wait3A_187, %dma_wait3A_188] : memref<16x128xf32, #tpu.memory_space<hbm>> -> memref<16x128xf32, #tpu.memory_space<hbm>>
          tpu.wait_indirect_dma semaphore(%run_scoped3A_179 : memref<!tpu.dma_semaphore, #tpu.memory_space<semaphore_mem>>) src(%dma_wait3A_189 : memref<16x128xf32, #tpu.memory_space<hbm>>) dst(%arg15 : memref<128x128xf32, #tpu.memory_space<vmem>>)
          tpu.yield
        }) : () -> ()
        %scan3A_25 = arith.constant 0 : i32
        %scan3A_26 = arith.constant 0 : i32
        %scan3A_27 = arith.constant 128 : i32
        %scan3A_28 = arith.addi %scan3A_26, %scan3A_27 : i32
        %scan3A_29 = arith.constant 1 : i32
        scf.for %scan3A_179 = %scan3A_26 to %scan3A_28 step %scan3A_29  : i32 {
          %get3A_180 = arith.index_cast %scan3A_179 : i32 to index
          %get3A_181 = arith.constant 0 : index
          %get3A_182 = tpu.vector_load %arg14[%get3A_180, %get3A_181] {strides = array<i32>} : memref<128x128xf32, #tpu.memory_space<vmem>>, vector<1x16xf32>,
          %get3A_183 = vector.shape_cast %get3A_182 : vector<1x16xf32> to vector<16xf32>
          %get3A_184 = arith.index_cast %scan3A_179 : i32 to index
          %get3A_185 = arith.constant 0 : index
          %get3A_186 = tpu.vector_load %arg15[%get3A_184, %get3A_185] {strides = array<i32>} : memref<128x128xf32, #tpu.memory_space<vmem>>, vector<1x16xf32>,
          %get3A_187 = vector.shape_cast %get3A_186 : vector<1x16xf32> to vector<16xf32>
          %add3A_188 = arith.addf %get3A_183, %get3A_187 : vector<16xf32>
          %swap3A_189 = arith.index_cast %scan3A_179 : i32 to index
          %swap3A_190 = arith.constant 0 : index
          %swap3A_191 = tpu.vector_load %arg14[%swap3A_189, %swap3A_190] {strides = array<i32>} : memref<128x128xf32, #tpu.memory_space<vmem>>, vector<1x16xf32>,
          %swap3A_192 = vector.shape_cast %swap3A_191 : vector<1x16xf32> to vector<16xf32>
          %swap3A_193 = vector.shape_cast %add3A_188 : vector<16xf32> to vector<1x16xf32>
          tpu.vector_store %arg14[%swap3A_189, %swap3A_190], %swap3A_193 {strides = array<i32>} : memref<128x128xf32, #tpu.memory_space<vmem>>, vector<1x16xf32>,
          %get3A_194 = arith.index_cast %scan3A_179 : i32 to index
          %get3A_195 = arith.constant 16 : index
          %get3A_196 = tpu.vector_load %arg14[%get3A_194, %get3A_195] {strides = array<i32>} : memref<128x128xf32, #tpu.memory_space<vmem>>, vector<1x16xf32>,
          %get3A_197 = vector.shape_cast %get3A_196 : vector<1x16xf32> to vector<16xf32>
          %get3A_198 = arith.index_cast %scan3A_179 : i32 to index
          %get3A_199 = arith.constant 16 : index
          %get3A_200 = tpu.vector_load %arg15[%get3A_198, %get3A_199] {strides = array<i32>} : memref<128x128xf32, #tpu.memory_space<vmem>>, vector<1x16xf32>,
          %get3A_201 = vector.shape_cast %get3A_200 : vector<1x16xf32> to vector<16xf32>
          %add3A_202 = arith.addf %get3A_197, %get3A_201 : vector<16xf32>
          %swap3A_203 = arith.index_cast %scan3A_179 : i32 to index
          %swap3A_204 = arith.constant 16 : index
          %swap3A_205 = tpu.vector_load %arg14[%swap3A_203, %swap3A_204] {strides = array<i32>} : memref<128x128xf32, #tpu.memory_space<vmem>>, vector<1x16xf32>,
          %swap3A_206 = vector.shape_cast %swap3A_205 : vector<1x16xf32> to vector<16xf32>
          %swap3A_207 = vector.shape_cast %add3A_202 : vector<16xf32> to vector<1x16xf32>
          tpu.vector_store %arg14[%swap3A_203, %swap3A_204], %swap3A_207 {strides = array<i32>} : memref<128x128xf32, #tpu.memory_space<vmem>>, vector<1x16xf32>,
          %get3A_208 = arith.index_cast %scan3A_179 : i32 to index
          %get3A_209 = arith.constant 32 : index
          %get3A_210 = tpu.vector_load %arg14[%get3A_208, %get3A_209] {strides = array<i32>} : memref<128x128xf32, #tpu.memory_space<vmem>>, vector<1x16xf32>,
          %get3A_211 = vector.shape_cast %get3A_210 : vector<1x16xf32> to vector<16xf32>
          %get3A_212 = arith.index_cast %scan3A_179 : i32 to index
          %get3A_213 = arith.constant 32 : index
          %get3A_214 = tpu.vector_load %arg15[%get3A_212, %get3A_213] {strides = array<i32>} : memref<128x128xf32, #tpu.memory_space<vmem>>, vector<1x16xf32>,
          %get3A_215 = vector.shape_cast %get3A_214 : vector<1x16xf32> to vector<16xf32>
          %add3A_216 = arith.addf %get3A_211, %get3A_215 : vector<16xf32>
          %swap3A_217 = arith.index_cast %scan3A_179 : i32 to index
          %swap3A_218 = arith.constant 32 : index
          %swap3A_219 = tpu.vector_load %arg14[%swap3A_217, %swap3A_218] {strides = array<i32>} : memref<128x128xf32, #tpu.memory_space<vmem>>, vector<1x16xf32>,
          %swap3A_220 = vector.shape_cast %swap3A_219 : vector<1x16xf32> to vector<16xf32>
          %swap3A_221 = vector.shape_cast %add3A_216 : vector<16xf32> to vector<1x16xf32>
          tpu.vector_store %arg14[%swap3A_217, %swap3A_218], %swap3A_221 {strides = array<i32>} : memref<128x128xf32, #tpu.memory_space<vmem>>, vector<1x16xf32>,
          %get3A_222 = arith.index_cast %scan3A_179 : i32 to index
          %get3A_223 = arith.constant 48 : index
          %get3A_224 = tpu.vector_load %arg14[%get3A_222, %get3A_223] {strides = array<i32>} : memref<128x128xf32, #tpu.memory_space<vmem>>, vector<1x16xf32>,
          %get3A_225 = vector.shape_cast %get3A_224 : vector<1x16xf32> to vector<16xf32>
          %get3A_226 = arith.index_cast %scan3A_179 : i32 to index
          %get3A_227 = arith.constant 48 : index
          %get3A_228 = tpu.vector_load %arg15[%get3A_226, %get3A_227] {strides = array<i32>} : memref<128x128xf32, #tpu.memory_space<vmem>>, vector<1x16xf32>,
          %get3A_229 = vector.shape_cast %get3A_228 : vector<1x16xf32> to vector<16xf32>
          %add3A_230 = arith.addf %get3A_225, %get3A_229 : vector<16xf32>
          %swap3A_231 = arith.index_cast %scan3A_179 : i32 to index
          %swap3A_232 = arith.constant 48 : index
          %swap3A_233 = tpu.vector_load %arg14[%swap3A_231, %swap3A_232] {strides = array<i32>} : memref<128x128xf32, #tpu.memory_space<vmem>>, vector<1x16xf32>,
          %swap3A_234 = vector.shape_cast %swap3A_233 : vector<1x16xf32> to vector<16xf32>
          %swap3A_235 = vector.shape_cast %add3A_230 : vector<16xf32> to vector<1x16xf32>
          tpu.vector_store %arg14[%swap3A_231, %swap3A_232], %swap3A_235 {strides = array<i32>} : memref<128x128xf32, #tpu.memory_space<vmem>>, vector<1x16xf32>,
          %get3A_236 = arith.index_cast %scan3A_179 : i32 to index
          %get3A_237 = arith.constant 64 : index
          %get3A_238 = tpu.vector_load %arg14[%get3A_236, %get3A_237] {strides = array<i32>} : memref<128x128xf32, #tpu.memory_space<vmem>>, vector<1x16xf32>,
          %get3A_239 = vector.shape_cast %get3A_238 : vector<1x16xf32> to vector<16xf32>
          %get3A_240 = arith.index_cast %scan3A_179 : i32 to index
          %get3A_241 = arith.constant 64 : index
          %get3A_242 = tpu.vector_load %arg15[%get3A_240, %get3A_241] {strides = array<i32>} : memref<128x128xf32, #tpu.memory_space<vmem>>, vector<1x16xf32>,
          %get3A_243 = vector.shape_cast %get3A_242 : vector<1x16xf32> to vector<16xf32>
          %add3A_244 = arith.addf %get3A_239, %get3A_243 : vector<16xf32>
          %swap3A_245 = arith.index_cast %scan3A_179 : i32 to index
          %swap3A_246 = arith.constant 64 : index
          %swap3A_247 = tpu.vector_load %arg14[%swap3A_245, %swap3A_246] {strides = array<i32>} : memref<128x128xf32, #tpu.memory_space<vmem>>, vector<1x16xf32>,
          %swap3A_248 = vector.shape_cast %swap3A_247 : vector<1x16xf32> to vector<16xf32>
          %swap3A_249 = vector.shape_cast %add3A_244 : vector<16xf32> to vector<1x16xf32>
          tpu.vector_store %arg14[%swap3A_245, %swap3A_246], %swap3A_249 {strides = array<i32>} : memref<128x128xf32, #tpu.memory_space<vmem>>, vector<1x16xf32>,
          %get3A_250 = arith.index_cast %scan3A_179 : i32 to index
          %get3A_251 = arith.constant 80 : index
          %get3A_252 = tpu.vector_load %arg14[%get3A_250, %get3A_251] {strides = array<i32>} : memref<128x128xf32, #tpu.memory_space<vmem>>, vector<1x16xf32>,
          %get3A_253 = vector.shape_cast %get3A_252 : vector<1x16xf32> to vector<16xf32>
          %get3A_254 = arith.index_cast %scan3A_179 : i32 to index
          %get3A_255 = arith.constant 80 : index
          %get3A_256 = tpu.vector_load %arg15[%get3A_254, %get3A_255] {strides = array<i32>} : memref<128x128xf32, #tpu.memory_space<vmem>>, vector<1x16xf32>,
          %get3A_257 = vector.shape_cast %get3A_256 : vector<1x16xf32> to vector<16xf32>
          %add3A_258 = arith.addf %get3A_253, %get3A_257 : vector<16xf32>
          %swap3A_259 = arith.index_cast %scan3A_179 : i32 to index
          %swap3A_260 = arith.constant 80 : index
          %swap3A_261 = tpu.vector_load %arg14[%swap3A_259, %swap3A_260] {strides = array<i32>} : memref<128x128xf32, #tpu.memory_space<vmem>>, vector<1x16xf32>,
          %swap3A_262 = vector.shape_cast %swap3A_261 : vector<1x16xf32> to vector<16xf32>
          %swap3A_263 = vector.shape_cast %add3A_258 : vector<16xf32> to vector<1x16xf32>
          tpu.vector_store %arg14[%swap3A_259, %swap3A_260], %swap3A_263 {strides = array<i32>} : memref<128x128xf32, #tpu.memory_space<vmem>>, vector<1x16xf32>,
          %get3A_264 = arith.index_cast %scan3A_179 : i32 to index
          %get3A_265 = arith.constant 96 : index
          %get3A_266 = tpu.vector_load %arg14[%get3A_264, %get3A_265] {strides = array<i32>} : memref<128x128xf32, #tpu.memory_space<vmem>>, vector<1x16xf32>,
          %get3A_267 = vector.shape_cast %get3A_266 : vector<1x16xf32> to vector<16xf32>
          %get3A_268 = arith.index_cast %scan3A_179 : i32 to index
          %get3A_269 = arith.constant 96 : index
          %get3A_270 = tpu.vector_load %arg15[%get3A_268, %get3A_269] {strides = array<i32>} : memref<128x128xf32, #tpu.memory_space<vmem>>, vector<1x16xf32>,
          %get3A_271 = vector.shape_cast %get3A_270 : vector<1x16xf32> to vector<16xf32>
          %add3A_272 = arith.addf %get3A_267, %get3A_271 : vector<16xf32>
          %swap3A_273 = arith.index_cast %scan3A_179 : i32 to index
          %swap3A_274 = arith.constant 96 : index
          %swap3A_275 = tpu.vector_load %arg14[%swap3A_273, %swap3A_274] {strides = array<i32>} : memref<128x128xf32, #tpu.memory_space<vmem>>, vector<1x16xf32>,
          %swap3A_276 = vector.shape_cast %swap3A_275 : vector<1x16xf32> to vector<16xf32>
          %swap3A_277 = vector.shape_cast %add3A_272 : vector<16xf32> to vector<1x16xf32>
          tpu.vector_store %arg14[%swap3A_273, %swap3A_274], %swap3A_277 {strides = array<i32>} : memref<128x128xf32, #tpu.memory_space<vmem>>, vector<1x16xf32>,
          %get3A_278 = arith.index_cast %scan3A_179 : i32 to index
          %get3A_279 = arith.constant 112 : index
          %get3A_280 = tpu.vector_load %arg14[%get3A_278, %get3A_279] {strides = array<i32>} : memref<128x128xf32, #tpu.memory_space<vmem>>, vector<1x16xf32>,
          %get3A_281 = vector.shape_cast %get3A_280 : vector<1x16xf32> to vector<16xf32>
          %get3A_282 = arith.index_cast %scan3A_179 : i32 to index
          %get3A_283 = arith.constant 112 : index
          %get3A_284 = tpu.vector_load %arg15[%get3A_282, %get3A_283] {strides = array<i32>} : memref<128x128xf32, #tpu.memory_space<vmem>>, vector<1x16xf32>,
          %get3A_285 = vector.shape_cast %get3A_284 : vector<1x16xf32> to vector<16xf32>
          %add3A_286 = arith.addf %get3A_281, %get3A_285 : vector<16xf32>
          %swap3A_287 = arith.index_cast %scan3A_179 : i32 to index
          %swap3A_288 = arith.constant 112 : index
          %swap3A_289 = tpu.vector_load %arg14[%swap3A_287, %swap3A_288] {strides = array<i32>} : memref<128x128xf32, #tpu.memory_space<vmem>>, vector<1x16xf32>,
          %swap3A_290 = vector.shape_cast %swap3A_289 : vector<1x16xf32> to vector<16xf32>
          %swap3A_291 = vector.shape_cast %add3A_286 : vector<16xf32> to vector<1x16xf32>
          tpu.vector_store %arg14[%swap3A_287, %swap3A_288], %swap3A_291 {strides = array<i32>} : memref<128x128xf32, #tpu.memory_space<vmem>>, vector<1x16xf32>,
        }
        %scan3A_30 = arith.constant 128 : i32
        %get3A = arith.constant 0 : i32
        %get3A_31 = arith.index_cast %get3A : i32 to index
        %get3A_32 = arith.constant 0 : index
        %get3A_33 = tpu.vector_load %arg11[%get3A_31, %get3A_32] {strides = array<i32>} : memref<1x128xi32, #tpu.memory_space<vmem>>, vector<1x16xi32>,
        %get3A_34 = vector.shape_cast %get3A_33 : vector<1x16xi32> to vector<16xi32>
        %ge3A_35 = vector.broadcast %mul3A_2 : i32 to vector<16xi32>
        %ge3A_36 = arith.cmpi sge, %get3A_34, %ge3A_35 : vector<16xi32>
        %lt3A_37 = vector.broadcast %add3A_4 : i32 to vector<16xi32>
        %lt3A_38 = arith.cmpi slt, %get3A_34, %lt3A_37 : vector<16xi32>
        %and3A_39 = arith.andi %ge3A_36, %lt3A_38 : vector<16xi1>
        %jit3A = arith.constant 11263 : i32
        %broadcast_in_dim3A = vector.broadcast %jit3A : i32 to vector<16xi32>
        %select_n3A = arith.select %and3A_39, %get3A_34, %broadcast_in_dim3A : vector<16xi1>, vector<16xi32>
        %swap3A = arith.constant 0 : i32
        %swap3A_40 = arith.index_cast %swap3A : i32 to index
        %swap3A_41 = arith.constant 0 : index
        %swap3A_42 = tpu.vector_load %arg13[%swap3A_40, %swap3A_41] {strides = array<i32>} : memref<1x128xi32, #tpu.memory_space<vmem>>, vector<1x16xi32>,
        %swap3A_43 = vector.shape_cast %swap3A_42 : vector<1x16xi32> to vector<16xi32>
        %swap3A_44 = vector.shape_cast %select_n3A : vector<16xi32> to vector<1x16xi32>
        tpu.vector_store %arg13[%swap3A_40, %swap3A_41], %swap3A_44 {strides = array<i32>} : memref<1x128xi32, #tpu.memory_space<vmem>>, vector<1x16xi32>,
        %get3A_45 = arith.constant 0 : i32
        %get3A_46 = arith.index_cast %get3A_45 : i32 to index
        %get3A_47 = arith.constant 16 : index
        %get3A_48 = tpu.vector_load %arg11[%get3A_46, %get3A_47] {strides = array<i32>} : memref<1x128xi32, #tpu.memory_space<vmem>>, vector<1x16xi32>,
        %get3A_49 = vector.shape_cast %get3A_48 : vector<1x16xi32> to vector<16xi32>
        %ge3A_50 = vector.broadcast %mul3A_2 : i32 to vector<16xi32>
        %ge3A_51 = arith.cmpi sge, %get3A_49, %ge3A_50 : vector<16xi32>
        %lt3A_52 = vector.broadcast %add3A_4 : i32 to vector<16xi32>
        %lt3A_53 = arith.cmpi slt, %get3A_49, %lt3A_52 : vector<16xi32>
        %and3A_54 = arith.andi %ge3A_51, %lt3A_53 : vector<16xi1>
        %jit3A_55 = arith.constant 11263 : i32
        %broadcast_in_dim3A_56 = vector.broadcast %jit3A_55 : i32 to vector<16xi32>
        %select_n3A_57 = arith.select %and3A_54, %get3A_49, %broadcast_in_dim3A_56 : vector<16xi1>, vector<16xi32>
        %swap3A_58 = arith.constant 0 : i32
        %swap3A_59 = arith.index_cast %swap3A_58 : i32 to index
        %swap3A_60 = arith.constant 16 : index
        %swap3A_61 = tpu.vector_load %arg13[%swap3A_59, %swap3A_60] {strides = array<i32>} : memref<1x128xi32, #tpu.memory_space<vmem>>, vector<1x16xi32>,
        %swap3A_62 = vector.shape_cast %swap3A_61 : vector<1x16xi32> to vector<16xi32>
        %swap3A_63 = vector.shape_cast %select_n3A_57 : vector<16xi32> to vector<1x16xi32>
        tpu.vector_store %arg13[%swap3A_59, %swap3A_60], %swap3A_63 {strides = array<i32>} : memref<1x128xi32, #tpu.memory_space<vmem>>, vector<1x16xi32>,
        %get3A_64 = arith.constant 0 : i32
        %get3A_65 = arith.index_cast %get3A_64 : i32 to index
        %get3A_66 = arith.constant 32 : index
        %get3A_67 = tpu.vector_load %arg11[%get3A_65, %get3A_66] {strides = array<i32>} : memref<1x128xi32, #tpu.memory_space<vmem>>, vector<1x16xi32>,
        %get3A_68 = vector.shape_cast %get3A_67 : vector<1x16xi32> to vector<16xi32>
        %ge3A_69 = vector.broadcast %mul3A_2 : i32 to vector<16xi32>
        %ge3A_70 = arith.cmpi sge, %get3A_68, %ge3A_69 : vector<16xi32>
        %lt3A_71 = vector.broadcast %add3A_4 : i32 to vector<16xi32>
        %lt3A_72 = arith.cmpi slt, %get3A_68, %lt3A_71 : vector<16xi32>
        %and3A_73 = arith.andi %ge3A_70, %lt3A_72 : vector<16xi1>
        %jit3A_74 = arith.constant 11263 : i32
        %broadcast_in_dim3A_75 = vector.broadcast %jit3A_74 : i32 to vector<16xi32>
        %select_n3A_76 = arith.select %and3A_73, %get3A_68, %broadcast_in_dim3A_75 : vector<16xi1>, vector<16xi32>
        %swap3A_77 = arith.constant 0 : i32
        %swap3A_78 = arith.index_cast %swap3A_77 : i32 to index
        %swap3A_79 = arith.constant 32 : index
        %swap3A_80 = tpu.vector_load %arg13[%swap3A_78, %swap3A_79] {strides = array<i32>} : memref<1x128xi32, #tpu.memory_space<vmem>>, vector<1x16xi32>,
        %swap3A_81 = vector.shape_cast %swap3A_80 : vector<1x16xi32> to vector<16xi32>
        %swap3A_82 = vector.shape_cast %select_n3A_76 : vector<16xi32> to vector<1x16xi32>
        tpu.vector_store %arg13[%swap3A_78, %swap3A_79], %swap3A_82 {strides = array<i32>} : memref<1x128xi32, #tpu.memory_space<vmem>>, vector<1x16xi32>,
        %get3A_83 = arith.constant 0 : i32
        %get3A_84 = arith.index_cast %get3A_83 : i32 to index
        %get3A_85 = arith.constant 48 : index
        %get3A_86 = tpu.vector_load %arg11[%get3A_84, %get3A_85] {strides = array<i32>} : memref<1x128xi32, #tpu.memory_space<vmem>>, vector<1x16xi32>,
        %get3A_87 = vector.shape_cast %get3A_86 : vector<1x16xi32> to vector<16xi32>
        %ge3A_88 = vector.broadcast %mul3A_2 : i32 to vector<16xi32>
        %ge3A_89 = arith.cmpi sge, %get3A_87, %ge3A_88 : vector<16xi32>
        %lt3A_90 = vector.broadcast %add3A_4 : i32 to vector<16xi32>
        %lt3A_91 = arith.cmpi slt, %get3A_87, %lt3A_90 : vector<16xi32>
        %and3A_92 = arith.andi %ge3A_89, %lt3A_91 : vector<16xi1>
        %jit3A_93 = arith.constant 11263 : i32
        %broadcast_in_dim3A_94 = vector.broadcast %jit3A_93 : i32 to vector<16xi32>
        %select_n3A_95 = arith.select %and3A_92, %get3A_87, %broadcast_in_dim3A_94 : vector<16xi1>, vector<16xi32>
        %swap3A_96 = arith.constant 0 : i32
        %swap3A_97 = arith.index_cast %swap3A_96 : i32 to index
        %swap3A_98 = arith.constant 48 : index
        %swap3A_99 = tpu.vector_load %arg13[%swap3A_97, %swap3A_98] {strides = array<i32>} : memref<1x128xi32, #tpu.memory_space<vmem>>, vector<1x16xi32>,
        %swap3A_100 = vector.shape_cast %swap3A_99 : vector<1x16xi32> to vector<16xi32>
        %swap3A_101 = vector.shape_cast %select_n3A_95 : vector<16xi32> to vector<1x16xi32>
        tpu.vector_store %arg13[%swap3A_97, %swap3A_98], %swap3A_101 {strides = array<i32>} : memref<1x128xi32, #tpu.memory_space<vmem>>, vector<1x16xi32>,
        %get3A_102 = arith.constant 0 : i32
        %get3A_103 = arith.index_cast %get3A_102 : i32 to index
        %get3A_104 = arith.constant 64 : index
        %get3A_105 = tpu.vector_load %arg11[%get3A_103, %get3A_104] {strides = array<i32>} : memref<1x128xi32, #tpu.memory_space<vmem>>, vector<1x16xi32>,
        %get3A_106 = vector.shape_cast %get3A_105 : vector<1x16xi32> to vector<16xi32>
        %ge3A_107 = vector.broadcast %mul3A_2 : i32 to vector<16xi32>
        %ge3A_108 = arith.cmpi sge, %get3A_106, %ge3A_107 : vector<16xi32>
        %lt3A_109 = vector.broadcast %add3A_4 : i32 to vector<16xi32>
        %lt3A_110 = arith.cmpi slt, %get3A_106, %lt3A_109 : vector<16xi32>
        %and3A_111 = arith.andi %ge3A_108, %lt3A_110 : vector<16xi1>
        %jit3A_112 = arith.constant 11263 : i32
        %broadcast_in_dim3A_113 = vector.broadcast %jit3A_112 : i32 to vector<16xi32>
        %select_n3A_114 = arith.select %and3A_111, %get3A_106, %broadcast_in_dim3A_113 : vector<16xi1>, vector<16xi32>
        %swap3A_115 = arith.constant 0 : i32
        %swap3A_116 = arith.index_cast %swap3A_115 : i32 to index
        %swap3A_117 = arith.constant 64 : index
        %swap3A_118 = tpu.vector_load %arg13[%swap3A_116, %swap3A_117] {strides = array<i32>} : memref<1x128xi32, #tpu.memory_space<vmem>>, vector<1x16xi32>,
        %swap3A_119 = vector.shape_cast %swap3A_118 : vector<1x16xi32> to vector<16xi32>
        %swap3A_120 = vector.shape_cast %select_n3A_114 : vector<16xi32> to vector<1x16xi32>
        tpu.vector_store %arg13[%swap3A_116, %swap3A_117], %swap3A_120 {strides = array<i32>} : memref<1x128xi32, #tpu.memory_space<vmem>>, vector<1x16xi32>,
        %get3A_121 = arith.constant 0 : i32
        %get3A_122 = arith.index_cast %get3A_121 : i32 to index
        %get3A_123 = arith.constant 80 : index
        %get3A_124 = tpu.vector_load %arg11[%get3A_122, %get3A_123] {strides = array<i32>} : memref<1x128xi32, #tpu.memory_space<vmem>>, vector<1x16xi32>,
        %get3A_125 = vector.shape_cast %get3A_124 : vector<1x16xi32> to vector<16xi32>
        %ge3A_126 = vector.broadcast %mul3A_2 : i32 to vector<16xi32>
        %ge3A_127 = arith.cmpi sge, %get3A_125, %ge3A_126 : vector<16xi32>
        %lt3A_128 = vector.broadcast %add3A_4 : i32 to vector<16xi32>
        %lt3A_129 = arith.cmpi slt, %get3A_125, %lt3A_128 : vector<16xi32>
        %and3A_130 = arith.andi %ge3A_127, %lt3A_129 : vector<16xi1>
        %jit3A_131 = arith.constant 11263 : i32
        %broadcast_in_dim3A_132 = vector.broadcast %jit3A_131 : i32 to vector<16xi32>
        %select_n3A_133 = arith.select %and3A_130, %get3A_125, %broadcast_in_dim3A_132 : vector<16xi1>, vector<16xi32>
        %swap3A_134 = arith.constant 0 : i32
        %swap3A_135 = arith.index_cast %swap3A_134 : i32 to index
        %swap3A_136 = arith.constant 80 : index
        %swap3A_137 = tpu.vector_load %arg13[%swap3A_135, %swap3A_136] {strides = array<i32>} : memref<1x128xi32, #tpu.memory_space<vmem>>, vector<1x16xi32>,
        %swap3A_138 = vector.shape_cast %swap3A_137 : vector<1x16xi32> to vector<16xi32>
        %swap3A_139 = vector.shape_cast %select_n3A_133 : vector<16xi32> to vector<1x16xi32>
        tpu.vector_store %arg13[%swap3A_135, %swap3A_136], %swap3A_139 {strides = array<i32>} : memref<1x128xi32, #tpu.memory_space<vmem>>, vector<1x16xi32>,
        %get3A_140 = arith.constant 0 : i32
        %get3A_141 = arith.index_cast %get3A_140 : i32 to index
        %get3A_142 = arith.constant 96 : index
        %get3A_143 = tpu.vector_load %arg11[%get3A_141, %get3A_142] {strides = array<i32>} : memref<1x128xi32, #tpu.memory_space<vmem>>, vector<1x16xi32>,
        %get3A_144 = vector.shape_cast %get3A_143 : vector<1x16xi32> to vector<16xi32>
        %ge3A_145 = vector.broadcast %mul3A_2 : i32 to vector<16xi32>
        %ge3A_146 = arith.cmpi sge, %get3A_144, %ge3A_145 : vector<16xi32>
        %lt3A_147 = vector.broadcast %add3A_4 : i32 to vector<16xi32>
        %lt3A_148 = arith.cmpi slt, %get3A_144, %lt3A_147 : vector<16xi32>
        %and3A_149 = arith.andi %ge3A_146, %lt3A_148 : vector<16xi1>
        %jit3A_150 = arith.constant 11263 : i32
        %broadcast_in_dim3A_151 = vector.broadcast %jit3A_150 : i32 to vector<16xi32>
        %select_n3A_152 = arith.select %and3A_149, %get3A_144, %broadcast_in_dim3A_151 : vector<16xi1>, vector<16xi32>
        %swap3A_153 = arith.constant 0 : i32
        %swap3A_154 = arith.index_cast %swap3A_153 : i32 to index
        %swap3A_155 = arith.constant 96 : index
        %swap3A_156 = tpu.vector_load %arg13[%swap3A_154, %swap3A_155] {strides = array<i32>} : memref<1x128xi32, #tpu.memory_space<vmem>>, vector<1x16xi32>,
        %swap3A_157 = vector.shape_cast %swap3A_156 : vector<1x16xi32> to vector<16xi32>
        %swap3A_158 = vector.shape_cast %select_n3A_152 : vector<16xi32> to vector<1x16xi32>
        tpu.vector_store %arg13[%swap3A_154, %swap3A_155], %swap3A_158 {strides = array<i32>} : memref<1x128xi32, #tpu.memory_space<vmem>>, vector<1x16xi32>,
        %get3A_159 = arith.constant 0 : i32
        %get3A_160 = arith.index_cast %get3A_159 : i32 to index
        %get3A_161 = arith.constant 112 : index
        %get3A_162 = tpu.vector_load %arg11[%get3A_160, %get3A_161] {strides = array<i32>} : memref<1x128xi32, #tpu.memory_space<vmem>>, vector<1x16xi32>,
        %get3A_163 = vector.shape_cast %get3A_162 : vector<1x16xi32> to vector<16xi32>
        %ge3A_164 = vector.broadcast %mul3A_2 : i32 to vector<16xi32>
        %ge3A_165 = arith.cmpi sge, %get3A_163, %ge3A_164 : vector<16xi32>
        %lt3A_166 = vector.broadcast %add3A_4 : i32 to vector<16xi32>
        %lt3A_167 = arith.cmpi slt, %get3A_163, %lt3A_166 : vector<16xi32>
        %and3A_168 = arith.andi %ge3A_165, %lt3A_167 : vector<16xi1>
        %jit3A_169 = arith.constant 11263 : i32
        %broadcast_in_dim3A_170 = vector.broadcast %jit3A_169 : i32 to vector<16xi32>
        %select_n3A_171 = arith.select %and3A_168, %get3A_163, %broadcast_in_dim3A_170 : vector<16xi1>, vector<16xi32>
        %swap3A_172 = arith.constant 0 : i32
        %swap3A_173 = arith.index_cast %swap3A_172 : i32 to index
        %swap3A_174 = arith.constant 112 : index
        %swap3A_175 = tpu.vector_load %arg13[%swap3A_173, %swap3A_174] {strides = array<i32>} : memref<1x128xi32, #tpu.memory_space<vmem>>, vector<1x16xi32>,
        %swap3A_176 = vector.shape_cast %swap3A_175 : vector<1x16xi32> to vector<16xi32>
        %swap3A_177 = vector.shape_cast %select_n3A_171 : vector<16xi32> to vector<1x16xi32>
        tpu.vector_store %arg13[%swap3A_173, %swap3A_174], %swap3A_177 {strides = array<i32>} : memref<1x128xi32, #tpu.memory_space<vmem>>, vector<1x16xi32>,
        %run_scoped3A_178 = arith.constant 0 : i32
        "tpu.region"() ({
          %run_scoped3A_179 = tpu.sem_alloc : memref<!tpu.dma_semaphore, #tpu.memory_space<semaphore_mem>>
          %dma_start3A = arith.constant 0 : i32
          %dma_start3A_180 = tpu.memref_slice %arg13[%run_scoped3A_178, %dma_start3A] : memref<1x128xi32, #tpu.memory_space<vmem>> -> memref<1x128xi32, #tpu.memory_space<vmem>>
          %dma_start3A_181 = tpu.memref_squeeze %dma_start3A_180 : memref<1x128xi32, #tpu.memory_space<vmem>> -> memref<128xi32, #tpu.memory_space<vmem>>
          %dma_start3A_182 = arith.constant 0 : i32
          %dma_start3A_183 = arith.constant 0 : i32
          %dma_start3A_184 = tpu.memref_slice %arg17[%dma_start3A_182, %dma_start3A_183] : memref<11264x128xf32, #tpu.memory_space<vmem_shared>> -> memref<11264x128xf32, #tpu.memory_space<vmem_shared>>
          tpu.enqueue_indirect_dma source(%arg14 : memref<128x128xf32, #tpu.memory_space<vmem>>) target(%dma_start3A_184 : memref<11264x128xf32, #tpu.memory_space<vmem_shared>>) offsets(%dma_start3A_181 : memref<128xi32, #tpu.memory_space<vmem>>) semaphore(%run_scoped3A_179 : memref<!tpu.dma_semaphore, #tpu.memory_space<semaphore_mem>>) {add = true}
          %dma_wait3A = arith.constant 0 : i32
          %dma_wait3A_185 = tpu.memref_slice %arg13[%run_scoped3A_178, %dma_wait3A] : memref<1x128xi32, #tpu.memory_space<vmem>> -> memref<1x128xi32, #tpu.memory_space<vmem>>
          %dma_wait3A_186 = tpu.memref_squeeze %dma_wait3A_185 : memref<1x128xi32, #tpu.memory_space<vmem>> -> memref<128xi32, #tpu.memory_space<vmem>>
          %dma_wait3A_187 = arith.constant 0 : i32
          %dma_wait3A_188 = arith.constant 0 : i32
          %dma_wait3A_189 = tpu.memref_slice %arg17[%dma_wait3A_187, %dma_wait3A_188] : memref<11264x128xf32, #tpu.memory_space<vmem_shared>> -> memref<11264x128xf32, #tpu.memory_space<vmem_shared>>
          tpu.wait_indirect_dma semaphore(%run_scoped3A_179 : memref<!tpu.dma_semaphore, #tpu.memory_space<semaphore_mem>>) src(%arg14 : memref<128x128xf32, #tpu.memory_space<vmem>>) dst(%dma_wait3A_189 : memref<11264x128xf32, #tpu.memory_space<vmem_shared>>)
          tpu.yield
        }) : () -> ()
      } else {
      }
    }
    %scan3A_15 = arith.constant 2579 : i32
    %barrier3A_16 = arith.constant 0 : index
    tpu.barrier barrier_id(%barrier3A_16)
    "tpu.region"() ({
      %run_scoped3A = tpu.sem_alloc : memref<!tpu.dma_semaphore, #tpu.memory_space<semaphore_mem>>
      %dma_start3A = arith.constant 0 : i32
      %dma_start3A_17 = tpu.memref_slice %arg9[%mul3A_2, %dma_start3A] : memref<11264x128xf32, #tpu.memory_space<hbm>> -> memref<352x128xf32, #tpu.memory_space<hbm>>
      %dma_start3A_18 = arith.constant 0 : i32
      %dma_start3A_19 = tpu.memref_slice %arg17[%mul3A_2, %dma_start3A_18] : memref<11264x128xf32, #tpu.memory_space<vmem_shared>> -> memref<352x128xf32, #tpu.memory_space<vmem_shared>>
      tpu.enqueue_dma source(%dma_start3A_19 : memref<352x128xf32, #tpu.memory_space<vmem_shared>>) target(%dma_start3A_17 : memref<352x128xf32, #tpu.memory_space<hbm>>) target_semaphore(%run_scoped3A : memref<!tpu.dma_semaphore, #tpu.memory_space<semaphore_mem>>)
      %dma_wait3A = arith.constant 0 : i32
      %dma_wait3A_20 = tpu.memref_slice %arg9[%mul3A_2, %dma_wait3A] : memref<11264x128xf32, #tpu.memory_space<hbm>> -> memref<352x128xf32, #tpu.memory_space<hbm>>
      %dma_wait3A_21 = arith.constant 0 : i32
      %dma_wait3A_22 = tpu.memref_slice %arg17[%mul3A_2, %dma_wait3A_21] : memref<11264x128xf32, #tpu.memory_space<vmem_shared>> -> memref<352x128xf32, #tpu.memory_space<vmem_shared>>
      tpu.wait_dma2 semaphore(%run_scoped3A : memref<!tpu.dma_semaphore, #tpu.memory_space<semaphore_mem>>) src(%dma_wait3A_22 : memref<352x128xf32, #tpu.memory_space<vmem_shared>>) dst(%dma_wait3A_20 : memref<352x128xf32, #tpu.memory_space<hbm>>)
      tpu.yield
    }) : () -> ()
    return
  }
}

#map = affine_map<(d0, d1) -> (0, 0)>
#map1 = affine_map<(d0, d1) -> (0)>
module attributes {stable_mosaic.version = 14 : i64} {
  func.func @_agg_body(%arg0: i32, %arg1: i32, %arg2: memref<11264x128xf32, #tpu.memory_space<hbm>>, %arg3: memref<330112xi32, #tpu.memory_space<hbm>>, %arg4: memref<330112xi32, #tpu.memory_space<hbm>>, %arg5: memref<330112xi32, #tpu.memory_space<hbm>>, %arg6: memref<16x128xf32, #tpu.memory_space<hbm>>, %arg7: memref<11264x128xf32, #tpu.memory_space<hbm>>, %arg8: memref<32x16xi32, #tpu.memory_space<hbm>>, %arg9: memref<11264x128xf32, #tpu.memory_space<hbm>>, %arg10: memref<1x128xi32, #tpu.memory_space<vmem>>, %arg11: memref<1x128xi32, #tpu.memory_space<vmem>>, %arg12: memref<1x128xi32, #tpu.memory_space<vmem>>, %arg13: memref<1x128xi32, #tpu.memory_space<vmem>>, %arg14: memref<128x128xf32, #tpu.memory_space<vmem>>, %arg15: memref<128x128xf32, #tpu.memory_space<vmem>>, %arg16: memref<32x16xi32, #tpu.memory_space<vmem>>, %arg17: memref<11264x128xf32, #tpu.memory_space<vmem_shared>>) attributes {dimension_semantics = [#tpu.dimension_semantics<core_parallel>, #tpu.dimension_semantics<subcore_parallel>], iteration_bounds = array<i64: 2, 16>, scalar_prefetch = 0 : i64, scratch_operands = 8 : i64, tpu.core_type = #tpu.core_type<sc_vector_subcore>, window_params = [{transform_indices = #map}, {transform_indices = #map1}, {transform_indices = #map1}, {transform_indices = #map1}, {transform_indices = #map}, {transform_indices = #map}, {transform_indices = #map}, {transform_indices = #map}]} {
    %mul3A = arith.constant 2 : i32
    %mul3A_0 = arith.muli %arg1, %mul3A : i32
    %add3A = arith.addi %mul3A_0, %arg0 : i32
    %mul3A_1 = arith.constant 352 : i32
    %mul3A_2 = arith.muli %add3A, %mul3A_1 : i32
    %add3A_3 = arith.constant 352 : i32
    %add3A_4 = arith.addi %mul3A_2, %add3A_3 : i32
    "tpu.region"() ({
      %run_scoped3A = tpu.sem_alloc : memref<!tpu.dma_semaphore, #tpu.memory_space<semaphore_mem>>
      tpu.enqueue_dma source(%arg8 : memref<32x16xi32, #tpu.memory_space<hbm>>) target(%arg16 : memref<32x16xi32, #tpu.memory_space<vmem>>) target_semaphore(%run_scoped3A : memref<!tpu.dma_semaphore, #tpu.memory_space<semaphore_mem>>)
      tpu.wait_dma2 semaphore(%run_scoped3A : memref<!tpu.dma_semaphore, #tpu.memory_space<semaphore_mem>>) src(%arg8 : memref<32x16xi32, #tpu.memory_space<hbm>>) dst(%arg16 : memref<32x16xi32, #tpu.memory_space<vmem>>)
      tpu.yield
    }) : () -> ()
    "tpu.region"() ({
      %run_scoped3A = tpu.sem_alloc : memref<!tpu.dma_semaphore, #tpu.memory_space<semaphore_mem>>
      %dma_start3A = arith.constant 0 : i32
      %dma_start3A_17 = tpu.memref_slice %arg17[%mul3A_2, %dma_start3A] : memref<11264x128xf32, #tpu.memory_space<vmem_shared>> -> memref<352x128xf32, #tpu.memory_space<vmem_shared>>
      %dma_start3A_18 = arith.constant 0 : i32
      %dma_start3A_19 = tpu.memref_slice %arg7[%mul3A_2, %dma_start3A_18] : memref<11264x128xf32, #tpu.memory_space<hbm>> -> memref<352x128xf32, #tpu.memory_space<hbm>>
      tpu.enqueue_dma source(%dma_start3A_19 : memref<352x128xf32, #tpu.memory_space<hbm>>) target(%dma_start3A_17 : memref<352x128xf32, #tpu.memory_space<vmem_shared>>) target_semaphore(%run_scoped3A : memref<!tpu.dma_semaphore, #tpu.memory_space<semaphore_mem>>)
      %dma_wait3A = arith.constant 0 : i32
      %dma_wait3A_20 = tpu.memref_slice %arg17[%mul3A_2, %dma_wait3A] : memref<11264x128xf32, #tpu.memory_space<vmem_shared>> -> memref<352x128xf32, #tpu.memory_space<vmem_shared>>
      %dma_wait3A_21 = arith.constant 0 : i32
      %dma_wait3A_22 = tpu.memref_slice %arg7[%mul3A_2, %dma_wait3A_21] : memref<11264x128xf32, #tpu.memory_space<hbm>> -> memref<352x128xf32, #tpu.memory_space<hbm>>
      tpu.wait_dma2 semaphore(%run_scoped3A : memref<!tpu.dma_semaphore, #tpu.memory_space<semaphore_mem>>) src(%dma_wait3A_22 : memref<352x128xf32, #tpu.memory_space<hbm>>) dst(%dma_wait3A_20 : memref<352x128xf32, #tpu.memory_space<vmem_shared>>)
      tpu.yield
    }) : () -> ()
    %barrier3A = arith.constant 0 : index
    tpu.barrier barrier_id(%barrier3A)
    %mul3A_5 = arith.constant 0 : i32
    %mul3A_6 = arith.muli %add3A, %mul3A_5 : i32
    %mul3A_7 = arith.constant 0 : i32
    %mul3A_8 = arith.muli %add3A, %mul3A_7 : i32
    %add3A_9 = arith.constant 2579 : i32
    %add3A_10 = arith.addi %add3A_9, %mul3A_8 : i32
    %scan3A = arith.constant 0 : i32
    %scan3A_11 = arith.constant 0 : i32
    %scan3A_12 = arith.constant 2579 : i32
    %scan3A_13 = arith.addi %scan3A_11, %scan3A_12 : i32
    %scan3A_14 = arith.constant 1 : i32
    scf.for %scan3A_17 = %scan3A_11 to %scan3A_13 step %scan3A_14  : i32 {
      %ge3A = arith.cmpi sge, %scan3A_17, %mul3A_6 : i32
      %lt3A = arith.cmpi slt, %scan3A_17, %add3A_10 : i32
      %and3A = arith.andi %ge3A, %lt3A : i1
      %convert_element_type3A = arith.extui %and3A : i1 to i32
      %cond3A = arith.constant 0 : i32
      %cond3A_18 = arith.cmpi ne, %convert_element_type3A, %cond3A : i32
      scf.if %cond3A_18 {
        %mul3A_19 = arith.constant 128 : i32
        %mul3A_20 = arith.muli %scan3A_17, %mul3A_19 : i32
        %run_scoped3A = arith.constant 0 : i32
        "tpu.region"() ({
          %run_scoped3A_179 = tpu.sem_alloc : memref<!tpu.dma_semaphore, #tpu.memory_space<semaphore_mem>>
          %dma_start3A = arith.constant 0 : i32
          %dma_start3A_180 = tpu.memref_slice %arg10[%run_scoped3A, %dma_start3A] : memref<1x128xi32, #tpu.memory_space<vmem>> -> memref<1x128xi32, #tpu.memory_space<vmem>>
          %dma_start3A_181 = tpu.memref_squeeze %dma_start3A_180 : memref<1x128xi32, #tpu.memory_space<vmem>> -> memref<128xi32, #tpu.memory_space<vmem>>
          %dma_start3A_182 = tpu.memref_slice %arg3[%mul3A_20] : memref<330112xi32, #tpu.memory_space<hbm>> -> memref<128xi32, #tpu.memory_space<hbm>>
          %dma_start3A_183 = arith.constant 0 : i32
          %dma_start3A_184 = tpu.memref_slice %arg10[%run_scoped3A, %dma_start3A_183] : memref<1x128xi32, #tpu.memory_space<vmem>> -> memref<1x128xi32, #tpu.memory_space<vmem>>
          %dma_start3A_185 = tpu.memref_squeeze %dma_start3A_184 : memref<1x128xi32, #tpu.memory_space<vmem>> -> memref<128xi32, #tpu.memory_space<vmem>>
          %dma_start3A_186 = tpu.memref_slice %arg3[%mul3A_20] : memref<330112xi32, #tpu.memory_space<hbm>> -> memref<128xi32, #tpu.memory_space<hbm>>
          tpu.enqueue_dma source(%dma_start3A_186 : memref<128xi32, #tpu.memory_space<hbm>>) target(%dma_start3A_185 : memref<128xi32, #tpu.memory_space<vmem>>) target_semaphore(%run_scoped3A_179 : memref<!tpu.dma_semaphore, #tpu.memory_space<semaphore_mem>>)
          %dma_wait3A = arith.constant 0 : i32
          %dma_wait3A_187 = tpu.memref_slice %arg10[%run_scoped3A, %dma_wait3A] : memref<1x128xi32, #tpu.memory_space<vmem>> -> memref<1x128xi32, #tpu.memory_space<vmem>>
          %dma_wait3A_188 = tpu.memref_squeeze %dma_wait3A_187 : memref<1x128xi32, #tpu.memory_space<vmem>> -> memref<128xi32, #tpu.memory_space<vmem>>
          %dma_wait3A_189 = tpu.memref_slice %arg3[%mul3A_20] : memref<330112xi32, #tpu.memory_space<hbm>> -> memref<128xi32, #tpu.memory_space<hbm>>
          %dma_wait3A_190 = arith.constant 0 : i32
          %dma_wait3A_191 = tpu.memref_slice %arg10[%run_scoped3A, %dma_wait3A_190] : memref<1x128xi32, #tpu.memory_space<vmem>> -> memref<1x128xi32, #tpu.memory_space<vmem>>
          %dma_wait3A_192 = tpu.memref_squeeze %dma_wait3A_191 : memref<1x128xi32, #tpu.memory_space<vmem>> -> memref<128xi32, #tpu.memory_space<vmem>>
          %dma_wait3A_193 = tpu.memref_slice %arg3[%mul3A_20] : memref<330112xi32, #tpu.memory_space<hbm>> -> memref<128xi32, #tpu.memory_space<hbm>>
          tpu.wait_dma2 semaphore(%run_scoped3A_179 : memref<!tpu.dma_semaphore, #tpu.memory_space<semaphore_mem>>) src(%dma_wait3A_193 : memref<128xi32, #tpu.memory_space<hbm>>) dst(%dma_wait3A_192 : memref<128xi32, #tpu.memory_space<vmem>>)
          tpu.yield
        }) : () -> ()
        %run_scoped3A_21 = arith.constant 0 : i32
        "tpu.region"() ({
          %run_scoped3A_179 = tpu.sem_alloc : memref<!tpu.dma_semaphore, #tpu.memory_space<semaphore_mem>>
          %dma_start3A = arith.constant 0 : i32
          %dma_start3A_180 = tpu.memref_slice %arg11[%run_scoped3A_21, %dma_start3A] : memref<1x128xi32, #tpu.memory_space<vmem>> -> memref<1x128xi32, #tpu.memory_space<vmem>>
          %dma_start3A_181 = tpu.memref_squeeze %dma_start3A_180 : memref<1x128xi32, #tpu.memory_space<vmem>> -> memref<128xi32, #tpu.memory_space<vmem>>
          %dma_start3A_182 = tpu.memref_slice %arg4[%mul3A_20] : memref<330112xi32, #tpu.memory_space<hbm>> -> memref<128xi32, #tpu.memory_space<hbm>>
          %dma_start3A_183 = arith.constant 0 : i32
          %dma_start3A_184 = tpu.memref_slice %arg11[%run_scoped3A_21, %dma_start3A_183] : memref<1x128xi32, #tpu.memory_space<vmem>> -> memref<1x128xi32, #tpu.memory_space<vmem>>
          %dma_start3A_185 = tpu.memref_squeeze %dma_start3A_184 : memref<1x128xi32, #tpu.memory_space<vmem>> -> memref<128xi32, #tpu.memory_space<vmem>>
          %dma_start3A_186 = tpu.memref_slice %arg4[%mul3A_20] : memref<330112xi32, #tpu.memory_space<hbm>> -> memref<128xi32, #tpu.memory_space<hbm>>
          tpu.enqueue_dma source(%dma_start3A_186 : memref<128xi32, #tpu.memory_space<hbm>>) target(%dma_start3A_185 : memref<128xi32, #tpu.memory_space<vmem>>) target_semaphore(%run_scoped3A_179 : memref<!tpu.dma_semaphore, #tpu.memory_space<semaphore_mem>>)
          %dma_wait3A = arith.constant 0 : i32
          %dma_wait3A_187 = tpu.memref_slice %arg11[%run_scoped3A_21, %dma_wait3A] : memref<1x128xi32, #tpu.memory_space<vmem>> -> memref<1x128xi32, #tpu.memory_space<vmem>>
          %dma_wait3A_188 = tpu.memref_squeeze %dma_wait3A_187 : memref<1x128xi32, #tpu.memory_space<vmem>> -> memref<128xi32, #tpu.memory_space<vmem>>
          %dma_wait3A_189 = tpu.memref_slice %arg4[%mul3A_20] : memref<330112xi32, #tpu.memory_space<hbm>> -> memref<128xi32, #tpu.memory_space<hbm>>
          %dma_wait3A_190 = arith.constant 0 : i32
          %dma_wait3A_191 = tpu.memref_slice %arg11[%run_scoped3A_21, %dma_wait3A_190] : memref<1x128xi32, #tpu.memory_space<vmem>> -> memref<1x128xi32, #tpu.memory_space<vmem>>
          %dma_wait3A_192 = tpu.memref_squeeze %dma_wait3A_191 : memref<1x128xi32, #tpu.memory_space<vmem>> -> memref<128xi32, #tpu.memory_space<vmem>>
          %dma_wait3A_193 = tpu.memref_slice %arg4[%mul3A_20] : memref<330112xi32, #tpu.memory_space<hbm>> -> memref<128xi32, #tpu.memory_space<hbm>>
          tpu.wait_dma2 semaphore(%run_scoped3A_179 : memref<!tpu.dma_semaphore, #tpu.memory_space<semaphore_mem>>) src(%dma_wait3A_193 : memref<128xi32, #tpu.memory_space<hbm>>) dst(%dma_wait3A_192 : memref<128xi32, #tpu.memory_space<vmem>>)
          tpu.yield
        }) : () -> ()
        %run_scoped3A_22 = arith.constant 0 : i32
        "tpu.region"() ({
          %run_scoped3A_179 = tpu.sem_alloc : memref<!tpu.dma_semaphore, #tpu.memory_space<semaphore_mem>>
          %dma_start3A = arith.constant 0 : i32
          %dma_start3A_180 = tpu.memref_slice %arg12[%run_scoped3A_22, %dma_start3A] : memref<1x128xi32, #tpu.memory_space<vmem>> -> memref<1x128xi32, #tpu.memory_space<vmem>>
          %dma_start3A_181 = tpu.memref_squeeze %dma_start3A_180 : memref<1x128xi32, #tpu.memory_space<vmem>> -> memref<128xi32, #tpu.memory_space<vmem>>
          %dma_start3A_182 = tpu.memref_slice %arg5[%mul3A_20] : memref<330112xi32, #tpu.memory_space<hbm>> -> memref<128xi32, #tpu.memory_space<hbm>>
          %dma_start3A_183 = arith.constant 0 : i32
          %dma_start3A_184 = tpu.memref_slice %arg12[%run_scoped3A_22, %dma_start3A_183] : memref<1x128xi32, #tpu.memory_space<vmem>> -> memref<1x128xi32, #tpu.memory_space<vmem>>
          %dma_start3A_185 = tpu.memref_squeeze %dma_start3A_184 : memref<1x128xi32, #tpu.memory_space<vmem>> -> memref<128xi32, #tpu.memory_space<vmem>>
          %dma_start3A_186 = tpu.memref_slice %arg5[%mul3A_20] : memref<330112xi32, #tpu.memory_space<hbm>> -> memref<128xi32, #tpu.memory_space<hbm>>
          tpu.enqueue_dma source(%dma_start3A_186 : memref<128xi32, #tpu.memory_space<hbm>>) target(%dma_start3A_185 : memref<128xi32, #tpu.memory_space<vmem>>) target_semaphore(%run_scoped3A_179 : memref<!tpu.dma_semaphore, #tpu.memory_space<semaphore_mem>>)
          %dma_wait3A = arith.constant 0 : i32
          %dma_wait3A_187 = tpu.memref_slice %arg12[%run_scoped3A_22, %dma_wait3A] : memref<1x128xi32, #tpu.memory_space<vmem>> -> memref<1x128xi32, #tpu.memory_space<vmem>>
          %dma_wait3A_188 = tpu.memref_squeeze %dma_wait3A_187 : memref<1x128xi32, #tpu.memory_space<vmem>> -> memref<128xi32, #tpu.memory_space<vmem>>
          %dma_wait3A_189 = tpu.memref_slice %arg5[%mul3A_20] : memref<330112xi32, #tpu.memory_space<hbm>> -> memref<128xi32, #tpu.memory_space<hbm>>
          %dma_wait3A_190 = arith.constant 0 : i32
          %dma_wait3A_191 = tpu.memref_slice %arg12[%run_scoped3A_22, %dma_wait3A_190] : memref<1x128xi32, #tpu.memory_space<vmem>> -> memref<1x128xi32, #tpu.memory_space<vmem>>
          %dma_wait3A_192 = tpu.memref_squeeze %dma_wait3A_191 : memref<1x128xi32, #tpu.memory_space<vmem>> -> memref<128xi32, #tpu.memory_space<vmem>>
          %dma_wait3A_193 = tpu.memref_slice %arg5[%mul3A_20] : memref<330112xi32, #tpu.memory_space<hbm>> -> memref<128xi32, #tpu.memory_space<hbm>>
          tpu.wait_dma2 semaphore(%run_scoped3A_179 : memref<!tpu.dma_semaphore, #tpu.memory_space<semaphore_mem>>) src(%dma_wait3A_193 : memref<128xi32, #tpu.memory_space<hbm>>) dst(%dma_wait3A_192 : memref<128xi32, #tpu.memory_space<vmem>>)
          tpu.yield
        }) : () -> ()
        %run_scoped3A_23 = arith.constant 0 : i32
        "tpu.region"() ({
          %run_scoped3A_179 = tpu.sem_alloc : memref<!tpu.dma_semaphore, #tpu.memory_space<semaphore_mem>>
          %dma_start3A = arith.constant 0 : i32
          %dma_start3A_180 = tpu.memref_slice %arg10[%run_scoped3A_23, %dma_start3A] : memref<1x128xi32, #tpu.memory_space<vmem>> -> memref<1x128xi32, #tpu.memory_space<vmem>>
          %dma_start3A_181 = tpu.memref_squeeze %dma_start3A_180 : memref<1x128xi32, #tpu.memory_space<vmem>> -> memref<128xi32, #tpu.memory_space<vmem>>
          %dma_start3A_182 = arith.constant 0 : i32
          %dma_start3A_183 = arith.constant 0 : i32
          %dma_start3A_184 = tpu.memref_slice %arg2[%dma_start3A_182, %dma_start3A_183] : memref<11264x128xf32, #tpu.memory_space<hbm>> -> memref<11264x128xf32, #tpu.memory_space<hbm>>
          tpu.enqueue_indirect_dma source(%dma_start3A_184 : memref<11264x128xf32, #tpu.memory_space<hbm>>) target(%arg14 : memref<128x128xf32, #tpu.memory_space<vmem>>) offsets(%dma_start3A_181 : memref<128xi32, #tpu.memory_space<vmem>>) semaphore(%run_scoped3A_179 : memref<!tpu.dma_semaphore, #tpu.memory_space<semaphore_mem>>)
          %dma_wait3A = arith.constant 0 : i32
          %dma_wait3A_185 = tpu.memref_slice %arg10[%run_scoped3A_23, %dma_wait3A] : memref<1x128xi32, #tpu.memory_space<vmem>> -> memref<1x128xi32, #tpu.memory_space<vmem>>
          %dma_wait3A_186 = tpu.memref_squeeze %dma_wait3A_185 : memref<1x128xi32, #tpu.memory_space<vmem>> -> memref<128xi32, #tpu.memory_space<vmem>>
          %dma_wait3A_187 = arith.constant 0 : i32
          %dma_wait3A_188 = arith.constant 0 : i32
          %dma_wait3A_189 = tpu.memref_slice %arg2[%dma_wait3A_187, %dma_wait3A_188] : memref<11264x128xf32, #tpu.memory_space<hbm>> -> memref<11264x128xf32, #tpu.memory_space<hbm>>
          tpu.wait_indirect_dma semaphore(%run_scoped3A_179 : memref<!tpu.dma_semaphore, #tpu.memory_space<semaphore_mem>>) src(%dma_wait3A_189 : memref<11264x128xf32, #tpu.memory_space<hbm>>) dst(%arg14 : memref<128x128xf32, #tpu.memory_space<vmem>>)
          tpu.yield
        }) : () -> ()
        %run_scoped3A_24 = arith.constant 0 : i32
        "tpu.region"() ({
          %run_scoped3A_179 = tpu.sem_alloc : memref<!tpu.dma_semaphore, #tpu.memory_space<semaphore_mem>>
          %dma_start3A = arith.constant 0 : i32
          %dma_start3A_180 = tpu.memref_slice %arg12[%run_scoped3A_24, %dma_start3A] : memref<1x128xi32, #tpu.memory_space<vmem>> -> memref<1x128xi32, #tpu.memory_space<vmem>>
          %dma_start3A_181 = tpu.memref_squeeze %dma_start3A_180 : memref<1x128xi32, #tpu.memory_space<vmem>> -> memref<128xi32, #tpu.memory_space<vmem>>
          %dma_start3A_182 = arith.constant 0 : i32
          %dma_start3A_183 = arith.constant 0 : i32
          %dma_start3A_184 = tpu.memref_slice %arg6[%dma_start3A_182, %dma_start3A_183] : memref<16x128xf32, #tpu.memory_space<hbm>> -> memref<16x128xf32, #tpu.memory_space<hbm>>
          tpu.enqueue_indirect_dma source(%dma_start3A_184 : memref<16x128xf32, #tpu.memory_space<hbm>>) target(%arg15 : memref<128x128xf32, #tpu.memory_space<vmem>>) offsets(%dma_start3A_181 : memref<128xi32, #tpu.memory_space<vmem>>) semaphore(%run_scoped3A_179 : memref<!tpu.dma_semaphore, #tpu.memory_space<semaphore_mem>>)
          %dma_wait3A = arith.constant 0 : i32
          %dma_wait3A_185 = tpu.memref_slice %arg12[%run_scoped3A_24, %dma_wait3A] : memref<1x128xi32, #tpu.memory_space<vmem>> -> memref<1x128xi32, #tpu.memory_space<vmem>>
          %dma_wait3A_186 = tpu.memref_squeeze %dma_wait3A_185 : memref<1x128xi32, #tpu.memory_space<vmem>> -> memref<128xi32, #tpu.memory_space<vmem>>
          %dma_wait3A_187 = arith.constant 0 : i32
          %dma_wait3A_188 = arith.constant 0 : i32
          %dma_wait3A_189 = tpu.memref_slice %arg6[%dma_wait3A_187, %dma_wait3A_188] : memref<16x128xf32, #tpu.memory_space<hbm>> -> memref<16x128xf32, #tpu.memory_space<hbm>>
          tpu.wait_indirect_dma semaphore(%run_scoped3A_179 : memref<!tpu.dma_semaphore, #tpu.memory_space<semaphore_mem>>) src(%dma_wait3A_189 : memref<16x128xf32, #tpu.memory_space<hbm>>) dst(%arg15 : memref<128x128xf32, #tpu.memory_space<vmem>>)
          tpu.yield
        }) : () -> ()
        %scan3A_25 = arith.constant 0 : i32
        %scan3A_26 = arith.constant 0 : i32
        %scan3A_27 = arith.constant 128 : i32
        %scan3A_28 = arith.addi %scan3A_26, %scan3A_27 : i32
        %scan3A_29 = arith.constant 1 : i32
        scf.for %scan3A_179 = %scan3A_26 to %scan3A_28 step %scan3A_29  : i32 {
          %get3A_180 = arith.index_cast %scan3A_179 : i32 to index
          %get3A_181 = arith.constant 0 : index
          %get3A_182 = tpu.vector_load %arg14[%get3A_180, %get3A_181] {strides = array<i32>} : memref<128x128xf32, #tpu.memory_space<vmem>>, vector<1x16xf32>,
          %get3A_183 = vector.shape_cast %get3A_182 : vector<1x16xf32> to vector<16xf32>
          %get3A_184 = arith.index_cast %scan3A_179 : i32 to index
          %get3A_185 = arith.constant 0 : index
          %get3A_186 = tpu.vector_load %arg15[%get3A_184, %get3A_185] {strides = array<i32>} : memref<128x128xf32, #tpu.memory_space<vmem>>, vector<1x16xf32>,
          %get3A_187 = vector.shape_cast %get3A_186 : vector<1x16xf32> to vector<16xf32>
          %add3A_188 = arith.addf %get3A_183, %get3A_187 : vector<16xf32>
          %swap3A_189 = arith.index_cast %scan3A_179 : i32 to index
          %swap3A_190 = arith.constant 0 : index
          %swap3A_191 = tpu.vector_load %arg14[%swap3A_189, %swap3A_190] {strides = array<i32>} : memref<128x128xf32, #tpu.memory_space<vmem>>, vector<1x16xf32>,
          %swap3A_192 = vector.shape_cast %swap3A_191 : vector<1x16xf32> to vector<16xf32>
          %swap3A_193 = vector.shape_cast %add3A_188 : vector<16xf32> to vector<1x16xf32>
          tpu.vector_store %arg14[%swap3A_189, %swap3A_190], %swap3A_193 {strides = array<i32>} : memref<128x128xf32, #tpu.memory_space<vmem>>, vector<1x16xf32>,
          %get3A_194 = arith.index_cast %scan3A_179 : i32 to index
          %get3A_195 = arith.constant 16 : index
          %get3A_196 = tpu.vector_load %arg14[%get3A_194, %get3A_195] {strides = array<i32>} : memref<128x128xf32, #tpu.memory_space<vmem>>, vector<1x16xf32>,
          %get3A_197 = vector.shape_cast %get3A_196 : vector<1x16xf32> to vector<16xf32>
          %get3A_198 = arith.index_cast %scan3A_179 : i32 to index
          %get3A_199 = arith.constant 16 : index
          %get3A_200 = tpu.vector_load %arg15[%get3A_198, %get3A_199] {strides = array<i32>} : memref<128x128xf32, #tpu.memory_space<vmem>>, vector<1x16xf32>,
          %get3A_201 = vector.shape_cast %get3A_200 : vector<1x16xf32> to vector<16xf32>
          %add3A_202 = arith.addf %get3A_197, %get3A_201 : vector<16xf32>
          %swap3A_203 = arith.index_cast %scan3A_179 : i32 to index
          %swap3A_204 = arith.constant 16 : index
          %swap3A_205 = tpu.vector_load %arg14[%swap3A_203, %swap3A_204] {strides = array<i32>} : memref<128x128xf32, #tpu.memory_space<vmem>>, vector<1x16xf32>,
          %swap3A_206 = vector.shape_cast %swap3A_205 : vector<1x16xf32> to vector<16xf32>
          %swap3A_207 = vector.shape_cast %add3A_202 : vector<16xf32> to vector<1x16xf32>
          tpu.vector_store %arg14[%swap3A_203, %swap3A_204], %swap3A_207 {strides = array<i32>} : memref<128x128xf32, #tpu.memory_space<vmem>>, vector<1x16xf32>,
          %get3A_208 = arith.index_cast %scan3A_179 : i32 to index
          %get3A_209 = arith.constant 32 : index
          %get3A_210 = tpu.vector_load %arg14[%get3A_208, %get3A_209] {strides = array<i32>} : memref<128x128xf32, #tpu.memory_space<vmem>>, vector<1x16xf32>,
          %get3A_211 = vector.shape_cast %get3A_210 : vector<1x16xf32> to vector<16xf32>
          %get3A_212 = arith.index_cast %scan3A_179 : i32 to index
          %get3A_213 = arith.constant 32 : index
          %get3A_214 = tpu.vector_load %arg15[%get3A_212, %get3A_213] {strides = array<i32>} : memref<128x128xf32, #tpu.memory_space<vmem>>, vector<1x16xf32>,
          %get3A_215 = vector.shape_cast %get3A_214 : vector<1x16xf32> to vector<16xf32>
          %add3A_216 = arith.addf %get3A_211, %get3A_215 : vector<16xf32>
          %swap3A_217 = arith.index_cast %scan3A_179 : i32 to index
          %swap3A_218 = arith.constant 32 : index
          %swap3A_219 = tpu.vector_load %arg14[%swap3A_217, %swap3A_218] {strides = array<i32>} : memref<128x128xf32, #tpu.memory_space<vmem>>, vector<1x16xf32>,
          %swap3A_220 = vector.shape_cast %swap3A_219 : vector<1x16xf32> to vector<16xf32>
          %swap3A_221 = vector.shape_cast %add3A_216 : vector<16xf32> to vector<1x16xf32>
          tpu.vector_store %arg14[%swap3A_217, %swap3A_218], %swap3A_221 {strides = array<i32>} : memref<128x128xf32, #tpu.memory_space<vmem>>, vector<1x16xf32>,
          %get3A_222 = arith.index_cast %scan3A_179 : i32 to index
          %get3A_223 = arith.constant 48 : index
          %get3A_224 = tpu.vector_load %arg14[%get3A_222, %get3A_223] {strides = array<i32>} : memref<128x128xf32, #tpu.memory_space<vmem>>, vector<1x16xf32>,
          %get3A_225 = vector.shape_cast %get3A_224 : vector<1x16xf32> to vector<16xf32>
          %get3A_226 = arith.index_cast %scan3A_179 : i32 to index
          %get3A_227 = arith.constant 48 : index
          %get3A_228 = tpu.vector_load %arg15[%get3A_226, %get3A_227] {strides = array<i32>} : memref<128x128xf32, #tpu.memory_space<vmem>>, vector<1x16xf32>,
          %get3A_229 = vector.shape_cast %get3A_228 : vector<1x16xf32> to vector<16xf32>
          %add3A_230 = arith.addf %get3A_225, %get3A_229 : vector<16xf32>
          %swap3A_231 = arith.index_cast %scan3A_179 : i32 to index
          %swap3A_232 = arith.constant 48 : index
          %swap3A_233 = tpu.vector_load %arg14[%swap3A_231, %swap3A_232] {strides = array<i32>} : memref<128x128xf32, #tpu.memory_space<vmem>>, vector<1x16xf32>,
          %swap3A_234 = vector.shape_cast %swap3A_233 : vector<1x16xf32> to vector<16xf32>
          %swap3A_235 = vector.shape_cast %add3A_230 : vector<16xf32> to vector<1x16xf32>
          tpu.vector_store %arg14[%swap3A_231, %swap3A_232], %swap3A_235 {strides = array<i32>} : memref<128x128xf32, #tpu.memory_space<vmem>>, vector<1x16xf32>,
          %get3A_236 = arith.index_cast %scan3A_179 : i32 to index
          %get3A_237 = arith.constant 64 : index
          %get3A_238 = tpu.vector_load %arg14[%get3A_236, %get3A_237] {strides = array<i32>} : memref<128x128xf32, #tpu.memory_space<vmem>>, vector<1x16xf32>,
          %get3A_239 = vector.shape_cast %get3A_238 : vector<1x16xf32> to vector<16xf32>
          %get3A_240 = arith.index_cast %scan3A_179 : i32 to index
          %get3A_241 = arith.constant 64 : index
          %get3A_242 = tpu.vector_load %arg15[%get3A_240, %get3A_241] {strides = array<i32>} : memref<128x128xf32, #tpu.memory_space<vmem>>, vector<1x16xf32>,
          %get3A_243 = vector.shape_cast %get3A_242 : vector<1x16xf32> to vector<16xf32>
          %add3A_244 = arith.addf %get3A_239, %get3A_243 : vector<16xf32>
          %swap3A_245 = arith.index_cast %scan3A_179 : i32 to index
          %swap3A_246 = arith.constant 64 : index
          %swap3A_247 = tpu.vector_load %arg14[%swap3A_245, %swap3A_246] {strides = array<i32>} : memref<128x128xf32, #tpu.memory_space<vmem>>, vector<1x16xf32>,
          %swap3A_248 = vector.shape_cast %swap3A_247 : vector<1x16xf32> to vector<16xf32>
          %swap3A_249 = vector.shape_cast %add3A_244 : vector<16xf32> to vector<1x16xf32>
          tpu.vector_store %arg14[%swap3A_245, %swap3A_246], %swap3A_249 {strides = array<i32>} : memref<128x128xf32, #tpu.memory_space<vmem>>, vector<1x16xf32>,
          %get3A_250 = arith.index_cast %scan3A_179 : i32 to index
          %get3A_251 = arith.constant 80 : index
          %get3A_252 = tpu.vector_load %arg14[%get3A_250, %get3A_251] {strides = array<i32>} : memref<128x128xf32, #tpu.memory_space<vmem>>, vector<1x16xf32>,
          %get3A_253 = vector.shape_cast %get3A_252 : vector<1x16xf32> to vector<16xf32>
          %get3A_254 = arith.index_cast %scan3A_179 : i32 to index
          %get3A_255 = arith.constant 80 : index
          %get3A_256 = tpu.vector_load %arg15[%get3A_254, %get3A_255] {strides = array<i32>} : memref<128x128xf32, #tpu.memory_space<vmem>>, vector<1x16xf32>,
          %get3A_257 = vector.shape_cast %get3A_256 : vector<1x16xf32> to vector<16xf32>
          %add3A_258 = arith.addf %get3A_253, %get3A_257 : vector<16xf32>
          %swap3A_259 = arith.index_cast %scan3A_179 : i32 to index
          %swap3A_260 = arith.constant 80 : index
          %swap3A_261 = tpu.vector_load %arg14[%swap3A_259, %swap3A_260] {strides = array<i32>} : memref<128x128xf32, #tpu.memory_space<vmem>>, vector<1x16xf32>,
          %swap3A_262 = vector.shape_cast %swap3A_261 : vector<1x16xf32> to vector<16xf32>
          %swap3A_263 = vector.shape_cast %add3A_258 : vector<16xf32> to vector<1x16xf32>
          tpu.vector_store %arg14[%swap3A_259, %swap3A_260], %swap3A_263 {strides = array<i32>} : memref<128x128xf32, #tpu.memory_space<vmem>>, vector<1x16xf32>,
          %get3A_264 = arith.index_cast %scan3A_179 : i32 to index
          %get3A_265 = arith.constant 96 : index
          %get3A_266 = tpu.vector_load %arg14[%get3A_264, %get3A_265] {strides = array<i32>} : memref<128x128xf32, #tpu.memory_space<vmem>>, vector<1x16xf32>,
          %get3A_267 = vector.shape_cast %get3A_266 : vector<1x16xf32> to vector<16xf32>
          %get3A_268 = arith.index_cast %scan3A_179 : i32 to index
          %get3A_269 = arith.constant 96 : index
          %get3A_270 = tpu.vector_load %arg15[%get3A_268, %get3A_269] {strides = array<i32>} : memref<128x128xf32, #tpu.memory_space<vmem>>, vector<1x16xf32>,
          %get3A_271 = vector.shape_cast %get3A_270 : vector<1x16xf32> to vector<16xf32>
          %add3A_272 = arith.addf %get3A_267, %get3A_271 : vector<16xf32>
          %swap3A_273 = arith.index_cast %scan3A_179 : i32 to index
          %swap3A_274 = arith.constant 96 : index
          %swap3A_275 = tpu.vector_load %arg14[%swap3A_273, %swap3A_274] {strides = array<i32>} : memref<128x128xf32, #tpu.memory_space<vmem>>, vector<1x16xf32>,
          %swap3A_276 = vector.shape_cast %swap3A_275 : vector<1x16xf32> to vector<16xf32>
          %swap3A_277 = vector.shape_cast %add3A_272 : vector<16xf32> to vector<1x16xf32>
          tpu.vector_store %arg14[%swap3A_273, %swap3A_274], %swap3A_277 {strides = array<i32>} : memref<128x128xf32, #tpu.memory_space<vmem>>, vector<1x16xf32>,
          %get3A_278 = arith.index_cast %scan3A_179 : i32 to index
          %get3A_279 = arith.constant 112 : index
          %get3A_280 = tpu.vector_load %arg14[%get3A_278, %get3A_279] {strides = array<i32>} : memref<128x128xf32, #tpu.memory_space<vmem>>, vector<1x16xf32>,
          %get3A_281 = vector.shape_cast %get3A_280 : vector<1x16xf32> to vector<16xf32>
          %get3A_282 = arith.index_cast %scan3A_179 : i32 to index
          %get3A_283 = arith.constant 112 : index
          %get3A_284 = tpu.vector_load %arg15[%get3A_282, %get3A_283] {strides = array<i32>} : memref<128x128xf32, #tpu.memory_space<vmem>>, vector<1x16xf32>,
          %get3A_285 = vector.shape_cast %get3A_284 : vector<1x16xf32> to vector<16xf32>
          %add3A_286 = arith.addf %get3A_281, %get3A_285 : vector<16xf32>
          %swap3A_287 = arith.index_cast %scan3A_179 : i32 to index
          %swap3A_288 = arith.constant 112 : index
          %swap3A_289 = tpu.vector_load %arg14[%swap3A_287, %swap3A_288] {strides = array<i32>} : memref<128x128xf32, #tpu.memory_space<vmem>>, vector<1x16xf32>,
          %swap3A_290 = vector.shape_cast %swap3A_289 : vector<1x16xf32> to vector<16xf32>
          %swap3A_291 = vector.shape_cast %add3A_286 : vector<16xf32> to vector<1x16xf32>
          tpu.vector_store %arg14[%swap3A_287, %swap3A_288], %swap3A_291 {strides = array<i32>} : memref<128x128xf32, #tpu.memory_space<vmem>>, vector<1x16xf32>,
        }
        %scan3A_30 = arith.constant 128 : i32
        %get3A = arith.constant 0 : i32
        %get3A_31 = arith.index_cast %get3A : i32 to index
        %get3A_32 = arith.constant 0 : index
        %get3A_33 = tpu.vector_load %arg11[%get3A_31, %get3A_32] {strides = array<i32>} : memref<1x128xi32, #tpu.memory_space<vmem>>, vector<1x16xi32>,
        %get3A_34 = vector.shape_cast %get3A_33 : vector<1x16xi32> to vector<16xi32>
        %ge3A_35 = vector.broadcast %mul3A_2 : i32 to vector<16xi32>
        %ge3A_36 = arith.cmpi sge, %get3A_34, %ge3A_35 : vector<16xi32>
        %lt3A_37 = vector.broadcast %add3A_4 : i32 to vector<16xi32>
        %lt3A_38 = arith.cmpi slt, %get3A_34, %lt3A_37 : vector<16xi32>
        %and3A_39 = arith.andi %ge3A_36, %lt3A_38 : vector<16xi1>
        %jit3A = arith.constant 11263 : i32
        %broadcast_in_dim3A = vector.broadcast %jit3A : i32 to vector<16xi32>
        %select_n3A = arith.select %and3A_39, %get3A_34, %broadcast_in_dim3A : vector<16xi1>, vector<16xi32>
        %swap3A = arith.constant 0 : i32
        %swap3A_40 = arith.index_cast %swap3A : i32 to index
        %swap3A_41 = arith.constant 0 : index
        %swap3A_42 = tpu.vector_load %arg13[%swap3A_40, %swap3A_41] {strides = array<i32>} : memref<1x128xi32, #tpu.memory_space<vmem>>, vector<1x16xi32>,
        %swap3A_43 = vector.shape_cast %swap3A_42 : vector<1x16xi32> to vector<16xi32>
        %swap3A_44 = vector.shape_cast %select_n3A : vector<16xi32> to vector<1x16xi32>
        tpu.vector_store %arg13[%swap3A_40, %swap3A_41], %swap3A_44 {strides = array<i32>} : memref<1x128xi32, #tpu.memory_space<vmem>>, vector<1x16xi32>,
        %get3A_45 = arith.constant 0 : i32
        %get3A_46 = arith.index_cast %get3A_45 : i32 to index
        %get3A_47 = arith.constant 16 : index
        %get3A_48 = tpu.vector_load %arg11[%get3A_46, %get3A_47] {strides = array<i32>} : memref<1x128xi32, #tpu.memory_space<vmem>>, vector<1x16xi32>,
        %get3A_49 = vector.shape_cast %get3A_48 : vector<1x16xi32> to vector<16xi32>
        %ge3A_50 = vector.broadcast %mul3A_2 : i32 to vector<16xi32>
        %ge3A_51 = arith.cmpi sge, %get3A_49, %ge3A_50 : vector<16xi32>
        %lt3A_52 = vector.broadcast %add3A_4 : i32 to vector<16xi32>
        %lt3A_53 = arith.cmpi slt, %get3A_49, %lt3A_52 : vector<16xi32>
        %and3A_54 = arith.andi %ge3A_51, %lt3A_53 : vector<16xi1>
        %jit3A_55 = arith.constant 11263 : i32
        %broadcast_in_dim3A_56 = vector.broadcast %jit3A_55 : i32 to vector<16xi32>
        %select_n3A_57 = arith.select %and3A_54, %get3A_49, %broadcast_in_dim3A_56 : vector<16xi1>, vector<16xi32>
        %swap3A_58 = arith.constant 0 : i32
        %swap3A_59 = arith.index_cast %swap3A_58 : i32 to index
        %swap3A_60 = arith.constant 16 : index
        %swap3A_61 = tpu.vector_load %arg13[%swap3A_59, %swap3A_60] {strides = array<i32>} : memref<1x128xi32, #tpu.memory_space<vmem>>, vector<1x16xi32>,
        %swap3A_62 = vector.shape_cast %swap3A_61 : vector<1x16xi32> to vector<16xi32>
        %swap3A_63 = vector.shape_cast %select_n3A_57 : vector<16xi32> to vector<1x16xi32>
        tpu.vector_store %arg13[%swap3A_59, %swap3A_60], %swap3A_63 {strides = array<i32>} : memref<1x128xi32, #tpu.memory_space<vmem>>, vector<1x16xi32>,
        %get3A_64 = arith.constant 0 : i32
        %get3A_65 = arith.index_cast %get3A_64 : i32 to index
        %get3A_66 = arith.constant 32 : index
        %get3A_67 = tpu.vector_load %arg11[%get3A_65, %get3A_66] {strides = array<i32>} : memref<1x128xi32, #tpu.memory_space<vmem>>, vector<1x16xi32>,
        %get3A_68 = vector.shape_cast %get3A_67 : vector<1x16xi32> to vector<16xi32>
        %ge3A_69 = vector.broadcast %mul3A_2 : i32 to vector<16xi32>
        %ge3A_70 = arith.cmpi sge, %get3A_68, %ge3A_69 : vector<16xi32>
        %lt3A_71 = vector.broadcast %add3A_4 : i32 to vector<16xi32>
        %lt3A_72 = arith.cmpi slt, %get3A_68, %lt3A_71 : vector<16xi32>
        %and3A_73 = arith.andi %ge3A_70, %lt3A_72 : vector<16xi1>
        %jit3A_74 = arith.constant 11263 : i32
        %broadcast_in_dim3A_75 = vector.broadcast %jit3A_74 : i32 to vector<16xi32>
        %select_n3A_76 = arith.select %and3A_73, %get3A_68, %broadcast_in_dim3A_75 : vector<16xi1>, vector<16xi32>
        %swap3A_77 = arith.constant 0 : i32
        %swap3A_78 = arith.index_cast %swap3A_77 : i32 to index
        %swap3A_79 = arith.constant 32 : index
        %swap3A_80 = tpu.vector_load %arg13[%swap3A_78, %swap3A_79] {strides = array<i32>} : memref<1x128xi32, #tpu.memory_space<vmem>>, vector<1x16xi32>,
        %swap3A_81 = vector.shape_cast %swap3A_80 : vector<1x16xi32> to vector<16xi32>
        %swap3A_82 = vector.shape_cast %select_n3A_76 : vector<16xi32> to vector<1x16xi32>
        tpu.vector_store %arg13[%swap3A_78, %swap3A_79], %swap3A_82 {strides = array<i32>} : memref<1x128xi32, #tpu.memory_space<vmem>>, vector<1x16xi32>,
        %get3A_83 = arith.constant 0 : i32
        %get3A_84 = arith.index_cast %get3A_83 : i32 to index
        %get3A_85 = arith.constant 48 : index
        %get3A_86 = tpu.vector_load %arg11[%get3A_84, %get3A_85] {strides = array<i32>} : memref<1x128xi32, #tpu.memory_space<vmem>>, vector<1x16xi32>,
        %get3A_87 = vector.shape_cast %get3A_86 : vector<1x16xi32> to vector<16xi32>
        %ge3A_88 = vector.broadcast %mul3A_2 : i32 to vector<16xi32>
        %ge3A_89 = arith.cmpi sge, %get3A_87, %ge3A_88 : vector<16xi32>
        %lt3A_90 = vector.broadcast %add3A_4 : i32 to vector<16xi32>
        %lt3A_91 = arith.cmpi slt, %get3A_87, %lt3A_90 : vector<16xi32>
        %and3A_92 = arith.andi %ge3A_89, %lt3A_91 : vector<16xi1>
        %jit3A_93 = arith.constant 11263 : i32
        %broadcast_in_dim3A_94 = vector.broadcast %jit3A_93 : i32 to vector<16xi32>
        %select_n3A_95 = arith.select %and3A_92, %get3A_87, %broadcast_in_dim3A_94 : vector<16xi1>, vector<16xi32>
        %swap3A_96 = arith.constant 0 : i32
        %swap3A_97 = arith.index_cast %swap3A_96 : i32 to index
        %swap3A_98 = arith.constant 48 : index
        %swap3A_99 = tpu.vector_load %arg13[%swap3A_97, %swap3A_98] {strides = array<i32>} : memref<1x128xi32, #tpu.memory_space<vmem>>, vector<1x16xi32>,
        %swap3A_100 = vector.shape_cast %swap3A_99 : vector<1x16xi32> to vector<16xi32>
        %swap3A_101 = vector.shape_cast %select_n3A_95 : vector<16xi32> to vector<1x16xi32>
        tpu.vector_store %arg13[%swap3A_97, %swap3A_98], %swap3A_101 {strides = array<i32>} : memref<1x128xi32, #tpu.memory_space<vmem>>, vector<1x16xi32>,
        %get3A_102 = arith.constant 0 : i32
        %get3A_103 = arith.index_cast %get3A_102 : i32 to index
        %get3A_104 = arith.constant 64 : index
        %get3A_105 = tpu.vector_load %arg11[%get3A_103, %get3A_104] {strides = array<i32>} : memref<1x128xi32, #tpu.memory_space<vmem>>, vector<1x16xi32>,
        %get3A_106 = vector.shape_cast %get3A_105 : vector<1x16xi32> to vector<16xi32>
        %ge3A_107 = vector.broadcast %mul3A_2 : i32 to vector<16xi32>
        %ge3A_108 = arith.cmpi sge, %get3A_106, %ge3A_107 : vector<16xi32>
        %lt3A_109 = vector.broadcast %add3A_4 : i32 to vector<16xi32>
        %lt3A_110 = arith.cmpi slt, %get3A_106, %lt3A_109 : vector<16xi32>
        %and3A_111 = arith.andi %ge3A_108, %lt3A_110 : vector<16xi1>
        %jit3A_112 = arith.constant 11263 : i32
        %broadcast_in_dim3A_113 = vector.broadcast %jit3A_112 : i32 to vector<16xi32>
        %select_n3A_114 = arith.select %and3A_111, %get3A_106, %broadcast_in_dim3A_113 : vector<16xi1>, vector<16xi32>
        %swap3A_115 = arith.constant 0 : i32
        %swap3A_116 = arith.index_cast %swap3A_115 : i32 to index
        %swap3A_117 = arith.constant 64 : index
        %swap3A_118 = tpu.vector_load %arg13[%swap3A_116, %swap3A_117] {strides = array<i32>} : memref<1x128xi32, #tpu.memory_space<vmem>>, vector<1x16xi32>,
        %swap3A_119 = vector.shape_cast %swap3A_118 : vector<1x16xi32> to vector<16xi32>
        %swap3A_120 = vector.shape_cast %select_n3A_114 : vector<16xi32> to vector<1x16xi32>
        tpu.vector_store %arg13[%swap3A_116, %swap3A_117], %swap3A_120 {strides = array<i32>} : memref<1x128xi32, #tpu.memory_space<vmem>>, vector<1x16xi32>,
        %get3A_121 = arith.constant 0 : i32
        %get3A_122 = arith.index_cast %get3A_121 : i32 to index
        %get3A_123 = arith.constant 80 : index
        %get3A_124 = tpu.vector_load %arg11[%get3A_122, %get3A_123] {strides = array<i32>} : memref<1x128xi32, #tpu.memory_space<vmem>>, vector<1x16xi32>,
        %get3A_125 = vector.shape_cast %get3A_124 : vector<1x16xi32> to vector<16xi32>
        %ge3A_126 = vector.broadcast %mul3A_2 : i32 to vector<16xi32>
        %ge3A_127 = arith.cmpi sge, %get3A_125, %ge3A_126 : vector<16xi32>
        %lt3A_128 = vector.broadcast %add3A_4 : i32 to vector<16xi32>
        %lt3A_129 = arith.cmpi slt, %get3A_125, %lt3A_128 : vector<16xi32>
        %and3A_130 = arith.andi %ge3A_127, %lt3A_129 : vector<16xi1>
        %jit3A_131 = arith.constant 11263 : i32
        %broadcast_in_dim3A_132 = vector.broadcast %jit3A_131 : i32 to vector<16xi32>
        %select_n3A_133 = arith.select %and3A_130, %get3A_125, %broadcast_in_dim3A_132 : vector<16xi1>, vector<16xi32>
        %swap3A_134 = arith.constant 0 : i32
        %swap3A_135 = arith.index_cast %swap3A_134 : i32 to index
        %swap3A_136 = arith.constant 80 : index
        %swap3A_137 = tpu.vector_load %arg13[%swap3A_135, %swap3A_136] {strides = array<i32>} : memref<1x128xi32, #tpu.memory_space<vmem>>, vector<1x16xi32>,
        %swap3A_138 = vector.shape_cast %swap3A_137 : vector<1x16xi32> to vector<16xi32>
        %swap3A_139 = vector.shape_cast %select_n3A_133 : vector<16xi32> to vector<1x16xi32>
        tpu.vector_store %arg13[%swap3A_135, %swap3A_136], %swap3A_139 {strides = array<i32>} : memref<1x128xi32, #tpu.memory_space<vmem>>, vector<1x16xi32>,
        %get3A_140 = arith.constant 0 : i32
        %get3A_141 = arith.index_cast %get3A_140 : i32 to index
        %get3A_142 = arith.constant 96 : index
        %get3A_143 = tpu.vector_load %arg11[%get3A_141, %get3A_142] {strides = array<i32>} : memref<1x128xi32, #tpu.memory_space<vmem>>, vector<1x16xi32>,
        %get3A_144 = vector.shape_cast %get3A_143 : vector<1x16xi32> to vector<16xi32>
        %ge3A_145 = vector.broadcast %mul3A_2 : i32 to vector<16xi32>
        %ge3A_146 = arith.cmpi sge, %get3A_144, %ge3A_145 : vector<16xi32>
        %lt3A_147 = vector.broadcast %add3A_4 : i32 to vector<16xi32>
        %lt3A_148 = arith.cmpi slt, %get3A_144, %lt3A_147 : vector<16xi32>
        %and3A_149 = arith.andi %ge3A_146, %lt3A_148 : vector<16xi1>
        %jit3A_150 = arith.constant 11263 : i32
        %broadcast_in_dim3A_151 = vector.broadcast %jit3A_150 : i32 to vector<16xi32>
        %select_n3A_152 = arith.select %and3A_149, %get3A_144, %broadcast_in_dim3A_151 : vector<16xi1>, vector<16xi32>
        %swap3A_153 = arith.constant 0 : i32
        %swap3A_154 = arith.index_cast %swap3A_153 : i32 to index
        %swap3A_155 = arith.constant 96 : index
        %swap3A_156 = tpu.vector_load %arg13[%swap3A_154, %swap3A_155] {strides = array<i32>} : memref<1x128xi32, #tpu.memory_space<vmem>>, vector<1x16xi32>,
        %swap3A_157 = vector.shape_cast %swap3A_156 : vector<1x16xi32> to vector<16xi32>
        %swap3A_158 = vector.shape_cast %select_n3A_152 : vector<16xi32> to vector<1x16xi32>
        tpu.vector_store %arg13[%swap3A_154, %swap3A_155], %swap3A_158 {strides = array<i32>} : memref<1x128xi32, #tpu.memory_space<vmem>>, vector<1x16xi32>,
        %get3A_159 = arith.constant 0 : i32
        %get3A_160 = arith.index_cast %get3A_159 : i32 to index
        %get3A_161 = arith.constant 112 : index
        %get3A_162 = tpu.vector_load %arg11[%get3A_160, %get3A_161] {strides = array<i32>} : memref<1x128xi32, #tpu.memory_space<vmem>>, vector<1x16xi32>,
        %get3A_163 = vector.shape_cast %get3A_162 : vector<1x16xi32> to vector<16xi32>
        %ge3A_164 = vector.broadcast %mul3A_2 : i32 to vector<16xi32>
        %ge3A_165 = arith.cmpi sge, %get3A_163, %ge3A_164 : vector<16xi32>
        %lt3A_166 = vector.broadcast %add3A_4 : i32 to vector<16xi32>
        %lt3A_167 = arith.cmpi slt, %get3A_163, %lt3A_166 : vector<16xi32>
        %and3A_168 = arith.andi %ge3A_165, %lt3A_167 : vector<16xi1>
        %jit3A_169 = arith.constant 11263 : i32
        %broadcast_in_dim3A_170 = vector.broadcast %jit3A_169 : i32 to vector<16xi32>
        %select_n3A_171 = arith.select %and3A_168, %get3A_163, %broadcast_in_dim3A_170 : vector<16xi1>, vector<16xi32>
        %swap3A_172 = arith.constant 0 : i32
        %swap3A_173 = arith.index_cast %swap3A_172 : i32 to index
        %swap3A_174 = arith.constant 112 : index
        %swap3A_175 = tpu.vector_load %arg13[%swap3A_173, %swap3A_174] {strides = array<i32>} : memref<1x128xi32, #tpu.memory_space<vmem>>, vector<1x16xi32>,
        %swap3A_176 = vector.shape_cast %swap3A_175 : vector<1x16xi32> to vector<16xi32>
        %swap3A_177 = vector.shape_cast %select_n3A_171 : vector<16xi32> to vector<1x16xi32>
        tpu.vector_store %arg13[%swap3A_173, %swap3A_174], %swap3A_177 {strides = array<i32>} : memref<1x128xi32, #tpu.memory_space<vmem>>, vector<1x16xi32>,
        %run_scoped3A_178 = arith.constant 0 : i32
        "tpu.region"() ({
          %run_scoped3A_179 = tpu.sem_alloc : memref<!tpu.dma_semaphore, #tpu.memory_space<semaphore_mem>>
          %dma_start3A = arith.constant 0 : i32
          %dma_start3A_180 = tpu.memref_slice %arg13[%run_scoped3A_178, %dma_start3A] : memref<1x128xi32, #tpu.memory_space<vmem>> -> memref<1x128xi32, #tpu.memory_space<vmem>>
          %dma_start3A_181 = tpu.memref_squeeze %dma_start3A_180 : memref<1x128xi32, #tpu.memory_space<vmem>> -> memref<128xi32, #tpu.memory_space<vmem>>
          %dma_start3A_182 = arith.constant 0 : i32
          %dma_start3A_183 = arith.constant 0 : i32
          %dma_start3A_184 = tpu.memref_slice %arg17[%dma_start3A_182, %dma_start3A_183] : memref<11264x128xf32, #tpu.memory_space<vmem_shared>> -> memref<11264x128xf32, #tpu.memory_space<vmem_shared>>
          tpu.enqueue_indirect_dma source(%arg14 : memref<128x128xf32, #tpu.memory_space<vmem>>) target(%dma_start3A_184 : memref<11264x128xf32, #tpu.memory_space<vmem_shared>>) offsets(%dma_start3A_181 : memref<128xi32, #tpu.memory_space<vmem>>) semaphore(%run_scoped3A_179 : memref<!tpu.dma_semaphore, #tpu.memory_space<semaphore_mem>>) {add = true}
          %dma_wait3A = arith.constant 0 : i32
          %dma_wait3A_185 = tpu.memref_slice %arg13[%run_scoped3A_178, %dma_wait3A] : memref<1x128xi32, #tpu.memory_space<vmem>> -> memref<1x128xi32, #tpu.memory_space<vmem>>
          %dma_wait3A_186 = tpu.memref_squeeze %dma_wait3A_185 : memref<1x128xi32, #tpu.memory_space<vmem>> -> memref<128xi32, #tpu.memory_space<vmem>>
          %dma_wait3A_187 = arith.constant 0 : i32
          %dma_wait3A_188 = arith.constant 0 : i32
          %dma_wait3A_189 = tpu.memref_slice %arg17[%dma_wait3A_187, %dma_wait3A_188] : memref<11264x128xf32, #tpu.memory_space<vmem_shared>> -> memref<11264x128xf32, #tpu.memory_space<vmem_shared>>
          tpu.wait_indirect_dma semaphore(%run_scoped3A_179 : memref<!tpu.dma_semaphore, #tpu.memory_space<semaphore_mem>>) src(%arg14 : memref<128x128xf32, #tpu.memory_space<vmem>>) dst(%dma_wait3A_189 : memref<11264x128xf32, #tpu.memory_space<vmem_shared>>)
          tpu.yield
        }) : () -> ()
      } else {
      }
    }
    %scan3A_15 = arith.constant 2579 : i32
    %barrier3A_16 = arith.constant 0 : index
    tpu.barrier barrier_id(%barrier3A_16)
    "tpu.region"() ({
      %run_scoped3A = tpu.sem_alloc : memref<!tpu.dma_semaphore, #tpu.memory_space<semaphore_mem>>
      %dma_start3A = arith.constant 0 : i32
      %dma_start3A_17 = tpu.memref_slice %arg9[%mul3A_2, %dma_start3A] : memref<11264x128xf32, #tpu.memory_space<hbm>> -> memref<352x128xf32, #tpu.memory_space<hbm>>
      %dma_start3A_18 = arith.constant 0 : i32
      %dma_start3A_19 = tpu.memref_slice %arg17[%mul3A_2, %dma_start3A_18] : memref<11264x128xf32, #tpu.memory_space<vmem_shared>> -> memref<352x128xf32, #tpu.memory_space<vmem_shared>>
      tpu.enqueue_dma source(%dma_start3A_19 : memref<352x128xf32, #tpu.memory_space<vmem_shared>>) target(%dma_start3A_17 : memref<352x128xf32, #tpu.memory_space<hbm>>) target_semaphore(%run_scoped3A : memref<!tpu.dma_semaphore, #tpu.memory_space<semaphore_mem>>)
      %dma_wait3A = arith.constant 0 : i32
      %dma_wait3A_20 = tpu.memref_slice %arg9[%mul3A_2, %dma_wait3A] : memref<11264x128xf32, #tpu.memory_space<hbm>> -> memref<352x128xf32, #tpu.memory_space<hbm>>
      %dma_wait3A_21 = arith.constant 0 : i32
      %dma_wait3A_22 = tpu.memref_slice %arg17[%mul3A_2, %dma_wait3A_21] : memref<11264x128xf32, #tpu.memory_space<vmem_shared>> -> memref<352x128xf32, #tpu.memory_space<vmem_shared>>
      tpu.wait_dma2 semaphore(%run_scoped3A : memref<!tpu.dma_semaphore, #tpu.memory_space<semaphore_mem>>) src(%dma_wait3A_22 : memref<352x128xf32, #tpu.memory_space<vmem_shared>>) dst(%dma_wait3A_20 : memref<352x128xf32, #tpu.memory_space<hbm>>)
      tpu.yield
    }) : () -> ()
    return
  }
}

#map = affine_map<(d0, d1) -> (0, 0)>
#map1 = affine_map<(d0, d1) -> (0)>
module attributes {stable_mosaic.version = 14 : i64} {
  func.func @_agg_body(%arg0: i32, %arg1: i32, %arg2: memref<11264x128xf32, #tpu.memory_space<hbm>>, %arg3: memref<330112xi32, #tpu.memory_space<hbm>>, %arg4: memref<330112xi32, #tpu.memory_space<hbm>>, %arg5: memref<330112xi32, #tpu.memory_space<hbm>>, %arg6: memref<16x128xf32, #tpu.memory_space<hbm>>, %arg7: memref<11264x128xf32, #tpu.memory_space<hbm>>, %arg8: memref<32x16xi32, #tpu.memory_space<hbm>>, %arg9: memref<11264x128xf32, #tpu.memory_space<hbm>>, %arg10: memref<1x128xi32, #tpu.memory_space<vmem>>, %arg11: memref<1x128xi32, #tpu.memory_space<vmem>>, %arg12: memref<1x128xi32, #tpu.memory_space<vmem>>, %arg13: memref<1x128xi32, #tpu.memory_space<vmem>>, %arg14: memref<128x128xf32, #tpu.memory_space<vmem>>, %arg15: memref<128x128xf32, #tpu.memory_space<vmem>>, %arg16: memref<32x16xi32, #tpu.memory_space<vmem>>, %arg17: memref<11264x128xf32, #tpu.memory_space<vmem_shared>>) attributes {dimension_semantics = [#tpu.dimension_semantics<core_parallel>, #tpu.dimension_semantics<subcore_parallel>], iteration_bounds = array<i64: 2, 16>, scalar_prefetch = 0 : i64, scratch_operands = 8 : i64, tpu.core_type = #tpu.core_type<sc_vector_subcore>, window_params = [{transform_indices = #map}, {transform_indices = #map1}, {transform_indices = #map1}, {transform_indices = #map1}, {transform_indices = #map}, {transform_indices = #map}, {transform_indices = #map}, {transform_indices = #map}]} {
    %mul3A = arith.constant 2 : i32
    %mul3A_0 = arith.muli %arg1, %mul3A : i32
    %add3A = arith.addi %mul3A_0, %arg0 : i32
    %mul3A_1 = arith.constant 352 : i32
    %mul3A_2 = arith.muli %add3A, %mul3A_1 : i32
    %add3A_3 = arith.constant 352 : i32
    %add3A_4 = arith.addi %mul3A_2, %add3A_3 : i32
    "tpu.region"() ({
      %run_scoped3A = tpu.sem_alloc : memref<!tpu.dma_semaphore, #tpu.memory_space<semaphore_mem>>
      tpu.enqueue_dma source(%arg8 : memref<32x16xi32, #tpu.memory_space<hbm>>) target(%arg16 : memref<32x16xi32, #tpu.memory_space<vmem>>) target_semaphore(%run_scoped3A : memref<!tpu.dma_semaphore, #tpu.memory_space<semaphore_mem>>)
      tpu.wait_dma2 semaphore(%run_scoped3A : memref<!tpu.dma_semaphore, #tpu.memory_space<semaphore_mem>>) src(%arg8 : memref<32x16xi32, #tpu.memory_space<hbm>>) dst(%arg16 : memref<32x16xi32, #tpu.memory_space<vmem>>)
      tpu.yield
    }) : () -> ()
    "tpu.region"() ({
      %run_scoped3A = tpu.sem_alloc : memref<!tpu.dma_semaphore, #tpu.memory_space<semaphore_mem>>
      %dma_start3A = arith.constant 0 : i32
      %dma_start3A_17 = tpu.memref_slice %arg17[%mul3A_2, %dma_start3A] : memref<11264x128xf32, #tpu.memory_space<vmem_shared>> -> memref<352x128xf32, #tpu.memory_space<vmem_shared>>
      %dma_start3A_18 = arith.constant 0 : i32
      %dma_start3A_19 = tpu.memref_slice %arg7[%mul3A_2, %dma_start3A_18] : memref<11264x128xf32, #tpu.memory_space<hbm>> -> memref<352x128xf32, #tpu.memory_space<hbm>>
      tpu.enqueue_dma source(%dma_start3A_19 : memref<352x128xf32, #tpu.memory_space<hbm>>) target(%dma_start3A_17 : memref<352x128xf32, #tpu.memory_space<vmem_shared>>) target_semaphore(%run_scoped3A : memref<!tpu.dma_semaphore, #tpu.memory_space<semaphore_mem>>)
      %dma_wait3A = arith.constant 0 : i32
      %dma_wait3A_20 = tpu.memref_slice %arg17[%mul3A_2, %dma_wait3A] : memref<11264x128xf32, #tpu.memory_space<vmem_shared>> -> memref<352x128xf32, #tpu.memory_space<vmem_shared>>
      %dma_wait3A_21 = arith.constant 0 : i32
      %dma_wait3A_22 = tpu.memref_slice %arg7[%mul3A_2, %dma_wait3A_21] : memref<11264x128xf32, #tpu.memory_space<hbm>> -> memref<352x128xf32, #tpu.memory_space<hbm>>
      tpu.wait_dma2 semaphore(%run_scoped3A : memref<!tpu.dma_semaphore, #tpu.memory_space<semaphore_mem>>) src(%dma_wait3A_22 : memref<352x128xf32, #tpu.memory_space<hbm>>) dst(%dma_wait3A_20 : memref<352x128xf32, #tpu.memory_space<vmem_shared>>)
      tpu.yield
    }) : () -> ()
    %barrier3A = arith.constant 0 : index
    tpu.barrier barrier_id(%barrier3A)
    %mul3A_5 = arith.constant 0 : i32
    %mul3A_6 = arith.muli %add3A, %mul3A_5 : i32
    %mul3A_7 = arith.constant 0 : i32
    %mul3A_8 = arith.muli %add3A, %mul3A_7 : i32
    %add3A_9 = arith.constant 2579 : i32
    %add3A_10 = arith.addi %add3A_9, %mul3A_8 : i32
    %scan3A = arith.constant 0 : i32
    %scan3A_11 = arith.constant 0 : i32
    %scan3A_12 = arith.constant 2579 : i32
    %scan3A_13 = arith.addi %scan3A_11, %scan3A_12 : i32
    %scan3A_14 = arith.constant 1 : i32
    scf.for %scan3A_17 = %scan3A_11 to %scan3A_13 step %scan3A_14  : i32 {
      %ge3A = arith.cmpi sge, %scan3A_17, %mul3A_6 : i32
      %lt3A = arith.cmpi slt, %scan3A_17, %add3A_10 : i32
      %and3A = arith.andi %ge3A, %lt3A : i1
      %convert_element_type3A = arith.extui %and3A : i1 to i32
      %cond3A = arith.constant 0 : i32
      %cond3A_18 = arith.cmpi ne, %convert_element_type3A, %cond3A : i32
      scf.if %cond3A_18 {
        %mul3A_19 = arith.constant 128 : i32
        %mul3A_20 = arith.muli %scan3A_17, %mul3A_19 : i32
        %run_scoped3A = arith.constant 0 : i32
        "tpu.region"() ({
          %run_scoped3A_179 = tpu.sem_alloc : memref<!tpu.dma_semaphore, #tpu.memory_space<semaphore_mem>>
          %dma_start3A = arith.constant 0 : i32
          %dma_start3A_180 = tpu.memref_slice %arg10[%run_scoped3A, %dma_start3A] : memref<1x128xi32, #tpu.memory_space<vmem>> -> memref<1x128xi32, #tpu.memory_space<vmem>>
          %dma_start3A_181 = tpu.memref_squeeze %dma_start3A_180 : memref<1x128xi32, #tpu.memory_space<vmem>> -> memref<128xi32, #tpu.memory_space<vmem>>
          %dma_start3A_182 = tpu.memref_slice %arg3[%mul3A_20] : memref<330112xi32, #tpu.memory_space<hbm>> -> memref<128xi32, #tpu.memory_space<hbm>>
          %dma_start3A_183 = arith.constant 0 : i32
          %dma_start3A_184 = tpu.memref_slice %arg10[%run_scoped3A, %dma_start3A_183] : memref<1x128xi32, #tpu.memory_space<vmem>> -> memref<1x128xi32, #tpu.memory_space<vmem>>
          %dma_start3A_185 = tpu.memref_squeeze %dma_start3A_184 : memref<1x128xi32, #tpu.memory_space<vmem>> -> memref<128xi32, #tpu.memory_space<vmem>>
          %dma_start3A_186 = tpu.memref_slice %arg3[%mul3A_20] : memref<330112xi32, #tpu.memory_space<hbm>> -> memref<128xi32, #tpu.memory_space<hbm>>
          tpu.enqueue_dma source(%dma_start3A_186 : memref<128xi32, #tpu.memory_space<hbm>>) target(%dma_start3A_185 : memref<128xi32, #tpu.memory_space<vmem>>) target_semaphore(%run_scoped3A_179 : memref<!tpu.dma_semaphore, #tpu.memory_space<semaphore_mem>>)
          %dma_wait3A = arith.constant 0 : i32
          %dma_wait3A_187 = tpu.memref_slice %arg10[%run_scoped3A, %dma_wait3A] : memref<1x128xi32, #tpu.memory_space<vmem>> -> memref<1x128xi32, #tpu.memory_space<vmem>>
          %dma_wait3A_188 = tpu.memref_squeeze %dma_wait3A_187 : memref<1x128xi32, #tpu.memory_space<vmem>> -> memref<128xi32, #tpu.memory_space<vmem>>
          %dma_wait3A_189 = tpu.memref_slice %arg3[%mul3A_20] : memref<330112xi32, #tpu.memory_space<hbm>> -> memref<128xi32, #tpu.memory_space<hbm>>
          %dma_wait3A_190 = arith.constant 0 : i32
          %dma_wait3A_191 = tpu.memref_slice %arg10[%run_scoped3A, %dma_wait3A_190] : memref<1x128xi32, #tpu.memory_space<vmem>> -> memref<1x128xi32, #tpu.memory_space<vmem>>
          %dma_wait3A_192 = tpu.memref_squeeze %dma_wait3A_191 : memref<1x128xi32, #tpu.memory_space<vmem>> -> memref<128xi32, #tpu.memory_space<vmem>>
          %dma_wait3A_193 = tpu.memref_slice %arg3[%mul3A_20] : memref<330112xi32, #tpu.memory_space<hbm>> -> memref<128xi32, #tpu.memory_space<hbm>>
          tpu.wait_dma2 semaphore(%run_scoped3A_179 : memref<!tpu.dma_semaphore, #tpu.memory_space<semaphore_mem>>) src(%dma_wait3A_193 : memref<128xi32, #tpu.memory_space<hbm>>) dst(%dma_wait3A_192 : memref<128xi32, #tpu.memory_space<vmem>>)
          tpu.yield
        }) : () -> ()
        %run_scoped3A_21 = arith.constant 0 : i32
        "tpu.region"() ({
          %run_scoped3A_179 = tpu.sem_alloc : memref<!tpu.dma_semaphore, #tpu.memory_space<semaphore_mem>>
          %dma_start3A = arith.constant 0 : i32
          %dma_start3A_180 = tpu.memref_slice %arg11[%run_scoped3A_21, %dma_start3A] : memref<1x128xi32, #tpu.memory_space<vmem>> -> memref<1x128xi32, #tpu.memory_space<vmem>>
          %dma_start3A_181 = tpu.memref_squeeze %dma_start3A_180 : memref<1x128xi32, #tpu.memory_space<vmem>> -> memref<128xi32, #tpu.memory_space<vmem>>
          %dma_start3A_182 = tpu.memref_slice %arg4[%mul3A_20] : memref<330112xi32, #tpu.memory_space<hbm>> -> memref<128xi32, #tpu.memory_space<hbm>>
          %dma_start3A_183 = arith.constant 0 : i32
          %dma_start3A_184 = tpu.memref_slice %arg11[%run_scoped3A_21, %dma_start3A_183] : memref<1x128xi32, #tpu.memory_space<vmem>> -> memref<1x128xi32, #tpu.memory_space<vmem>>
          %dma_start3A_185 = tpu.memref_squeeze %dma_start3A_184 : memref<1x128xi32, #tpu.memory_space<vmem>> -> memref<128xi32, #tpu.memory_space<vmem>>
          %dma_start3A_186 = tpu.memref_slice %arg4[%mul3A_20] : memref<330112xi32, #tpu.memory_space<hbm>> -> memref<128xi32, #tpu.memory_space<hbm>>
          tpu.enqueue_dma source(%dma_start3A_186 : memref<128xi32, #tpu.memory_space<hbm>>) target(%dma_start3A_185 : memref<128xi32, #tpu.memory_space<vmem>>) target_semaphore(%run_scoped3A_179 : memref<!tpu.dma_semaphore, #tpu.memory_space<semaphore_mem>>)
          %dma_wait3A = arith.constant 0 : i32
          %dma_wait3A_187 = tpu.memref_slice %arg11[%run_scoped3A_21, %dma_wait3A] : memref<1x128xi32, #tpu.memory_space<vmem>> -> memref<1x128xi32, #tpu.memory_space<vmem>>
          %dma_wait3A_188 = tpu.memref_squeeze %dma_wait3A_187 : memref<1x128xi32, #tpu.memory_space<vmem>> -> memref<128xi32, #tpu.memory_space<vmem>>
          %dma_wait3A_189 = tpu.memref_slice %arg4[%mul3A_20] : memref<330112xi32, #tpu.memory_space<hbm>> -> memref<128xi32, #tpu.memory_space<hbm>>
          %dma_wait3A_190 = arith.constant 0 : i32
          %dma_wait3A_191 = tpu.memref_slice %arg11[%run_scoped3A_21, %dma_wait3A_190] : memref<1x128xi32, #tpu.memory_space<vmem>> -> memref<1x128xi32, #tpu.memory_space<vmem>>
          %dma_wait3A_192 = tpu.memref_squeeze %dma_wait3A_191 : memref<1x128xi32, #tpu.memory_space<vmem>> -> memref<128xi32, #tpu.memory_space<vmem>>
          %dma_wait3A_193 = tpu.memref_slice %arg4[%mul3A_20] : memref<330112xi32, #tpu.memory_space<hbm>> -> memref<128xi32, #tpu.memory_space<hbm>>
          tpu.wait_dma2 semaphore(%run_scoped3A_179 : memref<!tpu.dma_semaphore, #tpu.memory_space<semaphore_mem>>) src(%dma_wait3A_193 : memref<128xi32, #tpu.memory_space<hbm>>) dst(%dma_wait3A_192 : memref<128xi32, #tpu.memory_space<vmem>>)
          tpu.yield
        }) : () -> ()
        %run_scoped3A_22 = arith.constant 0 : i32
        "tpu.region"() ({
          %run_scoped3A_179 = tpu.sem_alloc : memref<!tpu.dma_semaphore, #tpu.memory_space<semaphore_mem>>
          %dma_start3A = arith.constant 0 : i32
          %dma_start3A_180 = tpu.memref_slice %arg12[%run_scoped3A_22, %dma_start3A] : memref<1x128xi32, #tpu.memory_space<vmem>> -> memref<1x128xi32, #tpu.memory_space<vmem>>
          %dma_start3A_181 = tpu.memref_squeeze %dma_start3A_180 : memref<1x128xi32, #tpu.memory_space<vmem>> -> memref<128xi32, #tpu.memory_space<vmem>>
          %dma_start3A_182 = tpu.memref_slice %arg5[%mul3A_20] : memref<330112xi32, #tpu.memory_space<hbm>> -> memref<128xi32, #tpu.memory_space<hbm>>
          %dma_start3A_183 = arith.constant 0 : i32
          %dma_start3A_184 = tpu.memref_slice %arg12[%run_scoped3A_22, %dma_start3A_183] : memref<1x128xi32, #tpu.memory_space<vmem>> -> memref<1x128xi32, #tpu.memory_space<vmem>>
          %dma_start3A_185 = tpu.memref_squeeze %dma_start3A_184 : memref<1x128xi32, #tpu.memory_space<vmem>> -> memref<128xi32, #tpu.memory_space<vmem>>
          %dma_start3A_186 = tpu.memref_slice %arg5[%mul3A_20] : memref<330112xi32, #tpu.memory_space<hbm>> -> memref<128xi32, #tpu.memory_space<hbm>>
          tpu.enqueue_dma source(%dma_start3A_186 : memref<128xi32, #tpu.memory_space<hbm>>) target(%dma_start3A_185 : memref<128xi32, #tpu.memory_space<vmem>>) target_semaphore(%run_scoped3A_179 : memref<!tpu.dma_semaphore, #tpu.memory_space<semaphore_mem>>)
          %dma_wait3A = arith.constant 0 : i32
          %dma_wait3A_187 = tpu.memref_slice %arg12[%run_scoped3A_22, %dma_wait3A] : memref<1x128xi32, #tpu.memory_space<vmem>> -> memref<1x128xi32, #tpu.memory_space<vmem>>
          %dma_wait3A_188 = tpu.memref_squeeze %dma_wait3A_187 : memref<1x128xi32, #tpu.memory_space<vmem>> -> memref<128xi32, #tpu.memory_space<vmem>>
          %dma_wait3A_189 = tpu.memref_slice %arg5[%mul3A_20] : memref<330112xi32, #tpu.memory_space<hbm>> -> memref<128xi32, #tpu.memory_space<hbm>>
          %dma_wait3A_190 = arith.constant 0 : i32
          %dma_wait3A_191 = tpu.memref_slice %arg12[%run_scoped3A_22, %dma_wait3A_190] : memref<1x128xi32, #tpu.memory_space<vmem>> -> memref<1x128xi32, #tpu.memory_space<vmem>>
          %dma_wait3A_192 = tpu.memref_squeeze %dma_wait3A_191 : memref<1x128xi32, #tpu.memory_space<vmem>> -> memref<128xi32, #tpu.memory_space<vmem>>
          %dma_wait3A_193 = tpu.memref_slice %arg5[%mul3A_20] : memref<330112xi32, #tpu.memory_space<hbm>> -> memref<128xi32, #tpu.memory_space<hbm>>
          tpu.wait_dma2 semaphore(%run_scoped3A_179 : memref<!tpu.dma_semaphore, #tpu.memory_space<semaphore_mem>>) src(%dma_wait3A_193 : memref<128xi32, #tpu.memory_space<hbm>>) dst(%dma_wait3A_192 : memref<128xi32, #tpu.memory_space<vmem>>)
          tpu.yield
        }) : () -> ()
        %run_scoped3A_23 = arith.constant 0 : i32
        "tpu.region"() ({
          %run_scoped3A_179 = tpu.sem_alloc : memref<!tpu.dma_semaphore, #tpu.memory_space<semaphore_mem>>
          %dma_start3A = arith.constant 0 : i32
          %dma_start3A_180 = tpu.memref_slice %arg10[%run_scoped3A_23, %dma_start3A] : memref<1x128xi32, #tpu.memory_space<vmem>> -> memref<1x128xi32, #tpu.memory_space<vmem>>
          %dma_start3A_181 = tpu.memref_squeeze %dma_start3A_180 : memref<1x128xi32, #tpu.memory_space<vmem>> -> memref<128xi32, #tpu.memory_space<vmem>>
          %dma_start3A_182 = arith.constant 0 : i32
          %dma_start3A_183 = arith.constant 0 : i32
          %dma_start3A_184 = tpu.memref_slice %arg2[%dma_start3A_182, %dma_start3A_183] : memref<11264x128xf32, #tpu.memory_space<hbm>> -> memref<11264x128xf32, #tpu.memory_space<hbm>>
          tpu.enqueue_indirect_dma source(%dma_start3A_184 : memref<11264x128xf32, #tpu.memory_space<hbm>>) target(%arg14 : memref<128x128xf32, #tpu.memory_space<vmem>>) offsets(%dma_start3A_181 : memref<128xi32, #tpu.memory_space<vmem>>) semaphore(%run_scoped3A_179 : memref<!tpu.dma_semaphore, #tpu.memory_space<semaphore_mem>>)
          %dma_wait3A = arith.constant 0 : i32
          %dma_wait3A_185 = tpu.memref_slice %arg10[%run_scoped3A_23, %dma_wait3A] : memref<1x128xi32, #tpu.memory_space<vmem>> -> memref<1x128xi32, #tpu.memory_space<vmem>>
          %dma_wait3A_186 = tpu.memref_squeeze %dma_wait3A_185 : memref<1x128xi32, #tpu.memory_space<vmem>> -> memref<128xi32, #tpu.memory_space<vmem>>
          %dma_wait3A_187 = arith.constant 0 : i32
          %dma_wait3A_188 = arith.constant 0 : i32
          %dma_wait3A_189 = tpu.memref_slice %arg2[%dma_wait3A_187, %dma_wait3A_188] : memref<11264x128xf32, #tpu.memory_space<hbm>> -> memref<11264x128xf32, #tpu.memory_space<hbm>>
          tpu.wait_indirect_dma semaphore(%run_scoped3A_179 : memref<!tpu.dma_semaphore, #tpu.memory_space<semaphore_mem>>) src(%dma_wait3A_189 : memref<11264x128xf32, #tpu.memory_space<hbm>>) dst(%arg14 : memref<128x128xf32, #tpu.memory_space<vmem>>)
          tpu.yield
        }) : () -> ()
        %run_scoped3A_24 = arith.constant 0 : i32
        "tpu.region"() ({
          %run_scoped3A_179 = tpu.sem_alloc : memref<!tpu.dma_semaphore, #tpu.memory_space<semaphore_mem>>
          %dma_start3A = arith.constant 0 : i32
          %dma_start3A_180 = tpu.memref_slice %arg12[%run_scoped3A_24, %dma_start3A] : memref<1x128xi32, #tpu.memory_space<vmem>> -> memref<1x128xi32, #tpu.memory_space<vmem>>
          %dma_start3A_181 = tpu.memref_squeeze %dma_start3A_180 : memref<1x128xi32, #tpu.memory_space<vmem>> -> memref<128xi32, #tpu.memory_space<vmem>>
          %dma_start3A_182 = arith.constant 0 : i32
          %dma_start3A_183 = arith.constant 0 : i32
          %dma_start3A_184 = tpu.memref_slice %arg6[%dma_start3A_182, %dma_start3A_183] : memref<16x128xf32, #tpu.memory_space<hbm>> -> memref<16x128xf32, #tpu.memory_space<hbm>>
          tpu.enqueue_indirect_dma source(%dma_start3A_184 : memref<16x128xf32, #tpu.memory_space<hbm>>) target(%arg15 : memref<128x128xf32, #tpu.memory_space<vmem>>) offsets(%dma_start3A_181 : memref<128xi32, #tpu.memory_space<vmem>>) semaphore(%run_scoped3A_179 : memref<!tpu.dma_semaphore, #tpu.memory_space<semaphore_mem>>)
          %dma_wait3A = arith.constant 0 : i32
          %dma_wait3A_185 = tpu.memref_slice %arg12[%run_scoped3A_24, %dma_wait3A] : memref<1x128xi32, #tpu.memory_space<vmem>> -> memref<1x128xi32, #tpu.memory_space<vmem>>
          %dma_wait3A_186 = tpu.memref_squeeze %dma_wait3A_185 : memref<1x128xi32, #tpu.memory_space<vmem>> -> memref<128xi32, #tpu.memory_space<vmem>>
          %dma_wait3A_187 = arith.constant 0 : i32
          %dma_wait3A_188 = arith.constant 0 : i32
          %dma_wait3A_189 = tpu.memref_slice %arg6[%dma_wait3A_187, %dma_wait3A_188] : memref<16x128xf32, #tpu.memory_space<hbm>> -> memref<16x128xf32, #tpu.memory_space<hbm>>
          tpu.wait_indirect_dma semaphore(%run_scoped3A_179 : memref<!tpu.dma_semaphore, #tpu.memory_space<semaphore_mem>>) src(%dma_wait3A_189 : memref<16x128xf32, #tpu.memory_space<hbm>>) dst(%arg15 : memref<128x128xf32, #tpu.memory_space<vmem>>)
          tpu.yield
        }) : () -> ()
        %scan3A_25 = arith.constant 0 : i32
        %scan3A_26 = arith.constant 0 : i32
        %scan3A_27 = arith.constant 128 : i32
        %scan3A_28 = arith.addi %scan3A_26, %scan3A_27 : i32
        %scan3A_29 = arith.constant 1 : i32
        scf.for %scan3A_179 = %scan3A_26 to %scan3A_28 step %scan3A_29  : i32 {
          %get3A_180 = arith.index_cast %scan3A_179 : i32 to index
          %get3A_181 = arith.constant 0 : index
          %get3A_182 = tpu.vector_load %arg14[%get3A_180, %get3A_181] {strides = array<i32>} : memref<128x128xf32, #tpu.memory_space<vmem>>, vector<1x16xf32>,
          %get3A_183 = vector.shape_cast %get3A_182 : vector<1x16xf32> to vector<16xf32>
          %get3A_184 = arith.index_cast %scan3A_179 : i32 to index
          %get3A_185 = arith.constant 0 : index
          %get3A_186 = tpu.vector_load %arg15[%get3A_184, %get3A_185] {strides = array<i32>} : memref<128x128xf32, #tpu.memory_space<vmem>>, vector<1x16xf32>,
          %get3A_187 = vector.shape_cast %get3A_186 : vector<1x16xf32> to vector<16xf32>
          %add3A_188 = arith.addf %get3A_183, %get3A_187 : vector<16xf32>
          %swap3A_189 = arith.index_cast %scan3A_179 : i32 to index
          %swap3A_190 = arith.constant 0 : index
          %swap3A_191 = tpu.vector_load %arg14[%swap3A_189, %swap3A_190] {strides = array<i32>} : memref<128x128xf32, #tpu.memory_space<vmem>>, vector<1x16xf32>,
          %swap3A_192 = vector.shape_cast %swap3A_191 : vector<1x16xf32> to vector<16xf32>
          %swap3A_193 = vector.shape_cast %add3A_188 : vector<16xf32> to vector<1x16xf32>
          tpu.vector_store %arg14[%swap3A_189, %swap3A_190], %swap3A_193 {strides = array<i32>} : memref<128x128xf32, #tpu.memory_space<vmem>>, vector<1x16xf32>,
          %get3A_194 = arith.index_cast %scan3A_179 : i32 to index
          %get3A_195 = arith.constant 16 : index
          %get3A_196 = tpu.vector_load %arg14[%get3A_194, %get3A_195] {strides = array<i32>} : memref<128x128xf32, #tpu.memory_space<vmem>>, vector<1x16xf32>,
          %get3A_197 = vector.shape_cast %get3A_196 : vector<1x16xf32> to vector<16xf32>
          %get3A_198 = arith.index_cast %scan3A_179 : i32 to index
          %get3A_199 = arith.constant 16 : index
          %get3A_200 = tpu.vector_load %arg15[%get3A_198, %get3A_199] {strides = array<i32>} : memref<128x128xf32, #tpu.memory_space<vmem>>, vector<1x16xf32>,
          %get3A_201 = vector.shape_cast %get3A_200 : vector<1x16xf32> to vector<16xf32>
          %add3A_202 = arith.addf %get3A_197, %get3A_201 : vector<16xf32>
          %swap3A_203 = arith.index_cast %scan3A_179 : i32 to index
          %swap3A_204 = arith.constant 16 : index
          %swap3A_205 = tpu.vector_load %arg14[%swap3A_203, %swap3A_204] {strides = array<i32>} : memref<128x128xf32, #tpu.memory_space<vmem>>, vector<1x16xf32>,
          %swap3A_206 = vector.shape_cast %swap3A_205 : vector<1x16xf32> to vector<16xf32>
          %swap3A_207 = vector.shape_cast %add3A_202 : vector<16xf32> to vector<1x16xf32>
          tpu.vector_store %arg14[%swap3A_203, %swap3A_204], %swap3A_207 {strides = array<i32>} : memref<128x128xf32, #tpu.memory_space<vmem>>, vector<1x16xf32>,
          %get3A_208 = arith.index_cast %scan3A_179 : i32 to index
          %get3A_209 = arith.constant 32 : index
          %get3A_210 = tpu.vector_load %arg14[%get3A_208, %get3A_209] {strides = array<i32>} : memref<128x128xf32, #tpu.memory_space<vmem>>, vector<1x16xf32>,
          %get3A_211 = vector.shape_cast %get3A_210 : vector<1x16xf32> to vector<16xf32>
          %get3A_212 = arith.index_cast %scan3A_179 : i32 to index
          %get3A_213 = arith.constant 32 : index
          %get3A_214 = tpu.vector_load %arg15[%get3A_212, %get3A_213] {strides = array<i32>} : memref<128x128xf32, #tpu.memory_space<vmem>>, vector<1x16xf32>,
          %get3A_215 = vector.shape_cast %get3A_214 : vector<1x16xf32> to vector<16xf32>
          %add3A_216 = arith.addf %get3A_211, %get3A_215 : vector<16xf32>
          %swap3A_217 = arith.index_cast %scan3A_179 : i32 to index
          %swap3A_218 = arith.constant 32 : index
          %swap3A_219 = tpu.vector_load %arg14[%swap3A_217, %swap3A_218] {strides = array<i32>} : memref<128x128xf32, #tpu.memory_space<vmem>>, vector<1x16xf32>,
          %swap3A_220 = vector.shape_cast %swap3A_219 : vector<1x16xf32> to vector<16xf32>
          %swap3A_221 = vector.shape_cast %add3A_216 : vector<16xf32> to vector<1x16xf32>
          tpu.vector_store %arg14[%swap3A_217, %swap3A_218], %swap3A_221 {strides = array<i32>} : memref<128x128xf32, #tpu.memory_space<vmem>>, vector<1x16xf32>,
          %get3A_222 = arith.index_cast %scan3A_179 : i32 to index
          %get3A_223 = arith.constant 48 : index
          %get3A_224 = tpu.vector_load %arg14[%get3A_222, %get3A_223] {strides = array<i32>} : memref<128x128xf32, #tpu.memory_space<vmem>>, vector<1x16xf32>,
          %get3A_225 = vector.shape_cast %get3A_224 : vector<1x16xf32> to vector<16xf32>
          %get3A_226 = arith.index_cast %scan3A_179 : i32 to index
          %get3A_227 = arith.constant 48 : index
          %get3A_228 = tpu.vector_load %arg15[%get3A_226, %get3A_227] {strides = array<i32>} : memref<128x128xf32, #tpu.memory_space<vmem>>, vector<1x16xf32>,
          %get3A_229 = vector.shape_cast %get3A_228 : vector<1x16xf32> to vector<16xf32>
          %add3A_230 = arith.addf %get3A_225, %get3A_229 : vector<16xf32>
          %swap3A_231 = arith.index_cast %scan3A_179 : i32 to index
          %swap3A_232 = arith.constant 48 : index
          %swap3A_233 = tpu.vector_load %arg14[%swap3A_231, %swap3A_232] {strides = array<i32>} : memref<128x128xf32, #tpu.memory_space<vmem>>, vector<1x16xf32>,
          %swap3A_234 = vector.shape_cast %swap3A_233 : vector<1x16xf32> to vector<16xf32>
          %swap3A_235 = vector.shape_cast %add3A_230 : vector<16xf32> to vector<1x16xf32>
          tpu.vector_store %arg14[%swap3A_231, %swap3A_232], %swap3A_235 {strides = array<i32>} : memref<128x128xf32, #tpu.memory_space<vmem>>, vector<1x16xf32>,
          %get3A_236 = arith.index_cast %scan3A_179 : i32 to index
          %get3A_237 = arith.constant 64 : index
          %get3A_238 = tpu.vector_load %arg14[%get3A_236, %get3A_237] {strides = array<i32>} : memref<128x128xf32, #tpu.memory_space<vmem>>, vector<1x16xf32>,
          %get3A_239 = vector.shape_cast %get3A_238 : vector<1x16xf32> to vector<16xf32>
          %get3A_240 = arith.index_cast %scan3A_179 : i32 to index
          %get3A_241 = arith.constant 64 : index
          %get3A_242 = tpu.vector_load %arg15[%get3A_240, %get3A_241] {strides = array<i32>} : memref<128x128xf32, #tpu.memory_space<vmem>>, vector<1x16xf32>,
          %get3A_243 = vector.shape_cast %get3A_242 : vector<1x16xf32> to vector<16xf32>
          %add3A_244 = arith.addf %get3A_239, %get3A_243 : vector<16xf32>
          %swap3A_245 = arith.index_cast %scan3A_179 : i32 to index
          %swap3A_246 = arith.constant 64 : index
          %swap3A_247 = tpu.vector_load %arg14[%swap3A_245, %swap3A_246] {strides = array<i32>} : memref<128x128xf32, #tpu.memory_space<vmem>>, vector<1x16xf32>,
          %swap3A_248 = vector.shape_cast %swap3A_247 : vector<1x16xf32> to vector<16xf32>
          %swap3A_249 = vector.shape_cast %add3A_244 : vector<16xf32> to vector<1x16xf32>
          tpu.vector_store %arg14[%swap3A_245, %swap3A_246], %swap3A_249 {strides = array<i32>} : memref<128x128xf32, #tpu.memory_space<vmem>>, vector<1x16xf32>,
          %get3A_250 = arith.index_cast %scan3A_179 : i32 to index
          %get3A_251 = arith.constant 80 : index
          %get3A_252 = tpu.vector_load %arg14[%get3A_250, %get3A_251] {strides = array<i32>} : memref<128x128xf32, #tpu.memory_space<vmem>>, vector<1x16xf32>,
          %get3A_253 = vector.shape_cast %get3A_252 : vector<1x16xf32> to vector<16xf32>
          %get3A_254 = arith.index_cast %scan3A_179 : i32 to index
          %get3A_255 = arith.constant 80 : index
          %get3A_256 = tpu.vector_load %arg15[%get3A_254, %get3A_255] {strides = array<i32>} : memref<128x128xf32, #tpu.memory_space<vmem>>, vector<1x16xf32>,
          %get3A_257 = vector.shape_cast %get3A_256 : vector<1x16xf32> to vector<16xf32>
          %add3A_258 = arith.addf %get3A_253, %get3A_257 : vector<16xf32>
          %swap3A_259 = arith.index_cast %scan3A_179 : i32 to index
          %swap3A_260 = arith.constant 80 : index
          %swap3A_261 = tpu.vector_load %arg14[%swap3A_259, %swap3A_260] {strides = array<i32>} : memref<128x128xf32, #tpu.memory_space<vmem>>, vector<1x16xf32>,
          %swap3A_262 = vector.shape_cast %swap3A_261 : vector<1x16xf32> to vector<16xf32>
          %swap3A_263 = vector.shape_cast %add3A_258 : vector<16xf32> to vector<1x16xf32>
          tpu.vector_store %arg14[%swap3A_259, %swap3A_260], %swap3A_263 {strides = array<i32>} : memref<128x128xf32, #tpu.memory_space<vmem>>, vector<1x16xf32>,
          %get3A_264 = arith.index_cast %scan3A_179 : i32 to index
          %get3A_265 = arith.constant 96 : index
          %get3A_266 = tpu.vector_load %arg14[%get3A_264, %get3A_265] {strides = array<i32>} : memref<128x128xf32, #tpu.memory_space<vmem>>, vector<1x16xf32>,
          %get3A_267 = vector.shape_cast %get3A_266 : vector<1x16xf32> to vector<16xf32>
          %get3A_268 = arith.index_cast %scan3A_179 : i32 to index
          %get3A_269 = arith.constant 96 : index
          %get3A_270 = tpu.vector_load %arg15[%get3A_268, %get3A_269] {strides = array<i32>} : memref<128x128xf32, #tpu.memory_space<vmem>>, vector<1x16xf32>,
          %get3A_271 = vector.shape_cast %get3A_270 : vector<1x16xf32> to vector<16xf32>
          %add3A_272 = arith.addf %get3A_267, %get3A_271 : vector<16xf32>
          %swap3A_273 = arith.index_cast %scan3A_179 : i32 to index
          %swap3A_274 = arith.constant 96 : index
          %swap3A_275 = tpu.vector_load %arg14[%swap3A_273, %swap3A_274] {strides = array<i32>} : memref<128x128xf32, #tpu.memory_space<vmem>>, vector<1x16xf32>,
          %swap3A_276 = vector.shape_cast %swap3A_275 : vector<1x16xf32> to vector<16xf32>
          %swap3A_277 = vector.shape_cast %add3A_272 : vector<16xf32> to vector<1x16xf32>
          tpu.vector_store %arg14[%swap3A_273, %swap3A_274], %swap3A_277 {strides = array<i32>} : memref<128x128xf32, #tpu.memory_space<vmem>>, vector<1x16xf32>,
          %get3A_278 = arith.index_cast %scan3A_179 : i32 to index
          %get3A_279 = arith.constant 112 : index
          %get3A_280 = tpu.vector_load %arg14[%get3A_278, %get3A_279] {strides = array<i32>} : memref<128x128xf32, #tpu.memory_space<vmem>>, vector<1x16xf32>,
          %get3A_281 = vector.shape_cast %get3A_280 : vector<1x16xf32> to vector<16xf32>
          %get3A_282 = arith.index_cast %scan3A_179 : i32 to index
          %get3A_283 = arith.constant 112 : index
          %get3A_284 = tpu.vector_load %arg15[%get3A_282, %get3A_283] {strides = array<i32>} : memref<128x128xf32, #tpu.memory_space<vmem>>, vector<1x16xf32>,
          %get3A_285 = vector.shape_cast %get3A_284 : vector<1x16xf32> to vector<16xf32>
          %add3A_286 = arith.addf %get3A_281, %get3A_285 : vector<16xf32>
          %swap3A_287 = arith.index_cast %scan3A_179 : i32 to index
          %swap3A_288 = arith.constant 112 : index
          %swap3A_289 = tpu.vector_load %arg14[%swap3A_287, %swap3A_288] {strides = array<i32>} : memref<128x128xf32, #tpu.memory_space<vmem>>, vector<1x16xf32>,
          %swap3A_290 = vector.shape_cast %swap3A_289 : vector<1x16xf32> to vector<16xf32>
          %swap3A_291 = vector.shape_cast %add3A_286 : vector<16xf32> to vector<1x16xf32>
          tpu.vector_store %arg14[%swap3A_287, %swap3A_288], %swap3A_291 {strides = array<i32>} : memref<128x128xf32, #tpu.memory_space<vmem>>, vector<1x16xf32>,
        }
        %scan3A_30 = arith.constant 128 : i32
        %get3A = arith.constant 0 : i32
        %get3A_31 = arith.index_cast %get3A : i32 to index
        %get3A_32 = arith.constant 0 : index
        %get3A_33 = tpu.vector_load %arg11[%get3A_31, %get3A_32] {strides = array<i32>} : memref<1x128xi32, #tpu.memory_space<vmem>>, vector<1x16xi32>,
        %get3A_34 = vector.shape_cast %get3A_33 : vector<1x16xi32> to vector<16xi32>
        %ge3A_35 = vector.broadcast %mul3A_2 : i32 to vector<16xi32>
        %ge3A_36 = arith.cmpi sge, %get3A_34, %ge3A_35 : vector<16xi32>
        %lt3A_37 = vector.broadcast %add3A_4 : i32 to vector<16xi32>
        %lt3A_38 = arith.cmpi slt, %get3A_34, %lt3A_37 : vector<16xi32>
        %and3A_39 = arith.andi %ge3A_36, %lt3A_38 : vector<16xi1>
        %jit3A = arith.constant 11263 : i32
        %broadcast_in_dim3A = vector.broadcast %jit3A : i32 to vector<16xi32>
        %select_n3A = arith.select %and3A_39, %get3A_34, %broadcast_in_dim3A : vector<16xi1>, vector<16xi32>
        %swap3A = arith.constant 0 : i32
        %swap3A_40 = arith.index_cast %swap3A : i32 to index
        %swap3A_41 = arith.constant 0 : index
        %swap3A_42 = tpu.vector_load %arg13[%swap3A_40, %swap3A_41] {strides = array<i32>} : memref<1x128xi32, #tpu.memory_space<vmem>>, vector<1x16xi32>,
        %swap3A_43 = vector.shape_cast %swap3A_42 : vector<1x16xi32> to vector<16xi32>
        %swap3A_44 = vector.shape_cast %select_n3A : vector<16xi32> to vector<1x16xi32>
        tpu.vector_store %arg13[%swap3A_40, %swap3A_41], %swap3A_44 {strides = array<i32>} : memref<1x128xi32, #tpu.memory_space<vmem>>, vector<1x16xi32>,
        %get3A_45 = arith.constant 0 : i32
        %get3A_46 = arith.index_cast %get3A_45 : i32 to index
        %get3A_47 = arith.constant 16 : index
        %get3A_48 = tpu.vector_load %arg11[%get3A_46, %get3A_47] {strides = array<i32>} : memref<1x128xi32, #tpu.memory_space<vmem>>, vector<1x16xi32>,
        %get3A_49 = vector.shape_cast %get3A_48 : vector<1x16xi32> to vector<16xi32>
        %ge3A_50 = vector.broadcast %mul3A_2 : i32 to vector<16xi32>
        %ge3A_51 = arith.cmpi sge, %get3A_49, %ge3A_50 : vector<16xi32>
        %lt3A_52 = vector.broadcast %add3A_4 : i32 to vector<16xi32>
        %lt3A_53 = arith.cmpi slt, %get3A_49, %lt3A_52 : vector<16xi32>
        %and3A_54 = arith.andi %ge3A_51, %lt3A_53 : vector<16xi1>
        %jit3A_55 = arith.constant 11263 : i32
        %broadcast_in_dim3A_56 = vector.broadcast %jit3A_55 : i32 to vector<16xi32>
        %select_n3A_57 = arith.select %and3A_54, %get3A_49, %broadcast_in_dim3A_56 : vector<16xi1>, vector<16xi32>
        %swap3A_58 = arith.constant 0 : i32
        %swap3A_59 = arith.index_cast %swap3A_58 : i32 to index
        %swap3A_60 = arith.constant 16 : index
        %swap3A_61 = tpu.vector_load %arg13[%swap3A_59, %swap3A_60] {strides = array<i32>} : memref<1x128xi32, #tpu.memory_space<vmem>>, vector<1x16xi32>,
        %swap3A_62 = vector.shape_cast %swap3A_61 : vector<1x16xi32> to vector<16xi32>
        %swap3A_63 = vector.shape_cast %select_n3A_57 : vector<16xi32> to vector<1x16xi32>
        tpu.vector_store %arg13[%swap3A_59, %swap3A_60], %swap3A_63 {strides = array<i32>} : memref<1x128xi32, #tpu.memory_space<vmem>>, vector<1x16xi32>,
        %get3A_64 = arith.constant 0 : i32
        %get3A_65 = arith.index_cast %get3A_64 : i32 to index
        %get3A_66 = arith.constant 32 : index
        %get3A_67 = tpu.vector_load %arg11[%get3A_65, %get3A_66] {strides = array<i32>} : memref<1x128xi32, #tpu.memory_space<vmem>>, vector<1x16xi32>,
        %get3A_68 = vector.shape_cast %get3A_67 : vector<1x16xi32> to vector<16xi32>
        %ge3A_69 = vector.broadcast %mul3A_2 : i32 to vector<16xi32>
        %ge3A_70 = arith.cmpi sge, %get3A_68, %ge3A_69 : vector<16xi32>
        %lt3A_71 = vector.broadcast %add3A_4 : i32 to vector<16xi32>
        %lt3A_72 = arith.cmpi slt, %get3A_68, %lt3A_71 : vector<16xi32>
        %and3A_73 = arith.andi %ge3A_70, %lt3A_72 : vector<16xi1>
        %jit3A_74 = arith.constant 11263 : i32
        %broadcast_in_dim3A_75 = vector.broadcast %jit3A_74 : i32 to vector<16xi32>
        %select_n3A_76 = arith.select %and3A_73, %get3A_68, %broadcast_in_dim3A_75 : vector<16xi1>, vector<16xi32>
        %swap3A_77 = arith.constant 0 : i32
        %swap3A_78 = arith.index_cast %swap3A_77 : i32 to index
        %swap3A_79 = arith.constant 32 : index
        %swap3A_80 = tpu.vector_load %arg13[%swap3A_78, %swap3A_79] {strides = array<i32>} : memref<1x128xi32, #tpu.memory_space<vmem>>, vector<1x16xi32>,
        %swap3A_81 = vector.shape_cast %swap3A_80 : vector<1x16xi32> to vector<16xi32>
        %swap3A_82 = vector.shape_cast %select_n3A_76 : vector<16xi32> to vector<1x16xi32>
        tpu.vector_store %arg13[%swap3A_78, %swap3A_79], %swap3A_82 {strides = array<i32>} : memref<1x128xi32, #tpu.memory_space<vmem>>, vector<1x16xi32>,
        %get3A_83 = arith.constant 0 : i32
        %get3A_84 = arith.index_cast %get3A_83 : i32 to index
        %get3A_85 = arith.constant 48 : index
        %get3A_86 = tpu.vector_load %arg11[%get3A_84, %get3A_85] {strides = array<i32>} : memref<1x128xi32, #tpu.memory_space<vmem>>, vector<1x16xi32>,
        %get3A_87 = vector.shape_cast %get3A_86 : vector<1x16xi32> to vector<16xi32>
        %ge3A_88 = vector.broadcast %mul3A_2 : i32 to vector<16xi32>
        %ge3A_89 = arith.cmpi sge, %get3A_87, %ge3A_88 : vector<16xi32>
        %lt3A_90 = vector.broadcast %add3A_4 : i32 to vector<16xi32>
        %lt3A_91 = arith.cmpi slt, %get3A_87, %lt3A_90 : vector<16xi32>
        %and3A_92 = arith.andi %ge3A_89, %lt3A_91 : vector<16xi1>
        %jit3A_93 = arith.constant 11263 : i32
        %broadcast_in_dim3A_94 = vector.broadcast %jit3A_93 : i32 to vector<16xi32>
        %select_n3A_95 = arith.select %and3A_92, %get3A_87, %broadcast_in_dim3A_94 : vector<16xi1>, vector<16xi32>
        %swap3A_96 = arith.constant 0 : i32
        %swap3A_97 = arith.index_cast %swap3A_96 : i32 to index
        %swap3A_98 = arith.constant 48 : index
        %swap3A_99 = tpu.vector_load %arg13[%swap3A_97, %swap3A_98] {strides = array<i32>} : memref<1x128xi32, #tpu.memory_space<vmem>>, vector<1x16xi32>,
        %swap3A_100 = vector.shape_cast %swap3A_99 : vector<1x16xi32> to vector<16xi32>
        %swap3A_101 = vector.shape_cast %select_n3A_95 : vector<16xi32> to vector<1x16xi32>
        tpu.vector_store %arg13[%swap3A_97, %swap3A_98], %swap3A_101 {strides = array<i32>} : memref<1x128xi32, #tpu.memory_space<vmem>>, vector<1x16xi32>,
        %get3A_102 = arith.constant 0 : i32
        %get3A_103 = arith.index_cast %get3A_102 : i32 to index
        %get3A_104 = arith.constant 64 : index
        %get3A_105 = tpu.vector_load %arg11[%get3A_103, %get3A_104] {strides = array<i32>} : memref<1x128xi32, #tpu.memory_space<vmem>>, vector<1x16xi32>,
        %get3A_106 = vector.shape_cast %get3A_105 : vector<1x16xi32> to vector<16xi32>
        %ge3A_107 = vector.broadcast %mul3A_2 : i32 to vector<16xi32>
        %ge3A_108 = arith.cmpi sge, %get3A_106, %ge3A_107 : vector<16xi32>
        %lt3A_109 = vector.broadcast %add3A_4 : i32 to vector<16xi32>
        %lt3A_110 = arith.cmpi slt, %get3A_106, %lt3A_109 : vector<16xi32>
        %and3A_111 = arith.andi %ge3A_108, %lt3A_110 : vector<16xi1>
        %jit3A_112 = arith.constant 11263 : i32
        %broadcast_in_dim3A_113 = vector.broadcast %jit3A_112 : i32 to vector<16xi32>
        %select_n3A_114 = arith.select %and3A_111, %get3A_106, %broadcast_in_dim3A_113 : vector<16xi1>, vector<16xi32>
        %swap3A_115 = arith.constant 0 : i32
        %swap3A_116 = arith.index_cast %swap3A_115 : i32 to index
        %swap3A_117 = arith.constant 64 : index
        %swap3A_118 = tpu.vector_load %arg13[%swap3A_116, %swap3A_117] {strides = array<i32>} : memref<1x128xi32, #tpu.memory_space<vmem>>, vector<1x16xi32>,
        %swap3A_119 = vector.shape_cast %swap3A_118 : vector<1x16xi32> to vector<16xi32>
        %swap3A_120 = vector.shape_cast %select_n3A_114 : vector<16xi32> to vector<1x16xi32>
        tpu.vector_store %arg13[%swap3A_116, %swap3A_117], %swap3A_120 {strides = array<i32>} : memref<1x128xi32, #tpu.memory_space<vmem>>, vector<1x16xi32>,
        %get3A_121 = arith.constant 0 : i32
        %get3A_122 = arith.index_cast %get3A_121 : i32 to index
        %get3A_123 = arith.constant 80 : index
        %get3A_124 = tpu.vector_load %arg11[%get3A_122, %get3A_123] {strides = array<i32>} : memref<1x128xi32, #tpu.memory_space<vmem>>, vector<1x16xi32>,
        %get3A_125 = vector.shape_cast %get3A_124 : vector<1x16xi32> to vector<16xi32>
        %ge3A_126 = vector.broadcast %mul3A_2 : i32 to vector<16xi32>
        %ge3A_127 = arith.cmpi sge, %get3A_125, %ge3A_126 : vector<16xi32>
        %lt3A_128 = vector.broadcast %add3A_4 : i32 to vector<16xi32>
        %lt3A_129 = arith.cmpi slt, %get3A_125, %lt3A_128 : vector<16xi32>
        %and3A_130 = arith.andi %ge3A_127, %lt3A_129 : vector<16xi1>
        %jit3A_131 = arith.constant 11263 : i32
        %broadcast_in_dim3A_132 = vector.broadcast %jit3A_131 : i32 to vector<16xi32>
        %select_n3A_133 = arith.select %and3A_130, %get3A_125, %broadcast_in_dim3A_132 : vector<16xi1>, vector<16xi32>
        %swap3A_134 = arith.constant 0 : i32
        %swap3A_135 = arith.index_cast %swap3A_134 : i32 to index
        %swap3A_136 = arith.constant 80 : index
        %swap3A_137 = tpu.vector_load %arg13[%swap3A_135, %swap3A_136] {strides = array<i32>} : memref<1x128xi32, #tpu.memory_space<vmem>>, vector<1x16xi32>,
        %swap3A_138 = vector.shape_cast %swap3A_137 : vector<1x16xi32> to vector<16xi32>
        %swap3A_139 = vector.shape_cast %select_n3A_133 : vector<16xi32> to vector<1x16xi32>
        tpu.vector_store %arg13[%swap3A_135, %swap3A_136], %swap3A_139 {strides = array<i32>} : memref<1x128xi32, #tpu.memory_space<vmem>>, vector<1x16xi32>,
        %get3A_140 = arith.constant 0 : i32
        %get3A_141 = arith.index_cast %get3A_140 : i32 to index
        %get3A_142 = arith.constant 96 : index
        %get3A_143 = tpu.vector_load %arg11[%get3A_141, %get3A_142] {strides = array<i32>} : memref<1x128xi32, #tpu.memory_space<vmem>>, vector<1x16xi32>,
        %get3A_144 = vector.shape_cast %get3A_143 : vector<1x16xi32> to vector<16xi32>
        %ge3A_145 = vector.broadcast %mul3A_2 : i32 to vector<16xi32>
        %ge3A_146 = arith.cmpi sge, %get3A_144, %ge3A_145 : vector<16xi32>
        %lt3A_147 = vector.broadcast %add3A_4 : i32 to vector<16xi32>
        %lt3A_148 = arith.cmpi slt, %get3A_144, %lt3A_147 : vector<16xi32>
        %and3A_149 = arith.andi %ge3A_146, %lt3A_148 : vector<16xi1>
        %jit3A_150 = arith.constant 11263 : i32
        %broadcast_in_dim3A_151 = vector.broadcast %jit3A_150 : i32 to vector<16xi32>
        %select_n3A_152 = arith.select %and3A_149, %get3A_144, %broadcast_in_dim3A_151 : vector<16xi1>, vector<16xi32>
        %swap3A_153 = arith.constant 0 : i32
        %swap3A_154 = arith.index_cast %swap3A_153 : i32 to index
        %swap3A_155 = arith.constant 96 : index
        %swap3A_156 = tpu.vector_load %arg13[%swap3A_154, %swap3A_155] {strides = array<i32>} : memref<1x128xi32, #tpu.memory_space<vmem>>, vector<1x16xi32>,
        %swap3A_157 = vector.shape_cast %swap3A_156 : vector<1x16xi32> to vector<16xi32>
        %swap3A_158 = vector.shape_cast %select_n3A_152 : vector<16xi32> to vector<1x16xi32>
        tpu.vector_store %arg13[%swap3A_154, %swap3A_155], %swap3A_158 {strides = array<i32>} : memref<1x128xi32, #tpu.memory_space<vmem>>, vector<1x16xi32>,
        %get3A_159 = arith.constant 0 : i32
        %get3A_160 = arith.index_cast %get3A_159 : i32 to index
        %get3A_161 = arith.constant 112 : index
        %get3A_162 = tpu.vector_load %arg11[%get3A_160, %get3A_161] {strides = array<i32>} : memref<1x128xi32, #tpu.memory_space<vmem>>, vector<1x16xi32>,
        %get3A_163 = vector.shape_cast %get3A_162 : vector<1x16xi32> to vector<16xi32>
        %ge3A_164 = vector.broadcast %mul3A_2 : i32 to vector<16xi32>
        %ge3A_165 = arith.cmpi sge, %get3A_163, %ge3A_164 : vector<16xi32>
        %lt3A_166 = vector.broadcast %add3A_4 : i32 to vector<16xi32>
        %lt3A_167 = arith.cmpi slt, %get3A_163, %lt3A_166 : vector<16xi32>
        %and3A_168 = arith.andi %ge3A_165, %lt3A_167 : vector<16xi1>
        %jit3A_169 = arith.constant 11263 : i32
        %broadcast_in_dim3A_170 = vector.broadcast %jit3A_169 : i32 to vector<16xi32>
        %select_n3A_171 = arith.select %and3A_168, %get3A_163, %broadcast_in_dim3A_170 : vector<16xi1>, vector<16xi32>
        %swap3A_172 = arith.constant 0 : i32
        %swap3A_173 = arith.index_cast %swap3A_172 : i32 to index
        %swap3A_174 = arith.constant 112 : index
        %swap3A_175 = tpu.vector_load %arg13[%swap3A_173, %swap3A_174] {strides = array<i32>} : memref<1x128xi32, #tpu.memory_space<vmem>>, vector<1x16xi32>,
        %swap3A_176 = vector.shape_cast %swap3A_175 : vector<1x16xi32> to vector<16xi32>
        %swap3A_177 = vector.shape_cast %select_n3A_171 : vector<16xi32> to vector<1x16xi32>
        tpu.vector_store %arg13[%swap3A_173, %swap3A_174], %swap3A_177 {strides = array<i32>} : memref<1x128xi32, #tpu.memory_space<vmem>>, vector<1x16xi32>,
        %run_scoped3A_178 = arith.constant 0 : i32
        "tpu.region"() ({
          %run_scoped3A_179 = tpu.sem_alloc : memref<!tpu.dma_semaphore, #tpu.memory_space<semaphore_mem>>
          %dma_start3A = arith.constant 0 : i32
          %dma_start3A_180 = tpu.memref_slice %arg13[%run_scoped3A_178, %dma_start3A] : memref<1x128xi32, #tpu.memory_space<vmem>> -> memref<1x128xi32, #tpu.memory_space<vmem>>
          %dma_start3A_181 = tpu.memref_squeeze %dma_start3A_180 : memref<1x128xi32, #tpu.memory_space<vmem>> -> memref<128xi32, #tpu.memory_space<vmem>>
          %dma_start3A_182 = arith.constant 0 : i32
          %dma_start3A_183 = arith.constant 0 : i32
          %dma_start3A_184 = tpu.memref_slice %arg17[%dma_start3A_182, %dma_start3A_183] : memref<11264x128xf32, #tpu.memory_space<vmem_shared>> -> memref<11264x128xf32, #tpu.memory_space<vmem_shared>>
          tpu.enqueue_indirect_dma source(%arg14 : memref<128x128xf32, #tpu.memory_space<vmem>>) target(%dma_start3A_184 : memref<11264x128xf32, #tpu.memory_space<vmem_shared>>) offsets(%dma_start3A_181 : memref<128xi32, #tpu.memory_space<vmem>>) semaphore(%run_scoped3A_179 : memref<!tpu.dma_semaphore, #tpu.memory_space<semaphore_mem>>) {add = true}
          %dma_wait3A = arith.constant 0 : i32
          %dma_wait3A_185 = tpu.memref_slice %arg13[%run_scoped3A_178, %dma_wait3A] : memref<1x128xi32, #tpu.memory_space<vmem>> -> memref<1x128xi32, #tpu.memory_space<vmem>>
          %dma_wait3A_186 = tpu.memref_squeeze %dma_wait3A_185 : memref<1x128xi32, #tpu.memory_space<vmem>> -> memref<128xi32, #tpu.memory_space<vmem>>
          %dma_wait3A_187 = arith.constant 0 : i32
          %dma_wait3A_188 = arith.constant 0 : i32
          %dma_wait3A_189 = tpu.memref_slice %arg17[%dma_wait3A_187, %dma_wait3A_188] : memref<11264x128xf32, #tpu.memory_space<vmem_shared>> -> memref<11264x128xf32, #tpu.memory_space<vmem_shared>>
          tpu.wait_indirect_dma semaphore(%run_scoped3A_179 : memref<!tpu.dma_semaphore, #tpu.memory_space<semaphore_mem>>) src(%arg14 : memref<128x128xf32, #tpu.memory_space<vmem>>) dst(%dma_wait3A_189 : memref<11264x128xf32, #tpu.memory_space<vmem_shared>>)
          tpu.yield
        }) : () -> ()
      } else {
      }
    }
    %scan3A_15 = arith.constant 2579 : i32
    %barrier3A_16 = arith.constant 0 : index
    tpu.barrier barrier_id(%barrier3A_16)
    "tpu.region"() ({
      %run_scoped3A = tpu.sem_alloc : memref<!tpu.dma_semaphore, #tpu.memory_space<semaphore_mem>>
      %dma_start3A = arith.constant 0 : i32
      %dma_start3A_17 = tpu.memref_slice %arg9[%mul3A_2, %dma_start3A] : memref<11264x128xf32, #tpu.memory_space<hbm>> -> memref<352x128xf32, #tpu.memory_space<hbm>>
      %dma_start3A_18 = arith.constant 0 : i32
      %dma_start3A_19 = tpu.memref_slice %arg17[%mul3A_2, %dma_start3A_18] : memref<11264x128xf32, #tpu.memory_space<vmem_shared>> -> memref<352x128xf32, #tpu.memory_space<vmem_shared>>
      tpu.enqueue_dma source(%dma_start3A_19 : memref<352x128xf32, #tpu.memory_space<vmem_shared>>) target(%dma_start3A_17 : memref<352x128xf32, #tpu.memory_space<hbm>>) target_semaphore(%run_scoped3A : memref<!tpu.dma_semaphore, #tpu.memory_space<semaphore_mem>>)
      %dma_wait3A = arith.constant 0 : i32
      %dma_wait3A_20 = tpu.memref_slice %arg9[%mul3A_2, %dma_wait3A] : memref<11264x128xf32, #tpu.memory_space<hbm>> -> memref<352x128xf32, #tpu.memory_space<hbm>>
      %dma_wait3A_21 = arith.constant 0 : i32
      %dma_wait3A_22 = tpu.memref_slice %arg17[%mul3A_2, %dma_wait3A_21] : memref<11264x128xf32, #tpu.memory_space<vmem_shared>> -> memref<352x128xf32, #tpu.memory_space<vmem_shared>>
      tpu.wait_dma2 semaphore(%run_scoped3A : memref<!tpu.dma_semaphore, #tpu.memory_space<semaphore_mem>>) src(%dma_wait3A_22 : memref<352x128xf32, #tpu.memory_space<vmem_shared>>) dst(%dma_wait3A_20 : memref<352x128xf32, #tpu.memory_space<hbm>>)
      tpu.yield
    }) : () -> ()
    return
  }
}

module attributes {stable_mosaic.version = 14 : i64} {
  func.func @_mlp_body(%arg0: i32, %arg1: memref<2816x128xf32, #tpu.memory_space<vmem>>, %arg2: memref<128x256xf32, #tpu.memory_space<vmem>>, %arg3: memref<1x256xf32, #tpu.memory_space<vmem>>, %arg4: memref<256x128xf32, #tpu.memory_space<vmem>>, %arg5: memref<1x128xf32, #tpu.memory_space<vmem>>, %arg6: memref<2816x128xf32, #tpu.memory_space<vmem>>) attributes {dimension_semantics = [#tpu.dimension_semantics<arbitrary>], iteration_bounds = array<i64: 4>, scalar_prefetch = 0 : i64, scratch_operands = 0 : i64, tpu.core_type = #tpu.core_type<tc>, window_params = [{transform_indices = @transform_0, window_bounds = array<i64: 2816, 128>}, {pipeline_mode = #tpu.pipeline_mode<synchronous>, transform_indices = @transform_1, window_bounds = array<i64: 128, 256>}, {pipeline_mode = #tpu.pipeline_mode<synchronous>, transform_indices = @transform_2, window_bounds = array<i64: 1, 256>}, {pipeline_mode = #tpu.pipeline_mode<synchronous>, transform_indices = @transform_3, window_bounds = array<i64: 256, 128>}, {pipeline_mode = #tpu.pipeline_mode<synchronous>, transform_indices = @transform_4, window_bounds = array<i64: 1, 128>}, {transform_indices = @transform_5, window_bounds = array<i64: 2816, 128>}]} {
    %get3A = arith.constant 0 : index
    %get3A_0 = arith.constant 0 : index
    %get3A_1 = vector.load %arg1[%get3A, %get3A_0] : memref<2816x128xf32, #tpu.memory_space<vmem>>, vector<2816x128xf32>
    %get3A_2 = arith.constant 0 : index
    %get3A_3 = arith.constant 0 : index
    %get3A_4 = vector.load %arg2[%get3A_2, %get3A_3] : memref<128x256xf32, #tpu.memory_space<vmem>>, vector<128x256xf32>
    %dot_general3A = arith.constant dense<0.000000e+00> : vector<2816x256xf32>
    %dot_general3A_5 = tpu.matmul %get3A_1, %get3A_4, %dot_general3A {dimension_numbers = #tpu.dot_dimension_numbers<[1], [0], [0], [1], [0, 0, 1, 1], [], []>, transpose_lhs_hint = false} : vector<2816x128xf32>, vector<128x256xf32>, vector<2816x256xf32> -> vector<2816x256xf32>
    %get3A_6 = arith.constant 0 : index
    %get3A_7 = arith.constant 0 : index
    %get3A_8 = vector.load %arg3[%get3A_6, %get3A_7] : memref<1x256xf32, #tpu.memory_space<vmem>>, vector<1x256xf32>
    %add3A = vector.broadcast %get3A_8 : vector<1x256xf32> to vector<2816x256xf32>
    %add3A_9 = arith.addf %dot_general3A_5, %add3A : vector<2816x256xf32>
    %max3A = arith.constant 0.000000e+00 : f32
    %max3A_10 = vector.broadcast %max3A : f32 to vector<2816x256xf32>
    %max3A_11 = arith.maximumf %add3A_9, %max3A_10 : vector<2816x256xf32>
    %get3A_12 = arith.constant 0 : index
    %get3A_13 = arith.constant 0 : index
    %get3A_14 = vector.load %arg4[%get3A_12, %get3A_13] : memref<256x128xf32, #tpu.memory_space<vmem>>, vector<256x128xf32>
    %dot_general3A_15 = arith.constant dense<0.000000e+00> : vector<2816x128xf32>
    %dot_general3A_16 = tpu.matmul %max3A_11, %get3A_14, %dot_general3A_15 {dimension_numbers = #tpu.dot_dimension_numbers<[1], [0], [0], [1], [0, 0, 1, 1], [], []>, transpose_lhs_hint = false} : vector<2816x256xf32>, vector<256x128xf32>, vector<2816x128xf32> -> vector<2816x128xf32>
    %get3A_17 = arith.constant 0 : index
    %get3A_18 = arith.constant 0 : index
    %get3A_19 = vector.load %arg5[%get3A_17, %get3A_18] : memref<1x128xf32, #tpu.memory_space<vmem>>, vector<1x128xf32>
    %add3A_20 = vector.broadcast %get3A_19 : vector<1x128xf32> to vector<2816x128xf32>
    %add3A_21 = arith.addf %dot_general3A_16, %add3A_20 : vector<2816x128xf32>
    %swap3A = arith.constant 0 : index
    %swap3A_22 = arith.constant 0 : index
    %swap3A_23 = vector.load %arg6[%swap3A, %swap3A_22] : memref<2816x128xf32, #tpu.memory_space<vmem>>, vector<2816x128xf32>
    tpu.vector_store %arg6[%swap3A, %swap3A_22], %add3A_21 {strides = array<i32>} : memref<2816x128xf32, #tpu.memory_space<vmem>>, vector<2816x128xf32>,
    return
  }
  func.func @transform_0(%arg0: i32) -> (i32, i32) {
    %c0_i32 = arith.constant 0 : i32
    %c0_i32_0 = arith.constant 0 : i32
    return %arg0, %c0_i32 : i32, i32
  }
  func.func @transform_1(%arg0: i32) -> (i32, i32) {
    %c0_i32 = arith.constant 0 : i32
    %c0_i32_0 = arith.constant 0 : i32
    %c0_i32_1 = arith.constant 0 : i32
    return %c0_i32, %c0_i32_0 : i32, i32
  }
  func.func @transform_2(%arg0: i32) -> (i32, i32) {
    %c0_i32 = arith.constant 0 : i32
    %c0_i32_0 = arith.constant 0 : i32
    %c0_i32_1 = arith.constant 0 : i32
    return %c0_i32, %c0_i32_0 : i32, i32
  }
  func.func @transform_3(%arg0: i32) -> (i32, i32) {
    %c0_i32 = arith.constant 0 : i32
    %c0_i32_0 = arith.constant 0 : i32
    %c0_i32_1 = arith.constant 0 : i32
    return %c0_i32, %c0_i32_0 : i32, i32
  }
  func.func @transform_4(%arg0: i32) -> (i32, i32) {
    %c0_i32 = arith.constant 0 : i32
    %c0_i32_0 = arith.constant 0 : i32
    %c0_i32_1 = arith.constant 0 : i32
    return %c0_i32, %c0_i32_0 : i32, i32
  }
  func.func @transform_5(%arg0: i32) -> (i32, i32) {
    %c0_i32 = arith.constant 0 : i32
    %c0_i32_0 = arith.constant 0 : i32
    return %arg0, %c0_i32 : i32, i32
  }
}

module attributes {stable_mosaic.version = 14 : i64} {
  func.func @_bn_body(%arg0: i32, %arg1: memref<2816x128xf32, #tpu.memory_space<vmem>>, %arg2: memref<1x128xf32, #tpu.memory_space<vmem>>, %arg3: memref<1x128xf32, #tpu.memory_space<vmem>>, %arg4: memref<1x128xf32, #tpu.memory_space<vmem>>, %arg5: memref<1x128xf32, #tpu.memory_space<vmem>>, %arg6: memref<2816x128xf32, #tpu.memory_space<vmem>>) attributes {dimension_semantics = [#tpu.dimension_semantics<arbitrary>], iteration_bounds = array<i64: 4>, scalar_prefetch = 0 : i64, scratch_operands = 0 : i64, tpu.core_type = #tpu.core_type<tc>, window_params = [{transform_indices = @transform_0, window_bounds = array<i64: 2816, 128>}, {pipeline_mode = #tpu.pipeline_mode<synchronous>, transform_indices = @transform_1, window_bounds = array<i64: 1, 128>}, {pipeline_mode = #tpu.pipeline_mode<synchronous>, transform_indices = @transform_2, window_bounds = array<i64: 1, 128>}, {pipeline_mode = #tpu.pipeline_mode<synchronous>, transform_indices = @transform_3, window_bounds = array<i64: 1, 128>}, {pipeline_mode = #tpu.pipeline_mode<synchronous>, transform_indices = @transform_4, window_bounds = array<i64: 1, 128>}, {transform_indices = @transform_5, window_bounds = array<i64: 2816, 128>}]} {
    %get3A = arith.constant 0 : index
    %get3A_0 = arith.constant 0 : index
    %get3A_1 = vector.load %arg1[%get3A, %get3A_0] : memref<2816x128xf32, #tpu.memory_space<vmem>>, vector<2816x128xf32>
    %get3A_2 = arith.constant 0 : index
    %get3A_3 = arith.constant 0 : index
    %get3A_4 = vector.load %arg2[%get3A_2, %get3A_3] : memref<1x128xf32, #tpu.memory_space<vmem>>, vector<1x128xf32>
    %sub3A = vector.broadcast %get3A_4 : vector<1x128xf32> to vector<2816x128xf32>
    %sub3A_5 = arith.subf %get3A_1, %sub3A : vector<2816x128xf32>
    %get3A_6 = arith.constant 0 : index
    %get3A_7 = arith.constant 0 : index
    %get3A_8 = vector.load %arg3[%get3A_6, %get3A_7] : memref<1x128xf32, #tpu.memory_space<vmem>>, vector<1x128xf32>
    %add3A = arith.constant 9.99999974E-6 : f32
    %add3A_9 = vector.broadcast %add3A : f32 to vector<1x128xf32>
    %add3A_10 = arith.addf %get3A_8, %add3A_9 : vector<1x128xf32>
    %sqrt3A = math.sqrt %add3A_10 : vector<1x128xf32>
    %div3A = vector.broadcast %sqrt3A : vector<1x128xf32> to vector<2816x128xf32>
    %div3A_11 = arith.divf %sub3A_5, %div3A : vector<2816x128xf32>
    %get3A_12 = arith.constant 0 : index
    %get3A_13 = arith.constant 0 : index
    %get3A_14 = vector.load %arg4[%get3A_12, %get3A_13] : memref<1x128xf32, #tpu.memory_space<vmem>>, vector<1x128xf32>
    %mul3A = vector.broadcast %get3A_14 : vector<1x128xf32> to vector<2816x128xf32>
    %mul3A_15 = arith.mulf %div3A_11, %mul3A : vector<2816x128xf32>
    %get3A_16 = arith.constant 0 : index
    %get3A_17 = arith.constant 0 : index
    %get3A_18 = vector.load %arg5[%get3A_16, %get3A_17] : memref<1x128xf32, #tpu.memory_space<vmem>>, vector<1x128xf32>
    %add3A_19 = vector.broadcast %get3A_18 : vector<1x128xf32> to vector<2816x128xf32>
    %add3A_20 = arith.addf %mul3A_15, %add3A_19 : vector<2816x128xf32>
    %max3A = arith.constant 0.000000e+00 : f32
    %max3A_21 = vector.broadcast %max3A : f32 to vector<2816x128xf32>
    %max3A_22 = arith.maximumf %add3A_20, %max3A_21 : vector<2816x128xf32>
    %swap3A = arith.constant 0 : index
    %swap3A_23 = arith.constant 0 : index
    %swap3A_24 = vector.load %arg6[%swap3A, %swap3A_23] : memref<2816x128xf32, #tpu.memory_space<vmem>>, vector<2816x128xf32>
    tpu.vector_store %arg6[%swap3A, %swap3A_23], %max3A_22 {strides = array<i32>} : memref<2816x128xf32, #tpu.memory_space<vmem>>, vector<2816x128xf32>,
    return
  }
  func.func @transform_0(%arg0: i32) -> (i32, i32) {
    %c0_i32 = arith.constant 0 : i32
    %c0_i32_0 = arith.constant 0 : i32
    return %arg0, %c0_i32 : i32, i32
  }
  func.func @transform_1(%arg0: i32) -> (i32, i32) {
    %c0_i32 = arith.constant 0 : i32
    %c0_i32_0 = arith.constant 0 : i32
    %c0_i32_1 = arith.constant 0 : i32
    return %c0_i32, %c0_i32_0 : i32, i32
  }
  func.func @transform_2(%arg0: i32) -> (i32, i32) {
    %c0_i32 = arith.constant 0 : i32
    %c0_i32_0 = arith.constant 0 : i32
    %c0_i32_1 = arith.constant 0 : i32
    return %c0_i32, %c0_i32_0 : i32, i32
  }
  func.func @transform_3(%arg0: i32) -> (i32, i32) {
    %c0_i32 = arith.constant 0 : i32
    %c0_i32_0 = arith.constant 0 : i32
    %c0_i32_1 = arith.constant 0 : i32
    return %c0_i32, %c0_i32_0 : i32, i32
  }
  func.func @transform_4(%arg0: i32) -> (i32, i32) {
    %c0_i32 = arith.constant 0 : i32
    %c0_i32_0 = arith.constant 0 : i32
    %c0_i32_1 = arith.constant 0 : i32
    return %c0_i32, %c0_i32_0 : i32, i32
  }
  func.func @transform_5(%arg0: i32) -> (i32, i32) {
    %c0_i32 = arith.constant 0 : i32
    %c0_i32_0 = arith.constant 0 : i32
    return %arg0, %c0_i32 : i32, i32
  }
}

module attributes {stable_mosaic.version = 14 : i64} {
  func.func @_bn_body(%arg0: i32, %arg1: memref<2816x128xf32, #tpu.memory_space<vmem>>, %arg2: memref<1x128xf32, #tpu.memory_space<vmem>>, %arg3: memref<1x128xf32, #tpu.memory_space<vmem>>, %arg4: memref<1x128xf32, #tpu.memory_space<vmem>>, %arg5: memref<1x128xf32, #tpu.memory_space<vmem>>, %arg6: memref<2816x128xf32, #tpu.memory_space<vmem>>) attributes {dimension_semantics = [#tpu.dimension_semantics<arbitrary>], iteration_bounds = array<i64: 4>, scalar_prefetch = 0 : i64, scratch_operands = 0 : i64, tpu.core_type = #tpu.core_type<tc>, window_params = [{transform_indices = @transform_0, window_bounds = array<i64: 2816, 128>}, {pipeline_mode = #tpu.pipeline_mode<synchronous>, transform_indices = @transform_1, window_bounds = array<i64: 1, 128>}, {pipeline_mode = #tpu.pipeline_mode<synchronous>, transform_indices = @transform_2, window_bounds = array<i64: 1, 128>}, {pipeline_mode = #tpu.pipeline_mode<synchronous>, transform_indices = @transform_3, window_bounds = array<i64: 1, 128>}, {pipeline_mode = #tpu.pipeline_mode<synchronous>, transform_indices = @transform_4, window_bounds = array<i64: 1, 128>}, {transform_indices = @transform_5, window_bounds = array<i64: 2816, 128>}]} {
    %get3A = arith.constant 0 : index
    %get3A_0 = arith.constant 0 : index
    %get3A_1 = vector.load %arg1[%get3A, %get3A_0] : memref<2816x128xf32, #tpu.memory_space<vmem>>, vector<2816x128xf32>
    %get3A_2 = arith.constant 0 : index
    %get3A_3 = arith.constant 0 : index
    %get3A_4 = vector.load %arg2[%get3A_2, %get3A_3] : memref<1x128xf32, #tpu.memory_space<vmem>>, vector<1x128xf32>
    %sub3A = vector.broadcast %get3A_4 : vector<1x128xf32> to vector<2816x128xf32>
    %sub3A_5 = arith.subf %get3A_1, %sub3A : vector<2816x128xf32>
    %get3A_6 = arith.constant 0 : index
    %get3A_7 = arith.constant 0 : index
    %get3A_8 = vector.load %arg3[%get3A_6, %get3A_7] : memref<1x128xf32, #tpu.memory_space<vmem>>, vector<1x128xf32>
    %add3A = arith.constant 9.99999974E-6 : f32
    %add3A_9 = vector.broadcast %add3A : f32 to vector<1x128xf32>
    %add3A_10 = arith.addf %get3A_8, %add3A_9 : vector<1x128xf32>
    %sqrt3A = math.sqrt %add3A_10 : vector<1x128xf32>
    %div3A = vector.broadcast %sqrt3A : vector<1x128xf32> to vector<2816x128xf32>
    %div3A_11 = arith.divf %sub3A_5, %div3A : vector<2816x128xf32>
    %get3A_12 = arith.constant 0 : index
    %get3A_13 = arith.constant 0 : index
    %get3A_14 = vector.load %arg4[%get3A_12, %get3A_13] : memref<1x128xf32, #tpu.memory_space<vmem>>, vector<1x128xf32>
    %mul3A = vector.broadcast %get3A_14 : vector<1x128xf32> to vector<2816x128xf32>
    %mul3A_15 = arith.mulf %div3A_11, %mul3A : vector<2816x128xf32>
    %get3A_16 = arith.constant 0 : index
    %get3A_17 = arith.constant 0 : index
    %get3A_18 = vector.load %arg5[%get3A_16, %get3A_17] : memref<1x128xf32, #tpu.memory_space<vmem>>, vector<1x128xf32>
    %add3A_19 = vector.broadcast %get3A_18 : vector<1x128xf32> to vector<2816x128xf32>
    %add3A_20 = arith.addf %mul3A_15, %add3A_19 : vector<2816x128xf32>
    %swap3A = arith.constant 0 : index
    %swap3A_21 = arith.constant 0 : index
    %swap3A_22 = vector.load %arg6[%swap3A, %swap3A_21] : memref<2816x128xf32, #tpu.memory_space<vmem>>, vector<2816x128xf32>
    tpu.vector_store %arg6[%swap3A, %swap3A_21], %add3A_20 {strides = array<i32>} : memref<2816x128xf32, #tpu.memory_space<vmem>>, vector<2816x128xf32>,
    return
  }
  func.func @transform_0(%arg0: i32) -> (i32, i32) {
    %c0_i32 = arith.constant 0 : i32
    %c0_i32_0 = arith.constant 0 : i32
    return %arg0, %c0_i32 : i32, i32
  }
  func.func @transform_1(%arg0: i32) -> (i32, i32) {
    %c0_i32 = arith.constant 0 : i32
    %c0_i32_0 = arith.constant 0 : i32
    %c0_i32_1 = arith.constant 0 : i32
    return %c0_i32, %c0_i32_0 : i32, i32
  }
  func.func @transform_2(%arg0: i32) -> (i32, i32) {
    %c0_i32 = arith.constant 0 : i32
    %c0_i32_0 = arith.constant 0 : i32
    %c0_i32_1 = arith.constant 0 : i32
    return %c0_i32, %c0_i32_0 : i32, i32
  }
  func.func @transform_3(%arg0: i32) -> (i32, i32) {
    %c0_i32 = arith.constant 0 : i32
    %c0_i32_0 = arith.constant 0 : i32
    %c0_i32_1 = arith.constant 0 : i32
    return %c0_i32, %c0_i32_0 : i32, i32
  }
  func.func @transform_4(%arg0: i32) -> (i32, i32) {
    %c0_i32 = arith.constant 0 : i32
    %c0_i32_0 = arith.constant 0 : i32
    %c0_i32_1 = arith.constant 0 : i32
    return %c0_i32, %c0_i32_0 : i32, i32
  }
  func.func @transform_5(%arg0: i32) -> (i32, i32) {
    %c0_i32 = arith.constant 0 : i32
    %c0_i32_0 = arith.constant 0 : i32
    return %arg0, %c0_i32 : i32, i32
  }
}

</mosaic_0001>

<sc_bundles>
// kernel: gather_offload_async_start.1
scs
__scs_entry_jumppad:
0x0: {  	(pc) =	sbr.rel $0x88, $3  }
0x1: {  	(tag) =	ssettag $0x0;
	lr =	simm.s32 $0x1  }
0x2: {  	[smem:$0x3F96] =	sst lr;
	_ =	strace $0xD0000000  }
0x3: {  	_ = 	snop  }
0x4: {  	_ = 	snop  }
0x5: {  	_ = 	snop  }
0x6: {  	_ = 	snop  }
0x7: {  	_ = 	snop  }
__scs_overlays_trampoline_lowered:
0x8: {  	[smem:$0x3FA5] =	sst s0  }
0x9: {  	[smem:$0x3FA6] =	sst s1  }
0xa: {  	[smem:$0x3FA7] =	sst s2  }
0xb: {  	[smem:$0x3FA8] =	sst s3  }
0xc: {  	[smem:$0x3FA9] =	sst s4  }
0xd: {  	[smem:$0x3FAA] =	sst s5  }
0xe: {  	[smem:$0x3FAB] =	sst s6  }
0xf: {  	[smem:$0x3FAC] =	sst s7  }
0x10: {  	[smem:$0x3FAD] =	sst s8  }
0x11: {  	[smem:$0x3FAE] =	sst s9;
	s0 =	simm.s32 @!p0 $0x0  }
0x12: {  	s1 =	sld [smem:$0x3F94];
	s0 =	simm.s32 @p0 $0x1  }
0x13: {  	[smem:$0x3FAF] =	sst s0;
	s0 =	simm.s32 @!p1 $0x0  }
0x14: {  	s2 =	sld [smem:$0x3F93];
	s0 =	simm.s32 @p1 $0x1  }
0x15: {  	[smem:$0x3FB0] =	sst s0;
	s0 =	simm.s32 @!p2 $0x0  }
0x16: {  	s3 =	sld [smem:$0x3FDB];
	s0 =	simm.s32 @p2 $0x1  }
0x17: {  	s4 =	simm.s32 $0x1BF5;
	[smem:$0x3FB2] =	sst s0  }
0x18: {  	s0 =	sld [smem:$0x3F95];
	_ =	swait.ge [sflag:s4], $0x0  }
0x19: {  	s7 =	sld [smem:$0x3F96]  }
0x1a: {  	s8 =	sadd.s32 $0xFFFFE003, lr  }
0x1b: {  	s9 =	sadd.s32 $0xFFFFFEF7, lr;
	s5 =	simm.s32 $0xFFFFFFFF;
	p2 =	slt.u32 s8, $0xFFFFF086  }
0x1c: {  	p1 =	slt.u32 s9, $0xF7A;
	s5 =	simm.s32 @!p2 $0x0  }
0x1d: {  	s5 =	simm.s32 @p1 $0x1;
	p0 =	seq.s32 s7, s2  }
0x1e: {  	s7 =	smul.u32 @!p0 $0xF7A, s2;
	p2 =	seq.s32 @!p0 s5, $0x0  }
0x1f: {  	s9 =	smul.u32 $0xF7A, s1;
	s8 =	simm.s32 @!p0 $0x1BF5;
	p2 =	por !p2, p0  }
0x20: {  	[sflag:s8] =	ssyncset.s32 @!p0 $0xFFFFF086;
	s6 =	sadd.s32 @!p0 s3, s7;
	s7 =	simm.s32 @!p0 $0x108  }
0x21: {  	s3 =	sadd.s32 s3, s9;
	s6 =	sadd.s32 @!p0 $0x88, s6;
	s7 =	simm.s32 @p2 $0x1082  }
0x22: {  	[simem:s7], [sflag:s8] =	dma.local @!p0 [hbm:s6], $0xF7A  }
0x23: {  	s9 =	sor.u32 $0xD0000000, s2;
	s6 =	simm.s32 $0x108;
	_ =	swait.ge @!p0 [sflag:s8], $0x0  }
0x24: {  	s3 =	sadd.s32 $0x88, s3;
	s6 =	simm.s32 @!p1 $0x1082;
	[sflag:s4] =	ssyncset.s32 $0xFFFFF086  }
0x25: {  	[simem:s6], [sflag:s4] =	dma.local [hbm:s3], $0xF7A  }
0x26: {  	[smem:$0x3F96] =	sst s1;
	(tag) =	ssettag s2;
	_ =	strace s9  }
0x27: {  	s1 =	sld [smem:$0x3FA6]  }
0x28: {  	s2 =	sld [smem:$0x3FA7]  }
0x29: {  	s4 =	sld [smem:$0x3FA9]  }
0x2a: {  	p0 =	seq.s32 s5, $0x0;
	s5 =	sld [smem:$0x3FAA]  }
0x2b: {  	s6 =	sld [smem:$0x3FAB]  }
0x2c: {  	s7 =	sld [smem:$0x3FAC]  }
0x2d: {  	s3 =	simm.s32 $0x108;
	s8 =	sld [smem:$0x3FAD]  }
0x2e: {  	s3 =	simm.s32 @!p0 $0x1082;
	s9 =	sld [smem:$0x3FAE]  }
0x2f: {  	lr =	sadd.s32 s0, s3;
	s0 =	sld [smem:$0x3FA5]  }
0x30: {  	s3 =	sld [smem:$0x3FA8]  }
0x31: {  	[smem:$0x3FB1] =	sst s10  }
0x32: {  	s10 =	sld [smem:$0x3FAF];
	_ =	sdelay $0x3  }
0x33: {  	p0 =	seq.s32 s10, $0x1;
	s10 =	sld [smem:$0x3FB1];
	_ =	sdelay $0x3  }
0x34: {  	[smem:$0x3FB1] =	sst s10  }
0x35: {  	s10 =	sld [smem:$0x3FB0];
	_ =	sdelay $0x3  }
0x36: {  	p1 =	seq.s32 s10, $0x1;
	s10 =	sld [smem:$0x3FB1];
	_ =	sdelay $0x3  }
0x37: {  	[smem:$0x3FB1] =	sst s10  }
0x38: {  	s10 =	sld [smem:$0x3FB2]  }
0x39: {  	_ = 	snop;
	(pc) =	sbr.ind lr, $3  }
0x3a: {  	_ = 	snop  }
0x3b: {  	_ = 	snop  }
0x3c: {  	p2 =	seq.s32 s10, $0x1;
	s10 =	sld [smem:$0x3FB1]  }
0x3d: {  	_ =	shalt  }
0x3e: {  	_ =	shalt  }
0x3f: {  	_ =	shalt  }
0x40: {  	_ =	shalt  }
0x41: {  	_ =	shalt  }
0x42: {  	_ =	shalt  }
0x43: {  	_ =	shalt  }
0x44: {  	_ =	shalt  }
0x45: {  	_ =	shalt  }
0x46: {  	_ =	shalt  }
0x47: {  	_ =	shalt  }
0x48: {  	_ =	shalt  }
0x49: {  	_ =	shalt  }
0x4a: {  	_ =	shalt  }
0x4b: {  	_ =	shalt  }
0x4c: {  	_ =	shalt  }
0x4d: {  	_ =	shalt  }
0x4e: {  	_ =	shalt  }
0x4f: {  	_ =	shalt  }
0x50: {  	_ =	shalt  }
0x51: {  	_ =	shalt  }
0x52: {  	_ =	shalt  }
0x53: {  	_ =	shalt  }
0x54: {  	_ =	shalt  }
0x55: {  	_ =	shalt  }
0x56: {  	_ =	shalt  }
0x57: {  	_ =	shalt  }
0x58: {  	_ =	shalt  }
0x59: {  	_ =	shalt  }
0x5a: {  	_ =	shalt  }
0x5b: {  	_ =	shalt  }
0x5c: {  	_ =	shalt  }
0x5d: {  	_ =	shalt  }
0x5e: {  	_ =	shalt  }
0x5f: {  	_ =	shalt  }
0x60: {  	_ =	shalt  }
0x61: {  	_ =	shalt  }
0x62: {  	_ =	shalt  }
0x63: {  	_ =	shalt  }
0x64: {  	_ =	shalt  }
0x65: {  	_ =	shalt  }
0x66: {  	_ =	shalt  }
0x67: {  	_ =	shalt  }
0x68: {  	_ =	shalt  }
0x69: {  	_ =	shalt  }
0x6a: {  	_ =	shalt  }
0x6b: {  	_ =	shalt  }
0x6c: {  	_ =	shalt  }
0x6d: {  	_ =	shalt  }
0x6e: {  	_ =	shalt  }
0x6f: {  	_ =	shalt  }
0x70: {  	_ =	shalt  }
0x71: {  	_ =	shalt  }
0x72: {  	_ =	shalt  }
0x73: {  	_ =	shalt  }
0x74: {  	_ =	shalt  }
0x75: {  	_ =	shalt  }
0x76: {  	_ =	shalt  }
0x77: {  	_ =	shalt  }
0x78: {  	_ =	shalt  }
0x79: {  	_ =	shalt  }
0x7a: {  	_ =	shalt  }
0x7b: {  	_ =	shalt  }
0x7c: {  	_ =	shalt  }
0x7d: {  	_ =	shalt  }
0x7e: {  	_ =	shalt  }
0x7f: {  	_ =	shalt  }
0x80: {  	_ =	shalt  }
0x81: {  	_ =	shalt  }
0x82: {  	_ =	shalt  }
0x83: {  	_ =	shalt  }
0x84: {  	_ =	shalt  }
0x85: {  	_ =	shalt  }
0x86: {  	_ =	shalt  }
0x87: {  	_ =	shalt  }
.Lfunc_end0:
.L_simem_size_0:
called_computation.1_lowered:
.L_overlay_start_0:
0x88: {  	s0 =	sld [smem:$0x3FD9]  }
0x89: {  	s1 =	sld [smem:$0x3FFE];
	_ =	sdelay $0x3  }
0x8a: {  	s0 =	sadd.s32 s1, s0  }
0x8b: {  	[smem:$0x3FBD] =	sst s0  }
0x8c: {  	_ = 	snop  }
0x8d: {  	(tm) =	ssettm $0x1  }
0x8e: {  	s15 =	sld [smem:$0x3FFB];
	_ =	sdelay $0x3  }
0x8f: {  	_ =	strace s15  }
0x90: {  	s0 =	sld [smem:$0x3FFC];
	_ =	sdelay $0x3  }
0x91: {  	_ =	strace s0  }
0x92: {  	s0 =	sld [smem:$0x3FFD];
	_ =	sdelay $0x3  }
0x93: {  	_ =	strace s0  }
0x94: {  	_ =	strace $0x8FFFFFFF  }
0x95: {  	s16 =	sld [smem:$0x3FDB];
	_ =	sdelay $0x1  }
0x96: {  	s17 =	simm.s32 $_scs_section_size  }
0x97: {  	s2 =	simm.s32 $_size__tile_overlayer_lowered;
	s3 =	simm.s32 $_tile_overlayer_lowered  }
0x98: {  	s20 =	simm.s32 $0x1BFF;
	s19 =	sshll.u32 s3, $0x1;
	s0 =	sadd.s32 s17, s16  }
0x99: {  	s4 =	simm.s32 $0x0;
	s18 =	sshll.u32 s2, $0x1;
	s2 =	sadd.s32 s19, s0  }
0x9a: {  	[timem:s4], [sflag:s20] =	dma.local [hbm:s2], s18  }
0x9b: {  	_ =	swait.ge [sflag:s20], s18  }
0x9c: {  	s1 =	ssub.s32 $0x0, s18;
	[sflag:s20] =	ssyncset.done $0x0  }
0x9d: {  	[sflag:s20] =	ssyncadd.s32 s1;
	_ =	sdelay $0x1  }
0x9e: {  	s21 =	simm.s32 $0x1B8B  }
0x9f: {  	_ =	swait.ge [sflag:s21], $0x1  }
0xa0: {  	[sflag:s21] =	ssyncset.done $0x0  }
0xa1: {  	s23 =	simm.s32 $0x1B8E;
	s22 =	sld [smem:$0x3FFE];
	[sflag:s21] =	ssyncadd.s32 $0xFFFFFFFF  }
0xa2: {  	s24 =	simm.s32 $execute0_lowered;
	[smem:$0x3FD2] =	sst s23  }
0xa3: {  	s2 =	sshll.u32 s24, $0x1;
	_ =	strace $0x80000046;
	[dreg:$0x1] =	wrdreg $0xFFFFFFFF  }
0xa4: {  	s25 =	simm.s32 $_size_execute0_lowered;
	s0 =	sadd.s32 s0, s2;
	[dreg:$0x0] =	wrdreg $0x0  }
0xa5: {  	s2 =	sshll.u32 s25, $0x1;
	[dreg:$0x2] =	wrdreg s0  }
0xa6: {  	[dreg:$0x3] =	wrdreg s2  }
0xa7: {  	[dreg:$0x4] =	wrdreg $0xC0  }
0xa8: {  	_ =	task [dreg:s4], $0x5FFFF  }
0xa9: {  	[dreg:$0x1] =	wrdreg $0xFFFFFFFF  }
0xaa: {  	[dreg:$0x0] =	wrdreg $0x60  }
0xab: {  	[dreg:$0x2] =	wrdreg s22  }
0xac: {  	[dreg:$0x3] =	wrdreg $0xA  }
0xad: {  	_ =	task.clear_ibuf [dreg:s4], $0x4FFFF;
	_ =	strace $0x90000046  }
0xae: {  	s26 =	simm.s32 $0xA;
	_ =	strace $0x80000048  }
0xaf: {  	_ =	swait.ge [sflag:s26], $0x1  }
0xb0: {  	[sflag:s26] =	ssyncadd.s32 $0xFFFFFFFF  }
0xb1: {  	_ =	strace $0x90000048  }
0xb2: {  	_ =	sfence  }
0xb3: {  	s28 =	sld [smem:$0x0];
	_ =	sdelay $0x1  }
0xb4: {  	s29 =	srdreg.scid  }
0xb5: {  	s30 =	sshll.u32 s29, $0xD;
	s31 =	sshrl.u32 s29, $0x2  }
0xb6: {  	s1 =	sand.u32 $0x1, s29;
	s2 =	sand.u32 $0x4000, s30;
	s0 =	sadd.s32 s31, s28  }
0xb7: {  	s1 =	sor.u32 s2, s1;
	s0 =	sshll.u32 s0, $0x11  }
0xb8: {  	s0 =	sor.u32 s0, s1  }
0xb9: {  	s0 =	sadd.s32 $0x8F2B, s0  }
0xba: {  	[sflag:s0] =	ssyncadd.remote.s32 $0x1  }
0xbb: {  	_ =	sfence.sel $0xFFFF  }
0xbc: {  	[dreg:$0x0] =	wrdreg $0xFFFFFFFF;
	(pc) =	sbr.abs _section_cstart, $3  }
0xbd: {  	[dreg:$0x1] =	wrdreg $0xFFFFFFFF  }
0xbe: {  	_ =	task.clear_ibuf [dreg:s4], $0x2FFFF;
	_ =	strace $0x9FFFFFFF  }
0xbf: {  	(tm) =	ssettm $0x7FFFFFFF  }
tec
execute0_lowered:
.L_overlay_start_1:
0x0: {  	(tag) =	ssettag $0x1  }
0x1: {  	s8 =	rddreg [dreg:$0x0]  }
0x2: {  	s0 =	rddreg [dreg:$0x1];
	_ =	strace $0x80000047  }
0x3: {  	s4 =	simm.s32 $0x1;
	s1 =	stileid.u32;
	s7 =	simm.s32 $0x1  }
0x4: {  	s9 =	simm.s32 $0x1;
	s6 =	simm.s32 $0x2;
	s10 =	simm.s32 $0x3  }
0x5: {  	s13 =	simm.s32 $0x0;
	s12 =	simm.s32 $0x0;
	s2 =	sadd.s32 $0xE00, s8  }
.Ltmp0:
0x6: {  	s3 =	sadd.s32 $0xB000, s8;
	p0 =	slt.u32 s1, $0xA;
	(pc) =	sbr.rel .LBB2_1-.Ltmp0, $4  }
0x7: {  	[sflag:s4] =	ssyncpa.u1 $0x0;
	s7 =	simm.s32 @!p0 $0x0;
	p0 =	sne.s32 s1, $0x9  }
0x8: {  	s5 =	smul.u32 $0x3390, s1;
	[sflag:s6] =	ssyncpa.u1 $0x0;
	s9 =	simm.s32 @!p0 $0x0  }
0x9: {  	s8 =	sadd.s32 $0x20000, s8;
	[sflag:s10] =	ssyncpa.u1 $0x0;
	s7 =	sadd.s32 s9, s7  }
0xa: {  	vm0 =	vmmov $0xffff;
	s10 =	simm.s32 $0x0;
	s11 =	smov.u32 s5;
	s9 =	sadd.s32 $0x1, s7  }
.LBB2_4:
0xb: {  	v2 =	vnsel vm1, $0x0, v2  }
0xc: {  	vm1 =	vgt.s32 v0, $0x0;
	v2 =	vmin.u32 v2, $0x5090F  }
0xd: {  	v0 =	vnsel vm1, $0x0, v0  }
0xe: {  	v0 =	vmin.u32 v0, $0x5090F  }
0xf: {  	[tilespmem:s18], [sflag:$0x1] =	stream.indirect_vreg.gather [hbm4b:s2+s10], $0x1, v1, vm0, $0x4038;
	[tilespmem:$0xCE40] =	vst v63  }
0x10: {  	(ifvalue) =	ssetifvalue $0x7FFFFFFF  }
0x11: {  	[tilespmem:s15], [sflag:$0x1] =	stream.indirect_vreg.gather [hbm4b:s2+s10], $0x1, v2, vm0, $0x4038;
	[tilespmem:$0xCE40] =	vst v63  }
0x12: {  	s29 =	sadd.s32 $0x10, s15;
	(ifvalue) =	ssetifvalue $0x7FFFFFFF  }
0x13: {  	[tilespmem:s29], [sflag:$0x1] =	stream.indirect_vreg.gather [hbm4b:s2+s10], $0x1, v0, vm0, $0x4038;
	[tilespmem:$0xCE40] =	vst v63  }
0x14: {  	_ =	swait.ge [sflag:s4], $0x3390  }
0x15: {  	s30 =	sshrl.u32 s13, $0x3;
	[sflag:s4] =	ssyncset.done $0x0  }
0x16: {  	s31 =	sand.u32 $0x7, s13;
	s15 =	sadd.s32 s8, s30;
	[sflag:s4] =	ssyncadd.s32 $0xFFFFCC70  }
0x17: {  	[hbm4b:s15+s31] =	stream.linear.scatter [tilespmem:s14], [sflag:$0x3], $0x3390, $0x38;
	[tilespmem:$0xCE40] =	vst v63  }
.LBB2_5:
0x18: {  	s15 =	sadd.s32 $0x33900, s11  }
0x19: {  	p1 =	sgt.s32 s15, $0x5090F  }
0x1a: {  	s15 =	smov.u32 @p1 s5;
	p1 =	sne.s32 s12, s9  }
.Ltmp1:
0x1b: {  	p0 =	slt.u32 s12, $0x2;
	(pc) =	sbr.rel @!p1 .LBB2_6-.Ltmp1, $4  }
0x1c: {  	s14 =	simm.s32 @!p0 $0x3  }
0x1d: {  	_ =	swait.ge @!p0 [sflag:s14], $0x3390  }
0x1e: {  	s16 =	sadd.s32 $0x1, s12;
	s13 =	smov.u32 s11;
	[sflag:s14] =	ssyncset.done @!p0 $0x0  }
0x1f: {  	s12 =	smov.u32 s16;
	s11 =	smov.u32 s15;
	[sflag:s14] =	ssyncadd.s32 @!p0 $0xFFFFCC70  }
.LBB2_1:
0x20: {  	p0 =	sge.u32 s12, s7  }
0x21: {  	s14 =	sxor.u32 @!p0 $0x1, s12  }
0x22: {  	s14 =	smul.u32 @!p0 $0xCE40, s14  }
0x23: {  	s31 =	sadd.s32 $0xFFFFFFFF, s12;
	s15 =	sshrl.u32 @!p0 s11, $0x3  }
0x24: {  	s16 =	sand.u32 @!p0 $0x7, s11;
	s15 =	sadd.s32 @!p0 s3, s15;
	s14 =	sshra.s32 @!p0 s14, $0x2  }
0x25: {  	[tilespmem:s14], [sflag:$0x2] =	stream.linear.gather @!p0 [hbm4b:s15+s16], $0x3390, $0x38;
	[tilespmem:$0xCE40] =	vst v63  }
0x26: {  	p0 =	sge.u32 s31, s7  }
.Ltmp2:
0x27: {  	_ = 	snop;
	(pc) =	sbr.rel @p0 .LBB2_5-.Ltmp2, $1  }
0x28: {  	_ =	sdelay $0x3  }
0x29: {  	s14 =	sand.u32 $0x1, s12  }
0x2a: {  	_ =	swait.ge [sflag:s6], $0x3390;
	p0 =	seq.s32 s14, $0x1;
	s14 =	simm.s32 $0x3390  }
0x2b: {  	[sflag:s6] =	ssyncset.done $0x0;
	s14 =	simm.s32 @!p0 $0x0  }
0x2c: {  	[sflag:s6] =	ssyncadd.s32 $0xFFFFCC70;
	(ifvalue) =	ssetifvalue $0x7FFFFFFF;
	v0 =	vld.msk [tilespmem:s14+$0x0 ss:$0x1], $0xffff;
	_ =	sdelay $0x4  }
0x2d: {  	s15 =	sadd.s32 $0x10, s14;
	vm1 =	vgt.s32 v0, $0x0  }
0x2e: {  	v2 =	vld.msk [tilespmem:s15+$0x0 ss:$0x1], $0xffff;
	v1 =	vnsel vm1, $0x0, v0  }
0x2f: {  	v1 =	vmin.u32 v1, $0x5090F;
	_ =	sdelay $0x2  }
0x30: {  	s17 =	simm.s32 $0x20;
	s14 =	sadd.s32 $0x6720, s14;
	s16 =	sadd.s32 $0x10, s15  }
0x31: {  	s15 =	sadd.s32 $0x10, s14;
	s18 =	smov.u32 s14;
	v0 =	vld.msk [tilespmem:s16+$0x0 ss:$0x1], $0xffff;
	vm1 =	vgt.s32 v2, $0x0;
	(ifvalue) =	ssetifvalue $0x7FFFFFFF  }
.LBB2_3:
0x32: {  	[tilespmem:s18], [sflag:$0x1] =	stream.indirect_vreg.gather [hbm4b:s2+s10], $0x1, v1, vm0, $0x4038;
	[tilespmem:$0xCE40] =	vst v63  }
0x33: {  	s17 =	sadd.s32 $0x10, s17  }
0x34: {  	v2 =	vnsel vm1, $0x0, v2;
	p0 =	slt.u32 s17, $0x3380  }
.Ltmp3:
0x35: {  	s18 =	smov.u32 s15;
	v1 =	vmin.u32 v2, $0x5090F;
	(pc) =	sbr.rel @p0 .LBB2_3-.Ltmp3, $3  }
0x36: {  	_ =	sdelay $0x1  }
0x37: {  	s16 =	sadd.s32 $0x10, s16  }
0x38: {  	vm1 =	vgt.s32 v0, $0x0;
	s15 =	sadd.s32 $0x10, s15;
	v2 =	vmov v0;
	(ifvalue) =	ssetifvalue $0x7FFFFFFF;
	v0 =	vld.msk [tilespmem:s16+$0x0 ss:$0x1], $0xffff  }
.Ltmp4:
0x39: {  	_ = 	snop;
	(pc) =	sbr.rel .LBB2_4-.Ltmp4, $1  }
0x3a: {  	_ =	sdelay $0x3  }
.LBB2_6:
0x3b: {  	_ =	sfence.sel $0x180000  }
0x3c: {  	s2 =	simm.s32 $0x2;
	[bflag:$0x0] =	sbarrier.arrive $0xFFFF  }
0x3d: {  	s30 =	simm.s32 $0x3;
	[sflag:s2] =	ssyncpa.u1 $0x1  }
0x3e: {  	s31 =	simm.s32 $0x1;
	[sflag:s30] =	ssyncpa.u1 $0x1  }
0x3f: {  	[sflag:s31] =	ssyncpa.u1 $0x1  }
0x40: {  	p0 =	sne.s32 s1, $0x0;
	_ =	strace $0x90000047  }
0x41: {  	s0 =	sadd.s32 @!p0 $0x100000, s0;
	[bflag:$0x2] =	sbarrier.arrive $0xFFFF  }
0x42: {  	[sflag:s0] =	ssyncadd.tile.s32 @!p0 $0x1;
	_ =	shalt  }
.Lfunc_end2:
_tile_overlayer_lowered:
.L_overlay_start_2:
0x43: {  	(tag) =	ssettag $0x2  }
0x44: {  	s0 =	rddreg [dreg:$0x0];
	s2 =	stileid.u32  }
0x45: {  	s1 =	rddreg [dreg:$0x1];
	p0 =	sne.s32 s2, $0x0  }
0x46: {  	s3 =	rddreg [dreg:$0x2];
	[bflag:$0x3] =	sbarrier.arrive $0xFFFF;
	s2 =	simm.s32 @!p0 $0x1C01  }
0x47: {  	[timem:s3], [sflag:s2] =	dma.local @!p0 [hbm:s0], s1  }
0x48: {  	s0 =	simm.s32 @!p0 $0x1  }
0x49: {  	_ =	swait.ge @!p0 [sflag:s0], s1  }
0x4a: {  	s1 =	ssub.s32 @!p0 $0x0, s1;
	[sflag:s0] =	ssyncset.done @!p0 $0x0  }
0x4b: {  	[sflag:s0] =	ssyncadd.s32 @!p0 s1  }
0x4c: {  	[bflag:$0x3] =	sbarrier.arrive $0xFFFF  }
0x4d: {  	_ =	shalt  }

// kernel: gather_offload_async_start.2
scs
__scs_entry_jumppad:
0x0: {  	(pc) =	sbr.rel $0x88, $3  }
0x1: {  	(tag) =	ssettag $0x0;
	lr =	simm.s32 $0x1  }
0x2: {  	[smem:$0x3F96] =	sst lr;
	_ =	strace $0xD0000000  }
0x3: {  	_ = 	snop  }
0x4: {  	_ = 	snop  }
0x5: {  	_ = 	snop  }
0x6: {  	_ = 	snop  }
0x7: {  	_ = 	snop  }
__scs_overlays_trampoline_lowered:
0x8: {  	[smem:$0x3FA5] =	sst s0  }
0x9: {  	[smem:$0x3FA6] =	sst s1  }
0xa: {  	[smem:$0x3FA7] =	sst s2  }
0xb: {  	[smem:$0x3FA8] =	sst s3  }
0xc: {  	[smem:$0x3FA9] =	sst s4  }
0xd: {  	[smem:$0x3FAA] =	sst s5  }
0xe: {  	[smem:$0x3FAB] =	sst s6  }
0xf: {  	[smem:$0x3FAC] =	sst s7  }
0x10: {  	[smem:$0x3FAD] =	sst s8  }
0x11: {  	[smem:$0x3FAE] =	sst s9;
	s0 =	simm.s32 @!p0 $0x0  }
0x12: {  	s1 =	sld [smem:$0x3F94];
	s0 =	simm.s32 @p0 $0x1  }
0x13: {  	[smem:$0x3FAF] =	sst s0;
	s0 =	simm.s32 @!p1 $0x0  }
0x14: {  	s2 =	sld [smem:$0x3F93];
	s0 =	simm.s32 @p1 $0x1  }
0x15: {  	[smem:$0x3FB0] =	sst s0;
	s0 =	simm.s32 @!p2 $0x0  }
0x16: {  	s3 =	sld [smem:$0x3FDB];
	s0 =	simm.s32 @p2 $0x1  }
0x17: {  	s4 =	simm.s32 $0x1BF5;
	[smem:$0x3FB2] =	sst s0  }
0x18: {  	s0 =	sld [smem:$0x3F95];
	_ =	swait.ge [sflag:s4], $0x0  }
0x19: {  	s7 =	sld [smem:$0x3F96]  }
0x1a: {  	s8 =	sadd.s32 $0xFFFFE003, lr  }
0x1b: {  	s9 =	sadd.s32 $0xFFFFFEF7, lr;
	s5 =	simm.s32 $0xFFFFFFFF;
	p2 =	slt.u32 s8, $0xFFFFF086  }
0x1c: {  	p1 =	slt.u32 s9, $0xF7A;
	s5 =	simm.s32 @!p2 $0x0  }
0x1d: {  	s5 =	simm.s32 @p1 $0x1;
	p0 =	seq.s32 s7, s2  }
0x1e: {  	s7 =	smul.u32 @!p0 $0xF7A, s2;
	p2 =	seq.s32 @!p0 s5, $0x0  }
0x1f: {  	s9 =	smul.u32 $0xF7A, s1;
	s8 =	simm.s32 @!p0 $0x1BF5;
	p2 =	por !p2, p0  }
0x20: {  	[sflag:s8] =	ssyncset.s32 @!p0 $0xFFFFF086;
	s6 =	sadd.s32 @!p0 s3, s7;
	s7 =	simm.s32 @!p0 $0x108  }
0x21: {  	s3 =	sadd.s32 s3, s9;
	s6 =	sadd.s32 @!p0 $0x88, s6;
	s7 =	simm.s32 @p2 $0x1082  }
0x22: {  	[simem:s7], [sflag:s8] =	dma.local @!p0 [hbm:s6], $0xF7A  }
0x23: {  	s9 =	sor.u32 $0xD0000000, s2;
	s6 =	simm.s32 $0x108;
	_ =	swait.ge @!p0 [sflag:s8], $0x0  }
0x24: {  	s3 =	sadd.s32 $0x88, s3;
	s6 =	simm.s32 @!p1 $0x1082;
	[sflag:s4] =	ssyncset.s32 $0xFFFFF086  }
0x25: {  	[simem:s6], [sflag:s4] =	dma.local [hbm:s3], $0xF7A  }
0x26: {  	[smem:$0x3F96] =	sst s1;
	(tag) =	ssettag s2;
	_ =	strace s9  }
0x27: {  	s1 =	sld [smem:$0x3FA6]  }
0x28: {  	s2 =	sld [smem:$0x3FA7]  }
0x29: {  	s4 =	sld [smem:$0x3FA9]  }
0x2a: {  	p0 =	seq.s32 s5, $0x0;
	s5 =	sld [smem:$0x3FAA]  }
0x2b: {  	s6 =	sld [smem:$0x3FAB]  }
0x2c: {  	s7 =	sld [smem:$0x3FAC]  }
0x2d: {  	s3 =	simm.s32 $0x108;
	s8 =	sld [smem:$0x3FAD]  }
0x2e: {  	s3 =	simm.s32 @!p0 $0x1082;
	s9 =	sld [smem:$0x3FAE]  }
0x2f: {  	lr =	sadd.s32 s0, s3;
	s0 =	sld [smem:$0x3FA5]  }
0x30: {  	s3 =	sld [smem:$0x3FA8]  }
0x31: {  	[smem:$0x3FB1] =	sst s10  }
0x32: {  	s10 =	sld [smem:$0x3FAF];
	_ =	sdelay $0x3  }
0x33: {  	p0 =	seq.s32 s10, $0x1;
	s10 =	sld [smem:$0x3FB1];
	_ =	sdelay $0x3  }
0x34: {  	[smem:$0x3FB1] =	sst s10  }
0x35: {  	s10 =	sld [smem:$0x3FB0];
	_ =	sdelay $0x3  }
0x36: {  	p1 =	seq.s32 s10, $0x1;
	s10 =	sld [smem:$0x3FB1];
	_ =	sdelay $0x3  }
0x37: {  	[smem:$0x3FB1] =	sst s10  }
0x38: {  	s10 =	sld [smem:$0x3FB2]  }
0x39: {  	_ = 	snop;
	(pc) =	sbr.ind lr, $3  }
0x3a: {  	_ = 	snop  }
0x3b: {  	_ = 	snop  }
0x3c: {  	p2 =	seq.s32 s10, $0x1;
	s10 =	sld [smem:$0x3FB1]  }
0x3d: {  	_ =	shalt  }
0x3e: {  	_ =	shalt  }
0x3f: {  	_ =	shalt  }
0x40: {  	_ =	shalt  }
0x41: {  	_ =	shalt  }
0x42: {  	_ =	shalt  }
0x43: {  	_ =	shalt  }
0x44: {  	_ =	shalt  }
0x45: {  	_ =	shalt  }
0x46: {  	_ =	shalt  }
0x47: {  	_ =	shalt  }
0x48: {  	_ =	shalt  }
0x49: {  	_ =	shalt  }
0x4a: {  	_ =	shalt  }
0x4b: {  	_ =	shalt  }
0x4c: {  	_ =	shalt  }
0x4d: {  	_ =	shalt  }
0x4e: {  	_ =	shalt  }
0x4f: {  	_ =	shalt  }
0x50: {  	_ =	shalt  }
0x51: {  	_ =	shalt  }
0x52: {  	_ =	shalt  }
0x53: {  	_ =	shalt  }
0x54: {  	_ =	shalt  }
0x55: {  	_ =	shalt  }
0x56: {  	_ =	shalt  }
0x57: {  	_ =	shalt  }
0x58: {  	_ =	shalt  }
0x59: {  	_ =	shalt  }
0x5a: {  	_ =	shalt  }
0x5b: {  	_ =	shalt  }
0x5c: {  	_ =	shalt  }
0x5d: {  	_ =	shalt  }
0x5e: {  	_ =	shalt  }
0x5f: {  	_ =	shalt  }
0x60: {  	_ =	shalt  }
0x61: {  	_ =	shalt  }
0x62: {  	_ =	shalt  }
0x63: {  	_ =	shalt  }
0x64: {  	_ =	shalt  }
0x65: {  	_ =	shalt  }
0x66: {  	_ =	shalt  }
0x67: {  	_ =	shalt  }
0x68: {  	_ =	shalt  }
0x69: {  	_ =	shalt  }
0x6a: {  	_ =	shalt  }
0x6b: {  	_ =	shalt  }
0x6c: {  	_ =	shalt  }
0x6d: {  	_ =	shalt  }
0x6e: {  	_ =	shalt  }
0x6f: {  	_ =	shalt  }
0x70: {  	_ =	shalt  }
0x71: {  	_ =	shalt  }
0x72: {  	_ =	shalt  }
0x73: {  	_ =	shalt  }
0x74: {  	_ =	shalt  }
0x75: {  	_ =	shalt  }
0x76: {  	_ =	shalt  }
0x77: {  	_ =	shalt  }
0x78: {  	_ =	shalt  }
0x79: {  	_ =	shalt  }
0x7a: {  	_ =	shalt  }
0x7b: {  	_ =	shalt  }
0x7c: {  	_ =	shalt  }
0x7d: {  	_ =	shalt  }
0x7e: {  	_ =	shalt  }
0x7f: {  	_ =	shalt  }
0x80: {  	_ =	shalt  }
0x81: {  	_ =	shalt  }
0x82: {  	_ =	shalt  }
0x83: {  	_ =	shalt  }
0x84: {  	_ =	shalt  }
0x85: {  	_ =	shalt  }
0x86: {  	_ =	shalt  }
0x87: {  	_ =	shalt  }
.Lfunc_end0:
.L_simem_size_0:
called_computation.2_lowered:
.L_overlay_start_0:
0x88: {  	s0 =	sld [smem:$0x3FD9]  }
0x89: {  	s1 =	sld [smem:$0x3FFE];
	_ =	sdelay $0x3  }
0x8a: {  	s0 =	sadd.s32 s1, s0  }
0x8b: {  	[smem:$0x3FBD] =	sst s0  }
0x8c: {  	_ = 	snop  }
0x8d: {  	(tm) =	ssettm $0x1  }
0x8e: {  	s15 =	sld [smem:$0x3FFB];
	_ =	sdelay $0x3  }
0x8f: {  	_ =	strace s15  }
0x90: {  	s0 =	sld [smem:$0x3FFC];
	_ =	sdelay $0x3  }
0x91: {  	_ =	strace s0  }
0x92: {  	s0 =	sld [smem:$0x3FFD];
	_ =	sdelay $0x3  }
0x93: {  	_ =	strace s0  }
0x94: {  	_ =	strace $0x8FFFFFFF  }
0x95: {  	s16 =	sld [smem:$0x3FDB];
	_ =	sdelay $0x1  }
0x96: {  	s17 =	simm.s32 $_scs_section_size  }
0x97: {  	s2 =	simm.s32 $_size__tile_overlayer_lowered;
	s3 =	simm.s32 $_tile_overlayer_lowered  }
0x98: {  	s20 =	simm.s32 $0x1BFF;
	s19 =	sshll.u32 s3, $0x1;
	s0 =	sadd.s32 s17, s16  }
0x99: {  	s4 =	simm.s32 $0x0;
	s18 =	sshll.u32 s2, $0x1;
	s2 =	sadd.s32 s19, s0  }
0x9a: {  	[timem:s4], [sflag:s20] =	dma.local [hbm:s2], s18  }
0x9b: {  	_ =	swait.ge [sflag:s20], s18  }
0x9c: {  	s1 =	ssub.s32 $0x0, s18;
	[sflag:s20] =	ssyncset.done $0x0  }
0x9d: {  	[sflag:s20] =	ssyncadd.s32 s1;
	_ =	sdelay $0x1  }
0x9e: {  	s21 =	simm.s32 $0x1B8B  }
0x9f: {  	_ =	swait.ge [sflag:s21], $0x1  }
0xa0: {  	[sflag:s21] =	ssyncset.done $0x0  }
0xa1: {  	s23 =	simm.s32 $0x1B8E;
	s22 =	sld [smem:$0x3FFE];
	[sflag:s21] =	ssyncadd.s32 $0xFFFFFFFF  }
0xa2: {  	s24 =	simm.s32 $execute0_lowered;
	[smem:$0x3FD2] =	sst s23  }
0xa3: {  	s2 =	sshll.u32 s24, $0x1;
	_ =	strace $0x8000004C;
	[dreg:$0x1] =	wrdreg $0xFFFFFFFF  }
0xa4: {  	s25 =	simm.s32 $_size_execute0_lowered;
	s0 =	sadd.s32 s0, s2;
	[dreg:$0x0] =	wrdreg $0x0  }
0xa5: {  	s2 =	sshll.u32 s25, $0x1;
	[dreg:$0x2] =	wrdreg s0  }
0xa6: {  	[dreg:$0x3] =	wrdreg s2  }
0xa7: {  	[dreg:$0x4] =	wrdreg $0xC0  }
0xa8: {  	_ =	task [dreg:s4], $0x5FFFF  }
0xa9: {  	[dreg:$0x1] =	wrdreg $0xFFFFFFFF  }
0xaa: {  	[dreg:$0x0] =	wrdreg $0x60  }
0xab: {  	[dreg:$0x2] =	wrdreg s22  }
0xac: {  	[dreg:$0x3] =	wrdreg $0xB  }
0xad: {  	_ =	task.clear_ibuf [dreg:s4], $0x4FFFF;
	_ =	strace $0x9000004C  }
0xae: {  	s26 =	simm.s32 $0xB;
	_ =	strace $0x8000004E  }
0xaf: {  	_ =	swait.ge [sflag:s26], $0x1  }
0xb0: {  	[sflag:s26] =	ssyncadd.s32 $0xFFFFFFFF  }
0xb1: {  	_ =	strace $0x9000004E  }
0xb2: {  	_ =	sfence  }
0xb3: {  	s28 =	sld [smem:$0x0];
	_ =	sdelay $0x1  }
0xb4: {  	s29 =	srdreg.scid  }
0xb5: {  	s30 =	sshll.u32 s29, $0xD;
	s31 =	sshrl.u32 s29, $0x2  }
0xb6: {  	s1 =	sand.u32 $0x1, s29;
	s2 =	sand.u32 $0x4000, s30;
	s0 =	sadd.s32 s31, s28  }
0xb7: {  	s1 =	sor.u32 s2, s1;
	s0 =	sshll.u32 s0, $0x11  }
0xb8: {  	s0 =	sor.u32 s0, s1  }
0xb9: {  	s0 =	sadd.s32 $0x8F2B, s0  }
0xba: {  	[sflag:s0] =	ssyncadd.remote.s32 $0x1  }
0xbb: {  	_ =	sfence.sel $0xFFFF  }
0xbc: {  	[dreg:$0x0] =	wrdreg $0xFFFFFFFF;
	(pc) =	sbr.abs _section_cstart, $3  }
0xbd: {  	[dreg:$0x1] =	wrdreg $0xFFFFFFFF  }
0xbe: {  	_ =	task.clear_ibuf [dreg:s4], $0x2FFFF;
	_ =	strace $0x9FFFFFFF  }
0xbf: {  	(tm) =	ssettm $0x7FFFFFFF  }
tec
execute0_lowered:
.L_overlay_start_1:
0x0: {  	(tag) =	ssettag $0x1  }
0x1: {  	s8 =	rddreg [dreg:$0x0]  }
0x2: {  	s0 =	rddreg [dreg:$0x1];
	_ =	strace $0x8000004D  }
0x3: {  	s4 =	simm.s32 $0x1;
	s1 =	stileid.u32;
	s7 =	simm.s32 $0x1  }
0x4: {  	s9 =	simm.s32 $0x1;
	s6 =	simm.s32 $0x2;
	s10 =	simm.s32 $0x3  }
0x5: {  	s13 =	simm.s32 $0x0;
	s12 =	simm.s32 $0x0;
	s2 =	sadd.s32 $0x15E00, s8  }
.Ltmp0:
0x6: {  	s3 =	sadd.s32 $0xB000, s8;
	p0 =	slt.u32 s1, $0xA;
	(pc) =	sbr.rel .LBB2_1-.Ltmp0, $4  }
0x7: {  	[sflag:s4] =	ssyncpa.u1 $0x0;
	s7 =	simm.s32 @!p0 $0x0;
	p0 =	sne.s32 s1, $0x9  }
0x8: {  	s5 =	smul.u32 $0x3390, s1;
	[sflag:s6] =	ssyncpa.u1 $0x0;
	s9 =	simm.s32 @!p0 $0x0  }
0x9: {  	s8 =	sadd.s32 $0x34C00, s8;
	[sflag:s10] =	ssyncpa.u1 $0x0;
	s7 =	sadd.s32 s9, s7  }
0xa: {  	vm0 =	vmmov $0xffff;
	s10 =	simm.s32 $0x0;
	s11 =	smov.u32 s5;
	s9 =	sadd.s32 $0x1, s7  }
.LBB2_4:
0xb: {  	v2 =	vnsel vm1, $0x0, v2  }
0xc: {  	vm1 =	vgt.s32 v0, $0x0;
	v2 =	vmin.u32 v2, $0x5090F  }
0xd: {  	v0 =	vnsel vm1, $0x0, v0  }
0xe: {  	v0 =	vmin.u32 v0, $0x5090F  }
0xf: {  	[tilespmem:s18], [sflag:$0x1] =	stream.indirect_vreg.gather [hbm4b:s2+s10], $0x1, v1, vm0, $0x4038;
	[tilespmem:$0xCE40] =	vst v63  }
0x10: {  	(ifvalue) =	ssetifvalue $0x7FFFFFFF  }
0x11: {  	[tilespmem:s15], [sflag:$0x1] =	stream.indirect_vreg.gather [hbm4b:s2+s10], $0x1, v2, vm0, $0x4038;
	[tilespmem:$0xCE40] =	vst v63  }
0x12: {  	s29 =	sadd.s32 $0x10, s15;
	(ifvalue) =	ssetifvalue $0x7FFFFFFF  }
0x13: {  	[tilespmem:s29], [sflag:$0x1] =	stream.indirect_vreg.gather [hbm4b:s2+s10], $0x1, v0, vm0, $0x4038;
	[tilespmem:$0xCE40] =	vst v63  }
0x14: {  	_ =	swait.ge [sflag:s4], $0x3390  }
0x15: {  	s30 =	sshrl.u32 s13, $0x3;
	[sflag:s4] =	ssyncset.done $0x0  }
0x16: {  	s31 =	sand.u32 $0x7, s13;
	s15 =	sadd.s32 s8, s30;
	[sflag:s4] =	ssyncadd.s32 $0xFFFFCC70  }
0x17: {  	[hbm4b:s15+s31] =	stream.linear.scatter [tilespmem:s14], [sflag:$0x3], $0x3390, $0x38;
	[tilespmem:$0xCE40] =	vst v63  }
.LBB2_5:
0x18: {  	s15 =	sadd.s32 $0x33900, s11  }
0x19: {  	p1 =	sgt.s32 s15, $0x5090F  }
0x1a: {  	s15 =	smov.u32 @p1 s5;
	p1 =	sne.s32 s12, s9  }
.Ltmp1:
0x1b: {  	p0 =	slt.u32 s12, $0x2;
	(pc) =	sbr.rel @!p1 .LBB2_6-.Ltmp1, $4  }
0x1c: {  	s14 =	simm.s32 @!p0 $0x3  }
0x1d: {  	_ =	swait.ge @!p0 [sflag:s14], $0x3390  }
0x1e: {  	s16 =	sadd.s32 $0x1, s12;
	s13 =	smov.u32 s11;
	[sflag:s14] =	ssyncset.done @!p0 $0x0  }
0x1f: {  	s12 =	smov.u32 s16;
	s11 =	smov.u32 s15;
	[sflag:s14] =	ssyncadd.s32 @!p0 $0xFFFFCC70  }
.LBB2_1:
0x20: {  	p0 =	sge.u32 s12, s7  }
0x21: {  	s14 =	sxor.u32 @!p0 $0x1, s12  }
0x22: {  	s14 =	smul.u32 @!p0 $0xCE40, s14  }
0x23: {  	s31 =	sadd.s32 $0xFFFFFFFF, s12;
	s15 =	sshrl.u32 @!p0 s11, $0x3  }
0x24: {  	s16 =	sand.u32 @!p0 $0x7, s11;
	s15 =	sadd.s32 @!p0 s3, s15;
	s14 =	sshra.s32 @!p0 s14, $0x2  }
0x25: {  	[tilespmem:s14], [sflag:$0x2] =	stream.linear.gather @!p0 [hbm4b:s15+s16], $0x3390, $0x38;
	[tilespmem:$0xCE40] =	vst v63  }
0x26: {  	p0 =	sge.u32 s31, s7  }
.Ltmp2:
0x27: {  	_ = 	snop;
	(pc) =	sbr.rel @p0 .LBB2_5-.Ltmp2, $1  }
0x28: {  	_ =	sdelay $0x3  }
0x29: {  	s14 =	sand.u32 $0x1, s12  }
0x2a: {  	_ =	swait.ge [sflag:s6], $0x3390;
	p0 =	seq.s32 s14, $0x1;
	s14 =	simm.s32 $0x3390  }
0x2b: {  	[sflag:s6] =	ssyncset.done $0x0;
	s14 =	simm.s32 @!p0 $0x0  }
0x2c: {  	[sflag:s6] =	ssyncadd.s32 $0xFFFFCC70;
	(ifvalue) =	ssetifvalue $0x7FFFFFFF;
	v0 =	vld.msk [tilespmem:s14+$0x0 ss:$0x1], $0xffff;
	_ =	sdelay $0x4  }
0x2d: {  	s15 =	sadd.s32 $0x10, s14;
	vm1 =	vgt.s32 v0, $0x0  }
0x2e: {  	v2 =	vld.msk [tilespmem:s15+$0x0 ss:$0x1], $0xffff;
	v1 =	vnsel vm1, $0x0, v0  }
0x2f: {  	v1 =	vmin.u32 v1, $0x5090F;
	_ =	sdelay $0x2  }
0x30: {  	s17 =	simm.s32 $0x20;
	s14 =	sadd.s32 $0x6720, s14;
	s16 =	sadd.s32 $0x10, s15  }
0x31: {  	s15 =	sadd.s32 $0x10, s14;
	s18 =	smov.u32 s14;
	v0 =	vld.msk [tilespmem:s16+$0x0 ss:$0x1], $0xffff;
	vm1 =	vgt.s32 v2, $0x0;
	(ifvalue) =	ssetifvalue $0x7FFFFFFF  }
.LBB2_3:
0x32: {  	[tilespmem:s18], [sflag:$0x1] =	stream.indirect_vreg.gather [hbm4b:s2+s10], $0x1, v1, vm0, $0x4038;
	[tilespmem:$0xCE40] =	vst v63  }
0x33: {  	s17 =	sadd.s32 $0x10, s17  }
0x34: {  	v2 =	vnsel vm1, $0x0, v2;
	p0 =	slt.u32 s17, $0x3380  }
.Ltmp3:
0x35: {  	s18 =	smov.u32 s15;
	v1 =	vmin.u32 v2, $0x5090F;
	(pc) =	sbr.rel @p0 .LBB2_3-.Ltmp3, $3  }
0x36: {  	_ =	sdelay $0x1  }
0x37: {  	s16 =	sadd.s32 $0x10, s16  }
0x38: {  	vm1 =	vgt.s32 v0, $0x0;
	s15 =	sadd.s32 $0x10, s15;
	v2 =	vmov v0;
	(ifvalue) =	ssetifvalue $0x7FFFFFFF;
	v0 =	vld.msk [tilespmem:s16+$0x0 ss:$0x1], $0xffff  }
.Ltmp4:
0x39: {  	_ = 	snop;
	(pc) =	sbr.rel .LBB2_4-.Ltmp4, $1  }
0x3a: {  	_ =	sdelay $0x3  }
.LBB2_6:
0x3b: {  	_ =	sfence.sel $0x180000  }
0x3c: {  	s2 =	simm.s32 $0x2;
	[bflag:$0x0] =	sbarrier.arrive $0xFFFF  }
0x3d: {  	s30 =	simm.s32 $0x3;
	[sflag:s2] =	ssyncpa.u1 $0x1  }
0x3e: {  	s31 =	simm.s32 $0x1;
	[sflag:s30] =	ssyncpa.u1 $0x1  }
0x3f: {  	[sflag:s31] =	ssyncpa.u1 $0x1  }
0x40: {  	p0 =	sne.s32 s1, $0x0;
	_ =	strace $0x9000004D  }
0x41: {  	s0 =	sadd.s32 @!p0 $0x100000, s0;
	[bflag:$0x2] =	sbarrier.arrive $0xFFFF  }
0x42: {  	[sflag:s0] =	ssyncadd.tile.s32 @!p0 $0x1;
	_ =	shalt  }
.Lfunc_end2:
_tile_overlayer_lowered:
.L_overlay_start_2:
0x43: {  	(tag) =	ssettag $0x2  }
0x44: {  	s0 =	rddreg [dreg:$0x0];
	s2 =	stileid.u32  }
0x45: {  	s1 =	rddreg [dreg:$0x1];
	p0 =	sne.s32 s2, $0x0  }
0x46: {  	s3 =	rddreg [dreg:$0x2];
	[bflag:$0x3] =	sbarrier.arrive $0xFFFF;
	s2 =	simm.s32 @!p0 $0x1C01  }
0x47: {  	[timem:s3], [sflag:s2] =	dma.local @!p0 [hbm:s0], s1  }
0x48: {  	s0 =	simm.s32 @!p0 $0x1  }
0x49: {  	_ =	swait.ge @!p0 [sflag:s0], s1  }
0x4a: {  	s1 =	ssub.s32 @!p0 $0x0, s1;
	[sflag:s0] =	ssyncset.done @!p0 $0x0  }
0x4b: {  	[sflag:s0] =	ssyncadd.s32 @!p0 s1  }
0x4c: {  	[bflag:$0x3] =	sbarrier.arrive $0xFFFF  }
0x4d: {  	_ =	shalt  }

// kernel: gather_offload_async_start
scs
__scs_entry_jumppad:
0x0: {  	(pc) =	sbr.rel $0x88, $3  }
0x1: {  	(tag) =	ssettag $0x0;
	lr =	simm.s32 $0x1  }
0x2: {  	[smem:$0x3F96] =	sst lr;
	_ =	strace $0xD0000000  }
0x3: {  	_ = 	snop  }
0x4: {  	_ = 	snop  }
0x5: {  	_ = 	snop  }
0x6: {  	_ = 	snop  }
0x7: {  	_ = 	snop  }
__scs_overlays_trampoline_lowered:
0x8: {  	[smem:$0x3FA5] =	sst s0  }
0x9: {  	[smem:$0x3FA6] =	sst s1  }
0xa: {  	[smem:$0x3FA7] =	sst s2  }
0xb: {  	[smem:$0x3FA8] =	sst s3  }
0xc: {  	[smem:$0x3FA9] =	sst s4  }
0xd: {  	[smem:$0x3FAA] =	sst s5  }
0xe: {  	[smem:$0x3FAB] =	sst s6  }
0xf: {  	[smem:$0x3FAC] =	sst s7  }
0x10: {  	[smem:$0x3FAD] =	sst s8  }
0x11: {  	[smem:$0x3FAE] =	sst s9;
	s0 =	simm.s32 @!p0 $0x0  }
0x12: {  	s1 =	sld [smem:$0x3F94];
	s0 =	simm.s32 @p0 $0x1  }
0x13: {  	[smem:$0x3FAF] =	sst s0;
	s0 =	simm.s32 @!p1 $0x0  }
0x14: {  	s2 =	sld [smem:$0x3F93];
	s0 =	simm.s32 @p1 $0x1  }
0x15: {  	[smem:$0x3FB0] =	sst s0;
	s0 =	simm.s32 @!p2 $0x0  }
0x16: {  	s3 =	sld [smem:$0x3FDB];
	s0 =	simm.s32 @p2 $0x1  }
0x17: {  	s4 =	simm.s32 $0x1BF5;
	[smem:$0x3FB2] =	sst s0  }
0x18: {  	s0 =	sld [smem:$0x3F95];
	_ =	swait.ge [sflag:s4], $0x0  }
0x19: {  	s7 =	sld [smem:$0x3F96]  }
0x1a: {  	s8 =	sadd.s32 $0xFFFFE003, lr  }
0x1b: {  	s9 =	sadd.s32 $0xFFFFFEF7, lr;
	s5 =	simm.s32 $0xFFFFFFFF;
	p2 =	slt.u32 s8, $0xFFFFF086  }
0x1c: {  	p1 =	slt.u32 s9, $0xF7A;
	s5 =	simm.s32 @!p2 $0x0  }
0x1d: {  	s5 =	simm.s32 @p1 $0x1;
	p0 =	seq.s32 s7, s2  }
0x1e: {  	s7 =	smul.u32 @!p0 $0xF7A, s2;
	p2 =	seq.s32 @!p0 s5, $0x0  }
0x1f: {  	s9 =	smul.u32 $0xF7A, s1;
	s8 =	simm.s32 @!p0 $0x1BF5;
	p2 =	por !p2, p0  }
0x20: {  	[sflag:s8] =	ssyncset.s32 @!p0 $0xFFFFF086;
	s6 =	sadd.s32 @!p0 s3, s7;
	s7 =	simm.s32 @!p0 $0x108  }
0x21: {  	s3 =	sadd.s32 s3, s9;
	s6 =	sadd.s32 @!p0 $0x88, s6;
	s7 =	simm.s32 @p2 $0x1082  }
0x22: {  	[simem:s7], [sflag:s8] =	dma.local @!p0 [hbm:s6], $0xF7A  }
0x23: {  	s9 =	sor.u32 $0xD0000000, s2;
	s6 =	simm.s32 $0x108;
	_ =	swait.ge @!p0 [sflag:s8], $0x0  }
0x24: {  	s3 =	sadd.s32 $0x88, s3;
	s6 =	simm.s32 @!p1 $0x1082;
	[sflag:s4] =	ssyncset.s32 $0xFFFFF086  }
0x25: {  	[simem:s6], [sflag:s4] =	dma.local [hbm:s3], $0xF7A  }
0x26: {  	[smem:$0x3F96] =	sst s1;
	(tag) =	ssettag s2;
	_ =	strace s9  }
0x27: {  	s1 =	sld [smem:$0x3FA6]  }
0x28: {  	s2 =	sld [smem:$0x3FA7]  }
0x29: {  	s4 =	sld [smem:$0x3FA9]  }
0x2a: {  	p0 =	seq.s32 s5, $0x0;
	s5 =	sld [smem:$0x3FAA]  }
0x2b: {  	s6 =	sld [smem:$0x3FAB]  }
0x2c: {  	s7 =	sld [smem:$0x3FAC]  }
0x2d: {  	s3 =	simm.s32 $0x108;
	s8 =	sld [smem:$0x3FAD]  }
0x2e: {  	s3 =	simm.s32 @!p0 $0x1082;
	s9 =	sld [smem:$0x3FAE]  }
0x2f: {  	lr =	sadd.s32 s0, s3;
	s0 =	sld [smem:$0x3FA5]  }
0x30: {  	s3 =	sld [smem:$0x3FA8]  }
0x31: {  	[smem:$0x3FB1] =	sst s10  }
0x32: {  	s10 =	sld [smem:$0x3FAF];
	_ =	sdelay $0x3  }
0x33: {  	p0 =	seq.s32 s10, $0x1;
	s10 =	sld [smem:$0x3FB1];
	_ =	sdelay $0x3  }
0x34: {  	[smem:$0x3FB1] =	sst s10  }
0x35: {  	s10 =	sld [smem:$0x3FB0];
	_ =	sdelay $0x3  }
0x36: {  	p1 =	seq.s32 s10, $0x1;
	s10 =	sld [smem:$0x3FB1];
	_ =	sdelay $0x3  }
0x37: {  	[smem:$0x3FB1] =	sst s10  }
0x38: {  	s10 =	sld [smem:$0x3FB2]  }
0x39: {  	_ = 	snop;
	(pc) =	sbr.ind lr, $3  }
0x3a: {  	_ = 	snop  }
0x3b: {  	_ = 	snop  }
0x3c: {  	p2 =	seq.s32 s10, $0x1;
	s10 =	sld [smem:$0x3FB1]  }
0x3d: {  	_ =	shalt  }
0x3e: {  	_ =	shalt  }
0x3f: {  	_ =	shalt  }
0x40: {  	_ =	shalt  }
0x41: {  	_ =	shalt  }
0x42: {  	_ =	shalt  }
0x43: {  	_ =	shalt  }
0x44: {  	_ =	shalt  }
0x45: {  	_ =	shalt  }
0x46: {  	_ =	shalt  }
0x47: {  	_ =	shalt  }
0x48: {  	_ =	shalt  }
0x49: {  	_ =	shalt  }
0x4a: {  	_ =	shalt  }
0x4b: {  	_ =	shalt  }
0x4c: {  	_ =	shalt  }
0x4d: {  	_ =	shalt  }
0x4e: {  	_ =	shalt  }
0x4f: {  	_ =	shalt  }
0x50: {  	_ =	shalt  }
0x51: {  	_ =	shalt  }
0x52: {  	_ =	shalt  }
0x53: {  	_ =	shalt  }
0x54: {  	_ =	shalt  }
0x55: {  	_ =	shalt  }
0x56: {  	_ =	shalt  }
0x57: {  	_ =	shalt  }
0x58: {  	_ =	shalt  }
0x59: {  	_ =	shalt  }
0x5a: {  	_ =	shalt  }
0x5b: {  	_ =	shalt  }
0x5c: {  	_ =	shalt  }
0x5d: {  	_ =	shalt  }
0x5e: {  	_ =	shalt  }
0x5f: {  	_ =	shalt  }
0x60: {  	_ =	shalt  }
0x61: {  	_ =	shalt  }
0x62: {  	_ =	shalt  }
0x63: {  	_ =	shalt  }
0x64: {  	_ =	shalt  }
0x65: {  	_ =	shalt  }
0x66: {  	_ =	shalt  }
0x67: {  	_ =	shalt  }
0x68: {  	_ =	shalt  }
0x69: {  	_ =	shalt  }
0x6a: {  	_ =	shalt  }
0x6b: {  	_ =	shalt  }
0x6c: {  	_ =	shalt  }
0x6d: {  	_ =	shalt  }
0x6e: {  	_ =	shalt  }
0x6f: {  	_ =	shalt  }
0x70: {  	_ =	shalt  }
0x71: {  	_ =	shalt  }
0x72: {  	_ =	shalt  }
0x73: {  	_ =	shalt  }
0x74: {  	_ =	shalt  }
0x75: {  	_ =	shalt  }
0x76: {  	_ =	shalt  }
0x77: {  	_ =	shalt  }
0x78: {  	_ =	shalt  }
0x79: {  	_ =	shalt  }
0x7a: {  	_ =	shalt  }
0x7b: {  	_ =	shalt  }
0x7c: {  	_ =	shalt  }
0x7d: {  	_ =	shalt  }
0x7e: {  	_ =	shalt  }
0x7f: {  	_ =	shalt  }
0x80: {  	_ =	shalt  }
0x81: {  	_ =	shalt  }
0x82: {  	_ =	shalt  }
0x83: {  	_ =	shalt  }
0x84: {  	_ =	shalt  }
0x85: {  	_ =	shalt  }
0x86: {  	_ =	shalt  }
0x87: {  	_ =	shalt  }
.Lfunc_end0:
.L_simem_size_0:
called_computation_lowered:
.L_overlay_start_0:
0x88: {  	s0 =	sld [smem:$0x3FD9]  }
0x89: {  	s1 =	sld [smem:$0x3FFE];
	_ =	sdelay $0x3  }
0x8a: {  	s0 =	sadd.s32 s1, s0  }
0x8b: {  	[smem:$0x3FBD] =	sst s0  }
0x8c: {  	_ = 	snop  }
0x8d: {  	s0 =	sld [smem:$0x3FD0];
	(tm) =	ssettm $0x1  }
0x8e: {  	s16 =	sld [smem:$0x3FFB];
	_ =	sdelay $0x3  }
0x8f: {  	_ =	strace s16  }
0x90: {  	s1 =	sld [smem:$0x3FFC];
	_ =	sdelay $0x3  }
0x91: {  	_ =	strace s1  }
0x92: {  	s1 =	sld [smem:$0x3FFD];
	_ =	sdelay $0x3  }
0x93: {  	_ =	strace s1  }
0x94: {  	_ =	strace $0x8FFFFFFF  }
0x95: {  	s17 =	sld [smem:$0x3FDB];
	_ =	sdelay $0x1  }
0x96: {  	s2 =	simm.s32 $_scs_section_size  }
0x97: {  	s3 =	simm.s32 $_size__tile_overlayer_lowered;
	s4 =	simm.s32 $_tile_overlayer_lowered  }
0x98: {  	s20 =	simm.s32 $0x1BFF;
	s19 =	sshll.u32 s4, $0x1;
	s1 =	sadd.s32 s2, s17  }
0x99: {  	s5 =	simm.s32 $0x0;
	s18 =	sshll.u32 s3, $0x1;
	s3 =	sadd.s32 s19, s1  }
0x9a: {  	[timem:s5], [sflag:s20] =	dma.local [hbm:s3], s18  }
0x9b: {  	_ =	swait.ge [sflag:s20], s18  }
0x9c: {  	s2 =	ssub.s32 $0x0, s18;
	[sflag:s20] =	ssyncset.done $0x0  }
0x9d: {  	[sflag:s20] =	ssyncadd.s32 s2;
	_ =	sdelay $0x1  }
0x9e: {  	s21 =	simm.s32 $0x1B8B  }
0x9f: {  	_ =	swait.ge [sflag:s21], $0x1  }
0xa0: {  	[sflag:s21] =	ssyncset.done $0x0  }
0xa1: {  	s23 =	simm.s32 $0x1B8E;
	s22 =	sld [smem:$0x3FFE];
	[sflag:s21] =	ssyncadd.s32 $0xFFFFFFFF  }
0xa2: {  	s24 =	simm.s32 $execute0_lowered;
	[smem:$0x3FD2] =	sst s23  }
0xa3: {  	s3 =	sshll.u32 s24, $0x1;
	_ =	strace $0x80000049;
	[dreg:$0x1] =	wrdreg $0xFFFFFFFF  }
0xa4: {  	s25 =	simm.s32 $_size_execute0_lowered;
	s1 =	sadd.s32 s1, s3;
	[dreg:$0x0] =	wrdreg $0x0  }
0xa5: {  	s3 =	sshll.u32 s25, $0x1;
	[dreg:$0x2] =	wrdreg s1  }
0xa6: {  	[dreg:$0x3] =	wrdreg s3  }
0xa7: {  	[dreg:$0x4] =	wrdreg $0xC0  }
0xa8: {  	_ =	task [dreg:s5], $0x5FFFF  }
0xa9: {  	[dreg:$0x1] =	wrdreg $0xFFFFFFFF  }
0xaa: {  	[dreg:$0x0] =	wrdreg $0x60  }
0xab: {  	[dreg:$0x2] =	wrdreg s0  }
0xac: {  	[dreg:$0x3] =	wrdreg s22  }
0xad: {  	[dreg:$0x4] =	wrdreg $0x9  }
0xae: {  	_ =	task.clear_ibuf [dreg:s5], $0x5FFFF;
	_ =	strace $0x90000049  }
0xaf: {  	s26 =	simm.s32 $0x9;
	_ =	strace $0x8000004B  }
0xb0: {  	_ =	swait.ge [sflag:s26], $0x1  }
0xb1: {  	[sflag:s26] =	ssyncadd.s32 $0xFFFFFFFF  }
0xb2: {  	_ =	strace $0x9000004B  }
0xb3: {  	_ =	sfence  }
0xb4: {  	s28 =	sld [smem:$0x0];
	_ =	sdelay $0x1  }
0xb5: {  	s29 =	srdreg.scid  }
0xb6: {  	s30 =	sshll.u32 s29, $0xD;
	s31 =	sshrl.u32 s29, $0x2  }
0xb7: {  	s2 =	sand.u32 $0x4000, s30;
	s1 =	sand.u32 $0x1, s29;
	s0 =	sadd.s32 s31, s28  }
0xb8: {  	s1 =	sor.u32 s2, s1;
	s0 =	sshll.u32 s0, $0x11  }
0xb9: {  	s0 =	sor.u32 s0, s1  }
0xba: {  	s0 =	sadd.s32 $0x8F2B, s0  }
0xbb: {  	[sflag:s0] =	ssyncadd.remote.s32 $0x1  }
0xbc: {  	_ =	sfence.sel $0xFFFF  }
0xbd: {  	[dreg:$0x0] =	wrdreg $0xFFFFFFFF;
	(pc) =	sbr.abs _section_cstart, $3  }
0xbe: {  	[dreg:$0x1] =	wrdreg $0xFFFFFFFF  }
0xbf: {  	_ =	task.clear_ibuf [dreg:s5], $0x2FFFF;
	_ =	strace $0x9FFFFFFF  }
0xc0: {  	(tm) =	ssettm $0x7FFFFFFF  }
0xc1: {  	_ =	shalt  }
tec
execute0_lowered:
.L_overlay_start_1:
0x0: {  	(tag) =	ssettag $0x1  }
0x1: {  	s2 =	rddreg [dreg:$0x0]  }
0x2: {  	s8 =	rddreg [dreg:$0x1]  }
0x3: {  	s0 =	rddreg [dreg:$0x2]  }
0x4: {  	_ =	strace $0x8000004A;
	s4 =	simm.s32 $0x1;
	s1 =	stileid.u32  }
0x5: {  	s7 =	simm.s32 $0x1;
	s9 =	simm.s32 $0x1;
	s6 =	simm.s32 $0x2  }
0x6: {  	s10 =	simm.s32 $0x3;
	s13 =	simm.s32 $0x0;
	s12 =	simm.s32 $0x0  }
.Ltmp0:
0x7: {  	s3 =	sadd.s32 $0xB000, s8;
	p0 =	slt.u32 s1, $0xA;
	(pc) =	sbr.rel .LBB2_1-.Ltmp0, $4  }
0x8: {  	[sflag:s4] =	ssyncpa.u1 $0x0;
	s7 =	simm.s32 @!p0 $0x0;
	p0 =	sne.s32 s1, $0x9  }
0x9: {  	s5 =	smul.u32 $0x3390, s1;
	[sflag:s6] =	ssyncpa.u1 $0x0;
	s9 =	simm.s32 @!p0 $0x0  }
0xa: {  	s8 =	sadd.s32 $0x2A200, s8;
	[sflag:s10] =	ssyncpa.u1 $0x0;
	s7 =	sadd.s32 s9, s7  }
0xb: {  	vm0 =	vmmov $0xffff;
	s10 =	simm.s32 $0x0;
	s11 =	smov.u32 s5;
	s9 =	sadd.s32 $0x1, s7  }
.LBB2_4:
0xc: {  	v2 =	vnsel vm1, $0x0, v2  }
0xd: {  	vm1 =	vgt.s32 v0, $0x0;
	v2 =	vmin.u32 v2, $0x5090F  }
0xe: {  	v0 =	vnsel vm1, $0x0, v0  }
0xf: {  	v0 =	vmin.u32 v0, $0x5090F  }
0x10: {  	[tilespmem:s18], [sflag:$0x1] =	stream.indirect_vreg.gather [hbm4b:s2+s10], $0x1, v1, vm0, $0x4038;
	[tilespmem:$0xCE40] =	vst v63  }
0x11: {  	(ifvalue) =	ssetifvalue $0x7FFFFFFF  }
0x12: {  	[tilespmem:s15], [sflag:$0x1] =	stream.indirect_vreg.gather [hbm4b:s2+s10], $0x1, v2, vm0, $0x4038;
	[tilespmem:$0xCE40] =	vst v63  }
0x13: {  	s29 =	sadd.s32 $0x10, s15;
	(ifvalue) =	ssetifvalue $0x7FFFFFFF  }
0x14: {  	[tilespmem:s29], [sflag:$0x1] =	stream.indirect_vreg.gather [hbm4b:s2+s10], $0x1, v0, vm0, $0x4038;
	[tilespmem:$0xCE40] =	vst v63  }
0x15: {  	_ =	swait.ge [sflag:s4], $0x3390  }
0x16: {  	s30 =	sshrl.u32 s13, $0x3;
	[sflag:s4] =	ssyncset.done $0x0  }
0x17: {  	s31 =	sand.u32 $0x7, s13;
	s15 =	sadd.s32 s8, s30;
	[sflag:s4] =	ssyncadd.s32 $0xFFFFCC70  }
0x18: {  	[hbm4b:s15+s31] =	stream.linear.scatter [tilespmem:s14], [sflag:$0x3], $0x3390, $0x38;
	[tilespmem:$0xCE40] =	vst v63  }
.LBB2_5:
0x19: {  	s15 =	sadd.s32 $0x33900, s11  }
0x1a: {  	p1 =	sgt.s32 s15, $0x5090F  }
0x1b: {  	s15 =	smov.u32 @p1 s5;
	p1 =	sne.s32 s12, s9  }
.Ltmp1:
0x1c: {  	p0 =	slt.u32 s12, $0x2;
	(pc) =	sbr.rel @!p1 .LBB2_6-.Ltmp1, $4  }
0x1d: {  	s14 =	simm.s32 @!p0 $0x3  }
0x1e: {  	_ =	swait.ge @!p0 [sflag:s14], $0x3390  }
0x1f: {  	s16 =	sadd.s32 $0x1, s12;
	s13 =	smov.u32 s11;
	[sflag:s14] =	ssyncset.done @!p0 $0x0  }
0x20: {  	s12 =	smov.u32 s16;
	s11 =	smov.u32 s15;
	[sflag:s14] =	ssyncadd.s32 @!p0 $0xFFFFCC70  }
.LBB2_1:
0x21: {  	p0 =	sge.u32 s12, s7  }
0x22: {  	s14 =	sxor.u32 @!p0 $0x1, s12  }
0x23: {  	s14 =	smul.u32 @!p0 $0xCE40, s14  }
0x24: {  	s31 =	sadd.s32 $0xFFFFFFFF, s12;
	s15 =	sshrl.u32 @!p0 s11, $0x3  }
0x25: {  	s16 =	sand.u32 @!p0 $0x7, s11;
	s15 =	sadd.s32 @!p0 s3, s15;
	s14 =	sshra.s32 @!p0 s14, $0x2  }
0x26: {  	[tilespmem:s14], [sflag:$0x2] =	stream.linear.gather @!p0 [hbm4b:s15+s16], $0x3390, $0x38;
	[tilespmem:$0xCE40] =	vst v63  }
0x27: {  	p0 =	sge.u32 s31, s7  }
.Ltmp2:
0x28: {  	_ = 	snop;
	(pc) =	sbr.rel @p0 .LBB2_5-.Ltmp2, $1  }
0x29: {  	_ =	sdelay $0x3  }
0x2a: {  	s14 =	sand.u32 $0x1, s12  }
0x2b: {  	_ =	swait.ge [sflag:s6], $0x3390;
	p0 =	seq.s32 s14, $0x1;
	s14 =	simm.s32 $0x3390  }
0x2c: {  	[sflag:s6] =	ssyncset.done $0x0;
	s14 =	simm.s32 @!p0 $0x0  }
0x2d: {  	[sflag:s6] =	ssyncadd.s32 $0xFFFFCC70;
	(ifvalue) =	ssetifvalue $0x7FFFFFFF;
	v0 =	vld.msk [tilespmem:s14+$0x0 ss:$0x1], $0xffff;
	_ =	sdelay $0x4  }
0x2e: {  	s15 =	sadd.s32 $0x10, s14;
	vm1 =	vgt.s32 v0, $0x0  }
0x2f: {  	v2 =	vld.msk [tilespmem:s15+$0x0 ss:$0x1], $0xffff;
	v1 =	vnsel vm1, $0x0, v0  }
0x30: {  	v1 =	vmin.u32 v1, $0x5090F;
	_ =	sdelay $0x2  }
0x31: {  	s17 =	simm.s32 $0x20;
	s14 =	sadd.s32 $0x6720, s14;
	s16 =	sadd.s32 $0x10, s15  }
0x32: {  	s15 =	sadd.s32 $0x10, s14;
	s18 =	smov.u32 s14;
	v0 =	vld.msk [tilespmem:s16+$0x0 ss:$0x1], $0xffff;
	vm1 =	vgt.s32 v2, $0x0;
	(ifvalue) =	ssetifvalue $0x7FFFFFFF  }
.LBB2_3:
0x33: {  	[tilespmem:s18], [sflag:$0x1] =	stream.indirect_vreg.gather [hbm4b:s2+s10], $0x1, v1, vm0, $0x4038;
	[tilespmem:$0xCE40] =	vst v63  }
0x34: {  	s17 =	sadd.s32 $0x10, s17  }
0x35: {  	v2 =	vnsel vm1, $0x0, v2;
	p0 =	slt.u32 s17, $0x3380  }
.Ltmp3:
0x36: {  	s18 =	smov.u32 s15;
	v1 =	vmin.u32 v2, $0x5090F;
	(pc) =	sbr.rel @p0 .LBB2_3-.Ltmp3, $3  }
0x37: {  	_ =	sdelay $0x1  }
0x38: {  	s16 =	sadd.s32 $0x10, s16  }
0x39: {  	vm1 =	vgt.s32 v0, $0x0;
	s15 =	sadd.s32 $0x10, s15;
	v2 =	vmov v0;
	(ifvalue) =	ssetifvalue $0x7FFFFFFF;
	v0 =	vld.msk [tilespmem:s16+$0x0 ss:$0x1], $0xffff  }
.Ltmp4:
0x3a: {  	_ = 	snop;
	(pc) =	sbr.rel .LBB2_4-.Ltmp4, $1  }
0x3b: {  	_ =	sdelay $0x3  }
.LBB2_6:
0x3c: {  	_ =	sfence.sel $0x180000  }
0x3d: {  	s2 =	simm.s32 $0x2;
	[bflag:$0x0] =	sbarrier.arrive $0xFFFF  }
0x3e: {  	s30 =	simm.s32 $0x3;
	[sflag:s2] =	ssyncpa.u1 $0x1  }
0x3f: {  	s31 =	simm.s32 $0x1;
	[sflag:s30] =	ssyncpa.u1 $0x1  }
0x40: {  	[sflag:s31] =	ssyncpa.u1 $0x1  }
0x41: {  	p0 =	sne.s32 s1, $0x0;
	_ =	strace $0x9000004A  }
0x42: {  	s0 =	sadd.s32 @!p0 $0x100000, s0;
	[bflag:$0x2] =	sbarrier.arrive $0xFFFF  }
0x43: {  	[sflag:s0] =	ssyncadd.tile.s32 @!p0 $0x1;
	_ =	shalt  }
.Lfunc_end2:
_tile_overlayer_lowered:
.L_overlay_start_2:
0x44: {  	(tag) =	ssettag $0x2  }
0x45: {  	s0 =	rddreg [dreg:$0x0];
	s2 =	stileid.u32  }
0x46: {  	s1 =	rddreg [dreg:$0x1];
	p0 =	sne.s32 s2, $0x0  }
0x47: {  	s3 =	rddreg [dreg:$0x2];
	[bflag:$0x3] =	sbarrier.arrive $0xFFFF;
	s2 =	simm.s32 @!p0 $0x1C01  }
0x48: {  	[timem:s3], [sflag:s2] =	dma.local @!p0 [hbm:s0], s1  }
0x49: {  	s0 =	simm.s32 @!p0 $0x1  }
0x4a: {  	_ =	swait.ge @!p0 [sflag:s0], s1  }
0x4b: {  	s1 =	ssub.s32 @!p0 $0x0, s1;
	[sflag:s0] =	ssyncset.done @!p0 $0x0  }
0x4c: {  	[sflag:s0] =	ssyncadd.s32 @!p0 s1  }
0x4d: {  	[bflag:$0x3] =	sbarrier.arrive $0xFFFF  }
0x4e: {  	_ =	shalt  }

// kernel: kernel.18.cloned.1.call-start
scs
__scs_entry_jumppad:
0x0: {  	(pc) =	sbr.rel $0x88, $3  }
0x1: {  	(tag) =	ssettag $0x0;
	lr =	simm.s32 $0x1  }
0x2: {  	[smem:$0x3F96] =	sst lr;
	_ =	strace $0xD0000000  }
0x3: {  	_ = 	snop  }
0x4: {  	_ = 	snop  }
0x5: {  	_ = 	snop  }
0x6: {  	_ = 	snop  }
0x7: {  	_ = 	snop  }
__scs_overlays_trampoline_lowered:
0x8: {  	[smem:$0x3FA5] =	sst s0  }
0x9: {  	[smem:$0x3FA6] =	sst s1  }
0xa: {  	[smem:$0x3FA7] =	sst s2  }
0xb: {  	[smem:$0x3FA8] =	sst s3  }
0xc: {  	[smem:$0x3FA9] =	sst s4  }
0xd: {  	[smem:$0x3FAA] =	sst s5  }
0xe: {  	[smem:$0x3FAB] =	sst s6  }
0xf: {  	[smem:$0x3FAC] =	sst s7  }
0x10: {  	[smem:$0x3FAD] =	sst s8  }
0x11: {  	[smem:$0x3FAE] =	sst s9;
	s0 =	simm.s32 @!p0 $0x0  }
0x12: {  	s1 =	sld [smem:$0x3F94];
	s0 =	simm.s32 @p0 $0x1  }
0x13: {  	[smem:$0x3FAF] =	sst s0;
	s0 =	simm.s32 @!p1 $0x0  }
0x14: {  	s2 =	sld [smem:$0x3F93];
	s0 =	simm.s32 @p1 $0x1  }
0x15: {  	[smem:$0x3FB0] =	sst s0;
	s0 =	simm.s32 @!p2 $0x0  }
0x16: {  	s3 =	sld [smem:$0x3FDB];
	s0 =	simm.s32 @p2 $0x1  }
0x17: {  	s4 =	simm.s32 $0x1BF5;
	[smem:$0x3FB2] =	sst s0  }
0x18: {  	s0 =	sld [smem:$0x3F95];
	_ =	swait.ge [sflag:s4], $0x0  }
0x19: {  	s7 =	sld [smem:$0x3F96]  }
0x1a: {  	s8 =	sadd.s32 $0xFFFFE003, lr  }
0x1b: {  	s9 =	sadd.s32 $0xFFFFFEF7, lr;
	s5 =	simm.s32 $0xFFFFFFFF;
	p2 =	slt.u32 s8, $0xFFFFF086  }
0x1c: {  	p1 =	slt.u32 s9, $0xF7A;
	s5 =	simm.s32 @!p2 $0x0  }
0x1d: {  	s5 =	simm.s32 @p1 $0x1;
	p0 =	seq.s32 s7, s2  }
0x1e: {  	s7 =	smul.u32 @!p0 $0xF7A, s2;
	p2 =	seq.s32 @!p0 s5, $0x0  }
0x1f: {  	s9 =	smul.u32 $0xF7A, s1;
	s8 =	simm.s32 @!p0 $0x1BF5;
	p2 =	por !p2, p0  }
0x20: {  	[sflag:s8] =	ssyncset.s32 @!p0 $0xFFFFF086;
	s6 =	sadd.s32 @!p0 s3, s7;
	s7 =	simm.s32 @!p0 $0x108  }
0x21: {  	s3 =	sadd.s32 s3, s9;
	s6 =	sadd.s32 @!p0 $0x88, s6;
	s7 =	simm.s32 @p2 $0x1082  }
0x22: {  	[simem:s7], [sflag:s8] =	dma.local @!p0 [hbm:s6], $0xF7A  }
0x23: {  	s9 =	sor.u32 $0xD0000000, s2;
	s6 =	simm.s32 $0x108;
	_ =	swait.ge @!p0 [sflag:s8], $0x0  }
0x24: {  	s3 =	sadd.s32 $0x88, s3;
	s6 =	simm.s32 @!p1 $0x1082;
	[sflag:s4] =	ssyncset.s32 $0xFFFFF086  }
0x25: {  	[simem:s6], [sflag:s4] =	dma.local [hbm:s3], $0xF7A  }
0x26: {  	[smem:$0x3F96] =	sst s1;
	(tag) =	ssettag s2;
	_ =	strace s9  }
0x27: {  	s1 =	sld [smem:$0x3FA6]  }
0x28: {  	s2 =	sld [smem:$0x3FA7]  }
0x29: {  	s4 =	sld [smem:$0x3FA9]  }
0x2a: {  	p0 =	seq.s32 s5, $0x0;
	s5 =	sld [smem:$0x3FAA]  }
0x2b: {  	s6 =	sld [smem:$0x3FAB]  }
0x2c: {  	s7 =	sld [smem:$0x3FAC]  }
0x2d: {  	s3 =	simm.s32 $0x108;
	s8 =	sld [smem:$0x3FAD]  }
0x2e: {  	s3 =	simm.s32 @!p0 $0x1082;
	s9 =	sld [smem:$0x3FAE]  }
0x2f: {  	lr =	sadd.s32 s0, s3;
	s0 =	sld [smem:$0x3FA5]  }
0x30: {  	s3 =	sld [smem:$0x3FA8]  }
0x31: {  	[smem:$0x3FB1] =	sst s10  }
0x32: {  	s10 =	sld [smem:$0x3FAF];
	_ =	sdelay $0x3  }
0x33: {  	p0 =	seq.s32 s10, $0x1;
	s10 =	sld [smem:$0x3FB1];
	_ =	sdelay $0x3  }
0x34: {  	[smem:$0x3FB1] =	sst s10  }
0x35: {  	s10 =	sld [smem:$0x3FB0];
	_ =	sdelay $0x3  }
0x36: {  	p1 =	seq.s32 s10, $0x1;
	s10 =	sld [smem:$0x3FB1];
	_ =	sdelay $0x3  }
0x37: {  	[smem:$0x3FB1] =	sst s10  }
0x38: {  	s10 =	sld [smem:$0x3FB2]  }
0x39: {  	_ = 	snop;
	(pc) =	sbr.ind lr, $3  }
0x3a: {  	_ = 	snop  }
0x3b: {  	_ = 	snop  }
0x3c: {  	p2 =	seq.s32 s10, $0x1;
	s10 =	sld [smem:$0x3FB1]  }
0x3d: {  	_ =	shalt  }
0x3e: {  	_ =	shalt  }
0x3f: {  	_ =	shalt  }
0x40: {  	_ =	shalt  }
0x41: {  	_ =	shalt  }
0x42: {  	_ =	shalt  }
0x43: {  	_ =	shalt  }
0x44: {  	_ =	shalt  }
0x45: {  	_ =	shalt  }
0x46: {  	_ =	shalt  }
0x47: {  	_ =	shalt  }
0x48: {  	_ =	shalt  }
0x49: {  	_ =	shalt  }
0x4a: {  	_ =	shalt  }
0x4b: {  	_ =	shalt  }
0x4c: {  	_ =	shalt  }
0x4d: {  	_ =	shalt  }
0x4e: {  	_ =	shalt  }
0x4f: {  	_ =	shalt  }
0x50: {  	_ =	shalt  }
0x51: {  	_ =	shalt  }
0x52: {  	_ =	shalt  }
0x53: {  	_ =	shalt  }
0x54: {  	_ =	shalt  }
0x55: {  	_ =	shalt  }
0x56: {  	_ =	shalt  }
0x57: {  	_ =	shalt  }
0x58: {  	_ =	shalt  }
0x59: {  	_ =	shalt  }
0x5a: {  	_ =	shalt  }
0x5b: {  	_ =	shalt  }
0x5c: {  	_ =	shalt  }
0x5d: {  	_ =	shalt  }
0x5e: {  	_ =	shalt  }
0x5f: {  	_ =	shalt  }
0x60: {  	_ =	shalt  }
0x61: {  	_ =	shalt  }
0x62: {  	_ =	shalt  }
0x63: {  	_ =	shalt  }
0x64: {  	_ =	shalt  }
0x65: {  	_ =	shalt  }
0x66: {  	_ =	shalt  }
0x67: {  	_ =	shalt  }
0x68: {  	_ =	shalt  }
0x69: {  	_ =	shalt  }
0x6a: {  	_ =	shalt  }
0x6b: {  	_ =	shalt  }
0x6c: {  	_ =	shalt  }
0x6d: {  	_ =	shalt  }
0x6e: {  	_ =	shalt  }
0x6f: {  	_ =	shalt  }
0x70: {  	_ =	shalt  }
0x71: {  	_ =	shalt  }
0x72: {  	_ =	shalt  }
0x73: {  	_ =	shalt  }
0x74: {  	_ =	shalt  }
0x75: {  	_ =	shalt  }
0x76: {  	_ =	shalt  }
0x77: {  	_ =	shalt  }
0x78: {  	_ =	shalt  }
0x79: {  	_ =	shalt  }
0x7a: {  	_ =	shalt  }
0x7b: {  	_ =	shalt  }
0x7c: {  	_ =	shalt  }
0x7d: {  	_ =	shalt  }
0x7e: {  	_ =	shalt  }
0x7f: {  	_ =	shalt  }
0x80: {  	_ =	shalt  }
0x81: {  	_ =	shalt  }
0x82: {  	_ =	shalt  }
0x83: {  	_ =	shalt  }
0x84: {  	_ =	shalt  }
0x85: {  	_ =	shalt  }
0x86: {  	_ =	shalt  }
0x87: {  	_ =	shalt  }
.Lfunc_end0:
.L_simem_size_0:
called_computation.3_lowered:
.L_overlay_start_0:
0x88: {  	s2 =	sld [smem:$0x3FD9]  }
0x89: {  	s3 =	sld [smem:$0x3FFE];
	_ =	sdelay $0x1  }
0x8a: {  	s1 =	srdreg.scid  }
0x8b: {  	s0 =	sand.u32 $0x1, s1  }
0x8c: {  	s17 =	sshll.u32 s0, $0xA;
	s2 =	sadd.s32 s3, s2  }
0x8d: {  	s2 =	sadd.s32 s2, s17  }
0x8e: {  	[smem:$0x3FBD] =	sst s2  }
0x8f: {  	_ = 	snop  }
0x90: {  	(tm) =	ssettm $0x1  }
0x91: {  	s18 =	sld [smem:$0x3FFB];
	_ =	sdelay $0x3  }
0x92: {  	_ =	strace s18  }
0x93: {  	s2 =	sld [smem:$0x3FFC];
	_ =	sdelay $0x3  }
0x94: {  	_ =	strace s2  }
0x95: {  	s2 =	sld [smem:$0x3FFD];
	_ =	sdelay $0x3  }
0x96: {  	_ =	strace s2  }
0x97: {  	_ =	strace $0x8FFFFFFF  }
0x98: {  	s19 =	sld [smem:$0x3FDB];
	_ =	sdelay $0x1  }
0x99: {  	s20 =	simm.s32 $_scs_section_size  }
0x9a: {  	s4 =	simm.s32 $_size__tile_overlayer_lowered;
	s5 =	simm.s32 $_tile_overlayer_lowered  }
0x9b: {  	s6 =	simm.s32 $0x1BFF;
	s21 =	sshll.u32 s5, $0x1;
	s3 =	sadd.s32 s20, s19  }
0x9c: {  	s22 =	simm.s32 $0x0;
	s4 =	sshll.u32 s4, $0x1;
	s5 =	sadd.s32 s21, s3  }
0x9d: {  	[timem:s22], [sflag:s6] =	dma.local [hbm:s5], s4  }
0x9e: {  	_ =	swait.ge [sflag:s6], s4  }
0x9f: {  	s4 =	ssub.s32 $0x0, s4;
	[sflag:s6] =	ssyncset.done $0x0  }
0xa0: {  	[sflag:s6] =	ssyncadd.s32 s4;
	_ =	sdelay $0x1  }
0xa1: {  	s23 =	simm.s32 $0x1B8B  }
0xa2: {  	_ =	swait.ge [sflag:s23], $0x1  }
0xa3: {  	[sflag:s23] =	ssyncset.done $0x0  }
0xa4: {  	[sflag:s23] =	ssyncadd.s32 $0xFFFFFFFF  }
0xa5: {  	s4 =	sld [smem:$0x0]  }
0xa6: {  	s5 =	sand.u32 $0xFFFFFFFE, s1  }
0xa7: {  	p0 =	sne.s32 s1, s5  }
0xa8: {  	s5 =	sshll.u32 @p0 s5, $0xE  }
0xa9: {  	s5 =	sadd.s32 @p0 $0x11B8D, s5;
	s6 =	sshll.u32 @p0 s4, $0x11  }
0xaa: {  	s5 =	sor.u32 @p0 s6, s5  }
0xab: {  	[sflag:s5] =	ssyncadd.remote.s32 @p0 $0x1;
	_ =	sdelay $0x1  }
0xac: {  	s5 =	simm.s32 @p0 $0x1B8D  }
0xad: {  	_ =	swait.eq @p0 [sflag:s5], $0x1  }
0xae: {  	[sflag:s5] =	ssyncadd.s32 @p0 $0xFFFFFFFF  }
0xaf: {  	s6 =	sshll.u32 @!p0 s1, $0xE  }
0xb0: {  	s6 =	sor.u32 @!p0 $0x4000, s6;
	s5 =	simm.s32 @!p0 $0x1B8D  }
0xb1: {  	s4 =	sshll.u32 @!p0 s4, $0x11;
	s6 =	sadd.s32 @!p0 $0x11B8D, s6;
	_ =	swait.eq @!p0 [sflag:s5], $0x1  }
0xb2: {  	s4 =	sor.u32 @!p0 s4, s6;
	[sflag:s5] =	ssyncadd.s32 @!p0 $0xFFFFFFFF  }
0xb3: {  	s25 =	simm.s32 $0x1B8E;
	s24 =	sld [smem:$0x3FFE];
	[sflag:s4] =	ssyncadd.remote.s32 @!p0 $0x1  }
0xb4: {  	s26 =	simm.s32 $execute0_lowered;
	[smem:$0x3FD2] =	sst s25  }
0xb5: {  	s5 =	sshll.u32 s26, $0x1;
	_ =	strace $0x8000004F;
	[dreg:$0x1] =	wrdreg $0xFFFFFFFF  }
0xb6: {  	s28 =	simm.s32 $_size_execute0_lowered;
	s3 =	sadd.s32 s3, s5;
	[dreg:$0x0] =	wrdreg $0x0  }
0xb7: {  	s5 =	sshll.u32 s28, $0x1;
	[dreg:$0x2] =	wrdreg s3  }
0xb8: {  	[dreg:$0x3] =	wrdreg s5  }
0xb9: {  	[dreg:$0x4] =	wrdreg $0xC0  }
0xba: {  	_ =	task [dreg:s22], $0x5FFFF  }
0xbb: {  	[dreg:$0x1] =	wrdreg $0xFFFFFFFF  }
0xbc: {  	[dreg:$0x0] =	wrdreg $0x60  }
0xbd: {  	[dreg:$0x2] =	wrdreg s24  }
0xbe: {  	[dreg:$0x3] =	wrdreg $0x41800  }
0xbf: {  	[dreg:$0x4] =	wrdreg $0xC  }
0xc0: {  	_ =	task.clear_ibuf [dreg:s22], $0x5FFFF;
	_ =	strace $0x9000004F  }
0xc1: {  	s29 =	simm.s32 $0xC;
	_ =	strace $0x80000051  }
0xc2: {  	_ =	swait.ge [sflag:s29], $0x1  }
0xc3: {  	[sflag:s29] =	ssyncadd.s32 $0xFFFFFFFF  }
0xc4: {  	_ =	strace $0x90000051  }
0xc5: {  	_ =	sfence  }
0xc6: {  	s30 =	sld [smem:$0x0];
	_ =	sdelay $0x2  }
0xc7: {  	s31 =	sshll.u32 s1, $0xD;
	s1 =	sshrl.u32 s1, $0x2  }
0xc8: {  	s4 =	sand.u32 $0x4000, s31;
	s1 =	sadd.s32 s1, s30  }
0xc9: {  	s0 =	sor.u32 s4, s0;
	s1 =	sshll.u32 s1, $0x11  }
0xca: {  	s0 =	sor.u32 s1, s0  }
0xcb: {  	s0 =	sadd.s32 $0x8F2B, s0  }
0xcc: {  	[sflag:s0] =	ssyncadd.remote.s32 $0x1  }
0xcd: {  	_ =	sfence.sel $0xFFFF  }
0xce: {  	[dreg:$0x0] =	wrdreg $0xFFFFFFFF;
	(pc) =	sbr.abs _section_cstart, $3  }
0xcf: {  	[dreg:$0x1] =	wrdreg $0xFFFFFFFF  }
0xd0: {  	_ =	task.clear_ibuf [dreg:s22], $0x2FFFF;
	_ =	strace $0x9FFFFFFF  }
0xd1: {  	(tm) =	ssettm $0x7FFFFFFF  }
tec
execute0_lowered:
.L_overlay_start_1:
0x0: {  	(tag) =	ssettag $0x1  }
0x1: {  	s5 =	rddreg [dreg:$0x0];
	s1 =	srdreg.scid  }
0x2: {  	s0 =	stileid.u32;
	s2 =	rddreg [dreg:$0x1];
	s3 =	simm.s32 $0x0  }
0x3: {  	s6 =	sand.u32 $0x1, s1;
	s4 =	sshll.u32 s0, $0x1;
	s1 =	rddreg [dreg:$0x2]  }
0x4: {  	[smem:$0x7FF] =	sst s3;
	s4 =	sor.u32 s6, s4  }
0x5: {  	s11 =	sadd.s32 $0x15800, s5;
	s13 =	sadd.s32 $0x15200, s5;
	s7 =	smul.u32 $0x1600, s4  }
0x6: {  	_ =	strace $0x80000050;
	s23 =	ssub.s32 $0x2, s6;
	s12 =	smul.u32 $0x160, s4  }
0x7: {  	s8 =	smul.u32 $0x2C000, s4;
	s4 =	sadd.s32 $0x34400, s5;
	s6 =	sshrl.u32 s23, $0x1  }
0x8: {  	s15 =	ssub.s32 s23, s6;
	s14 =	sadd.s32 s7, s5;
	s24 =	sshrl.u32 s12, $0x3  }
0x9: {  	s8 =	sshrl.u32 s8, $0x2;
	s25 =	sor.u32 $0x10, s12;
	s9 =	sadd.s32 $0x20, s12  }
0xa: {  	s10 =	sadd.s32 $0x30, s12;
	s16 =	sadd.s32 $0x40, s12;
	s17 =	sadd.s32 $0x80, s12  }
0xb: {  	s18 =	sadd.s32 $0x50, s12;
	s19 =	sadd.s32 $0x60, s12;
	s21 =	sadd.s32 $0x70, s12  }
0xc: {  	v0 =	vlaneseq.u32;
	s28 =	sadd.s32 $0x90, s12;
	s29 =	sadd.s32 $0xA0, s12;
	s30 =	sadd.s32 $0xB0, s12  }
0xd: {  	v23 =	vor.u32 $0x10, v0;
	v24 =	vor.u32 $0x20, v0;
	s31 =	sadd.s32 $0x100, s12;
	s22 =	sadd.s32 $0xD0, s12;
	s15 =	smax.u32 s15, $0x1  }
0xe: {  	v25 =	vor.u32 $0x30, v0;
	v26 =	vor.u32 $0x40, v0;
	v27 =	vor.u32 $0x50, v0;
	s5 =	sadd.s32 s11, s24;
	s6 =	sadd.s32 s8, s2;
	s7 =	sadd.s32 s13, s24  }
0xf: {  	v28 =	vor.u32 $0x60, v0;
	v29 =	vor.u32 $0x70, v0;
	s20 =	sshrl.u32 s17, $0x3;
	s26 =	sshll.u32 s17, $0x7;
	v8 =	vor.u32 s21, v0;
	s21 =	sadd.s32 $0xC0, s12  }
0x10: {  	v4 =	vor.u32 s12, v0;
	v1 =	vor.u32 s25, v0;
	v2 =	vor.u32 s9, v0;
	s23 =	sshrl.u32 s31, $0x3;
	s24 =	sadd.s32 $0xE0, s12;
	s25 =	sadd.s32 $0xF0, s12  }
0x11: {  	v10 =	vor.u32 s28, v0;
	v11 =	vor.u32 s29, v0;
	v12 =	vor.u32 s30, v0;
	s28 =	sadd.s32 $0x120, s12;
	s29 =	sadd.s32 $0x130, s12;
	s30 =	sadd.s32 $0x140, s12  }
0x12: {  	v3 =	vor.u32 s10, v0;
	v5 =	vor.u32 s16, v0;
	v9 =	vor.u32 s17, v0;
	s14 =	sadd.s32 $0x3EE00, s14;
	s16 =	simm.s32 $0x1;
	s17 =	simm.s32 $0x80  }
0x13: {  	v6 =	vor.u32 s18, v0;
	v7 =	vor.u32 s19, v0;
	v14 =	vor.u32 s22, v0;
	s18 =	simm.s32 $0x4080;
	s19 =	simm.s32 $0x60;
	s8 =	sadd.s32 s11, s20  }
0x14: {  	v17 =	vor.u32 s31, v0;
	s9 =	sadd.s32 s26, s2;
	s10 =	sadd.s32 s13, s20;
	v13 =	vor.u32 s21, v0;
	s11 =	sadd.s32 s11, s23;
	v15 =	vor.u32 s24, v0  }
0x15: {  	v16 =	vor.u32 s25, v0;
	s26 =	sadd.s32 $0x110, s12;
	s20 =	sshll.u32 s31, $0x7;
	v19 =	vor.u32 s28, v0;
	v20 =	vor.u32 s29, v0;
	s31 =	sadd.s32 $0x150, s12  }
0x16: {  	s13 =	sadd.s32 s13, s23;
	v21 =	vor.u32 s30, v0;
	v18 =	vor.u32 s26, v0;
	s12 =	sadd.s32 s20, s2;
	v22 =	vor.u32 s31, v0;
	s20 =	simm.s32 $0x4100  }
.LBB2_1:
0x17: {  	[tilespmem:$0x4080] =	vst v0  }
0x18: {  	[tilespmem:$0x4090] =	vst v23  }
0x19: {  	[tilespmem:$0x40A0] =	vst v24  }
0x1a: {  	[tilespmem:$0x40B0] =	vst v25  }
0x1b: {  	[tilespmem:$0x40C0] =	vst v26  }
0x1c: {  	[tilespmem:$0x40D0] =	vst v27  }
0x1d: {  	[tilespmem:$0x40E0] =	vst v28  }
0x1e: {  	[tilespmem:$0x40F0] =	vst v29  }
0x1f: {  	[tilespmem:s3], [sflag:$0x1] =	stream.linear.gather [hbm4b:s5+s3], $0x80, $0x38;
	[tilespmem:$0x1A180] =	vst v63  }
0x20: {  	_ =	swait.ge [sflag:s16], $0x80  }
0x21: {  	[sflag:s16] =	ssyncset.done $0x0  }
0x22: {  	[sflag:s16] =	ssyncadd.s32 $0xFFFFFF80  }
0x23: {  	[tilespmem:s17], [sflag:$0x1] =	stream.indirect.gather [hbm4b:s4+s17], $0x80, s3, s17, $0xb8;
	[tilespmem:$0x1A180] =	vst v63  }
0x24: {  	_ =	swait.ge [sflag:s16], $0x4000  }
0x25: {  	[sflag:s16] =	ssyncset.done $0x0  }
0x26: {  	[sflag:s16] =	ssyncadd.s32 $0xFFFFC000  }
0x27: {  	[spmem:s6] =	stream.linear.scatter [tilespmem:s17], [sflag:$0x1], $0x4000, $0x38;
	[tilespmem:$0x1A180] =	vst v63  }
0x28: {  	_ =	swait.ge [sflag:s16], $0x4000  }
0x29: {  	[sflag:s16] =	ssyncset.done $0x0  }
0x2a: {  	[sflag:s16] =	ssyncadd.s32 $0xFFFFC000  }
0x2b: {  	[tilespmem:s3], [sflag:$0x1] =	stream.linear.gather [hbm4b:s7+s3], $0x80, $0x38;
	[tilespmem:$0x1A180] =	vst v63  }
0x2c: {  	_ =	swait.ge [sflag:s16], $0x80  }
0x2d: {  	[sflag:s16] =	ssyncset.done $0x0  }
0x2e: {  	[sflag:s16] =	ssyncadd.s32 $0xFFFFFF80  }
0x2f: {  	[tilespmem:s17], [sflag:$0x1] =	stream.indirect.gather [hbm4b:s4+s17], $0x80, s3, s17, $0xb8;
	[tilespmem:$0x1A180] =	vst v63  }
0x30: {  	_ =	swait.ge [sflag:s16], $0x4000  }
0x31: {  	[sflag:s16] =	ssyncset.done $0x0  }
0x32: {  	[sflag:s16] =	ssyncadd.s32 $0xFFFFC000  }
0x33: {  	[tilespmem:$0x4080] =	vst v4  }
0x34: {  	[tilespmem:$0x4090] =	vst v1  }
0x35: {  	[tilespmem:$0x40A0] =	vst v2  }
0x36: {  	[tilespmem:$0x40B0] =	vst v3  }
0x37: {  	[tilespmem:$0x40C0] =	vst v5  }
0x38: {  	[tilespmem:$0x40D0] =	vst v6  }
0x39: {  	[tilespmem:$0x40E0] =	vst v7  }
0x3a: {  	[tilespmem:$0x40F0] =	vst v8  }
0x3b: {  	[spmem:s2] =	stream.indirect.scatter.add.f32 [tilespmem:s17], [sflag:$0x1], $0x80, s18, s17, $0xb8;
	[tilespmem:$0x1A180] =	vst v63  }
0x3c: {  	_ =	swait.ge [sflag:s16], $0x4000  }
0x3d: {  	[sflag:s16] =	ssyncset.done $0x0  }
0x3e: {  	[sflag:s16] =	ssyncadd.s32 $0xFFFFC000  }
0x3f: {  	[tilespmem:s3], [sflag:$0x1] =	stream.linear.gather [hbm4b:s8+s3], $0x80, $0x38;
	[tilespmem:$0x1A180] =	vst v63  }
0x40: {  	_ =	swait.ge [sflag:s16], $0x80  }
0x41: {  	[sflag:s16] =	ssyncset.done $0x0  }
0x42: {  	[sflag:s16] =	ssyncadd.s32 $0xFFFFFF80  }
0x43: {  	[tilespmem:s17], [sflag:$0x1] =	stream.indirect.gather [hbm4b:s4+s17], $0x80, s3, s17, $0xb8;
	[tilespmem:$0x1A180] =	vst v63  }
0x44: {  	_ =	swait.ge [sflag:s16], $0x4000  }
0x45: {  	[sflag:s16] =	ssyncset.done $0x0  }
0x46: {  	[sflag:s16] =	ssyncadd.s32 $0xFFFFC000  }
0x47: {  	[spmem:s9] =	stream.linear.scatter [tilespmem:s17], [sflag:$0x1], $0x4000, $0x38;
	[tilespmem:$0x1A180] =	vst v63  }
0x48: {  	_ =	swait.ge [sflag:s16], $0x4000  }
0x49: {  	[sflag:s16] =	ssyncset.done $0x0  }
0x4a: {  	[sflag:s16] =	ssyncadd.s32 $0xFFFFC000  }
0x4b: {  	[tilespmem:s3], [sflag:$0x1] =	stream.linear.gather [hbm4b:s10+s3], $0x80, $0x38;
	[tilespmem:$0x1A180] =	vst v63  }
0x4c: {  	_ =	swait.ge [sflag:s16], $0x80  }
0x4d: {  	[sflag:s16] =	ssyncset.done $0x0  }
0x4e: {  	[sflag:s16] =	ssyncadd.s32 $0xFFFFFF80  }
0x4f: {  	[tilespmem:s17], [sflag:$0x1] =	stream.indirect.gather [hbm4b:s4+s17], $0x80, s3, s17, $0xb8;
	[tilespmem:$0x1A180] =	vst v63  }
0x50: {  	_ =	swait.ge [sflag:s16], $0x4000  }
0x51: {  	[sflag:s16] =	ssyncset.done $0x0  }
0x52: {  	[sflag:s16] =	ssyncadd.s32 $0xFFFFC000  }
0x53: {  	[tilespmem:$0x4080] =	vst v9  }
0x54: {  	[tilespmem:$0x4090] =	vst v10  }
0x55: {  	[tilespmem:$0x40A0] =	vst v11  }
0x56: {  	[tilespmem:$0x40B0] =	vst v12  }
0x57: {  	[tilespmem:$0x40C0] =	vst v13  }
0x58: {  	[tilespmem:$0x40D0] =	vst v14  }
0x59: {  	[tilespmem:$0x40E0] =	vst v15  }
0x5a: {  	[tilespmem:$0x40F0] =	vst v16  }
0x5b: {  	[spmem:s2] =	stream.indirect.scatter.add.f32 [tilespmem:s17], [sflag:$0x1], $0x80, s18, s17, $0xb8;
	[tilespmem:$0x1A180] =	vst v63  }
0x5c: {  	_ =	swait.ge [sflag:s16], $0x4000  }
0x5d: {  	[sflag:s16] =	ssyncset.done $0x0  }
0x5e: {  	[sflag:s16] =	ssyncadd.s32 $0xFFFFC000  }
0x5f: {  	[tilespmem:s3], [sflag:$0x1] =	stream.linear.gather [hbm4b:s11+s3], $0x60, $0x38;
	[tilespmem:$0x1A180] =	vst v63  }
0x60: {  	_ =	swait.ge [sflag:s16], $0x60  }
0x61: {  	[sflag:s16] =	ssyncset.done $0x0  }
0x62: {  	[sflag:s16] =	ssyncadd.s32 $0xFFFFFFA0  }
0x63: {  	[tilespmem:s17], [sflag:$0x1] =	stream.indirect.gather [hbm4b:s4+s19], $0x80, s3, s19, $0xb8;
	[tilespmem:$0x1A180] =	vst v63  }
0x64: {  	_ =	swait.ge [sflag:s16], $0x3000  }
0x65: {  	[sflag:s16] =	ssyncset.done $0x0  }
0x66: {  	[sflag:s16] =	ssyncadd.s32 $0xFFFFD000  }
0x67: {  	[spmem:s12] =	stream.linear.scatter [tilespmem:s17], [sflag:$0x1], $0x3000, $0x38;
	[tilespmem:$0x1A180] =	vst v63  }
0x68: {  	_ =	swait.ge [sflag:s16], $0x3000  }
0x69: {  	[sflag:s16] =	ssyncset.done $0x0  }
0x6a: {  	[sflag:s16] =	ssyncadd.s32 $0xFFFFD000  }
0x6b: {  	[tilespmem:s3], [sflag:$0x1] =	stream.linear.gather [hbm4b:s13+s3], $0x60, $0x38;
	[tilespmem:$0x1A180] =	vst v63  }
0x6c: {  	_ =	swait.ge [sflag:s16], $0x60  }
0x6d: {  	[sflag:s16] =	ssyncset.done $0x0  }
0x6e: {  	[sflag:s16] =	ssyncadd.s32 $0xFFFFFFA0  }
0x6f: {  	[tilespmem:s17], [sflag:$0x1] =	stream.indirect.gather [hbm4b:s4+s19], $0x80, s3, s19, $0xb8;
	[tilespmem:$0x1A180] =	vst v63  }
0x70: {  	_ =	swait.ge [sflag:s16], $0x3000  }
0x71: {  	[sflag:s16] =	ssyncset.done $0x0  }
0x72: {  	[sflag:s16] =	ssyncadd.s32 $0xFFFFD000  }
0x73: {  	[tilespmem:$0x4100] =	vst v17  }
0x74: {  	[tilespmem:$0x4110] =	vst v18  }
0x75: {  	[tilespmem:$0x4120] =	vst v19  }
0x76: {  	[tilespmem:$0x4130] =	vst v20  }
0x77: {  	[tilespmem:$0x4140] =	vst v21  }
0x78: {  	[tilespmem:$0x4150] =	vst v22  }
0x79: {  	[spmem:s2] =	stream.indirect.scatter.add.f32 [tilespmem:s17], [sflag:$0x1], $0x80, s20, s19, $0xb8;
	[tilespmem:$0x1A180] =	vst v63  }
0x7a: {  	s21 =	sshll.u32 s0, $0x6;
	_ =	swait.ge [sflag:s16], $0x3000  }
0x7b: {  	s22 =	sshrl.u32 s6, $0x3;
	p0 =	sne.s32 s15, $0x1;
	[sflag:s16] =	ssyncset.done $0x0  }
.Ltmp0:
0x7c: {  	s21 =	sor.u32 $0x1C01, s21;
	[sflag:s16] =	ssyncadd.s32 $0xFFFFD000;
	(pc) =	sbr.rel @p0 .LBB2_1-.Ltmp0, $4  }
0x7d: {  	[hbm:s14], [sflag:s21] =	dma.local [spmem:s22], $0x1600  }
0x7e: {  	_ =	swait.ge [sflag:s16], $0x1600  }
0x7f: {  	[sflag:s16] =	ssyncset.done $0x0  }
0x80: {  	s15 =	sadd.s32 $0xFFFFFFFF, s15;
	[sflag:s16] =	ssyncadd.s32 $0xFFFFEA00  }
0x81: {  	_ =	sfence.sel $0x180000  }
0x82: {  	[bflag:$0x0] =	sbarrier.arrive $0xFFFF  }
0x83: {  	p0 =	sne.s32 s0, $0x0;
	_ =	strace $0x90000050  }
0x84: {  	s0 =	sadd.s32 @!p0 $0x100000, s1;
	[bflag:$0x2] =	sbarrier.arrive $0xFFFF  }
0x85: {  	[sflag:s0] =	ssyncadd.tile.s32 @!p0 $0x1;
	_ =	shalt  }
.Lfunc_end2:
_tile_overlayer_lowered:
.L_overlay_start_2:
0x86: {  	(tag) =	ssettag $0x2  }
0x87: {  	s0 =	rddreg [dreg:$0x0];
	s2 =	stileid.u32  }
0x88: {  	s1 =	rddreg [dreg:$0x1];
	p0 =	sne.s32 s2, $0x0  }
0x89: {  	s3 =	rddreg [dreg:$0x2];
	[bflag:$0x3] =	sbarrier.arrive $0xFFFF;
	s2 =	simm.s32 @!p0 $0x1C01  }
0x8a: {  	[timem:s3], [sflag:s2] =	dma.local @!p0 [hbm:s0], s1  }
0x8b: {  	s0 =	simm.s32 @!p0 $0x1  }
0x8c: {  	_ =	swait.ge @!p0 [sflag:s0], s1  }
0x8d: {  	s1 =	ssub.s32 @!p0 $0x0, s1;
	[sflag:s0] =	ssyncset.done @!p0 $0x0  }
0x8e: {  	[sflag:s0] =	ssyncadd.s32 @!p0 s1  }
0x8f: {  	[bflag:$0x3] =	sbarrier.arrive $0xFFFF  }
0x90: {  	_ =	shalt  }

// kernel: kernel.21.cloned.1.call-start
scs
__scs_entry_jumppad:
0x0: {  	(pc) =	sbr.rel $0x88, $3  }
0x1: {  	(tag) =	ssettag $0x0;
	lr =	simm.s32 $0x1  }
0x2: {  	[smem:$0x3F96] =	sst lr;
	_ =	strace $0xD0000000  }
0x3: {  	_ = 	snop  }
0x4: {  	_ = 	snop  }
0x5: {  	_ = 	snop  }
0x6: {  	_ = 	snop  }
0x7: {  	_ = 	snop  }
__scs_overlays_trampoline_lowered:
0x8: {  	[smem:$0x3FA5] =	sst s0  }
0x9: {  	[smem:$0x3FA6] =	sst s1  }
0xa: {  	[smem:$0x3FA7] =	sst s2  }
0xb: {  	[smem:$0x3FA8] =	sst s3  }
0xc: {  	[smem:$0x3FA9] =	sst s4  }
0xd: {  	[smem:$0x3FAA] =	sst s5  }
0xe: {  	[smem:$0x3FAB] =	sst s6  }
0xf: {  	[smem:$0x3FAC] =	sst s7  }
0x10: {  	[smem:$0x3FAD] =	sst s8  }
0x11: {  	[smem:$0x3FAE] =	sst s9;
	s0 =	simm.s32 @!p0 $0x0  }
0x12: {  	s1 =	sld [smem:$0x3F94];
	s0 =	simm.s32 @p0 $0x1  }
0x13: {  	[smem:$0x3FAF] =	sst s0;
	s0 =	simm.s32 @!p1 $0x0  }
0x14: {  	s2 =	sld [smem:$0x3F93];
	s0 =	simm.s32 @p1 $0x1  }
0x15: {  	[smem:$0x3FB0] =	sst s0;
	s0 =	simm.s32 @!p2 $0x0  }
0x16: {  	s3 =	sld [smem:$0x3FDB];
	s0 =	simm.s32 @p2 $0x1  }
0x17: {  	s4 =	simm.s32 $0x1BF5;
	[smem:$0x3FB2] =	sst s0  }
0x18: {  	s0 =	sld [smem:$0x3F95];
	_ =	swait.ge [sflag:s4], $0x0  }
0x19: {  	s7 =	sld [smem:$0x3F96]  }
0x1a: {  	s8 =	sadd.s32 $0xFFFFE003, lr  }
0x1b: {  	s9 =	sadd.s32 $0xFFFFFEF7, lr;
	s5 =	simm.s32 $0xFFFFFFFF;
	p2 =	slt.u32 s8, $0xFFFFF086  }
0x1c: {  	p1 =	slt.u32 s9, $0xF7A;
	s5 =	simm.s32 @!p2 $0x0  }
0x1d: {  	s5 =	simm.s32 @p1 $0x1;
	p0 =	seq.s32 s7, s2  }
0x1e: {  	s7 =	smul.u32 @!p0 $0xF7A, s2;
	p2 =	seq.s32 @!p0 s5, $0x0  }
0x1f: {  	s9 =	smul.u32 $0xF7A, s1;
	s8 =	simm.s32 @!p0 $0x1BF5;
	p2 =	por !p2, p0  }
0x20: {  	[sflag:s8] =	ssyncset.s32 @!p0 $0xFFFFF086;
	s6 =	sadd.s32 @!p0 s3, s7;
	s7 =	simm.s32 @!p0 $0x108  }
0x21: {  	s3 =	sadd.s32 s3, s9;
	s6 =	sadd.s32 @!p0 $0x88, s6;
	s7 =	simm.s32 @p2 $0x1082  }
0x22: {  	[simem:s7], [sflag:s8] =	dma.local @!p0 [hbm:s6], $0xF7A  }
0x23: {  	s9 =	sor.u32 $0xD0000000, s2;
	s6 =	simm.s32 $0x108;
	_ =	swait.ge @!p0 [sflag:s8], $0x0  }
0x24: {  	s3 =	sadd.s32 $0x88, s3;
	s6 =	simm.s32 @!p1 $0x1082;
	[sflag:s4] =	ssyncset.s32 $0xFFFFF086  }
0x25: {  	[simem:s6], [sflag:s4] =	dma.local [hbm:s3], $0xF7A  }
0x26: {  	[smem:$0x3F96] =	sst s1;
	(tag) =	ssettag s2;
	_ =	strace s9  }
0x27: {  	s1 =	sld [smem:$0x3FA6]  }
0x28: {  	s2 =	sld [smem:$0x3FA7]  }
0x29: {  	s4 =	sld [smem:$0x3FA9]  }
0x2a: {  	p0 =	seq.s32 s5, $0x0;
	s5 =	sld [smem:$0x3FAA]  }
0x2b: {  	s6 =	sld [smem:$0x3FAB]  }
0x2c: {  	s7 =	sld [smem:$0x3FAC]  }
0x2d: {  	s3 =	simm.s32 $0x108;
	s8 =	sld [smem:$0x3FAD]  }
0x2e: {  	s3 =	simm.s32 @!p0 $0x1082;
	s9 =	sld [smem:$0x3FAE]  }
0x2f: {  	lr =	sadd.s32 s0, s3;
	s0 =	sld [smem:$0x3FA5]  }
0x30: {  	s3 =	sld [smem:$0x3FA8]  }
0x31: {  	[smem:$0x3FB1] =	sst s10  }
0x32: {  	s10 =	sld [smem:$0x3FAF];
	_ =	sdelay $0x3  }
0x33: {  	p0 =	seq.s32 s10, $0x1;
	s10 =	sld [smem:$0x3FB1];
	_ =	sdelay $0x3  }
0x34: {  	[smem:$0x3FB1] =	sst s10  }
0x35: {  	s10 =	sld [smem:$0x3FB0];
	_ =	sdelay $0x3  }
0x36: {  	p1 =	seq.s32 s10, $0x1;
	s10 =	sld [smem:$0x3FB1];
	_ =	sdelay $0x3  }
0x37: {  	[smem:$0x3FB1] =	sst s10  }
0x38: {  	s10 =	sld [smem:$0x3FB2]  }
0x39: {  	_ = 	snop;
	(pc) =	sbr.ind lr, $3  }
0x3a: {  	_ = 	snop  }
0x3b: {  	_ = 	snop  }
0x3c: {  	p2 =	seq.s32 s10, $0x1;
	s10 =	sld [smem:$0x3FB1]  }
0x3d: {  	_ =	shalt  }
0x3e: {  	_ =	shalt  }
0x3f: {  	_ =	shalt  }
0x40: {  	_ =	shalt  }
0x41: {  	_ =	shalt  }
0x42: {  	_ =	shalt  }
0x43: {  	_ =	shalt  }
0x44: {  	_ =	shalt  }
0x45: {  	_ =	shalt  }
0x46: {  	_ =	shalt  }
0x47: {  	_ =	shalt  }
0x48: {  	_ =	shalt  }
0x49: {  	_ =	shalt  }
0x4a: {  	_ =	shalt  }
0x4b: {  	_ =	shalt  }
0x4c: {  	_ =	shalt  }
0x4d: {  	_ =	shalt  }
0x4e: {  	_ =	shalt  }
0x4f: {  	_ =	shalt  }
0x50: {  	_ =	shalt  }
0x51: {  	_ =	shalt  }
0x52: {  	_ =	shalt  }
0x53: {  	_ =	shalt  }
0x54: {  	_ =	shalt  }
0x55: {  	_ =	shalt  }
0x56: {  	_ =	shalt  }
0x57: {  	_ =	shalt  }
0x58: {  	_ =	shalt  }
0x59: {  	_ =	shalt  }
0x5a: {  	_ =	shalt  }
0x5b: {  	_ =	shalt  }
0x5c: {  	_ =	shalt  }
0x5d: {  	_ =	shalt  }
0x5e: {  	_ =	shalt  }
0x5f: {  	_ =	shalt  }
0x60: {  	_ =	shalt  }
0x61: {  	_ =	shalt  }
0x62: {  	_ =	shalt  }
0x63: {  	_ =	shalt  }
0x64: {  	_ =	shalt  }
0x65: {  	_ =	shalt  }
0x66: {  	_ =	shalt  }
0x67: {  	_ =	shalt  }
0x68: {  	_ =	shalt  }
0x69: {  	_ =	shalt  }
0x6a: {  	_ =	shalt  }
0x6b: {  	_ =	shalt  }
0x6c: {  	_ =	shalt  }
0x6d: {  	_ =	shalt  }
0x6e: {  	_ =	shalt  }
0x6f: {  	_ =	shalt  }
0x70: {  	_ =	shalt  }
0x71: {  	_ =	shalt  }
0x72: {  	_ =	shalt  }
0x73: {  	_ =	shalt  }
0x74: {  	_ =	shalt  }
0x75: {  	_ =	shalt  }
0x76: {  	_ =	shalt  }
0x77: {  	_ =	shalt  }
0x78: {  	_ =	shalt  }
0x79: {  	_ =	shalt  }
0x7a: {  	_ =	shalt  }
0x7b: {  	_ =	shalt  }
0x7c: {  	_ =	shalt  }
0x7d: {  	_ =	shalt  }
0x7e: {  	_ =	shalt  }
0x7f: {  	_ =	shalt  }
0x80: {  	_ =	shalt  }
0x81: {  	_ =	shalt  }
0x82: {  	_ =	shalt  }
0x83: {  	_ =	shalt  }
0x84: {  	_ =	shalt  }
0x85: {  	_ =	shalt  }
0x86: {  	_ =	shalt  }
0x87: {  	_ =	shalt  }
.Lfunc_end0:
.L_simem_size_0:
called_computation.4_lowered:
.L_overlay_start_0:
0x88: {  	s2 =	sld [smem:$0x3FD9]  }
0x89: {  	s3 =	sld [smem:$0x3FFE];
	_ =	sdelay $0x1  }
0x8a: {  	s1 =	srdreg.scid  }
0x8b: {  	s0 =	sand.u32 $0x1, s1  }
0x8c: {  	s17 =	sshll.u32 s0, $0xA;
	s2 =	sadd.s32 s3, s2  }
0x8d: {  	s2 =	sadd.s32 s2, s17  }
0x8e: {  	[smem:$0x3FBD] =	sst s2  }
0x8f: {  	_ = 	snop  }
0x90: {  	s2 =	sld [smem:$0x3FD0];
	(tm) =	ssettm $0x1  }
0x91: {  	s18 =	sld [smem:$0x3FFB];
	_ =	sdelay $0x3  }
0x92: {  	_ =	strace s18  }
0x93: {  	s3 =	sld [smem:$0x3FFC];
	_ =	sdelay $0x3  }
0x94: {  	_ =	strace s3  }
0x95: {  	s3 =	sld [smem:$0x3FFD];
	_ =	sdelay $0x3  }
0x96: {  	_ =	strace s3  }
0x97: {  	_ =	strace $0x8FFFFFFF  }
0x98: {  	s19 =	sld [smem:$0x3FDB];
	_ =	sdelay $0x1  }
0x99: {  	s4 =	simm.s32 $_scs_section_size  }
0x9a: {  	s5 =	simm.s32 $_size__tile_overlayer_lowered;
	s6 =	simm.s32 $_tile_overlayer_lowered  }
0x9b: {  	s22 =	simm.s32 $0x1BFF;
	s21 =	sshll.u32 s6, $0x1;
	s3 =	sadd.s32 s4, s19  }
0x9c: {  	s7 =	simm.s32 $0x0;
	s20 =	sshll.u32 s5, $0x1;
	s5 =	sadd.s32 s21, s3  }
0x9d: {  	[timem:s7], [sflag:s22] =	dma.local [hbm:s5], s20  }
0x9e: {  	_ =	swait.ge [sflag:s22], s20  }
0x9f: {  	s4 =	ssub.s32 $0x0, s20;
	[sflag:s22] =	ssyncset.done $0x0  }
0xa0: {  	[sflag:s22] =	ssyncadd.s32 s4;
	_ =	sdelay $0x1  }
0xa1: {  	s23 =	simm.s32 $0x1B8B  }
0xa2: {  	_ =	swait.ge [sflag:s23], $0x1  }
0xa3: {  	[sflag:s23] =	ssyncset.done $0x0  }
0xa4: {  	s25 =	simm.s32 $0x1B8E;
	s24 =	sld [smem:$0x3FFE];
	[sflag:s23] =	ssyncadd.s32 $0xFFFFFFFF  }
0xa5: {  	s26 =	simm.s32 $execute0_lowered;
	[smem:$0x3FD2] =	sst s25  }
0xa6: {  	s5 =	sshll.u32 s26, $0x1;
	_ =	strace $0x80000052;
	[dreg:$0x1] =	wrdreg $0xFFFFFFFF  }
0xa7: {  	s28 =	simm.s32 $_size_execute0_lowered;
	s3 =	sadd.s32 s3, s5;
	[dreg:$0x0] =	wrdreg $0x0  }
0xa8: {  	s5 =	sshll.u32 s28, $0x1;
	[dreg:$0x2] =	wrdreg s3  }
0xa9: {  	[dreg:$0x3] =	wrdreg s5  }
0xaa: {  	[dreg:$0x4] =	wrdreg $0xC0  }
0xab: {  	_ =	task [dreg:s7], $0x5FFFF  }
0xac: {  	[dreg:$0x1] =	wrdreg $0xFFFFFFFF  }
0xad: {  	[dreg:$0x0] =	wrdreg $0x60  }
0xae: {  	[dreg:$0x2] =	wrdreg s24  }
0xaf: {  	[dreg:$0x3] =	wrdreg s2  }
0xb0: {  	[dreg:$0x4] =	wrdreg $0x92000  }
0xb1: {  	[dreg:$0x5] =	wrdreg $0x9  }
0xb2: {  	_ =	task.clear_ibuf [dreg:s7], $0x6FFFF;
	_ =	strace $0x90000052  }
0xb3: {  	s29 =	simm.s32 $0x9;
	_ =	strace $0x80000054  }
0xb4: {  	_ =	swait.ge [sflag:s29], $0x1  }
0xb5: {  	[sflag:s29] =	ssyncadd.s32 $0xFFFFFFFF  }
0xb6: {  	_ =	strace $0x90000054  }
0xb7: {  	_ =	sfence  }
0xb8: {  	s30 =	sld [smem:$0x0];
	_ =	sdelay $0x2  }
0xb9: {  	s31 =	sshll.u32 s1, $0xD;
	s1 =	sshrl.u32 s1, $0x2  }
0xba: {  	s3 =	sand.u32 $0x4000, s31;
	s1 =	sadd.s32 s1, s30  }
0xbb: {  	s0 =	sor.u32 s3, s0;
	s1 =	sshll.u32 s1, $0x11  }
0xbc: {  	s0 =	sor.u32 s1, s0  }
0xbd: {  	s0 =	sadd.s32 $0x8F2B, s0  }
0xbe: {  	[sflag:s0] =	ssyncadd.remote.s32 $0x1  }
0xbf: {  	_ =	sfence.sel $0xFFFF  }
0xc0: {  	[dreg:$0x0] =	wrdreg $0xFFFFFFFF;
	(pc) =	sbr.abs _section_cstart, $3  }
0xc1: {  	[dreg:$0x1] =	wrdreg $0xFFFFFFFF  }
0xc2: {  	_ =	task.clear_ibuf [dreg:s7], $0x2FFFF;
	_ =	strace $0x9FFFFFFF  }
0xc3: {  	(tm) =	ssettm $0x7FFFFFFF  }
tec
execute0_lowered:
.L_overlay_start_1:
0x0: {  	(tag) =	ssettag $0x1  }
0x1: {  	s10 =	rddreg [dreg:$0x0]  }
0x2: {  	s1 =	rddreg [dreg:$0x1]  }
0x3: {  	s3 =	rddreg [dreg:$0x2]  }
0x4: {  	s0 =	rddreg [dreg:$0x3];
	s4 =	simm.s32 $0x0;
	s5 =	srdreg.scid  }
0x5: {  	s2 =	stileid.u32;
	s17 =	simm.s32 $0x2;
	s18 =	simm.s32 $0x80  }
0x6: {  	s19 =	simm.s32 $0x100;
	s20 =	simm.s32 $0x200;
	s23 =	simm.s32 $0x0  }
0x7: {  	[smem:$0x7FF] =	sst s4;
	s11 =	sand.u32 $0x1, s5;
	s26 =	sshll.u32 s2, $0x1  }
0x8: {  	s5 =	sadd.s32 $0x3EE00, s10;
	s6 =	sadd.s32 $0xE00, s10;
	s12 =	sor.u32 s11, s26  }
0x9: {  	s7 =	sadd.s32 $0xB000, s10;
	s8 =	sadd.s32 $0x6B000, s10;
	s13 =	smul.u32 $0x1600, s12  }
0xa: {  	s9 =	sadd.s32 $0x20000, s10;
	s11 =	ssub.s32 $0x2, s11;
	s14 =	smul.u32 $0x2C000, s12  }
0xb: {  	s15 =	sshll.u32 s2, $0x6;
	s21 =	smul.u32 $0x160, s12;
	s29 =	sshrl.u32 s11, $0x1  }
0xc: {  	_ =	strace $0x80000053;
	s15 =	sor.u32 $0x1C01, s15;
	s31 =	ssub.s32 s11, s29  }
0xd: {  	s28 =	sadd.s32 s13, s10;
	s30 =	sshrl.u32 s14, $0x2;
	s22 =	sadd.s32 $0x160, s21  }
0xe: {  	s12 =	smax.u32 s31, $0x1;
	s13 =	simm.s32 $0x8200;
	s14 =	simm.s32 $0x1  }
0xf: {  	v0 =	vmov s21;
	s21 =	simm.s32 $0x4200;
	s16 =	sadd.s32 s30, s3;
	s10 =	sadd.s32 $0x6B200, s28  }
0x10: {  	s11 =	sadd.s32 $0x97200, s28;
	v1 =	vmov s22;
	s22 =	simm.s32 $0x180;
	s16 =	sshrl.u32 s16, $0x3  }
.LBB2_1:
0x11: {  	[tilespmem:s13], [sflag:$0x1] =	stream.linear.gather [hbm4b:s9+s4], $0x1000, $0x38;
	[tilespmem:$0x1F200] =	vst v63  }
0x12: {  	_ =	swait.ge [sflag:s14], $0x1000  }
0x13: {  	[sflag:s14] =	ssyncset.done $0x0  }
0x14: {  	[sflag:s14] =	ssyncadd.s32 $0xFFFFF000  }
0x15: {  	[spmem:s16], [sflag:s15] =	dma.local [hbm:s10], $0x1600  }
0x16: {  	_ =	swait.ge [sflag:s14], $0x1600  }
0x17: {  	[sflag:s14] =	ssyncset.done $0x0  }
0x18: {  	[sflag:s14] =	ssyncadd.s32 $0xFFFFEA00  }
0x19: {  	s24 =	simm.s32 $0x0;
	[bflag:$0x0] =	sbarrier.arrive $0xFFFF  }
.LBB2_2:
0x1a: {  	s25 =	sshll.u32 s24, $0x4  }
0x1b: {  	s28 =	simm.s32 $0x0;
	s26 =	sadd.s32 s1, s25  }
0x1c: {  	[tilespmem:s28], [sflag:$0x2] =	stream.linear.gather [hbm4b:s26+s28], $0x80, $0x38;
	[tilespmem:$0x1F200] =	vst v63  }
0x1d: {  	_ =	swait.ge [sflag:s17], $0x80  }
0x1e: {  	[sflag:s17] =	ssyncset.done $0x0  }
0x1f: {  	s31 =	sadd.s32 s6, s25;
	[sflag:s17] =	ssyncadd.s32 $0xFFFFFF80  }
0x20: {  	[tilespmem:s18], [sflag:$0x2] =	stream.linear.gather [hbm4b:s31+s28], $0x80, $0x38;
	[tilespmem:$0x1F200] =	vst v63  }
0x21: {  	_ =	swait.ge [sflag:s17], $0x80  }
0x22: {  	[sflag:s17] =	ssyncset.done $0x0  }
0x23: {  	s25 =	sadd.s32 s7, s25;
	[sflag:s17] =	ssyncadd.s32 $0xFFFFFF80  }
0x24: {  	[tilespmem:s19], [sflag:$0x2] =	stream.linear.gather [hbm4b:s25+s28], $0x80, $0x38;
	[tilespmem:$0x1F200] =	vst v63  }
0x25: {  	_ =	swait.ge [sflag:s17], $0x80  }
0x26: {  	[sflag:s17] =	ssyncset.done $0x0  }
0x27: {  	[sflag:s17] =	ssyncadd.s32 $0xFFFFFF80  }
0x28: {  	[tilespmem:s20], [sflag:$0x2] =	stream.indirect.gather [hbm4b:s5+s18], $0x80, s28, s18, $0xb8;
	[tilespmem:$0x1F200] =	vst v63  }
0x29: {  	_ =	swait.ge [sflag:s17], $0x4000  }
0x2a: {  	[sflag:s17] =	ssyncset.done $0x0  }
0x2b: {  	[sflag:s17] =	ssyncadd.s32 $0xFFFFC000  }
0x2c: {  	[tilespmem:s21], [sflag:$0x2] =	stream.indirect.gather [hbm4b:s8+s18], $0x80, s19, s18, $0xb8;
	[tilespmem:$0x1F200] =	vst v63  }
0x2d: {  	_ =	swait.ge [sflag:s17], $0x4000  }
0x2e: {  	[sflag:s17] =	ssyncset.done $0x0  }
0x2f: {  	s25 =	simm.s32 $0x0;
	[sflag:s17] =	ssyncadd.s32 $0xFFFFC000  }
0x30: {  	v9 =	vld [tilespmem:s25+$0x4200]  }
0x31: {  	v13 =	vld [tilespmem:s25+$0x4210]  }
0x32: {  	v7 =	vld [tilespmem:s25+$0x4220]  }
0x33: {  	v6 =	vld [tilespmem:s25+$0x4230]  }
0x34: {  	v5 =	vld [tilespmem:s25+$0x4240]  }
0x35: {  	v4 =	vld [tilespmem:s25+$0x4250]  }
0x36: {  	v3 =	vld [tilespmem:s25+$0x4260]  }
0x37: {  	v2 =	vld [tilespmem:s25+$0x4270]  }
0x38: {  	v14 =	vld [tilespmem:s25+$0x200]  }
0x39: {  	v15 =	vld [tilespmem:s25+$0x210]  }
0x3a: {  	v12 =	vld [tilespmem:s25+$0x220]  }
0x3b: {  	v11 =	vld [tilespmem:s25+$0x230]  }
0x3c: {  	v10 =	vld [tilespmem:s25+$0x240]  }
0x3d: {  	v8 =	vld [tilespmem:s25+$0x250];
	v14 =	vadd.f32 v9, v14  }
0x3e: {  	s26 =	simm.s32 $0x200;
	v13 =	vadd.f32 v13, v15;
	v9 =	vld [tilespmem:s25+$0x260]  }
.LBB2_3:
0x3f: {  	s28 =	sshra.s32 s26, $0x2;
	p0 =	sne.s32 s26, $0xFE00;
	[tilespmem:s25+$0x200] =	vst v14;
	v7 =	vadd.f32 v7, v12;
	v12 =	vld [tilespmem:s25+$0x270]  }
0x40: {  	v14 =	vld [tilespmem:s28+$0x4200];
	[tilespmem:s25+$0x210] =	vst v13;
	v6 =	vadd.f32 v6, v11  }
0x41: {  	v13 =	vld [tilespmem:s28+$0x4210];
	[tilespmem:s25+$0x220] =	vst v7;
	v5 =	vadd.f32 v5, v10  }
0x42: {  	v7 =	vld [tilespmem:s28+$0x4220];
	[tilespmem:s25+$0x230] =	vst v6;
	v4 =	vadd.f32 v4, v8  }
0x43: {  	v6 =	vld [tilespmem:s28+$0x4230];
	[tilespmem:s25+$0x240] =	vst v5;
	v3 =	vadd.f32 v3, v9  }
0x44: {  	v5 =	vld [tilespmem:s28+$0x4240];
	[tilespmem:s25+$0x250] =	vst v4;
	v2 =	vadd.f32 v2, v12  }
0x45: {  	v4 =	vld [tilespmem:s28+$0x4250];
	[tilespmem:s25+$0x260] =	vst v3  }
0x46: {  	v3 =	vld [tilespmem:s28+$0x4260];
	[tilespmem:s25+$0x270] =	vst v2;
	s25 =	smov.u32 s28  }
0x47: {  	v2 =	vld [tilespmem:s25+$0x4270]  }
0x48: {  	v8 =	vld [tilespmem:s25+$0x200]  }
0x49: {  	v9 =	vld [tilespmem:s25+$0x210]  }
.Ltmp0:
0x4a: {  	v12 =	vld [tilespmem:s25+$0x220];
	(pc) =	sbr.rel @p0 .LBB2_3-.Ltmp0, $4  }
0x4b: {  	v11 =	vld [tilespmem:s25+$0x230]  }
0x4c: {  	v10 =	vld [tilespmem:s25+$0x240]  }
0x4d: {  	v14 =	vadd.f32 v14, v8;
	v8 =	vld [tilespmem:s25+$0x250]  }
0x4e: {  	s26 =	sadd.s32 $0x200, s26;
	v13 =	vadd.f32 v13, v9;
	v9 =	vld [tilespmem:s25+$0x260]  }
0x4f: {  	[tilespmem:s25+$0x200] =	vst v14;
	v7 =	vadd.f32 v7, v12;
	v61 =	vld [tilespmem:s25+$0x270]  }
0x50: {  	[tilespmem:s25+$0x210] =	vst v13;
	v6 =	vadd.f32 v6, v11  }
0x51: {  	[tilespmem:s25+$0x220] =	vst v7;
	v5 =	vadd.f32 v5, v10  }
0x52: {  	[tilespmem:s25+$0x230] =	vst v6;
	v4 =	vadd.f32 v4, v8  }
0x53: {  	[tilespmem:s25+$0x240] =	vst v5;
	v3 =	vadd.f32 v3, v9  }
0x54: {  	[tilespmem:s25+$0x250] =	vst v4;
	v2 =	vadd.f32 v2, v61  }
0x55: {  	[tilespmem:s25+$0x260] =	vst v3  }
0x56: {  	[tilespmem:s25+$0x270] =	vst v2  }
0x57: {  	v2 =	vld [tilespmem:$0x80]  }
0x58: {  	v3 =	vld [tilespmem:$0x90]  }
0x59: {  	v4 =	vld [tilespmem:$0xA0]  }
0x5a: {  	v5 =	vld [tilespmem:$0xB0]  }
0x5b: {  	v6 =	vld [tilespmem:$0xC0]  }
0x5c: {  	v7 =	vld [tilespmem:$0xD0]  }
0x5d: {  	vm0 =	vge.s32 v2, v0;
	vm1 =	vlt.s32 v2, v1  }
0x5e: {  	v62 =	vld [tilespmem:$0xE0];
	vm13 =	vge.s32 v3, v0;
	vm2 =	vlt.s32 v3, v1;
	vm14 =	vge.s32 v4, v0  }
0x5f: {  	vm3 =	vlt.s32 v4, v1;
	vm4 =	vge.s32 v5, v0;
	vm5 =	vlt.s32 v5, v1  }
0x60: {  	v63 =	vld [tilespmem:$0xF0];
	vm6 =	vge.s32 v6, v0;
	vm7 =	vlt.s32 v6, v1;
	vm0 =	vmand vm0, vm1  }
0x61: {  	vm8 =	vge.s32 v7, v0;
	vm1 =	vmand vm13, vm2;
	v2 =	vnsel vm0, $0x2BFF, v2  }
0x62: {  	vm9 =	vlt.s32 v7, v1;
	vm15 =	vmand vm14, vm3;
	v3 =	vnsel vm1, $0x2BFF, v3;
	[tilespmem:$0x180] =	vst v2  }
0x63: {  	vm11 =	vge.s32 v62, v0;
	v4 =	vnsel vm15, $0x2BFF, v4;
	vm0 =	vmand vm4, vm5;
	[tilespmem:$0x190] =	vst v3  }
0x64: {  	vm12 =	vlt.s32 v62, v1;
	vm1 =	vmand vm6, vm7;
	v2 =	vnsel vm0, $0x2BFF, v5;
	[tilespmem:$0x1A0] =	vst v4  }
0x65: {  	vm10 =	vmand vm8, vm9;
	vm13 =	vge.s32 v63, v0;
	v3 =	vnsel vm1, $0x2BFF, v6;
	[tilespmem:$0x1B0] =	vst v2  }
0x66: {  	vm14 =	vlt.s32 v63, v1;
	vm0 =	vmand vm11, vm12;
	v2 =	vnsel vm10, $0x2BFF, v7;
	[tilespmem:$0x1C0] =	vst v3  }
0x67: {  	s24 =	sadd.s32 $0x1, s24;
	vm15 =	vmand vm13, vm14;
	v3 =	vnsel vm0, $0x2BFF, v62;
	[tilespmem:$0x1D0] =	vst v2  }
0x68: {  	p0 =	sne.s32 s24, $0xA13;
	[tilespmem:$0x1E0] =	vst v3;
	v2 =	vnsel vm15, $0x2BFF, v63  }
.Ltmp1:
0x69: {  	[tilespmem:$0x1F0] =	vst v2;
	(pc) =	sbr.rel @p0 .LBB2_2-.Ltmp1, $4  }
0x6a: {  	[spmem:s3] =	stream.indirect.scatter.add.f32 [tilespmem:s20], [sflag:$0x1], $0x80, s22, s18, $0xb8;
	[tilespmem:$0x1F200] =	vst v63  }
0x6b: {  	_ =	swait.ge [sflag:s14], $0x4000  }
0x6c: {  	[sflag:s14] =	ssyncset.done $0x0  }
0x6d: {  	[sflag:s14] =	ssyncadd.s32 $0xFFFFC000  }
0x6e: {  	s23 =	sadd.s32 $0x1, s23  }
0x6f: {  	p0 =	sne.s32 s23, s12  }
.Ltmp2:
0x70: {  	[bflag:$0x0] =	sbarrier.arrive $0xFFFF;
	(pc) =	sbr.rel @p0 .LBB2_1-.Ltmp2, $4  }
0x71: {  	[hbm:s11], [sflag:s15] =	dma.local [spmem:s16], $0x1600  }
0x72: {  	_ =	swait.ge [sflag:s14], $0x1600  }
0x73: {  	[sflag:s14] =	ssyncset.done $0x0  }
0x74: {  	[sflag:s14] =	ssyncadd.s32 $0xFFFFEA00  }
0x75: {  	_ =	sfence.sel $0x180000  }
0x76: {  	[bflag:$0x0] =	sbarrier.arrive $0xFFFF  }
0x77: {  	p0 =	sne.s32 s2, $0x0;
	_ =	strace $0x90000053  }
0x78: {  	s0 =	sadd.s32 @!p0 $0x100000, s0;
	[bflag:$0x2] =	sbarrier.arrive $0xFFFF  }
0x79: {  	[sflag:s0] =	ssyncadd.tile.s32 @!p0 $0x1;
	_ =	shalt  }
.Lfunc_end2:
_tile_overlayer_lowered:
.L_overlay_start_2:
0x7a: {  	(tag) =	ssettag $0x2  }
0x7b: {  	s0 =	rddreg [dreg:$0x0];
	s2 =	stileid.u32  }
0x7c: {  	s1 =	rddreg [dreg:$0x1];
	p0 =	sne.s32 s2, $0x0  }
0x7d: {  	s3 =	rddreg [dreg:$0x2];
	[bflag:$0x3] =	sbarrier.arrive $0xFFFF;
	s2 =	simm.s32 @!p0 $0x1C01  }
0x7e: {  	[timem:s3], [sflag:s2] =	dma.local @!p0 [hbm:s0], s1  }
0x7f: {  	s0 =	simm.s32 @!p0 $0x1  }
0x80: {  	_ =	swait.ge @!p0 [sflag:s0], s1  }
0x81: {  	s1 =	ssub.s32 @!p0 $0x0, s1;
	[sflag:s0] =	ssyncset.done @!p0 $0x0  }
0x82: {  	[sflag:s0] =	ssyncadd.s32 @!p0 s1  }
0x83: {  	[bflag:$0x3] =	sbarrier.arrive $0xFFFF  }
0x84: {  	_ =	shalt  }

// kernel: kernel.24.cloned.1.call-start
scs
__scs_entry_jumppad:
0x0: {  	(pc) =	sbr.rel $0x88, $3  }
0x1: {  	(tag) =	ssettag $0x0;
	lr =	simm.s32 $0x1  }
0x2: {  	[smem:$0x3F96] =	sst lr;
	_ =	strace $0xD0000000  }
0x3: {  	_ = 	snop  }
0x4: {  	_ = 	snop  }
0x5: {  	_ = 	snop  }
0x6: {  	_ = 	snop  }
0x7: {  	_ = 	snop  }
__scs_overlays_trampoline_lowered:
0x8: {  	[smem:$0x3FA5] =	sst s0  }
0x9: {  	[smem:$0x3FA6] =	sst s1  }
0xa: {  	[smem:$0x3FA7] =	sst s2  }
0xb: {  	[smem:$0x3FA8] =	sst s3  }
0xc: {  	[smem:$0x3FA9] =	sst s4  }
0xd: {  	[smem:$0x3FAA] =	sst s5  }
0xe: {  	[smem:$0x3FAB] =	sst s6  }
0xf: {  	[smem:$0x3FAC] =	sst s7  }
0x10: {  	[smem:$0x3FAD] =	sst s8  }
0x11: {  	[smem:$0x3FAE] =	sst s9;
	s0 =	simm.s32 @!p0 $0x0  }
0x12: {  	s1 =	sld [smem:$0x3F94];
	s0 =	simm.s32 @p0 $0x1  }
0x13: {  	[smem:$0x3FAF] =	sst s0;
	s0 =	simm.s32 @!p1 $0x0  }
0x14: {  	s2 =	sld [smem:$0x3F93];
	s0 =	simm.s32 @p1 $0x1  }
0x15: {  	[smem:$0x3FB0] =	sst s0;
	s0 =	simm.s32 @!p2 $0x0  }
0x16: {  	s3 =	sld [smem:$0x3FDB];
	s0 =	simm.s32 @p2 $0x1  }
0x17: {  	s4 =	simm.s32 $0x1BF5;
	[smem:$0x3FB2] =	sst s0  }
0x18: {  	s0 =	sld [smem:$0x3F95];
	_ =	swait.ge [sflag:s4], $0x0  }
0x19: {  	s7 =	sld [smem:$0x3F96]  }
0x1a: {  	s8 =	sadd.s32 $0xFFFFE003, lr  }
0x1b: {  	s9 =	sadd.s32 $0xFFFFFEF7, lr;
	s5 =	simm.s32 $0xFFFFFFFF;
	p2 =	slt.u32 s8, $0xFFFFF086  }
0x1c: {  	p1 =	slt.u32 s9, $0xF7A;
	s5 =	simm.s32 @!p2 $0x0  }
0x1d: {  	s5 =	simm.s32 @p1 $0x1;
	p0 =	seq.s32 s7, s2  }
0x1e: {  	s7 =	smul.u32 @!p0 $0xF7A, s2;
	p2 =	seq.s32 @!p0 s5, $0x0  }
0x1f: {  	s9 =	smul.u32 $0xF7A, s1;
	s8 =	simm.s32 @!p0 $0x1BF5;
	p2 =	por !p2, p0  }
0x20: {  	[sflag:s8] =	ssyncset.s32 @!p0 $0xFFFFF086;
	s6 =	sadd.s32 @!p0 s3, s7;
	s7 =	simm.s32 @!p0 $0x108  }
0x21: {  	s3 =	sadd.s32 s3, s9;
	s6 =	sadd.s32 @!p0 $0x88, s6;
	s7 =	simm.s32 @p2 $0x1082  }
0x22: {  	[simem:s7], [sflag:s8] =	dma.local @!p0 [hbm:s6], $0xF7A  }
0x23: {  	s9 =	sor.u32 $0xD0000000, s2;
	s6 =	simm.s32 $0x108;
	_ =	swait.ge @!p0 [sflag:s8], $0x0  }
0x24: {  	s3 =	sadd.s32 $0x88, s3;
	s6 =	simm.s32 @!p1 $0x1082;
	[sflag:s4] =	ssyncset.s32 $0xFFFFF086  }
0x25: {  	[simem:s6], [sflag:s4] =	dma.local [hbm:s3], $0xF7A  }
0x26: {  	[smem:$0x3F96] =	sst s1;
	(tag) =	ssettag s2;
	_ =	strace s9  }
0x27: {  	s1 =	sld [smem:$0x3FA6]  }
0x28: {  	s2 =	sld [smem:$0x3FA7]  }
0x29: {  	s4 =	sld [smem:$0x3FA9]  }
0x2a: {  	p0 =	seq.s32 s5, $0x0;
	s5 =	sld [smem:$0x3FAA]  }
0x2b: {  	s6 =	sld [smem:$0x3FAB]  }
0x2c: {  	s7 =	sld [smem:$0x3FAC]  }
0x2d: {  	s3 =	simm.s32 $0x108;
	s8 =	sld [smem:$0x3FAD]  }
0x2e: {  	s3 =	simm.s32 @!p0 $0x1082;
	s9 =	sld [smem:$0x3FAE]  }
0x2f: {  	lr =	sadd.s32 s0, s3;
	s0 =	sld [smem:$0x3FA5]  }
0x30: {  	s3 =	sld [smem:$0x3FA8]  }
0x31: {  	[smem:$0x3FB1] =	sst s10  }
0x32: {  	s10 =	sld [smem:$0x3FAF];
	_ =	sdelay $0x3  }
0x33: {  	p0 =	seq.s32 s10, $0x1;
	s10 =	sld [smem:$0x3FB1];
	_ =	sdelay $0x3  }
0x34: {  	[smem:$0x3FB1] =	sst s10  }
0x35: {  	s10 =	sld [smem:$0x3FB0];
	_ =	sdelay $0x3  }
0x36: {  	p1 =	seq.s32 s10, $0x1;
	s10 =	sld [smem:$0x3FB1];
	_ =	sdelay $0x3  }
0x37: {  	[smem:$0x3FB1] =	sst s10  }
0x38: {  	s10 =	sld [smem:$0x3FB2]  }
0x39: {  	_ = 	snop;
	(pc) =	sbr.ind lr, $3  }
0x3a: {  	_ = 	snop  }
0x3b: {  	_ = 	snop  }
0x3c: {  	p2 =	seq.s32 s10, $0x1;
	s10 =	sld [smem:$0x3FB1]  }
0x3d: {  	_ =	shalt  }
0x3e: {  	_ =	shalt  }
0x3f: {  	_ =	shalt  }
0x40: {  	_ =	shalt  }
0x41: {  	_ =	shalt  }
0x42: {  	_ =	shalt  }
0x43: {  	_ =	shalt  }
0x44: {  	_ =	shalt  }
0x45: {  	_ =	shalt  }
0x46: {  	_ =	shalt  }
0x47: {  	_ =	shalt  }
0x48: {  	_ =	shalt  }
0x49: {  	_ =	shalt  }
0x4a: {  	_ =	shalt  }
0x4b: {  	_ =	shalt  }
0x4c: {  	_ =	shalt  }
0x4d: {  	_ =	shalt  }
0x4e: {  	_ =	shalt  }
0x4f: {  	_ =	shalt  }
0x50: {  	_ =	shalt  }
0x51: {  	_ =	shalt  }
0x52: {  	_ =	shalt  }
0x53: {  	_ =	shalt  }
0x54: {  	_ =	shalt  }
0x55: {  	_ =	shalt  }
0x56: {  	_ =	shalt  }
0x57: {  	_ =	shalt  }
0x58: {  	_ =	shalt  }
0x59: {  	_ =	shalt  }
0x5a: {  	_ =	shalt  }
0x5b: {  	_ =	shalt  }
0x5c: {  	_ =	shalt  }
0x5d: {  	_ =	shalt  }
0x5e: {  	_ =	shalt  }
0x5f: {  	_ =	shalt  }
0x60: {  	_ =	shalt  }
0x61: {  	_ =	shalt  }
0x62: {  	_ =	shalt  }
0x63: {  	_ =	shalt  }
0x64: {  	_ =	shalt  }
0x65: {  	_ =	shalt  }
0x66: {  	_ =	shalt  }
0x67: {  	_ =	shalt  }
0x68: {  	_ =	shalt  }
0x69: {  	_ =	shalt  }
0x6a: {  	_ =	shalt  }
0x6b: {  	_ =	shalt  }
0x6c: {  	_ =	shalt  }
0x6d: {  	_ =	shalt  }
0x6e: {  	_ =	shalt  }
0x6f: {  	_ =	shalt  }
0x70: {  	_ =	shalt  }
0x71: {  	_ =	shalt  }
0x72: {  	_ =	shalt  }
0x73: {  	_ =	shalt  }
0x74: {  	_ =	shalt  }
0x75: {  	_ =	shalt  }
0x76: {  	_ =	shalt  }
0x77: {  	_ =	shalt  }
0x78: {  	_ =	shalt  }
0x79: {  	_ =	shalt  }
0x7a: {  	_ =	shalt  }
0x7b: {  	_ =	shalt  }
0x7c: {  	_ =	shalt  }
0x7d: {  	_ =	shalt  }
0x7e: {  	_ =	shalt  }
0x7f: {  	_ =	shalt  }
0x80: {  	_ =	shalt  }
0x81: {  	_ =	shalt  }
0x82: {  	_ =	shalt  }
0x83: {  	_ =	shalt  }
0x84: {  	_ =	shalt  }
0x85: {  	_ =	shalt  }
0x86: {  	_ =	shalt  }
0x87: {  	_ =	shalt  }
.Lfunc_end0:
.L_simem_size_0:
called_computation.5_lowered:
.L_overlay_start_0:
0x88: {  	s2 =	sld [smem:$0x3FD9]  }
0x89: {  	s3 =	sld [smem:$0x3FFE];
	_ =	sdelay $0x1  }
0x8a: {  	s1 =	srdreg.scid  }
0x8b: {  	s0 =	sand.u32 $0x1, s1  }
0x8c: {  	s17 =	sshll.u32 s0, $0xA;
	s2 =	sadd.s32 s3, s2  }
0x8d: {  	s2 =	sadd.s32 s2, s17  }
0x8e: {  	[smem:$0x3FBD] =	sst s2  }
0x8f: {  	_ = 	snop  }
0x90: {  	s2 =	sld [smem:$0x3FD0];
	(tm) =	ssettm $0x1  }
0x91: {  	s18 =	sld [smem:$0x3FFB];
	_ =	sdelay $0x3  }
0x92: {  	_ =	strace s18  }
0x93: {  	s3 =	sld [smem:$0x3FFC];
	_ =	sdelay $0x3  }
0x94: {  	_ =	strace s3  }
0x95: {  	s3 =	sld [smem:$0x3FFD];
	_ =	sdelay $0x3  }
0x96: {  	_ =	strace s3  }
0x97: {  	_ =	strace $0x8FFFFFFF  }
0x98: {  	s19 =	sld [smem:$0x3FDB];
	_ =	sdelay $0x1  }
0x99: {  	s4 =	simm.s32 $_scs_section_size  }
0x9a: {  	s5 =	simm.s32 $_size__tile_overlayer_lowered;
	s6 =	simm.s32 $_tile_overlayer_lowered  }
0x9b: {  	s22 =	simm.s32 $0x1BFF;
	s21 =	sshll.u32 s6, $0x1;
	s3 =	sadd.s32 s4, s19  }
0x9c: {  	s7 =	simm.s32 $0x0;
	s20 =	sshll.u32 s5, $0x1;
	s5 =	sadd.s32 s21, s3  }
0x9d: {  	[timem:s7], [sflag:s22] =	dma.local [hbm:s5], s20  }
0x9e: {  	_ =	swait.ge [sflag:s22], s20  }
0x9f: {  	s4 =	ssub.s32 $0x0, s20;
	[sflag:s22] =	ssyncset.done $0x0  }
0xa0: {  	[sflag:s22] =	ssyncadd.s32 s4;
	_ =	sdelay $0x1  }
0xa1: {  	s23 =	simm.s32 $0x1B8B  }
0xa2: {  	_ =	swait.ge [sflag:s23], $0x1  }
0xa3: {  	[sflag:s23] =	ssyncset.done $0x0  }
0xa4: {  	s25 =	simm.s32 $0x1B8E;
	s24 =	sld [smem:$0x3FFE];
	[sflag:s23] =	ssyncadd.s32 $0xFFFFFFFF  }
0xa5: {  	s26 =	simm.s32 $execute0_lowered;
	[smem:$0x3FD2] =	sst s25  }
0xa6: {  	s5 =	sshll.u32 s26, $0x1;
	_ =	strace $0x80000055;
	[dreg:$0x1] =	wrdreg $0xFFFFFFFF  }
0xa7: {  	s28 =	simm.s32 $_size_execute0_lowered;
	s3 =	sadd.s32 s3, s5;
	[dreg:$0x0] =	wrdreg $0x0  }
0xa8: {  	s5 =	sshll.u32 s28, $0x1;
	[dreg:$0x2] =	wrdreg s3  }
0xa9: {  	[dreg:$0x3] =	wrdreg s5  }
0xaa: {  	[dreg:$0x4] =	wrdreg $0xC0  }
0xab: {  	_ =	task [dreg:s7], $0x5FFFF  }
0xac: {  	[dreg:$0x1] =	wrdreg $0xFFFFFFFF  }
0xad: {  	[dreg:$0x0] =	wrdreg $0x60  }
0xae: {  	[dreg:$0x2] =	wrdreg s24  }
0xaf: {  	[dreg:$0x3] =	wrdreg s2  }
0xb0: {  	[dreg:$0x4] =	wrdreg $0x92000  }
0xb1: {  	[dreg:$0x5] =	wrdreg $0x9  }
0xb2: {  	_ =	task.clear_ibuf [dreg:s7], $0x6FFFF;
	_ =	strace $0x90000055  }
0xb3: {  	s29 =	simm.s32 $0x9;
	_ =	strace $0x80000057  }
0xb4: {  	_ =	swait.ge [sflag:s29], $0x1  }
0xb5: {  	[sflag:s29] =	ssyncadd.s32 $0xFFFFFFFF  }
0xb6: {  	_ =	strace $0x90000057  }
0xb7: {  	_ =	sfence  }
0xb8: {  	s30 =	sld [smem:$0x0];
	_ =	sdelay $0x2  }
0xb9: {  	s31 =	sshll.u32 s1, $0xD;
	s1 =	sshrl.u32 s1, $0x2  }
0xba: {  	s3 =	sand.u32 $0x4000, s31;
	s1 =	sadd.s32 s1, s30  }
0xbb: {  	s0 =	sor.u32 s3, s0;
	s1 =	sshll.u32 s1, $0x11  }
0xbc: {  	s0 =	sor.u32 s1, s0  }
0xbd: {  	s0 =	sadd.s32 $0x8F2B, s0  }
0xbe: {  	[sflag:s0] =	ssyncadd.remote.s32 $0x1  }
0xbf: {  	_ =	sfence.sel $0xFFFF  }
0xc0: {  	[dreg:$0x0] =	wrdreg $0xFFFFFFFF;
	(pc) =	sbr.abs _section_cstart, $3  }
0xc1: {  	[dreg:$0x1] =	wrdreg $0xFFFFFFFF  }
0xc2: {  	_ =	task.clear_ibuf [dreg:s7], $0x2FFFF;
	_ =	strace $0x9FFFFFFF  }
0xc3: {  	(tm) =	ssettm $0x7FFFFFFF  }
tec
execute0_lowered:
.L_overlay_start_1:
0x0: {  	(tag) =	ssettag $0x1  }
0x1: {  	s10 =	rddreg [dreg:$0x0]  }
0x2: {  	s1 =	rddreg [dreg:$0x1]  }
0x3: {  	s3 =	rddreg [dreg:$0x2]  }
0x4: {  	s0 =	rddreg [dreg:$0x3];
	s4 =	simm.s32 $0x0;
	s5 =	srdreg.scid  }
0x5: {  	s2 =	stileid.u32;
	s17 =	simm.s32 $0x2;
	s18 =	simm.s32 $0x80  }
0x6: {  	s19 =	simm.s32 $0x100;
	s20 =	simm.s32 $0x200;
	s23 =	simm.s32 $0x0  }
0x7: {  	[smem:$0x7FF] =	sst s4;
	s11 =	sand.u32 $0x1, s5;
	s26 =	sshll.u32 s2, $0x1  }
0x8: {  	s5 =	sadd.s32 $0x20200, s10;
	s6 =	sadd.s32 $0xE00, s10;
	s12 =	sor.u32 s11, s26  }
0x9: {  	s7 =	sadd.s32 $0xB000, s10;
	s8 =	sadd.s32 $0x15200, s10;
	s13 =	smul.u32 $0x1600, s12  }
0xa: {  	s9 =	sadd.s32 $0x20000, s10;
	s11 =	ssub.s32 $0x2, s11;
	s14 =	smul.u32 $0x2C000, s12  }
0xb: {  	s15 =	sshll.u32 s2, $0x6;
	s21 =	smul.u32 $0x160, s12;
	s29 =	sshrl.u32 s11, $0x1  }
0xc: {  	_ =	strace $0x80000056;
	s15 =	sor.u32 $0x1C01, s15;
	s31 =	ssub.s32 s11, s29  }
0xd: {  	s28 =	sadd.s32 s13, s10;
	s30 =	sshrl.u32 s14, $0x2;
	s22 =	sadd.s32 $0x160, s21  }
0xe: {  	s12 =	smax.u32 s31, $0x1;
	s13 =	simm.s32 $0x8200;
	s14 =	simm.s32 $0x1  }
0xf: {  	v0 =	vmov s21;
	s21 =	simm.s32 $0x4200;
	s16 =	sadd.s32 s30, s3;
	s10 =	sadd.s32 $0x6B200, s28  }
0x10: {  	s11 =	sadd.s32 $0x97200, s28;
	v1 =	vmov s22;
	s22 =	simm.s32 $0x180;
	s16 =	sshrl.u32 s16, $0x3  }
.LBB2_1:
0x11: {  	[tilespmem:s13], [sflag:$0x1] =	stream.linear.gather [hbm4b:s9+s4], $0x1000, $0x38;
	[tilespmem:$0x1F200] =	vst v63  }
0x12: {  	_ =	swait.ge [sflag:s14], $0x1000  }
0x13: {  	[sflag:s14] =	ssyncset.done $0x0  }
0x14: {  	[sflag:s14] =	ssyncadd.s32 $0xFFFFF000  }
0x15: {  	[spmem:s16], [sflag:s15] =	dma.local [hbm:s10], $0x1600  }
0x16: {  	_ =	swait.ge [sflag:s14], $0x1600  }
0x17: {  	[sflag:s14] =	ssyncset.done $0x0  }
0x18: {  	[sflag:s14] =	ssyncadd.s32 $0xFFFFEA00  }
0x19: {  	s24 =	simm.s32 $0x0;
	[bflag:$0x0] =	sbarrier.arrive $0xFFFF  }
.LBB2_2:
0x1a: {  	s25 =	sshll.u32 s24, $0x4  }
0x1b: {  	s28 =	simm.s32 $0x0;
	s26 =	sadd.s32 s1, s25  }
0x1c: {  	[tilespmem:s28], [sflag:$0x2] =	stream.linear.gather [hbm4b:s26+s28], $0x80, $0x38;
	[tilespmem:$0x1F200] =	vst v63  }
0x1d: {  	_ =	swait.ge [sflag:s17], $0x80  }
0x1e: {  	[sflag:s17] =	ssyncset.done $0x0  }
0x1f: {  	s31 =	sadd.s32 s6, s25;
	[sflag:s17] =	ssyncadd.s32 $0xFFFFFF80  }
0x20: {  	[tilespmem:s18], [sflag:$0x2] =	stream.linear.gather [hbm4b:s31+s28], $0x80, $0x38;
	[tilespmem:$0x1F200] =	vst v63  }
0x21: {  	_ =	swait.ge [sflag:s17], $0x80  }
0x22: {  	[sflag:s17] =	ssyncset.done $0x0  }
0x23: {  	s25 =	sadd.s32 s7, s25;
	[sflag:s17] =	ssyncadd.s32 $0xFFFFFF80  }
0x24: {  	[tilespmem:s19], [sflag:$0x2] =	stream.linear.gather [hbm4b:s25+s28], $0x80, $0x38;
	[tilespmem:$0x1F200] =	vst v63  }
0x25: {  	_ =	swait.ge [sflag:s17], $0x80  }
0x26: {  	[sflag:s17] =	ssyncset.done $0x0  }
0x27: {  	[sflag:s17] =	ssyncadd.s32 $0xFFFFFF80  }
0x28: {  	[tilespmem:s20], [sflag:$0x2] =	stream.indirect.gather [hbm4b:s5+s18], $0x80, s28, s18, $0xb8;
	[tilespmem:$0x1F200] =	vst v63  }
0x29: {  	_ =	swait.ge [sflag:s17], $0x4000  }
0x2a: {  	[sflag:s17] =	ssyncset.done $0x0  }
0x2b: {  	[sflag:s17] =	ssyncadd.s32 $0xFFFFC000  }
0x2c: {  	[tilespmem:s21], [sflag:$0x2] =	stream.indirect.gather [hbm4b:s8+s18], $0x80, s19, s18, $0xb8;
	[tilespmem:$0x1F200] =	vst v63  }
0x2d: {  	_ =	swait.ge [sflag:s17], $0x4000  }
0x2e: {  	[sflag:s17] =	ssyncset.done $0x0  }
0x2f: {  	s25 =	simm.s32 $0x0;
	[sflag:s17] =	ssyncadd.s32 $0xFFFFC000  }
0x30: {  	v9 =	vld [tilespmem:s25+$0x4200]  }
0x31: {  	v13 =	vld [tilespmem:s25+$0x4210]  }
0x32: {  	v7 =	vld [tilespmem:s25+$0x4220]  }
0x33: {  	v6 =	vld [tilespmem:s25+$0x4230]  }
0x34: {  	v5 =	vld [tilespmem:s25+$0x4240]  }
0x35: {  	v4 =	vld [tilespmem:s25+$0x4250]  }
0x36: {  	v3 =	vld [tilespmem:s25+$0x4260]  }
0x37: {  	v2 =	vld [tilespmem:s25+$0x4270]  }
0x38: {  	v14 =	vld [tilespmem:s25+$0x200]  }
0x39: {  	v15 =	vld [tilespmem:s25+$0x210]  }
0x3a: {  	v12 =	vld [tilespmem:s25+$0x220]  }
0x3b: {  	v11 =	vld [tilespmem:s25+$0x230]  }
0x3c: {  	v10 =	vld [tilespmem:s25+$0x240]  }
0x3d: {  	v8 =	vld [tilespmem:s25+$0x250];
	v14 =	vadd.f32 v9, v14  }
0x3e: {  	s26 =	simm.s32 $0x200;
	v13 =	vadd.f32 v13, v15;
	v9 =	vld [tilespmem:s25+$0x260]  }
.LBB2_3:
0x3f: {  	s28 =	sshra.s32 s26, $0x2;
	p0 =	sne.s32 s26, $0xFE00;
	[tilespmem:s25+$0x200] =	vst v14;
	v7 =	vadd.f32 v7, v12;
	v12 =	vld [tilespmem:s25+$0x270]  }
0x40: {  	v14 =	vld [tilespmem:s28+$0x4200];
	[tilespmem:s25+$0x210] =	vst v13;
	v6 =	vadd.f32 v6, v11  }
0x41: {  	v13 =	vld [tilespmem:s28+$0x4210];
	[tilespmem:s25+$0x220] =	vst v7;
	v5 =	vadd.f32 v5, v10  }
0x42: {  	v7 =	vld [tilespmem:s28+$0x4220];
	[tilespmem:s25+$0x230] =	vst v6;
	v4 =	vadd.f32 v4, v8  }
0x43: {  	v6 =	vld [tilespmem:s28+$0x4230];
	[tilespmem:s25+$0x240] =	vst v5;
	v3 =	vadd.f32 v3, v9  }
0x44: {  	v5 =	vld [tilespmem:s28+$0x4240];
	[tilespmem:s25+$0x250] =	vst v4;
	v2 =	vadd.f32 v2, v12  }
0x45: {  	v4 =	vld [tilespmem:s28+$0x4250];
	[tilespmem:s25+$0x260] =	vst v3  }
0x46: {  	v3 =	vld [tilespmem:s28+$0x4260];
	[tilespmem:s25+$0x270] =	vst v2;
	s25 =	smov.u32 s28  }
0x47: {  	v2 =	vld [tilespmem:s25+$0x4270]  }
0x48: {  	v8 =	vld [tilespmem:s25+$0x200]  }
0x49: {  	v9 =	vld [tilespmem:s25+$0x210]  }
.Ltmp0:
0x4a: {  	v12 =	vld [tilespmem:s25+$0x220];
	(pc) =	sbr.rel @p0 .LBB2_3-.Ltmp0, $4  }
0x4b: {  	v11 =	vld [tilespmem:s25+$0x230]  }
0x4c: {  	v10 =	vld [tilespmem:s25+$0x240]  }
0x4d: {  	v14 =	vadd.f32 v14, v8;
	v8 =	vld [tilespmem:s25+$0x250]  }
0x4e: {  	s26 =	sadd.s32 $0x200, s26;
	v13 =	vadd.f32 v13, v9;
	v9 =	vld [tilespmem:s25+$0x260]  }
0x4f: {  	[tilespmem:s25+$0x200] =	vst v14;
	v7 =	vadd.f32 v7, v12;
	v61 =	vld [tilespmem:s25+$0x270]  }
0x50: {  	[tilespmem:s25+$0x210] =	vst v13;
	v6 =	vadd.f32 v6, v11  }
0x51: {  	[tilespmem:s25+$0x220] =	vst v7;
	v5 =	vadd.f32 v5, v10  }
0x52: {  	[tilespmem:s25+$0x230] =	vst v6;
	v4 =	vadd.f32 v4, v8  }
0x53: {  	[tilespmem:s25+$0x240] =	vst v5;
	v3 =	vadd.f32 v3, v9  }
0x54: {  	[tilespmem:s25+$0x250] =	vst v4;
	v2 =	vadd.f32 v2, v61  }
0x55: {  	[tilespmem:s25+$0x260] =	vst v3  }
0x56: {  	[tilespmem:s25+$0x270] =	vst v2  }
0x57: {  	v2 =	vld [tilespmem:$0x80]  }
0x58: {  	v3 =	vld [tilespmem:$0x90]  }
0x59: {  	v4 =	vld [tilespmem:$0xA0]  }
0x5a: {  	v5 =	vld [tilespmem:$0xB0]  }
0x5b: {  	v6 =	vld [tilespmem:$0xC0]  }
0x5c: {  	v7 =	vld [tilespmem:$0xD0]  }
0x5d: {  	vm0 =	vge.s32 v2, v0;
	vm1 =	vlt.s32 v2, v1  }
0x5e: {  	v62 =	vld [tilespmem:$0xE0];
	vm13 =	vge.s32 v3, v0;
	vm2 =	vlt.s32 v3, v1;
	vm14 =	vge.s32 v4, v0  }
0x5f: {  	vm3 =	vlt.s32 v4, v1;
	vm4 =	vge.s32 v5, v0;
	vm5 =	vlt.s32 v5, v1  }
0x60: {  	v63 =	vld [tilespmem:$0xF0];
	vm6 =	vge.s32 v6, v0;
	vm7 =	vlt.s32 v6, v1;
	vm0 =	vmand vm0, vm1  }
0x61: {  	vm8 =	vge.s32 v7, v0;
	vm1 =	vmand vm13, vm2;
	v2 =	vnsel vm0, $0x2BFF, v2  }
0x62: {  	vm9 =	vlt.s32 v7, v1;
	vm15 =	vmand vm14, vm3;
	v3 =	vnsel vm1, $0x2BFF, v3;
	[tilespmem:$0x180] =	vst v2  }
0x63: {  	vm11 =	vge.s32 v62, v0;
	v4 =	vnsel vm15, $0x2BFF, v4;
	vm0 =	vmand vm4, vm5;
	[tilespmem:$0x190] =	vst v3  }
0x64: {  	vm12 =	vlt.s32 v62, v1;
	vm1 =	vmand vm6, vm7;
	v2 =	vnsel vm0, $0x2BFF, v5;
	[tilespmem:$0x1A0] =	vst v4  }
0x65: {  	vm10 =	vmand vm8, vm9;
	vm13 =	vge.s32 v63, v0;
	v3 =	vnsel vm1, $0x2BFF, v6;
	[tilespmem:$0x1B0] =	vst v2  }
0x66: {  	vm14 =	vlt.s32 v63, v1;
	vm0 =	vmand vm11, vm12;
	v2 =	vnsel vm10, $0x2BFF, v7;
	[tilespmem:$0x1C0] =	vst v3  }
0x67: {  	s24 =	sadd.s32 $0x1, s24;
	vm15 =	vmand vm13, vm14;
	v3 =	vnsel vm0, $0x2BFF, v62;
	[tilespmem:$0x1D0] =	vst v2  }
0x68: {  	p0 =	sne.s32 s24, $0xA13;
	[tilespmem:$0x1E0] =	vst v3;
	v2 =	vnsel vm15, $0x2BFF, v63  }
.Ltmp1:
0x69: {  	[tilespmem:$0x1F0] =	vst v2;
	(pc) =	sbr.rel @p0 .LBB2_2-.Ltmp1, $4  }
0x6a: {  	[spmem:s3] =	stream.indirect.scatter.add.f32 [tilespmem:s20], [sflag:$0x1], $0x80, s22, s18, $0xb8;
	[tilespmem:$0x1F200] =	vst v63  }
0x6b: {  	_ =	swait.ge [sflag:s14], $0x4000  }
0x6c: {  	[sflag:s14] =	ssyncset.done $0x0  }
0x6d: {  	[sflag:s14] =	ssyncadd.s32 $0xFFFFC000  }
0x6e: {  	s23 =	sadd.s32 $0x1, s23  }
0x6f: {  	p0 =	sne.s32 s23, s12  }
.Ltmp2:
0x70: {  	[bflag:$0x0] =	sbarrier.arrive $0xFFFF;
	(pc) =	sbr.rel @p0 .LBB2_1-.Ltmp2, $4  }
0x71: {  	[hbm:s11], [sflag:s15] =	dma.local [spmem:s16], $0x1600  }
0x72: {  	_ =	swait.ge [sflag:s14], $0x1600  }
0x73: {  	[sflag:s14] =	ssyncset.done $0x0  }
0x74: {  	[sflag:s14] =	ssyncadd.s32 $0xFFFFEA00  }
0x75: {  	_ =	sfence.sel $0x180000  }
0x76: {  	[bflag:$0x0] =	sbarrier.arrive $0xFFFF  }
0x77: {  	p0 =	sne.s32 s2, $0x0;
	_ =	strace $0x90000056  }
0x78: {  	s0 =	sadd.s32 @!p0 $0x100000, s0;
	[bflag:$0x2] =	sbarrier.arrive $0xFFFF  }
0x79: {  	[sflag:s0] =	ssyncadd.tile.s32 @!p0 $0x1;
	_ =	shalt  }
.Lfunc_end2:
_tile_overlayer_lowered:
.L_overlay_start_2:
0x7a: {  	(tag) =	ssettag $0x2  }
0x7b: {  	s0 =	rddreg [dreg:$0x0];
	s2 =	stileid.u32  }
0x7c: {  	s1 =	rddreg [dreg:$0x1];
	p0 =	sne.s32 s2, $0x0  }
0x7d: {  	s3 =	rddreg [dreg:$0x2];
	[bflag:$0x3] =	sbarrier.arrive $0xFFFF;
	s2 =	simm.s32 @!p0 $0x1C01  }
0x7e: {  	[timem:s3], [sflag:s2] =	dma.local @!p0 [hbm:s0], s1  }
0x7f: {  	s0 =	simm.s32 @!p0 $0x1  }
0x80: {  	_ =	swait.ge @!p0 [sflag:s0], s1  }
0x81: {  	s1 =	ssub.s32 @!p0 $0x0, s1;
	[sflag:s0] =	ssyncset.done @!p0 $0x0  }
0x82: {  	[sflag:s0] =	ssyncadd.s32 @!p0 s1  }
0x83: {  	[bflag:$0x3] =	sbarrier.arrive $0xFFFF  }
0x84: {  	_ =	shalt  }

// kernel: kernel.27.cloned.1.call-start
scs
__scs_entry_jumppad:
0x0: {  	(pc) =	sbr.rel $0x88, $3  }
0x1: {  	(tag) =	ssettag $0x0;
	lr =	simm.s32 $0x1  }
0x2: {  	[smem:$0x3F96] =	sst lr;
	_ =	strace $0xD0000000  }
0x3: {  	_ = 	snop  }
0x4: {  	_ = 	snop  }
0x5: {  	_ = 	snop  }
0x6: {  	_ = 	snop  }
0x7: {  	_ = 	snop  }
__scs_overlays_trampoline_lowered:
0x8: {  	[smem:$0x3FA5] =	sst s0  }
0x9: {  	[smem:$0x3FA6] =	sst s1  }
0xa: {  	[smem:$0x3FA7] =	sst s2  }
0xb: {  	[smem:$0x3FA8] =	sst s3  }
0xc: {  	[smem:$0x3FA9] =	sst s4  }
0xd: {  	[smem:$0x3FAA] =	sst s5  }
0xe: {  	[smem:$0x3FAB] =	sst s6  }
0xf: {  	[smem:$0x3FAC] =	sst s7  }
0x10: {  	[smem:$0x3FAD] =	sst s8  }
0x11: {  	[smem:$0x3FAE] =	sst s9;
	s0 =	simm.s32 @!p0 $0x0  }
0x12: {  	s1 =	sld [smem:$0x3F94];
	s0 =	simm.s32 @p0 $0x1  }
0x13: {  	[smem:$0x3FAF] =	sst s0;
	s0 =	simm.s32 @!p1 $0x0  }
0x14: {  	s2 =	sld [smem:$0x3F93];
	s0 =	simm.s32 @p1 $0x1  }
0x15: {  	[smem:$0x3FB0] =	sst s0;
	s0 =	simm.s32 @!p2 $0x0  }
0x16: {  	s3 =	sld [smem:$0x3FDB];
	s0 =	simm.s32 @p2 $0x1  }
0x17: {  	s4 =	simm.s32 $0x1BF5;
	[smem:$0x3FB2] =	sst s0  }
0x18: {  	s0 =	sld [smem:$0x3F95];
	_ =	swait.ge [sflag:s4], $0x0  }
0x19: {  	s7 =	sld [smem:$0x3F96]  }
0x1a: {  	s8 =	sadd.s32 $0xFFFFE003, lr  }
0x1b: {  	s9 =	sadd.s32 $0xFFFFFEF7, lr;
	s5 =	simm.s32 $0xFFFFFFFF;
	p2 =	slt.u32 s8, $0xFFFFF086  }
0x1c: {  	p1 =	slt.u32 s9, $0xF7A;
	s5 =	simm.s32 @!p2 $0x0  }
0x1d: {  	s5 =	simm.s32 @p1 $0x1;
	p0 =	seq.s32 s7, s2  }
0x1e: {  	s7 =	smul.u32 @!p0 $0xF7A, s2;
	p2 =	seq.s32 @!p0 s5, $0x0  }
0x1f: {  	s9 =	smul.u32 $0xF7A, s1;
	s8 =	simm.s32 @!p0 $0x1BF5;
	p2 =	por !p2, p0  }
0x20: {  	[sflag:s8] =	ssyncset.s32 @!p0 $0xFFFFF086;
	s6 =	sadd.s32 @!p0 s3, s7;
	s7 =	simm.s32 @!p0 $0x108  }
0x21: {  	s3 =	sadd.s32 s3, s9;
	s6 =	sadd.s32 @!p0 $0x88, s6;
	s7 =	simm.s32 @p2 $0x1082  }
0x22: {  	[simem:s7], [sflag:s8] =	dma.local @!p0 [hbm:s6], $0xF7A  }
0x23: {  	s9 =	sor.u32 $0xD0000000, s2;
	s6 =	simm.s32 $0x108;
	_ =	swait.ge @!p0 [sflag:s8], $0x0  }
0x24: {  	s3 =	sadd.s32 $0x88, s3;
	s6 =	simm.s32 @!p1 $0x1082;
	[sflag:s4] =	ssyncset.s32 $0xFFFFF086  }
0x25: {  	[simem:s6], [sflag:s4] =	dma.local [hbm:s3], $0xF7A  }
0x26: {  	[smem:$0x3F96] =	sst s1;
	(tag) =	ssettag s2;
	_ =	strace s9  }
0x27: {  	s1 =	sld [smem:$0x3FA6]  }
0x28: {  	s2 =	sld [smem:$0x3FA7]  }
0x29: {  	s4 =	sld [smem:$0x3FA9]  }
0x2a: {  	p0 =	seq.s32 s5, $0x0;
	s5 =	sld [smem:$0x3FAA]  }
0x2b: {  	s6 =	sld [smem:$0x3FAB]  }
0x2c: {  	s7 =	sld [smem:$0x3FAC]  }
0x2d: {  	s3 =	simm.s32 $0x108;
	s8 =	sld [smem:$0x3FAD]  }
0x2e: {  	s3 =	simm.s32 @!p0 $0x1082;
	s9 =	sld [smem:$0x3FAE]  }
0x2f: {  	lr =	sadd.s32 s0, s3;
	s0 =	sld [smem:$0x3FA5]  }
0x30: {  	s3 =	sld [smem:$0x3FA8]  }
0x31: {  	[smem:$0x3FB1] =	sst s10  }
0x32: {  	s10 =	sld [smem:$0x3FAF];
	_ =	sdelay $0x3  }
0x33: {  	p0 =	seq.s32 s10, $0x1;
	s10 =	sld [smem:$0x3FB1];
	_ =	sdelay $0x3  }
0x34: {  	[smem:$0x3FB1] =	sst s10  }
0x35: {  	s10 =	sld [smem:$0x3FB0];
	_ =	sdelay $0x3  }
0x36: {  	p1 =	seq.s32 s10, $0x1;
	s10 =	sld [smem:$0x3FB1];
	_ =	sdelay $0x3  }
0x37: {  	[smem:$0x3FB1] =	sst s10  }
0x38: {  	s10 =	sld [smem:$0x3FB2]  }
0x39: {  	_ = 	snop;
	(pc) =	sbr.ind lr, $3  }
0x3a: {  	_ = 	snop  }
0x3b: {  	_ = 	snop  }
0x3c: {  	p2 =	seq.s32 s10, $0x1;
	s10 =	sld [smem:$0x3FB1]  }
0x3d: {  	_ =	shalt  }
0x3e: {  	_ =	shalt  }
0x3f: {  	_ =	shalt  }
0x40: {  	_ =	shalt  }
0x41: {  	_ =	shalt  }
0x42: {  	_ =	shalt  }
0x43: {  	_ =	shalt  }
0x44: {  	_ =	shalt  }
0x45: {  	_ =	shalt  }
0x46: {  	_ =	shalt  }
0x47: {  	_ =	shalt  }
0x48: {  	_ =	shalt  }
0x49: {  	_ =	shalt  }
0x4a: {  	_ =	shalt  }
0x4b: {  	_ =	shalt  }
0x4c: {  	_ =	shalt  }
0x4d: {  	_ =	shalt  }
0x4e: {  	_ =	shalt  }
0x4f: {  	_ =	shalt  }
0x50: {  	_ =	shalt  }
0x51: {  	_ =	shalt  }
0x52: {  	_ =	shalt  }
0x53: {  	_ =	shalt  }
0x54: {  	_ =	shalt  }
0x55: {  	_ =	shalt  }
0x56: {  	_ =	shalt  }
0x57: {  	_ =	shalt  }
0x58: {  	_ =	shalt  }
0x59: {  	_ =	shalt  }
0x5a: {  	_ =	shalt  }
0x5b: {  	_ =	shalt  }
0x5c: {  	_ =	shalt  }
0x5d: {  	_ =	shalt  }
0x5e: {  	_ =	shalt  }
0x5f: {  	_ =	shalt  }
0x60: {  	_ =	shalt  }
0x61: {  	_ =	shalt  }
0x62: {  	_ =	shalt  }
0x63: {  	_ =	shalt  }
0x64: {  	_ =	shalt  }
0x65: {  	_ =	shalt  }
0x66: {  	_ =	shalt  }
0x67: {  	_ =	shalt  }
0x68: {  	_ =	shalt  }
0x69: {  	_ =	shalt  }
0x6a: {  	_ =	shalt  }
0x6b: {  	_ =	shalt  }
0x6c: {  	_ =	shalt  }
0x6d: {  	_ =	shalt  }
0x6e: {  	_ =	shalt  }
0x6f: {  	_ =	shalt  }
0x70: {  	_ =	shalt  }
0x71: {  	_ =	shalt  }
0x72: {  	_ =	shalt  }
0x73: {  	_ =	shalt  }
0x74: {  	_ =	shalt  }
0x75: {  	_ =	shalt  }
0x76: {  	_ =	shalt  }
0x77: {  	_ =	shalt  }
0x78: {  	_ =	shalt  }
0x79: {  	_ =	shalt  }
0x7a: {  	_ =	shalt  }
0x7b: {  	_ =	shalt  }
0x7c: {  	_ =	shalt  }
0x7d: {  	_ =	shalt  }
0x7e: {  	_ =	shalt  }
0x7f: {  	_ =	shalt  }
0x80: {  	_ =	shalt  }
0x81: {  	_ =	shalt  }
0x82: {  	_ =	shalt  }
0x83: {  	_ =	shalt  }
0x84: {  	_ =	shalt  }
0x85: {  	_ =	shalt  }
0x86: {  	_ =	shalt  }
0x87: {  	_ =	shalt  }
.Lfunc_end0:
.L_simem_size_0:
called_computation.6_lowered:
.L_overlay_start_0:
0x88: {  	s2 =	sld [smem:$0x3FD9]  }
0x89: {  	s3 =	sld [smem:$0x3FFE];
	_ =	sdelay $0x1  }
0x8a: {  	s1 =	srdreg.scid  }
0x8b: {  	s0 =	sand.u32 $0x1, s1  }
0x8c: {  	s17 =	sshll.u32 s0, $0xA;
	s2 =	sadd.s32 s3, s2  }
0x8d: {  	s2 =	sadd.s32 s2, s17  }
0x8e: {  	[smem:$0x3FBD] =	sst s2  }
0x8f: {  	_ = 	snop  }
0x90: {  	s2 =	sld [smem:$0x3FD0];
	(tm) =	ssettm $0x1  }
0x91: {  	s18 =	sld [smem:$0x3FFB];
	_ =	sdelay $0x3  }
0x92: {  	_ =	strace s18  }
0x93: {  	s3 =	sld [smem:$0x3FFC];
	_ =	sdelay $0x3  }
0x94: {  	_ =	strace s3  }
0x95: {  	s3 =	sld [smem:$0x3FFD];
	_ =	sdelay $0x3  }
0x96: {  	_ =	strace s3  }
0x97: {  	_ =	strace $0x8FFFFFFF  }
0x98: {  	s19 =	sld [smem:$0x3FDB];
	_ =	sdelay $0x1  }
0x99: {  	s4 =	simm.s32 $_scs_section_size  }
0x9a: {  	s5 =	simm.s32 $_size__tile_overlayer_lowered;
	s6 =	simm.s32 $_tile_overlayer_lowered  }
0x9b: {  	s22 =	simm.s32 $0x1BFF;
	s21 =	sshll.u32 s6, $0x1;
	s3 =	sadd.s32 s4, s19  }
0x9c: {  	s7 =	simm.s32 $0x0;
	s20 =	sshll.u32 s5, $0x1;
	s5 =	sadd.s32 s21, s3  }
0x9d: {  	[timem:s7], [sflag:s22] =	dma.local [hbm:s5], s20  }
0x9e: {  	_ =	swait.ge [sflag:s22], s20  }
0x9f: {  	s4 =	ssub.s32 $0x0, s20;
	[sflag:s22] =	ssyncset.done $0x0  }
0xa0: {  	[sflag:s22] =	ssyncadd.s32 s4;
	_ =	sdelay $0x1  }
0xa1: {  	s23 =	simm.s32 $0x1B8B  }
0xa2: {  	_ =	swait.ge [sflag:s23], $0x1  }
0xa3: {  	[sflag:s23] =	ssyncset.done $0x0  }
0xa4: {  	s25 =	simm.s32 $0x1B8E;
	s24 =	sld [smem:$0x3FFE];
	[sflag:s23] =	ssyncadd.s32 $0xFFFFFFFF  }
0xa5: {  	s26 =	simm.s32 $execute0_lowered;
	[smem:$0x3FD2] =	sst s25  }
0xa6: {  	s5 =	sshll.u32 s26, $0x1;
	_ =	strace $0x80000058;
	[dreg:$0x1] =	wrdreg $0xFFFFFFFF  }
0xa7: {  	s28 =	simm.s32 $_size_execute0_lowered;
	s3 =	sadd.s32 s3, s5;
	[dreg:$0x0] =	wrdreg $0x0  }
0xa8: {  	s5 =	sshll.u32 s28, $0x1;
	[dreg:$0x2] =	wrdreg s3  }
0xa9: {  	[dreg:$0x3] =	wrdreg s5  }
0xaa: {  	[dreg:$0x4] =	wrdreg $0xC0  }
0xab: {  	_ =	task [dreg:s7], $0x5FFFF  }
0xac: {  	[dreg:$0x1] =	wrdreg $0xFFFFFFFF  }
0xad: {  	[dreg:$0x0] =	wrdreg $0x60  }
0xae: {  	[dreg:$0x2] =	wrdreg s24  }
0xaf: {  	[dreg:$0x3] =	wrdreg s2  }
0xb0: {  	[dreg:$0x4] =	wrdreg $0x92000  }
0xb1: {  	[dreg:$0x5] =	wrdreg $0x9  }
0xb2: {  	_ =	task.clear_ibuf [dreg:s7], $0x6FFFF;
	_ =	strace $0x90000058  }
0xb3: {  	s29 =	simm.s32 $0x9;
	_ =	strace $0x8000005A  }
0xb4: {  	_ =	swait.ge [sflag:s29], $0x1  }
0xb5: {  	[sflag:s29] =	ssyncadd.s32 $0xFFFFFFFF  }
0xb6: {  	_ =	strace $0x9000005A  }
0xb7: {  	_ =	sfence  }
0xb8: {  	s30 =	sld [smem:$0x0];
	_ =	sdelay $0x2  }
0xb9: {  	s31 =	sshll.u32 s1, $0xD;
	s1 =	sshrl.u32 s1, $0x2  }
0xba: {  	s3 =	sand.u32 $0x4000, s31;
	s1 =	sadd.s32 s1, s30  }
0xbb: {  	s0 =	sor.u32 s3, s0;
	s1 =	sshll.u32 s1, $0x11  }
0xbc: {  	s0 =	sor.u32 s1, s0  }
0xbd: {  	s0 =	sadd.s32 $0x8F2B, s0  }
0xbe: {  	[sflag:s0] =	ssyncadd.remote.s32 $0x1  }
0xbf: {  	_ =	sfence.sel $0xFFFF  }
0xc0: {  	[dreg:$0x0] =	wrdreg $0xFFFFFFFF;
	(pc) =	sbr.abs _section_cstart, $3  }
0xc1: {  	[dreg:$0x1] =	wrdreg $0xFFFFFFFF  }
0xc2: {  	_ =	task.clear_ibuf [dreg:s7], $0x2FFFF;
	_ =	strace $0x9FFFFFFF  }
0xc3: {  	(tm) =	ssettm $0x7FFFFFFF  }
tec
execute0_lowered:
.L_overlay_start_1:
0x0: {  	(tag) =	ssettag $0x1  }
0x1: {  	s10 =	rddreg [dreg:$0x0]  }
0x2: {  	s1 =	rddreg [dreg:$0x1]  }
0x3: {  	s3 =	rddreg [dreg:$0x2]  }
0x4: {  	s0 =	rddreg [dreg:$0x3];
	s4 =	simm.s32 $0x0;
	s5 =	srdreg.scid  }
0x5: {  	s2 =	stileid.u32;
	s17 =	simm.s32 $0x2;
	s18 =	simm.s32 $0x80  }
0x6: {  	s19 =	simm.s32 $0x100;
	s20 =	simm.s32 $0x200;
	s23 =	simm.s32 $0x0  }
0x7: {  	[smem:$0x7FF] =	sst s4;
	s11 =	sand.u32 $0x1, s5;
	s26 =	sshll.u32 s2, $0x1  }
0x8: {  	s5 =	sadd.s32 $0x20200, s10;
	s6 =	sadd.s32 $0xE00, s10;
	s12 =	sor.u32 s11, s26  }
0x9: {  	s7 =	sadd.s32 $0xB000, s10;
	s8 =	sadd.s32 $0x15400, s10;
	s13 =	smul.u32 $0x1600, s12  }
0xa: {  	s9 =	sadd.s32 $0x20000, s10;
	s11 =	ssub.s32 $0x2, s11;
	s14 =	smul.u32 $0x2C000, s12  }
0xb: {  	s15 =	sshll.u32 s2, $0x6;
	s21 =	smul.u32 $0x160, s12;
	s29 =	sshrl.u32 s11, $0x1  }
0xc: {  	_ =	strace $0x80000059;
	s15 =	sor.u32 $0x1C01, s15;
	s31 =	ssub.s32 s11, s29  }
0xd: {  	s28 =	sadd.s32 s13, s10;
	s30 =	sshrl.u32 s14, $0x2;
	s22 =	sadd.s32 $0x160, s21  }
0xe: {  	s12 =	smax.u32 s31, $0x1;
	s13 =	simm.s32 $0x8200;
	s14 =	simm.s32 $0x1  }
0xf: {  	v0 =	vmov s21;
	s21 =	simm.s32 $0x4200;
	s16 =	sadd.s32 s30, s3;
	s10 =	sadd.s32 $0x6B200, s28  }
0x10: {  	s11 =	sadd.s32 $0x97200, s28;
	v1 =	vmov s22;
	s22 =	simm.s32 $0x180;
	s16 =	sshrl.u32 s16, $0x3  }
.LBB2_1:
0x11: {  	[tilespmem:s13], [sflag:$0x1] =	stream.linear.gather [hbm4b:s9+s4], $0x1000, $0x38;
	[tilespmem:$0x1F200] =	vst v63  }
0x12: {  	_ =	swait.ge [sflag:s14], $0x1000  }
0x13: {  	[sflag:s14] =	ssyncset.done $0x0  }
0x14: {  	[sflag:s14] =	ssyncadd.s32 $0xFFFFF000  }
0x15: {  	[spmem:s16], [sflag:s15] =	dma.local [hbm:s10], $0x1600  }
0x16: {  	_ =	swait.ge [sflag:s14], $0x1600  }
0x17: {  	[sflag:s14] =	ssyncset.done $0x0  }
0x18: {  	[sflag:s14] =	ssyncadd.s32 $0xFFFFEA00  }
0x19: {  	s24 =	simm.s32 $0x0;
	[bflag:$0x0] =	sbarrier.arrive $0xFFFF  }
.LBB2_2:
0x1a: {  	s25 =	sshll.u32 s24, $0x4  }
0x1b: {  	s28 =	simm.s32 $0x0;
	s26 =	sadd.s32 s1, s25  }
0x1c: {  	[tilespmem:s28], [sflag:$0x2] =	stream.linear.gather [hbm4b:s26+s28], $0x80, $0x38;
	[tilespmem:$0x1F200] =	vst v63  }
0x1d: {  	_ =	swait.ge [sflag:s17], $0x80  }
0x1e: {  	[sflag:s17] =	ssyncset.done $0x0  }
0x1f: {  	s31 =	sadd.s32 s6, s25;
	[sflag:s17] =	ssyncadd.s32 $0xFFFFFF80  }
0x20: {  	[tilespmem:s18], [sflag:$0x2] =	stream.linear.gather [hbm4b:s31+s28], $0x80, $0x38;
	[tilespmem:$0x1F200] =	vst v63  }
0x21: {  	_ =	swait.ge [sflag:s17], $0x80  }
0x22: {  	[sflag:s17] =	ssyncset.done $0x0  }
0x23: {  	s25 =	sadd.s32 s7, s25;
	[sflag:s17] =	ssyncadd.s32 $0xFFFFFF80  }
0x24: {  	[tilespmem:s19], [sflag:$0x2] =	stream.linear.gather [hbm4b:s25+s28], $0x80, $0x38;
	[tilespmem:$0x1F200] =	vst v63  }
0x25: {  	_ =	swait.ge [sflag:s17], $0x80  }
0x26: {  	[sflag:s17] =	ssyncset.done $0x0  }
0x27: {  	[sflag:s17] =	ssyncadd.s32 $0xFFFFFF80  }
0x28: {  	[tilespmem:s20], [sflag:$0x2] =	stream.indirect.gather [hbm4b:s5+s18], $0x80, s28, s18, $0xb8;
	[tilespmem:$0x1F200] =	vst v63  }
0x29: {  	_ =	swait.ge [sflag:s17], $0x4000  }
0x2a: {  	[sflag:s17] =	ssyncset.done $0x0  }
0x2b: {  	[sflag:s17] =	ssyncadd.s32 $0xFFFFC000  }
0x2c: {  	[tilespmem:s21], [sflag:$0x2] =	stream.indirect.gather [hbm4b:s8+s18], $0x80, s19, s18, $0xb8;
	[tilespmem:$0x1F200] =	vst v63  }
0x2d: {  	_ =	swait.ge [sflag:s17], $0x4000  }
0x2e: {  	[sflag:s17] =	ssyncset.done $0x0  }
0x2f: {  	s25 =	simm.s32 $0x0;
	[sflag:s17] =	ssyncadd.s32 $0xFFFFC000  }
0x30: {  	v9 =	vld [tilespmem:s25+$0x4200]  }
0x31: {  	v13 =	vld [tilespmem:s25+$0x4210]  }
0x32: {  	v7 =	vld [tilespmem:s25+$0x4220]  }
0x33: {  	v6 =	vld [tilespmem:s25+$0x4230]  }
0x34: {  	v5 =	vld [tilespmem:s25+$0x4240]  }
0x35: {  	v4 =	vld [tilespmem:s25+$0x4250]  }
0x36: {  	v3 =	vld [tilespmem:s25+$0x4260]  }
0x37: {  	v2 =	vld [tilespmem:s25+$0x4270]  }
0x38: {  	v14 =	vld [tilespmem:s25+$0x200]  }
0x39: {  	v15 =	vld [tilespmem:s25+$0x210]  }
0x3a: {  	v12 =	vld [tilespmem:s25+$0x220]  }
0x3b: {  	v11 =	vld [tilespmem:s25+$0x230]  }
0x3c: {  	v10 =	vld [tilespmem:s25+$0x240]  }
0x3d: {  	v8 =	vld [tilespmem:s25+$0x250];
	v14 =	vadd.f32 v9, v14  }
0x3e: {  	s26 =	simm.s32 $0x200;
	v13 =	vadd.f32 v13, v15;
	v9 =	vld [tilespmem:s25+$0x260]  }
.LBB2_3:
0x3f: {  	s28 =	sshra.s32 s26, $0x2;
	p0 =	sne.s32 s26, $0xFE00;
	[tilespmem:s25+$0x200] =	vst v14;
	v7 =	vadd.f32 v7, v12;
	v12 =	vld [tilespmem:s25+$0x270]  }
0x40: {  	v14 =	vld [tilespmem:s28+$0x4200];
	[tilespmem:s25+$0x210] =	vst v13;
	v6 =	vadd.f32 v6, v11  }
0x41: {  	v13 =	vld [tilespmem:s28+$0x4210];
	[tilespmem:s25+$0x220] =	vst v7;
	v5 =	vadd.f32 v5, v10  }
0x42: {  	v7 =	vld [tilespmem:s28+$0x4220];
	[tilespmem:s25+$0x230] =	vst v6;
	v4 =	vadd.f32 v4, v8  }
0x43: {  	v6 =	vld [tilespmem:s28+$0x4230];
	[tilespmem:s25+$0x240] =	vst v5;
	v3 =	vadd.f32 v3, v9  }
0x44: {  	v5 =	vld [tilespmem:s28+$0x4240];
	[tilespmem:s25+$0x250] =	vst v4;
	v2 =	vadd.f32 v2, v12  }
0x45: {  	v4 =	vld [tilespmem:s28+$0x4250];
	[tilespmem:s25+$0x260] =	vst v3  }
0x46: {  	v3 =	vld [tilespmem:s28+$0x4260];
	[tilespmem:s25+$0x270] =	vst v2;
	s25 =	smov.u32 s28  }
0x47: {  	v2 =	vld [tilespmem:s25+$0x4270]  }
0x48: {  	v8 =	vld [tilespmem:s25+$0x200]  }
0x49: {  	v9 =	vld [tilespmem:s25+$0x210]  }
.Ltmp0:
0x4a: {  	v12 =	vld [tilespmem:s25+$0x220];
	(pc) =	sbr.rel @p0 .LBB2_3-.Ltmp0, $4  }
0x4b: {  	v11 =	vld [tilespmem:s25+$0x230]  }
0x4c: {  	v10 =	vld [tilespmem:s25+$0x240]  }
0x4d: {  	v14 =	vadd.f32 v14, v8;
	v8 =	vld [tilespmem:s25+$0x250]  }
0x4e: {  	s26 =	sadd.s32 $0x200, s26;
	v13 =	vadd.f32 v13, v9;
	v9 =	vld [tilespmem:s25+$0x260]  }
0x4f: {  	[tilespmem:s25+$0x200] =	vst v14;
	v7 =	vadd.f32 v7, v12;
	v61 =	vld [tilespmem:s25+$0x270]  }
0x50: {  	[tilespmem:s25+$0x210] =	vst v13;
	v6 =	vadd.f32 v6, v11  }
0x51: {  	[tilespmem:s25+$0x220] =	vst v7;
	v5 =	vadd.f32 v5, v10  }
0x52: {  	[tilespmem:s25+$0x230] =	vst v6;
	v4 =	vadd.f32 v4, v8  }
0x53: {  	[tilespmem:s25+$0x240] =	vst v5;
	v3 =	vadd.f32 v3, v9  }
0x54: {  	[tilespmem:s25+$0x250] =	vst v4;
	v2 =	vadd.f32 v2, v61  }
0x55: {  	[tilespmem:s25+$0x260] =	vst v3  }
0x56: {  	[tilespmem:s25+$0x270] =	vst v2  }
0x57: {  	v2 =	vld [tilespmem:$0x80]  }
0x58: {  	v3 =	vld [tilespmem:$0x90]  }
0x59: {  	v4 =	vld [tilespmem:$0xA0]  }
0x5a: {  	v5 =	vld [tilespmem:$0xB0]  }
0x5b: {  	v6 =	vld [tilespmem:$0xC0]  }
0x5c: {  	v7 =	vld [tilespmem:$0xD0]  }
0x5d: {  	vm0 =	vge.s32 v2, v0;
	vm1 =	vlt.s32 v2, v1  }
0x5e: {  	v62 =	vld [tilespmem:$0xE0];
	vm13 =	vge.s32 v3, v0;
	vm2 =	vlt.s32 v3, v1;
	vm14 =	vge.s32 v4, v0  }
0x5f: {  	vm3 =	vlt.s32 v4, v1;
	vm4 =	vge.s32 v5, v0;
	vm5 =	vlt.s32 v5, v1  }
0x60: {  	v63 =	vld [tilespmem:$0xF0];
	vm6 =	vge.s32 v6, v0;
	vm7 =	vlt.s32 v6, v1;
	vm0 =	vmand vm0, vm1  }
0x61: {  	vm8 =	vge.s32 v7, v0;
	vm1 =	vmand vm13, vm2;
	v2 =	vnsel vm0, $0x2BFF, v2  }
0x62: {  	vm9 =	vlt.s32 v7, v1;
	vm15 =	vmand vm14, vm3;
	v3 =	vnsel vm1, $0x2BFF, v3;
	[tilespmem:$0x180] =	vst v2  }
0x63: {  	vm11 =	vge.s32 v62, v0;
	v4 =	vnsel vm15, $0x2BFF, v4;
	vm0 =	vmand vm4, vm5;
	[tilespmem:$0x190] =	vst v3  }
0x64: {  	vm12 =	vlt.s32 v62, v1;
	vm1 =	vmand vm6, vm7;
	v2 =	vnsel vm0, $0x2BFF, v5;
	[tilespmem:$0x1A0] =	vst v4  }
0x65: {  	vm10 =	vmand vm8, vm9;
	vm13 =	vge.s32 v63, v0;
	v3 =	vnsel vm1, $0x2BFF, v6;
	[tilespmem:$0x1B0] =	vst v2  }
0x66: {  	vm14 =	vlt.s32 v63, v1;
	vm0 =	vmand vm11, vm12;
	v2 =	vnsel vm10, $0x2BFF, v7;
	[tilespmem:$0x1C0] =	vst v3  }
0x67: {  	s24 =	sadd.s32 $0x1, s24;
	vm15 =	vmand vm13, vm14;
	v3 =	vnsel vm0, $0x2BFF, v62;
	[tilespmem:$0x1D0] =	vst v2  }
0x68: {  	p0 =	sne.s32 s24, $0xA13;
	[tilespmem:$0x1E0] =	vst v3;
	v2 =	vnsel vm15, $0x2BFF, v63  }
.Ltmp1:
0x69: {  	[tilespmem:$0x1F0] =	vst v2;
	(pc) =	sbr.rel @p0 .LBB2_2-.Ltmp1, $4  }
0x6a: {  	[spmem:s3] =	stream.indirect.scatter.add.f32 [tilespmem:s20], [sflag:$0x1], $0x80, s22, s18, $0xb8;
	[tilespmem:$0x1F200] =	vst v63  }
0x6b: {  	_ =	swait.ge [sflag:s14], $0x4000  }
0x6c: {  	[sflag:s14] =	ssyncset.done $0x0  }
0x6d: {  	[sflag:s14] =	ssyncadd.s32 $0xFFFFC000  }
0x6e: {  	s23 =	sadd.s32 $0x1, s23  }
0x6f: {  	p0 =	sne.s32 s23, s12  }
.Ltmp2:
0x70: {  	[bflag:$0x0] =	sbarrier.arrive $0xFFFF;
	(pc) =	sbr.rel @p0 .LBB2_1-.Ltmp2, $4  }
0x71: {  	[hbm:s11], [sflag:s15] =	dma.local [spmem:s16], $0x1600  }
0x72: {  	_ =	swait.ge [sflag:s14], $0x1600  }
0x73: {  	[sflag:s14] =	ssyncset.done $0x0  }
0x74: {  	[sflag:s14] =	ssyncadd.s32 $0xFFFFEA00  }
0x75: {  	_ =	sfence.sel $0x180000  }
0x76: {  	[bflag:$0x0] =	sbarrier.arrive $0xFFFF  }
0x77: {  	p0 =	sne.s32 s2, $0x0;
	_ =	strace $0x90000059  }
0x78: {  	s0 =	sadd.s32 @!p0 $0x100000, s0;
	[bflag:$0x2] =	sbarrier.arrive $0xFFFF  }
0x79: {  	[sflag:s0] =	ssyncadd.tile.s32 @!p0 $0x1;
	_ =	shalt  }
.Lfunc_end2:
_tile_overlayer_lowered:
.L_overlay_start_2:
0x7a: {  	(tag) =	ssettag $0x2  }
0x7b: {  	s0 =	rddreg [dreg:$0x0];
	s2 =	stileid.u32  }
0x7c: {  	s1 =	rddreg [dreg:$0x1];
	p0 =	sne.s32 s2, $0x0  }
0x7d: {  	s3 =	rddreg [dreg:$0x2];
	[bflag:$0x3] =	sbarrier.arrive $0xFFFF;
	s2 =	simm.s32 @!p0 $0x1C01  }
0x7e: {  	[timem:s3], [sflag:s2] =	dma.local @!p0 [hbm:s0], s1  }
0x7f: {  	s0 =	simm.s32 @!p0 $0x1  }
0x80: {  	_ =	swait.ge @!p0 [sflag:s0], s1  }
0x81: {  	s1 =	ssub.s32 @!p0 $0x0, s1;
	[sflag:s0] =	ssyncset.done @!p0 $0x0  }
0x82: {  	[sflag:s0] =	ssyncadd.s32 @!p0 s1  }
0x83: {  	[bflag:$0x3] =	sbarrier.arrive $0xFFFF  }
0x84: {  	_ =	shalt  }

// kernel: kernel.30.cloned.1.call-start
scs
__scs_entry_jumppad:
0x0: {  	(pc) =	sbr.rel $0x88, $3  }
0x1: {  	(tag) =	ssettag $0x0;
	lr =	simm.s32 $0x1  }
0x2: {  	[smem:$0x3F96] =	sst lr;
	_ =	strace $0xD0000000  }
0x3: {  	_ = 	snop  }
0x4: {  	_ = 	snop  }
0x5: {  	_ = 	snop  }
0x6: {  	_ = 	snop  }
0x7: {  	_ = 	snop  }
__scs_overlays_trampoline_lowered:
0x8: {  	[smem:$0x3FA5] =	sst s0  }
0x9: {  	[smem:$0x3FA6] =	sst s1  }
0xa: {  	[smem:$0x3FA7] =	sst s2  }
0xb: {  	[smem:$0x3FA8] =	sst s3  }
0xc: {  	[smem:$0x3FA9] =	sst s4  }
0xd: {  	[smem:$0x3FAA] =	sst s5  }
0xe: {  	[smem:$0x3FAB] =	sst s6  }
0xf: {  	[smem:$0x3FAC] =	sst s7  }
0x10: {  	[smem:$0x3FAD] =	sst s8  }
0x11: {  	[smem:$0x3FAE] =	sst s9;
	s0 =	simm.s32 @!p0 $0x0  }
0x12: {  	s1 =	sld [smem:$0x3F94];
	s0 =	simm.s32 @p0 $0x1  }
0x13: {  	[smem:$0x3FAF] =	sst s0;
	s0 =	simm.s32 @!p1 $0x0  }
0x14: {  	s2 =	sld [smem:$0x3F93];
	s0 =	simm.s32 @p1 $0x1  }
0x15: {  	[smem:$0x3FB0] =	sst s0;
	s0 =	simm.s32 @!p2 $0x0  }
0x16: {  	s3 =	sld [smem:$0x3FDB];
	s0 =	simm.s32 @p2 $0x1  }
0x17: {  	s4 =	simm.s32 $0x1BF5;
	[smem:$0x3FB2] =	sst s0  }
0x18: {  	s0 =	sld [smem:$0x3F95];
	_ =	swait.ge [sflag:s4], $0x0  }
0x19: {  	s7 =	sld [smem:$0x3F96]  }
0x1a: {  	s8 =	sadd.s32 $0xFFFFE003, lr  }
0x1b: {  	s9 =	sadd.s32 $0xFFFFFEF7, lr;
	s5 =	simm.s32 $0xFFFFFFFF;
	p2 =	slt.u32 s8, $0xFFFFF086  }
0x1c: {  	p1 =	slt.u32 s9, $0xF7A;
	s5 =	simm.s32 @!p2 $0x0  }
0x1d: {  	s5 =	simm.s32 @p1 $0x1;
	p0 =	seq.s32 s7, s2  }
0x1e: {  	s7 =	smul.u32 @!p0 $0xF7A, s2;
	p2 =	seq.s32 @!p0 s5, $0x0  }
0x1f: {  	s9 =	smul.u32 $0xF7A, s1;
	s8 =	simm.s32 @!p0 $0x1BF5;
	p2 =	por !p2, p0  }
0x20: {  	[sflag:s8] =	ssyncset.s32 @!p0 $0xFFFFF086;
	s6 =	sadd.s32 @!p0 s3, s7;
	s7 =	simm.s32 @!p0 $0x108  }
0x21: {  	s3 =	sadd.s32 s3, s9;
	s6 =	sadd.s32 @!p0 $0x88, s6;
	s7 =	simm.s32 @p2 $0x1082  }
0x22: {  	[simem:s7], [sflag:s8] =	dma.local @!p0 [hbm:s6], $0xF7A  }
0x23: {  	s9 =	sor.u32 $0xD0000000, s2;
	s6 =	simm.s32 $0x108;
	_ =	swait.ge @!p0 [sflag:s8], $0x0  }
0x24: {  	s3 =	sadd.s32 $0x88, s3;
	s6 =	simm.s32 @!p1 $0x1082;
	[sflag:s4] =	ssyncset.s32 $0xFFFFF086  }
0x25: {  	[simem:s6], [sflag:s4] =	dma.local [hbm:s3], $0xF7A  }
0x26: {  	[smem:$0x3F96] =	sst s1;
	(tag) =	ssettag s2;
	_ =	strace s9  }
0x27: {  	s1 =	sld [smem:$0x3FA6]  }
0x28: {  	s2 =	sld [smem:$0x3FA7]  }
0x29: {  	s4 =	sld [smem:$0x3FA9]  }
0x2a: {  	p0 =	seq.s32 s5, $0x0;
	s5 =	sld [smem:$0x3FAA]  }
0x2b: {  	s6 =	sld [smem:$0x3FAB]  }
0x2c: {  	s7 =	sld [smem:$0x3FAC]  }
0x2d: {  	s3 =	simm.s32 $0x108;
	s8 =	sld [smem:$0x3FAD]  }
0x2e: {  	s3 =	simm.s32 @!p0 $0x1082;
	s9 =	sld [smem:$0x3FAE]  }
0x2f: {  	lr =	sadd.s32 s0, s3;
	s0 =	sld [smem:$0x3FA5]  }
0x30: {  	s3 =	sld [smem:$0x3FA8]  }
0x31: {  	[smem:$0x3FB1] =	sst s10  }
0x32: {  	s10 =	sld [smem:$0x3FAF];
	_ =	sdelay $0x3  }
0x33: {  	p0 =	seq.s32 s10, $0x1;
	s10 =	sld [smem:$0x3FB1];
	_ =	sdelay $0x3  }
0x34: {  	[smem:$0x3FB1] =	sst s10  }
0x35: {  	s10 =	sld [smem:$0x3FB0];
	_ =	sdelay $0x3  }
0x36: {  	p1 =	seq.s32 s10, $0x1;
	s10 =	sld [smem:$0x3FB1];
	_ =	sdelay $0x3  }
0x37: {  	[smem:$0x3FB1] =	sst s10  }
0x38: {  	s10 =	sld [smem:$0x3FB2]  }
0x39: {  	_ = 	snop;
	(pc) =	sbr.ind lr, $3  }
0x3a: {  	_ = 	snop  }
0x3b: {  	_ = 	snop  }
0x3c: {  	p2 =	seq.s32 s10, $0x1;
	s10 =	sld [smem:$0x3FB1]  }
0x3d: {  	_ =	shalt  }
0x3e: {  	_ =	shalt  }
0x3f: {  	_ =	shalt  }
0x40: {  	_ =	shalt  }
0x41: {  	_ =	shalt  }
0x42: {  	_ =	shalt  }
0x43: {  	_ =	shalt  }
0x44: {  	_ =	shalt  }
0x45: {  	_ =	shalt  }
0x46: {  	_ =	shalt  }
0x47: {  	_ =	shalt  }
0x48: {  	_ =	shalt  }
0x49: {  	_ =	shalt  }
0x4a: {  	_ =	shalt  }
0x4b: {  	_ =	shalt  }
0x4c: {  	_ =	shalt  }
0x4d: {  	_ =	shalt  }
0x4e: {  	_ =	shalt  }
0x4f: {  	_ =	shalt  }
0x50: {  	_ =	shalt  }
0x51: {  	_ =	shalt  }
0x52: {  	_ =	shalt  }
0x53: {  	_ =	shalt  }
0x54: {  	_ =	shalt  }
0x55: {  	_ =	shalt  }
0x56: {  	_ =	shalt  }
0x57: {  	_ =	shalt  }
0x58: {  	_ =	shalt  }
0x59: {  	_ =	shalt  }
0x5a: {  	_ =	shalt  }
0x5b: {  	_ =	shalt  }
0x5c: {  	_ =	shalt  }
0x5d: {  	_ =	shalt  }
0x5e: {  	_ =	shalt  }
0x5f: {  	_ =	shalt  }
0x60: {  	_ =	shalt  }
0x61: {  	_ =	shalt  }
0x62: {  	_ =	shalt  }
0x63: {  	_ =	shalt  }
0x64: {  	_ =	shalt  }
0x65: {  	_ =	shalt  }
0x66: {  	_ =	shalt  }
0x67: {  	_ =	shalt  }
0x68: {  	_ =	shalt  }
0x69: {  	_ =	shalt  }
0x6a: {  	_ =	shalt  }
0x6b: {  	_ =	shalt  }
0x6c: {  	_ =	shalt  }
0x6d: {  	_ =	shalt  }
0x6e: {  	_ =	shalt  }
0x6f: {  	_ =	shalt  }
0x70: {  	_ =	shalt  }
0x71: {  	_ =	shalt  }
0x72: {  	_ =	shalt  }
0x73: {  	_ =	shalt  }
0x74: {  	_ =	shalt  }
0x75: {  	_ =	shalt  }
0x76: {  	_ =	shalt  }
0x77: {  	_ =	shalt  }
0x78: {  	_ =	shalt  }
0x79: {  	_ =	shalt  }
0x7a: {  	_ =	shalt  }
0x7b: {  	_ =	shalt  }
0x7c: {  	_ =	shalt  }
0x7d: {  	_ =	shalt  }
0x7e: {  	_ =	shalt  }
0x7f: {  	_ =	shalt  }
0x80: {  	_ =	shalt  }
0x81: {  	_ =	shalt  }
0x82: {  	_ =	shalt  }
0x83: {  	_ =	shalt  }
0x84: {  	_ =	shalt  }
0x85: {  	_ =	shalt  }
0x86: {  	_ =	shalt  }
0x87: {  	_ =	shalt  }
.Lfunc_end0:
.L_simem_size_0:
called_computation.7_lowered:
.L_overlay_start_0:
0x88: {  	s2 =	sld [smem:$0x3FD9]  }
0x89: {  	s3 =	sld [smem:$0x3FFE];
	_ =	sdelay $0x1  }
0x8a: {  	s1 =	srdreg.scid  }
0x8b: {  	s0 =	sand.u32 $0x1, s1  }
0x8c: {  	s17 =	sshll.u32 s0, $0xA;
	s2 =	sadd.s32 s3, s2  }
0x8d: {  	s2 =	sadd.s32 s2, s17  }
0x8e: {  	[smem:$0x3FBD] =	sst s2  }
0x8f: {  	_ = 	snop  }
0x90: {  	s2 =	sld [smem:$0x3FD0];
	(tm) =	ssettm $0x1  }
0x91: {  	s18 =	sld [smem:$0x3FFB];
	_ =	sdelay $0x3  }
0x92: {  	_ =	strace s18  }
0x93: {  	s3 =	sld [smem:$0x3FFC];
	_ =	sdelay $0x3  }
0x94: {  	_ =	strace s3  }
0x95: {  	s3 =	sld [smem:$0x3FFD];
	_ =	sdelay $0x3  }
0x96: {  	_ =	strace s3  }
0x97: {  	_ =	strace $0x8FFFFFFF  }
0x98: {  	s19 =	sld [smem:$0x3FDB];
	_ =	sdelay $0x1  }
0x99: {  	s4 =	simm.s32 $_scs_section_size  }
0x9a: {  	s5 =	simm.s32 $_size__tile_overlayer_lowered;
	s6 =	simm.s32 $_tile_overlayer_lowered  }
0x9b: {  	s22 =	simm.s32 $0x1BFF;
	s21 =	sshll.u32 s6, $0x1;
	s3 =	sadd.s32 s4, s19  }
0x9c: {  	s7 =	simm.s32 $0x0;
	s20 =	sshll.u32 s5, $0x1;
	s5 =	sadd.s32 s21, s3  }
0x9d: {  	[timem:s7], [sflag:s22] =	dma.local [hbm:s5], s20  }
0x9e: {  	_ =	swait.ge [sflag:s22], s20  }
0x9f: {  	s4 =	ssub.s32 $0x0, s20;
	[sflag:s22] =	ssyncset.done $0x0  }
0xa0: {  	[sflag:s22] =	ssyncadd.s32 s4;
	_ =	sdelay $0x1  }
0xa1: {  	s23 =	simm.s32 $0x1B8B  }
0xa2: {  	_ =	swait.ge [sflag:s23], $0x1  }
0xa3: {  	[sflag:s23] =	ssyncset.done $0x0  }
0xa4: {  	s25 =	simm.s32 $0x1B8E;
	s24 =	sld [smem:$0x3FFE];
	[sflag:s23] =	ssyncadd.s32 $0xFFFFFFFF  }
0xa5: {  	s26 =	simm.s32 $execute0_lowered;
	[smem:$0x3FD2] =	sst s25  }
0xa6: {  	s5 =	sshll.u32 s26, $0x1;
	_ =	strace $0x8000005B;
	[dreg:$0x1] =	wrdreg $0xFFFFFFFF  }
0xa7: {  	s28 =	simm.s32 $_size_execute0_lowered;
	s3 =	sadd.s32 s3, s5;
	[dreg:$0x0] =	wrdreg $0x0  }
0xa8: {  	s5 =	sshll.u32 s28, $0x1;
	[dreg:$0x2] =	wrdreg s3  }
0xa9: {  	[dreg:$0x3] =	wrdreg s5  }
0xaa: {  	[dreg:$0x4] =	wrdreg $0xC0  }
0xab: {  	_ =	task [dreg:s7], $0x5FFFF  }
0xac: {  	[dreg:$0x1] =	wrdreg $0xFFFFFFFF  }
0xad: {  	[dreg:$0x0] =	wrdreg $0x60  }
0xae: {  	[dreg:$0x2] =	wrdreg s24  }
0xaf: {  	[dreg:$0x3] =	wrdreg s2  }
0xb0: {  	[dreg:$0x4] =	wrdreg $0x92000  }
0xb1: {  	[dreg:$0x5] =	wrdreg $0x9  }
0xb2: {  	_ =	task.clear_ibuf [dreg:s7], $0x6FFFF;
	_ =	strace $0x9000005B  }
0xb3: {  	s29 =	simm.s32 $0x9;
	_ =	strace $0x8000005D  }
0xb4: {  	_ =	swait.ge [sflag:s29], $0x1  }
0xb5: {  	[sflag:s29] =	ssyncadd.s32 $0xFFFFFFFF  }
0xb6: {  	_ =	strace $0x9000005D  }
0xb7: {  	_ =	sfence  }
0xb8: {  	s30 =	sld [smem:$0x0];
	_ =	sdelay $0x2  }
0xb9: {  	s31 =	sshll.u32 s1, $0xD;
	s1 =	sshrl.u32 s1, $0x2  }
0xba: {  	s3 =	sand.u32 $0x4000, s31;
	s1 =	sadd.s32 s1, s30  }
0xbb: {  	s0 =	sor.u32 s3, s0;
	s1 =	sshll.u32 s1, $0x11  }
0xbc: {  	s0 =	sor.u32 s1, s0  }
0xbd: {  	s0 =	sadd.s32 $0x8F2B, s0  }
0xbe: {  	[sflag:s0] =	ssyncadd.remote.s32 $0x1  }
0xbf: {  	_ =	sfence.sel $0xFFFF  }
0xc0: {  	[dreg:$0x0] =	wrdreg $0xFFFFFFFF;
	(pc) =	sbr.abs _section_cstart, $3  }
0xc1: {  	[dreg:$0x1] =	wrdreg $0xFFFFFFFF  }
0xc2: {  	_ =	task.clear_ibuf [dreg:s7], $0x2FFFF;
	_ =	strace $0x9FFFFFFF  }
0xc3: {  	(tm) =	ssettm $0x7FFFFFFF  }
tec
execute0_lowered:
.L_overlay_start_1:
0x0: {  	(tag) =	ssettag $0x1  }
0x1: {  	s10 =	rddreg [dreg:$0x0]  }
0x2: {  	s1 =	rddreg [dreg:$0x1]  }
0x3: {  	s3 =	rddreg [dreg:$0x2]  }
0x4: {  	s0 =	rddreg [dreg:$0x3];
	s4 =	simm.s32 $0x0;
	s5 =	srdreg.scid  }
0x5: {  	s2 =	stileid.u32;
	s17 =	simm.s32 $0x2;
	s18 =	simm.s32 $0x80  }
0x6: {  	s19 =	simm.s32 $0x100;
	s20 =	simm.s32 $0x200;
	s23 =	simm.s32 $0x0  }
0x7: {  	[smem:$0x7FF] =	sst s4;
	s11 =	sand.u32 $0x1, s5;
	s26 =	sshll.u32 s2, $0x1  }
0x8: {  	s5 =	sadd.s32 $0x20200, s10;
	s6 =	sadd.s32 $0xE00, s10;
	s12 =	sor.u32 s11, s26  }
0x9: {  	s7 =	sadd.s32 $0xB000, s10;
	s8 =	sadd.s32 $0x15200, s10;
	s13 =	smul.u32 $0x1600, s12  }
0xa: {  	s9 =	sadd.s32 $0x20000, s10;
	s11 =	ssub.s32 $0x2, s11;
	s14 =	smul.u32 $0x2C000, s12  }
0xb: {  	s15 =	sshll.u32 s2, $0x6;
	s21 =	smul.u32 $0x160, s12;
	s29 =	sshrl.u32 s11, $0x1  }
0xc: {  	_ =	strace $0x8000005C;
	s15 =	sor.u32 $0x1C01, s15;
	s31 =	ssub.s32 s11, s29  }
0xd: {  	s28 =	sadd.s32 s13, s10;
	s30 =	sshrl.u32 s14, $0x2;
	s22 =	sadd.s32 $0x160, s21  }
0xe: {  	s12 =	smax.u32 s31, $0x1;
	s13 =	simm.s32 $0x8200;
	s14 =	simm.s32 $0x1  }
0xf: {  	v0 =	vmov s21;
	s21 =	simm.s32 $0x4200;
	s16 =	sadd.s32 s30, s3;
	s10 =	sadd.s32 $0x6B200, s28  }
0x10: {  	s11 =	sadd.s32 $0x97200, s28;
	v1 =	vmov s22;
	s22 =	simm.s32 $0x180;
	s16 =	sshrl.u32 s16, $0x3  }
.LBB2_1:
0x11: {  	[tilespmem:s13], [sflag:$0x1] =	stream.linear.gather [hbm4b:s9+s4], $0x1000, $0x38;
	[tilespmem:$0x1F200] =	vst v63  }
0x12: {  	_ =	swait.ge [sflag:s14], $0x1000  }
0x13: {  	[sflag:s14] =	ssyncset.done $0x0  }
0x14: {  	[sflag:s14] =	ssyncadd.s32 $0xFFFFF000  }
0x15: {  	[spmem:s16], [sflag:s15] =	dma.local [hbm:s10], $0x1600  }
0x16: {  	_ =	swait.ge [sflag:s14], $0x1600  }
0x17: {  	[sflag:s14] =	ssyncset.done $0x0  }
0x18: {  	[sflag:s14] =	ssyncadd.s32 $0xFFFFEA00  }
0x19: {  	s24 =	simm.s32 $0x0;
	[bflag:$0x0] =	sbarrier.arrive $0xFFFF  }
.LBB2_2:
0x1a: {  	s25 =	sshll.u32 s24, $0x4  }
0x1b: {  	s28 =	simm.s32 $0x0;
	s26 =	sadd.s32 s1, s25  }
0x1c: {  	[tilespmem:s28], [sflag:$0x2] =	stream.linear.gather [hbm4b:s26+s28], $0x80, $0x38;
	[tilespmem:$0x1F200] =	vst v63  }
0x1d: {  	_ =	swait.ge [sflag:s17], $0x80  }
0x1e: {  	[sflag:s17] =	ssyncset.done $0x0  }
0x1f: {  	s31 =	sadd.s32 s6, s25;
	[sflag:s17] =	ssyncadd.s32 $0xFFFFFF80  }
0x20: {  	[tilespmem:s18], [sflag:$0x2] =	stream.linear.gather [hbm4b:s31+s28], $0x80, $0x38;
	[tilespmem:$0x1F200] =	vst v63  }
0x21: {  	_ =	swait.ge [sflag:s17], $0x80  }
0x22: {  	[sflag:s17] =	ssyncset.done $0x0  }
0x23: {  	s25 =	sadd.s32 s7, s25;
	[sflag:s17] =	ssyncadd.s32 $0xFFFFFF80  }
0x24: {  	[tilespmem:s19], [sflag:$0x2] =	stream.linear.gather [hbm4b:s25+s28], $0x80, $0x38;
	[tilespmem:$0x1F200] =	vst v63  }
0x25: {  	_ =	swait.ge [sflag:s17], $0x80  }
0x26: {  	[sflag:s17] =	ssyncset.done $0x0  }
0x27: {  	[sflag:s17] =	ssyncadd.s32 $0xFFFFFF80  }
0x28: {  	[tilespmem:s20], [sflag:$0x2] =	stream.indirect.gather [hbm4b:s5+s18], $0x80, s28, s18, $0xb8;
	[tilespmem:$0x1F200] =	vst v63  }
0x29: {  	_ =	swait.ge [sflag:s17], $0x4000  }
0x2a: {  	[sflag:s17] =	ssyncset.done $0x0  }
0x2b: {  	[sflag:s17] =	ssyncadd.s32 $0xFFFFC000  }
0x2c: {  	[tilespmem:s21], [sflag:$0x2] =	stream.indirect.gather [hbm4b:s8+s18], $0x80, s19, s18, $0xb8;
	[tilespmem:$0x1F200] =	vst v63  }
0x2d: {  	_ =	swait.ge [sflag:s17], $0x4000  }
0x2e: {  	[sflag:s17] =	ssyncset.done $0x0  }
0x2f: {  	s25 =	simm.s32 $0x0;
	[sflag:s17] =	ssyncadd.s32 $0xFFFFC000  }
0x30: {  	v9 =	vld [tilespmem:s25+$0x4200]  }
0x31: {  	v13 =	vld [tilespmem:s25+$0x4210]  }
0x32: {  	v7 =	vld [tilespmem:s25+$0x4220]  }
0x33: {  	v6 =	vld [tilespmem:s25+$0x4230]  }
0x34: {  	v5 =	vld [tilespmem:s25+$0x4240]  }
0x35: {  	v4 =	vld [tilespmem:s25+$0x4250]  }
0x36: {  	v3 =	vld [tilespmem:s25+$0x4260]  }
0x37: {  	v2 =	vld [tilespmem:s25+$0x4270]  }
0x38: {  	v14 =	vld [tilespmem:s25+$0x200]  }
0x39: {  	v15 =	vld [tilespmem:s25+$0x210]  }
0x3a: {  	v12 =	vld [tilespmem:s25+$0x220]  }
0x3b: {  	v11 =	vld [tilespmem:s25+$0x230]  }
0x3c: {  	v10 =	vld [tilespmem:s25+$0x240]  }
0x3d: {  	v8 =	vld [tilespmem:s25+$0x250];
	v14 =	vadd.f32 v9, v14  }
0x3e: {  	s26 =	simm.s32 $0x200;
	v13 =	vadd.f32 v13, v15;
	v9 =	vld [tilespmem:s25+$0x260]  }
.LBB2_3:
0x3f: {  	s28 =	sshra.s32 s26, $0x2;
	p0 =	sne.s32 s26, $0xFE00;
	[tilespmem:s25+$0x200] =	vst v14;
	v7 =	vadd.f32 v7, v12;
	v12 =	vld [tilespmem:s25+$0x270]  }
0x40: {  	v14 =	vld [tilespmem:s28+$0x4200];
	[tilespmem:s25+$0x210] =	vst v13;
	v6 =	vadd.f32 v6, v11  }
0x41: {  	v13 =	vld [tilespmem:s28+$0x4210];
	[tilespmem:s25+$0x220] =	vst v7;
	v5 =	vadd.f32 v5, v10  }
0x42: {  	v7 =	vld [tilespmem:s28+$0x4220];
	[tilespmem:s25+$0x230] =	vst v6;
	v4 =	vadd.f32 v4, v8  }
0x43: {  	v6 =	vld [tilespmem:s28+$0x4230];
	[tilespmem:s25+$0x240] =	vst v5;
	v3 =	vadd.f32 v3, v9  }
0x44: {  	v5 =	vld [tilespmem:s28+$0x4240];
	[tilespmem:s25+$0x250] =	vst v4;
	v2 =	vadd.f32 v2, v12  }
0x45: {  	v4 =	vld [tilespmem:s28+$0x4250];
	[tilespmem:s25+$0x260] =	vst v3  }
0x46: {  	v3 =	vld [tilespmem:s28+$0x4260];
	[tilespmem:s25+$0x270] =	vst v2;
	s25 =	smov.u32 s28  }
0x47: {  	v2 =	vld [tilespmem:s25+$0x4270]  }
0x48: {  	v8 =	vld [tilespmem:s25+$0x200]  }
0x49: {  	v9 =	vld [tilespmem:s25+$0x210]  }
.Ltmp0:
0x4a: {  	v12 =	vld [tilespmem:s25+$0x220];
	(pc) =	sbr.rel @p0 .LBB2_3-.Ltmp0, $4  }
0x4b: {  	v11 =	vld [tilespmem:s25+$0x230]  }
0x4c: {  	v10 =	vld [tilespmem:s25+$0x240]  }
0x4d: {  	v14 =	vadd.f32 v14, v8;
	v8 =	vld [tilespmem:s25+$0x250]  }
0x4e: {  	s26 =	sadd.s32 $0x200, s26;
	v13 =	vadd.f32 v13, v9;
	v9 =	vld [tilespmem:s25+$0x260]  }
0x4f: {  	[tilespmem:s25+$0x200] =	vst v14;
	v7 =	vadd.f32 v7, v12;
	v61 =	vld [tilespmem:s25+$0x270]  }
0x50: {  	[tilespmem:s25+$0x210] =	vst v13;
	v6 =	vadd.f32 v6, v11  }
0x51: {  	[tilespmem:s25+$0x220] =	vst v7;
	v5 =	vadd.f32 v5, v10  }
0x52: {  	[tilespmem:s25+$0x230] =	vst v6;
	v4 =	vadd.f32 v4, v8  }
0x53: {  	[tilespmem:s25+$0x240] =	vst v5;
	v3 =	vadd.f32 v3, v9  }
0x54: {  	[tilespmem:s25+$0x250] =	vst v4;
	v2 =	vadd.f32 v2, v61  }
0x55: {  	[tilespmem:s25+$0x260] =	vst v3  }
0x56: {  	[tilespmem:s25+$0x270] =	vst v2  }
0x57: {  	v2 =	vld [tilespmem:$0x80]  }
0x58: {  	v3 =	vld [tilespmem:$0x90]  }
0x59: {  	v4 =	vld [tilespmem:$0xA0]  }
0x5a: {  	v5 =	vld [tilespmem:$0xB0]  }
0x5b: {  	v6 =	vld [tilespmem:$0xC0]  }
0x5c: {  	v7 =	vld [tilespmem:$0xD0]  }
0x5d: {  	vm0 =	vge.s32 v2, v0;
	vm1 =	vlt.s32 v2, v1  }
0x5e: {  	v62 =	vld [tilespmem:$0xE0];
	vm13 =	vge.s32 v3, v0;
	vm2 =	vlt.s32 v3, v1;
	vm14 =	vge.s32 v4, v0  }
0x5f: {  	vm3 =	vlt.s32 v4, v1;
	vm4 =	vge.s32 v5, v0;
	vm5 =	vlt.s32 v5, v1  }
0x60: {  	v63 =	vld [tilespmem:$0xF0];
	vm6 =	vge.s32 v6, v0;
	vm7 =	vlt.s32 v6, v1;
	vm0 =	vmand vm0, vm1  }
0x61: {  	vm8 =	vge.s32 v7, v0;
	vm1 =	vmand vm13, vm2;
	v2 =	vnsel vm0, $0x2BFF, v2  }
0x62: {  	vm9 =	vlt.s32 v7, v1;
	vm15 =	vmand vm14, vm3;
	v3 =	vnsel vm1, $0x2BFF, v3;
	[tilespmem:$0x180] =	vst v2  }
0x63: {  	vm11 =	vge.s32 v62, v0;
	v4 =	vnsel vm15, $0x2BFF, v4;
	vm0 =	vmand vm4, vm5;
	[tilespmem:$0x190] =	vst v3  }
0x64: {  	vm12 =	vlt.s32 v62, v1;
	vm1 =	vmand vm6, vm7;
	v2 =	vnsel vm0, $0x2BFF, v5;
	[tilespmem:$0x1A0] =	vst v4  }
0x65: {  	vm10 =	vmand vm8, vm9;
	vm13 =	vge.s32 v63, v0;
	v3 =	vnsel vm1, $0x2BFF, v6;
	[tilespmem:$0x1B0] =	vst v2  }
0x66: {  	vm14 =	vlt.s32 v63, v1;
	vm0 =	vmand vm11, vm12;
	v2 =	vnsel vm10, $0x2BFF, v7;
	[tilespmem:$0x1C0] =	vst v3  }
0x67: {  	s24 =	sadd.s32 $0x1, s24;
	vm15 =	vmand vm13, vm14;
	v3 =	vnsel vm0, $0x2BFF, v62;
	[tilespmem:$0x1D0] =	vst v2  }
0x68: {  	p0 =	sne.s32 s24, $0xA13;
	[tilespmem:$0x1E0] =	vst v3;
	v2 =	vnsel vm15, $0x2BFF, v63  }
.Ltmp1:
0x69: {  	[tilespmem:$0x1F0] =	vst v2;
	(pc) =	sbr.rel @p0 .LBB2_2-.Ltmp1, $4  }
0x6a: {  	[spmem:s3] =	stream.indirect.scatter.add.f32 [tilespmem:s20], [sflag:$0x1], $0x80, s22, s18, $0xb8;
	[tilespmem:$0x1F200] =	vst v63  }
0x6b: {  	_ =	swait.ge [sflag:s14], $0x4000  }
0x6c: {  	[sflag:s14] =	ssyncset.done $0x0  }
0x6d: {  	[sflag:s14] =	ssyncadd.s32 $0xFFFFC000  }
0x6e: {  	s23 =	sadd.s32 $0x1, s23  }
0x6f: {  	p0 =	sne.s32 s23, s12  }
.Ltmp2:
0x70: {  	[bflag:$0x0] =	sbarrier.arrive $0xFFFF;
	(pc) =	sbr.rel @p0 .LBB2_1-.Ltmp2, $4  }
0x71: {  	[hbm:s11], [sflag:s15] =	dma.local [spmem:s16], $0x1600  }
0x72: {  	_ =	swait.ge [sflag:s14], $0x1600  }
0x73: {  	[sflag:s14] =	ssyncset.done $0x0  }
0x74: {  	[sflag:s14] =	ssyncadd.s32 $0xFFFFEA00  }
0x75: {  	_ =	sfence.sel $0x180000  }
0x76: {  	[bflag:$0x0] =	sbarrier.arrive $0xFFFF  }
0x77: {  	p0 =	sne.s32 s2, $0x0;
	_ =	strace $0x9000005C  }
0x78: {  	s0 =	sadd.s32 @!p0 $0x100000, s0;
	[bflag:$0x2] =	sbarrier.arrive $0xFFFF  }
0x79: {  	[sflag:s0] =	ssyncadd.tile.s32 @!p0 $0x1;
	_ =	shalt  }
.Lfunc_end2:
_tile_overlayer_lowered:
.L_overlay_start_2:
0x7a: {  	(tag) =	ssettag $0x2  }
0x7b: {  	s0 =	rddreg [dreg:$0x0];
	s2 =	stileid.u32  }
0x7c: {  	s1 =	rddreg [dreg:$0x1];
	p0 =	sne.s32 s2, $0x0  }
0x7d: {  	s3 =	rddreg [dreg:$0x2];
	[bflag:$0x3] =	sbarrier.arrive $0xFFFF;
	s2 =	simm.s32 @!p0 $0x1C01  }
0x7e: {  	[timem:s3], [sflag:s2] =	dma.local @!p0 [hbm:s0], s1  }
0x7f: {  	s0 =	simm.s32 @!p0 $0x1  }
0x80: {  	_ =	swait.ge @!p0 [sflag:s0], s1  }
0x81: {  	s1 =	ssub.s32 @!p0 $0x0, s1;
	[sflag:s0] =	ssyncset.done @!p0 $0x0  }
0x82: {  	[sflag:s0] =	ssyncadd.s32 @!p0 s1  }
0x83: {  	[bflag:$0x3] =	sbarrier.arrive $0xFFFF  }
0x84: {  	_ =	shalt  }

// kernel: kernel.33.cloned.1.call-start
scs
__scs_entry_jumppad:
0x0: {  	(pc) =	sbr.rel $0x88, $3  }
0x1: {  	(tag) =	ssettag $0x0;
	lr =	simm.s32 $0x1  }
0x2: {  	[smem:$0x3F96] =	sst lr;
	_ =	strace $0xD0000000  }
0x3: {  	_ = 	snop  }
0x4: {  	_ = 	snop  }
0x5: {  	_ = 	snop  }
0x6: {  	_ = 	snop  }
0x7: {  	_ = 	snop  }
__scs_overlays_trampoline_lowered:
0x8: {  	[smem:$0x3FA5] =	sst s0  }
0x9: {  	[smem:$0x3FA6] =	sst s1  }
0xa: {  	[smem:$0x3FA7] =	sst s2  }
0xb: {  	[smem:$0x3FA8] =	sst s3  }
0xc: {  	[smem:$0x3FA9] =	sst s4  }
0xd: {  	[smem:$0x3FAA] =	sst s5  }
0xe: {  	[smem:$0x3FAB] =	sst s6  }
0xf: {  	[smem:$0x3FAC] =	sst s7  }
0x10: {  	[smem:$0x3FAD] =	sst s8  }
0x11: {  	[smem:$0x3FAE] =	sst s9;
	s0 =	simm.s32 @!p0 $0x0  }
0x12: {  	s1 =	sld [smem:$0x3F94];
	s0 =	simm.s32 @p0 $0x1  }
0x13: {  	[smem:$0x3FAF] =	sst s0;
	s0 =	simm.s32 @!p1 $0x0  }
0x14: {  	s2 =	sld [smem:$0x3F93];
	s0 =	simm.s32 @p1 $0x1  }
0x15: {  	[smem:$0x3FB0] =	sst s0;
	s0 =	simm.s32 @!p2 $0x0  }
0x16: {  	s3 =	sld [smem:$0x3FDB];
	s0 =	simm.s32 @p2 $0x1  }
0x17: {  	s4 =	simm.s32 $0x1BF5;
	[smem:$0x3FB2] =	sst s0  }
0x18: {  	s0 =	sld [smem:$0x3F95];
	_ =	swait.ge [sflag:s4], $0x0  }
0x19: {  	s7 =	sld [smem:$0x3F96]  }
0x1a: {  	s8 =	sadd.s32 $0xFFFFE003, lr  }
0x1b: {  	s9 =	sadd.s32 $0xFFFFFEF7, lr;
	s5 =	simm.s32 $0xFFFFFFFF;
	p2 =	slt.u32 s8, $0xFFFFF086  }
0x1c: {  	p1 =	slt.u32 s9, $0xF7A;
	s5 =	simm.s32 @!p2 $0x0  }
0x1d: {  	s5 =	simm.s32 @p1 $0x1;
	p0 =	seq.s32 s7, s2  }
0x1e: {  	s7 =	smul.u32 @!p0 $0xF7A, s2;
	p2 =	seq.s32 @!p0 s5, $0x0  }
0x1f: {  	s9 =	smul.u32 $0xF7A, s1;
	s8 =	simm.s32 @!p0 $0x1BF5;
	p2 =	por !p2, p0  }
0x20: {  	[sflag:s8] =	ssyncset.s32 @!p0 $0xFFFFF086;
	s6 =	sadd.s32 @!p0 s3, s7;
	s7 =	simm.s32 @!p0 $0x108  }
0x21: {  	s3 =	sadd.s32 s3, s9;
	s6 =	sadd.s32 @!p0 $0x88, s6;
	s7 =	simm.s32 @p2 $0x1082  }
0x22: {  	[simem:s7], [sflag:s8] =	dma.local @!p0 [hbm:s6], $0xF7A  }
0x23: {  	s9 =	sor.u32 $0xD0000000, s2;
	s6 =	simm.s32 $0x108;
	_ =	swait.ge @!p0 [sflag:s8], $0x0  }
0x24: {  	s3 =	sadd.s32 $0x88, s3;
	s6 =	simm.s32 @!p1 $0x1082;
	[sflag:s4] =	ssyncset.s32 $0xFFFFF086  }
0x25: {  	[simem:s6], [sflag:s4] =	dma.local [hbm:s3], $0xF7A  }
0x26: {  	[smem:$0x3F96] =	sst s1;
	(tag) =	ssettag s2;
	_ =	strace s9  }
0x27: {  	s1 =	sld [smem:$0x3FA6]  }
0x28: {  	s2 =	sld [smem:$0x3FA7]  }
0x29: {  	s4 =	sld [smem:$0x3FA9]  }
0x2a: {  	p0 =	seq.s32 s5, $0x0;
	s5 =	sld [smem:$0x3FAA]  }
0x2b: {  	s6 =	sld [smem:$0x3FAB]  }
0x2c: {  	s7 =	sld [smem:$0x3FAC]  }
0x2d: {  	s3 =	simm.s32 $0x108;
	s8 =	sld [smem:$0x3FAD]  }
0x2e: {  	s3 =	simm.s32 @!p0 $0x1082;
	s9 =	sld [smem:$0x3FAE]  }
0x2f: {  	lr =	sadd.s32 s0, s3;
	s0 =	sld [smem:$0x3FA5]  }
0x30: {  	s3 =	sld [smem:$0x3FA8]  }
0x31: {  	[smem:$0x3FB1] =	sst s10  }
0x32: {  	s10 =	sld [smem:$0x3FAF];
	_ =	sdelay $0x3  }
0x33: {  	p0 =	seq.s32 s10, $0x1;
	s10 =	sld [smem:$0x3FB1];
	_ =	sdelay $0x3  }
0x34: {  	[smem:$0x3FB1] =	sst s10  }
0x35: {  	s10 =	sld [smem:$0x3FB0];
	_ =	sdelay $0x3  }
0x36: {  	p1 =	seq.s32 s10, $0x1;
	s10 =	sld [smem:$0x3FB1];
	_ =	sdelay $0x3  }
0x37: {  	[smem:$0x3FB1] =	sst s10  }
0x38: {  	s10 =	sld [smem:$0x3FB2]  }
0x39: {  	_ = 	snop;
	(pc) =	sbr.ind lr, $3  }
0x3a: {  	_ = 	snop  }
0x3b: {  	_ = 	snop  }
0x3c: {  	p2 =	seq.s32 s10, $0x1;
	s10 =	sld [smem:$0x3FB1]  }
0x3d: {  	_ =	shalt  }
0x3e: {  	_ =	shalt  }
0x3f: {  	_ =	shalt  }
0x40: {  	_ =	shalt  }
0x41: {  	_ =	shalt  }
0x42: {  	_ =	shalt  }
0x43: {  	_ =	shalt  }
0x44: {  	_ =	shalt  }
0x45: {  	_ =	shalt  }
0x46: {  	_ =	shalt  }
0x47: {  	_ =	shalt  }
0x48: {  	_ =	shalt  }
0x49: {  	_ =	shalt  }
0x4a: {  	_ =	shalt  }
0x4b: {  	_ =	shalt  }
0x4c: {  	_ =	shalt  }
0x4d: {  	_ =	shalt  }
0x4e: {  	_ =	shalt  }
0x4f: {  	_ =	shalt  }
0x50: {  	_ =	shalt  }
0x51: {  	_ =	shalt  }
0x52: {  	_ =	shalt  }
0x53: {  	_ =	shalt  }
0x54: {  	_ =	shalt  }
0x55: {  	_ =	shalt  }
0x56: {  	_ =	shalt  }
0x57: {  	_ =	shalt  }
0x58: {  	_ =	shalt  }
0x59: {  	_ =	shalt  }
0x5a: {  	_ =	shalt  }
0x5b: {  	_ =	shalt  }
0x5c: {  	_ =	shalt  }
0x5d: {  	_ =	shalt  }
0x5e: {  	_ =	shalt  }
0x5f: {  	_ =	shalt  }
0x60: {  	_ =	shalt  }
0x61: {  	_ =	shalt  }
0x62: {  	_ =	shalt  }
0x63: {  	_ =	shalt  }
0x64: {  	_ =	shalt  }
0x65: {  	_ =	shalt  }
0x66: {  	_ =	shalt  }
0x67: {  	_ =	shalt  }
0x68: {  	_ =	shalt  }
0x69: {  	_ =	shalt  }
0x6a: {  	_ =	shalt  }
0x6b: {  	_ =	shalt  }
0x6c: {  	_ =	shalt  }
0x6d: {  	_ =	shalt  }
0x6e: {  	_ =	shalt  }
0x6f: {  	_ =	shalt  }
0x70: {  	_ =	shalt  }
0x71: {  	_ =	shalt  }
0x72: {  	_ =	shalt  }
0x73: {  	_ =	shalt  }
0x74: {  	_ =	shalt  }
0x75: {  	_ =	shalt  }
0x76: {  	_ =	shalt  }
0x77: {  	_ =	shalt  }
0x78: {  	_ =	shalt  }
0x79: {  	_ =	shalt  }
0x7a: {  	_ =	shalt  }
0x7b: {  	_ =	shalt  }
0x7c: {  	_ =	shalt  }
0x7d: {  	_ =	shalt  }
0x7e: {  	_ =	shalt  }
0x7f: {  	_ =	shalt  }
0x80: {  	_ =	shalt  }
0x81: {  	_ =	shalt  }
0x82: {  	_ =	shalt  }
0x83: {  	_ =	shalt  }
0x84: {  	_ =	shalt  }
0x85: {  	_ =	shalt  }
0x86: {  	_ =	shalt  }
0x87: {  	_ =	shalt  }
.Lfunc_end0:
.L_simem_size_0:
called_computation.8_lowered:
.L_overlay_start_0:
0x88: {  	s2 =	sld [smem:$0x3FD9]  }
0x89: {  	s3 =	sld [smem:$0x3FFE];
	_ =	sdelay $0x1  }
0x8a: {  	s1 =	srdreg.scid  }
0x8b: {  	s0 =	sand.u32 $0x1, s1  }
0x8c: {  	s17 =	sshll.u32 s0, $0xA;
	s2 =	sadd.s32 s3, s2  }
0x8d: {  	s2 =	sadd.s32 s2, s17  }
0x8e: {  	[smem:$0x3FBD] =	sst s2  }
0x8f: {  	_ = 	snop  }
0x90: {  	s2 =	sld [smem:$0x3FD0];
	(tm) =	ssettm $0x1  }
0x91: {  	s18 =	sld [smem:$0x3FFB];
	_ =	sdelay $0x3  }
0x92: {  	_ =	strace s18  }
0x93: {  	s3 =	sld [smem:$0x3FFC];
	_ =	sdelay $0x3  }
0x94: {  	_ =	strace s3  }
0x95: {  	s3 =	sld [smem:$0x3FFD];
	_ =	sdelay $0x3  }
0x96: {  	_ =	strace s3  }
0x97: {  	_ =	strace $0x8FFFFFFF  }
0x98: {  	s19 =	sld [smem:$0x3FDB];
	_ =	sdelay $0x1  }
0x99: {  	s4 =	simm.s32 $_scs_section_size  }
0x9a: {  	s5 =	simm.s32 $_size__tile_overlayer_lowered;
	s6 =	simm.s32 $_tile_overlayer_lowered  }
0x9b: {  	s22 =	simm.s32 $0x1BFF;
	s21 =	sshll.u32 s6, $0x1;
	s3 =	sadd.s32 s4, s19  }
0x9c: {  	s7 =	simm.s32 $0x0;
	s20 =	sshll.u32 s5, $0x1;
	s5 =	sadd.s32 s21, s3  }
0x9d: {  	[timem:s7], [sflag:s22] =	dma.local [hbm:s5], s20  }
0x9e: {  	_ =	swait.ge [sflag:s22], s20  }
0x9f: {  	s4 =	ssub.s32 $0x0, s20;
	[sflag:s22] =	ssyncset.done $0x0  }
0xa0: {  	[sflag:s22] =	ssyncadd.s32 s4;
	_ =	sdelay $0x1  }
0xa1: {  	s23 =	simm.s32 $0x1B8B  }
0xa2: {  	_ =	swait.ge [sflag:s23], $0x1  }
0xa3: {  	[sflag:s23] =	ssyncset.done $0x0  }
0xa4: {  	s25 =	simm.s32 $0x1B8E;
	s24 =	sld [smem:$0x3FFE];
	[sflag:s23] =	ssyncadd.s32 $0xFFFFFFFF  }
0xa5: {  	s26 =	simm.s32 $execute0_lowered;
	[smem:$0x3FD2] =	sst s25  }
0xa6: {  	s5 =	sshll.u32 s26, $0x1;
	_ =	strace $0x8000005E;
	[dreg:$0x1] =	wrdreg $0xFFFFFFFF  }
0xa7: {  	s28 =	simm.s32 $_size_execute0_lowered;
	s3 =	sadd.s32 s3, s5;
	[dreg:$0x0] =	wrdreg $0x0  }
0xa8: {  	s5 =	sshll.u32 s28, $0x1;
	[dreg:$0x2] =	wrdreg s3  }
0xa9: {  	[dreg:$0x3] =	wrdreg s5  }
0xaa: {  	[dreg:$0x4] =	wrdreg $0xC0  }
0xab: {  	_ =	task [dreg:s7], $0x5FFFF  }
0xac: {  	[dreg:$0x1] =	wrdreg $0xFFFFFFFF  }
0xad: {  	[dreg:$0x0] =	wrdreg $0x60  }
0xae: {  	[dreg:$0x2] =	wrdreg s24  }
0xaf: {  	[dreg:$0x3] =	wrdreg s2  }
0xb0: {  	[dreg:$0x4] =	wrdreg $0x92000  }
0xb1: {  	[dreg:$0x5] =	wrdreg $0x9  }
0xb2: {  	_ =	task.clear_ibuf [dreg:s7], $0x6FFFF;
	_ =	strace $0x9000005E  }
0xb3: {  	s29 =	simm.s32 $0x9;
	_ =	strace $0x80000060  }
0xb4: {  	_ =	swait.ge [sflag:s29], $0x1  }
0xb5: {  	[sflag:s29] =	ssyncadd.s32 $0xFFFFFFFF  }
0xb6: {  	_ =	strace $0x90000060  }
0xb7: {  	_ =	sfence  }
0xb8: {  	s30 =	sld [smem:$0x0];
	_ =	sdelay $0x2  }
0xb9: {  	s31 =	sshll.u32 s1, $0xD;
	s1 =	sshrl.u32 s1, $0x2  }
0xba: {  	s3 =	sand.u32 $0x4000, s31;
	s1 =	sadd.s32 s1, s30  }
0xbb: {  	s0 =	sor.u32 s3, s0;
	s1 =	sshll.u32 s1, $0x11  }
0xbc: {  	s0 =	sor.u32 s1, s0  }
0xbd: {  	s0 =	sadd.s32 $0x8F2B, s0  }
0xbe: {  	[sflag:s0] =	ssyncadd.remote.s32 $0x1  }
0xbf: {  	_ =	sfence.sel $0xFFFF  }
0xc0: {  	[dreg:$0x0] =	wrdreg $0xFFFFFFFF;
	(pc) =	sbr.abs _section_cstart, $3  }
0xc1: {  	[dreg:$0x1] =	wrdreg $0xFFFFFFFF  }
0xc2: {  	_ =	task.clear_ibuf [dreg:s7], $0x2FFFF;
	_ =	strace $0x9FFFFFFF  }
0xc3: {  	(tm) =	ssettm $0x7FFFFFFF  }
tec
execute0_lowered:
.L_overlay_start_1:
0x0: {  	(tag) =	ssettag $0x1  }
0x1: {  	s10 =	rddreg [dreg:$0x0]  }
0x2: {  	s1 =	rddreg [dreg:$0x1]  }
0x3: {  	s3 =	rddreg [dreg:$0x2]  }
0x4: {  	s0 =	rddreg [dreg:$0x3];
	s4 =	simm.s32 $0x0;
	s5 =	srdreg.scid  }
0x5: {  	s2 =	stileid.u32;
	s17 =	simm.s32 $0x2;
	s18 =	simm.s32 $0x80  }
0x6: {  	s19 =	simm.s32 $0x100;
	s20 =	simm.s32 $0x200;
	s23 =	simm.s32 $0x0  }
0x7: {  	[smem:$0x7FF] =	sst s4;
	s11 =	sand.u32 $0x1, s5;
	s26 =	sshll.u32 s2, $0x1  }
0x8: {  	s5 =	sadd.s32 $0x20200, s10;
	s6 =	sadd.s32 $0xE00, s10;
	s12 =	sor.u32 s11, s26  }
0x9: {  	s7 =	sadd.s32 $0xB000, s10;
	s8 =	sadd.s32 $0x15400, s10;
	s13 =	smul.u32 $0x1600, s12  }
0xa: {  	s9 =	sadd.s32 $0x20000, s10;
	s11 =	ssub.s32 $0x2, s11;
	s14 =	smul.u32 $0x2C000, s12  }
0xb: {  	s15 =	sshll.u32 s2, $0x6;
	s21 =	smul.u32 $0x160, s12;
	s29 =	sshrl.u32 s11, $0x1  }
0xc: {  	_ =	strace $0x8000005F;
	s15 =	sor.u32 $0x1C01, s15;
	s31 =	ssub.s32 s11, s29  }
0xd: {  	s28 =	sadd.s32 s13, s10;
	s30 =	sshrl.u32 s14, $0x2;
	s22 =	sadd.s32 $0x160, s21  }
0xe: {  	s12 =	smax.u32 s31, $0x1;
	s13 =	simm.s32 $0x8200;
	s14 =	simm.s32 $0x1  }
0xf: {  	v0 =	vmov s21;
	s21 =	simm.s32 $0x4200;
	s16 =	sadd.s32 s30, s3;
	s10 =	sadd.s32 $0x6B200, s28  }
0x10: {  	s11 =	sadd.s32 $0x97200, s28;
	v1 =	vmov s22;
	s22 =	simm.s32 $0x180;
	s16 =	sshrl.u32 s16, $0x3  }
.LBB2_1:
0x11: {  	[tilespmem:s13], [sflag:$0x1] =	stream.linear.gather [hbm4b:s9+s4], $0x1000, $0x38;
	[tilespmem:$0x1F200] =	vst v63  }
0x12: {  	_ =	swait.ge [sflag:s14], $0x1000  }
0x13: {  	[sflag:s14] =	ssyncset.done $0x0  }
0x14: {  	[sflag:s14] =	ssyncadd.s32 $0xFFFFF000  }
0x15: {  	[spmem:s16], [sflag:s15] =	dma.local [hbm:s10], $0x1600  }
0x16: {  	_ =	swait.ge [sflag:s14], $0x1600  }
0x17: {  	[sflag:s14] =	ssyncset.done $0x0  }
0x18: {  	[sflag:s14] =	ssyncadd.s32 $0xFFFFEA00  }
0x19: {  	s24 =	simm.s32 $0x0;
	[bflag:$0x0] =	sbarrier.arrive $0xFFFF  }
.LBB2_2:
0x1a: {  	s25 =	sshll.u32 s24, $0x4  }
0x1b: {  	s28 =	simm.s32 $0x0;
	s26 =	sadd.s32 s1, s25  }
0x1c: {  	[tilespmem:s28], [sflag:$0x2] =	stream.linear.gather [hbm4b:s26+s28], $0x80, $0x38;
	[tilespmem:$0x1F200] =	vst v63  }
0x1d: {  	_ =	swait.ge [sflag:s17], $0x80  }
0x1e: {  	[sflag:s17] =	ssyncset.done $0x0  }
0x1f: {  	s31 =	sadd.s32 s6, s25;
	[sflag:s17] =	ssyncadd.s32 $0xFFFFFF80  }
0x20: {  	[tilespmem:s18], [sflag:$0x2] =	stream.linear.gather [hbm4b:s31+s28], $0x80, $0x38;
	[tilespmem:$0x1F200] =	vst v63  }
0x21: {  	_ =	swait.ge [sflag:s17], $0x80  }
0x22: {  	[sflag:s17] =	ssyncset.done $0x0  }
0x23: {  	s25 =	sadd.s32 s7, s25;
	[sflag:s17] =	ssyncadd.s32 $0xFFFFFF80  }
0x24: {  	[tilespmem:s19], [sflag:$0x2] =	stream.linear.gather [hbm4b:s25+s28], $0x80, $0x38;
	[tilespmem:$0x1F200] =	vst v63  }
0x25: {  	_ =	swait.ge [sflag:s17], $0x80  }
0x26: {  	[sflag:s17] =	ssyncset.done $0x0  }
0x27: {  	[sflag:s17] =	ssyncadd.s32 $0xFFFFFF80  }
0x28: {  	[tilespmem:s20], [sflag:$0x2] =	stream.indirect.gather [hbm4b:s5+s18], $0x80, s28, s18, $0xb8;
	[tilespmem:$0x1F200] =	vst v63  }
0x29: {  	_ =	swait.ge [sflag:s17], $0x4000  }
0x2a: {  	[sflag:s17] =	ssyncset.done $0x0  }
0x2b: {  	[sflag:s17] =	ssyncadd.s32 $0xFFFFC000  }
0x2c: {  	[tilespmem:s21], [sflag:$0x2] =	stream.indirect.gather [hbm4b:s8+s18], $0x80, s19, s18, $0xb8;
	[tilespmem:$0x1F200] =	vst v63  }
0x2d: {  	_ =	swait.ge [sflag:s17], $0x4000  }
0x2e: {  	[sflag:s17] =	ssyncset.done $0x0  }
0x2f: {  	s25 =	simm.s32 $0x0;
	[sflag:s17] =	ssyncadd.s32 $0xFFFFC000  }
0x30: {  	v9 =	vld [tilespmem:s25+$0x4200]  }
0x31: {  	v13 =	vld [tilespmem:s25+$0x4210]  }
0x32: {  	v7 =	vld [tilespmem:s25+$0x4220]  }
0x33: {  	v6 =	vld [tilespmem:s25+$0x4230]  }
0x34: {  	v5 =	vld [tilespmem:s25+$0x4240]  }
0x35: {  	v4 =	vld [tilespmem:s25+$0x4250]  }
0x36: {  	v3 =	vld [tilespmem:s25+$0x4260]  }
0x37: {  	v2 =	vld [tilespmem:s25+$0x4270]  }
0x38: {  	v14 =	vld [tilespmem:s25+$0x200]  }
0x39: {  	v15 =	vld [tilespmem:s25+$0x210]  }
0x3a: {  	v12 =	vld [tilespmem:s25+$0x220]  }
0x3b: {  	v11 =	vld [tilespmem:s25+$0x230]  }
0x3c: {  	v10 =	vld [tilespmem:s25+$0x240]  }
0x3d: {  	v8 =	vld [tilespmem:s25+$0x250];
	v14 =	vadd.f32 v9, v14  }
0x3e: {  	s26 =	simm.s32 $0x200;
	v13 =	vadd.f32 v13, v15;
	v9 =	vld [tilespmem:s25+$0x260]  }
.LBB2_3:
0x3f: {  	s28 =	sshra.s32 s26, $0x2;
	p0 =	sne.s32 s26, $0xFE00;
	[tilespmem:s25+$0x200] =	vst v14;
	v7 =	vadd.f32 v7, v12;
	v12 =	vld [tilespmem:s25+$0x270]  }
0x40: {  	v14 =	vld [tilespmem:s28+$0x4200];
	[tilespmem:s25+$0x210] =	vst v13;
	v6 =	vadd.f32 v6, v11  }
0x41: {  	v13 =	vld [tilespmem:s28+$0x4210];
	[tilespmem:s25+$0x220] =	vst v7;
	v5 =	vadd.f32 v5, v10  }
0x42: {  	v7 =	vld [tilespmem:s28+$0x4220];
	[tilespmem:s25+$0x230] =	vst v6;
	v4 =	vadd.f32 v4, v8  }
0x43: {  	v6 =	vld [tilespmem:s28+$0x4230];
	[tilespmem:s25+$0x240] =	vst v5;
	v3 =	vadd.f32 v3, v9  }
0x44: {  	v5 =	vld [tilespmem:s28+$0x4240];
	[tilespmem:s25+$0x250] =	vst v4;
	v2 =	vadd.f32 v2, v12  }
0x45: {  	v4 =	vld [tilespmem:s28+$0x4250];
	[tilespmem:s25+$0x260] =	vst v3  }
0x46: {  	v3 =	vld [tilespmem:s28+$0x4260];
	[tilespmem:s25+$0x270] =	vst v2;
	s25 =	smov.u32 s28  }
0x47: {  	v2 =	vld [tilespmem:s25+$0x4270]  }
0x48: {  	v8 =	vld [tilespmem:s25+$0x200]  }
0x49: {  	v9 =	vld [tilespmem:s25+$0x210]  }
.Ltmp0:
0x4a: {  	v12 =	vld [tilespmem:s25+$0x220];
	(pc) =	sbr.rel @p0 .LBB2_3-.Ltmp0, $4  }
0x4b: {  	v11 =	vld [tilespmem:s25+$0x230]  }
0x4c: {  	v10 =	vld [tilespmem:s25+$0x240]  }
0x4d: {  	v14 =	vadd.f32 v14, v8;
	v8 =	vld [tilespmem:s25+$0x250]  }
0x4e: {  	s26 =	sadd.s32 $0x200, s26;
	v13 =	vadd.f32 v13, v9;
	v9 =	vld [tilespmem:s25+$0x260]  }
0x4f: {  	[tilespmem:s25+$0x200] =	vst v14;
	v7 =	vadd.f32 v7, v12;
	v61 =	vld [tilespmem:s25+$0x270]  }
0x50: {  	[tilespmem:s25+$0x210] =	vst v13;
	v6 =	vadd.f32 v6, v11  }
0x51: {  	[tilespmem:s25+$0x220] =	vst v7;
	v5 =	vadd.f32 v5, v10  }
0x52: {  	[tilespmem:s25+$0x230] =	vst v6;
	v4 =	vadd.f32 v4, v8  }
0x53: {  	[tilespmem:s25+$0x240] =	vst v5;
	v3 =	vadd.f32 v3, v9  }
0x54: {  	[tilespmem:s25+$0x250] =	vst v4;
	v2 =	vadd.f32 v2, v61  }
0x55: {  	[tilespmem:s25+$0x260] =	vst v3  }
0x56: {  	[tilespmem:s25+$0x270] =	vst v2  }
0x57: {  	v2 =	vld [tilespmem:$0x80]  }
0x58: {  	v3 =	vld [tilespmem:$0x90]  }
0x59: {  	v4 =	vld [tilespmem:$0xA0]  }
0x5a: {  	v5 =	vld [tilespmem:$0xB0]  }
0x5b: {  	v6 =	vld [tilespmem:$0xC0]  }
0x5c: {  	v7 =	vld [tilespmem:$0xD0]  }
0x5d: {  	vm0 =	vge.s32 v2, v0;
	vm1 =	vlt.s32 v2, v1  }
0x5e: {  	v62 =	vld [tilespmem:$0xE0];
	vm13 =	vge.s32 v3, v0;
	vm2 =	vlt.s32 v3, v1;
	vm14 =	vge.s32 v4, v0  }
0x5f: {  	vm3 =	vlt.s32 v4, v1;
	vm4 =	vge.s32 v5, v0;
	vm5 =	vlt.s32 v5, v1  }
0x60: {  	v63 =	vld [tilespmem:$0xF0];
	vm6 =	vge.s32 v6, v0;
	vm7 =	vlt.s32 v6, v1;
	vm0 =	vmand vm0, vm1  }
0x61: {  	vm8 =	vge.s32 v7, v0;
	vm1 =	vmand vm13, vm2;
	v2 =	vnsel vm0, $0x2BFF, v2  }
0x62: {  	vm9 =	vlt.s32 v7, v1;
	vm15 =	vmand vm14, vm3;
	v3 =	vnsel vm1, $0x2BFF, v3;
	[tilespmem:$0x180] =	vst v2  }
0x63: {  	vm11 =	vge.s32 v62, v0;
	v4 =	vnsel vm15, $0x2BFF, v4;
	vm0 =	vmand vm4, vm5;
	[tilespmem:$0x190] =	vst v3  }
0x64: {  	vm12 =	vlt.s32 v62, v1;
	vm1 =	vmand vm6, vm7;
	v2 =	vnsel vm0, $0x2BFF, v5;
	[tilespmem:$0x1A0] =	vst v4  }
0x65: {  	vm10 =	vmand vm8, vm9;
	vm13 =	vge.s32 v63, v0;
	v3 =	vnsel vm1, $0x2BFF, v6;
	[tilespmem:$0x1B0] =	vst v2  }
0x66: {  	vm14 =	vlt.s32 v63, v1;
	vm0 =	vmand vm11, vm12;
	v2 =	vnsel vm10, $0x2BFF, v7;
	[tilespmem:$0x1C0] =	vst v3  }
0x67: {  	s24 =	sadd.s32 $0x1, s24;
	vm15 =	vmand vm13, vm14;
	v3 =	vnsel vm0, $0x2BFF, v62;
	[tilespmem:$0x1D0] =	vst v2  }
0x68: {  	p0 =	sne.s32 s24, $0xA13;
	[tilespmem:$0x1E0] =	vst v3;
	v2 =	vnsel vm15, $0x2BFF, v63  }
.Ltmp1:
0x69: {  	[tilespmem:$0x1F0] =	vst v2;
	(pc) =	sbr.rel @p0 .LBB2_2-.Ltmp1, $4  }
0x6a: {  	[spmem:s3] =	stream.indirect.scatter.add.f32 [tilespmem:s20], [sflag:$0x1], $0x80, s22, s18, $0xb8;
	[tilespmem:$0x1F200] =	vst v63  }
0x6b: {  	_ =	swait.ge [sflag:s14], $0x4000  }
0x6c: {  	[sflag:s14] =	ssyncset.done $0x0  }
0x6d: {  	[sflag:s14] =	ssyncadd.s32 $0xFFFFC000  }
0x6e: {  	s23 =	sadd.s32 $0x1, s23  }
0x6f: {  	p0 =	sne.s32 s23, s12  }
.Ltmp2:
0x70: {  	[bflag:$0x0] =	sbarrier.arrive $0xFFFF;
	(pc) =	sbr.rel @p0 .LBB2_1-.Ltmp2, $4  }
0x71: {  	[hbm:s11], [sflag:s15] =	dma.local [spmem:s16], $0x1600  }
0x72: {  	_ =	swait.ge [sflag:s14], $0x1600  }
0x73: {  	[sflag:s14] =	ssyncset.done $0x0  }
0x74: {  	[sflag:s14] =	ssyncadd.s32 $0xFFFFEA00  }
0x75: {  	_ =	sfence.sel $0x180000  }
0x76: {  	[bflag:$0x0] =	sbarrier.arrive $0xFFFF  }
0x77: {  	p0 =	sne.s32 s2, $0x0;
	_ =	strace $0x9000005F  }
0x78: {  	s0 =	sadd.s32 @!p0 $0x100000, s0;
	[bflag:$0x2] =	sbarrier.arrive $0xFFFF  }
0x79: {  	[sflag:s0] =	ssyncadd.tile.s32 @!p0 $0x1;
	_ =	shalt  }
.Lfunc_end2:
_tile_overlayer_lowered:
.L_overlay_start_2:
0x7a: {  	(tag) =	ssettag $0x2  }
0x7b: {  	s0 =	rddreg [dreg:$0x0];
	s2 =	stileid.u32  }
0x7c: {  	s1 =	rddreg [dreg:$0x1];
	p0 =	sne.s32 s2, $0x0  }
0x7d: {  	s3 =	rddreg [dreg:$0x2];
	[bflag:$0x3] =	sbarrier.arrive $0xFFFF;
	s2 =	simm.s32 @!p0 $0x1C01  }
0x7e: {  	[timem:s3], [sflag:s2] =	dma.local @!p0 [hbm:s0], s1  }
0x7f: {  	s0 =	simm.s32 @!p0 $0x1  }
0x80: {  	_ =	swait.ge @!p0 [sflag:s0], s1  }
0x81: {  	s1 =	ssub.s32 @!p0 $0x0, s1;
	[sflag:s0] =	ssyncset.done @!p0 $0x0  }
0x82: {  	[sflag:s0] =	ssyncadd.s32 @!p0 s1  }
0x83: {  	[bflag:$0x3] =	sbarrier.arrive $0xFFFF  }
0x84: {  	_ =	shalt  }

</sc_bundles>
